<compile_context>
chip_gen: v7x
topology: tpu7x:2x2x1
jax: 0.10.2.dev20260603
libtpu: 0.0.44.dev20260713+nightly
codegen_flags: <defaults>
</compile_context>

<pallas_src>
import functools

import jax
import jax.numpy as jnp
from jax import lax
from jax.experimental import pallas as pl
from jax.experimental.pallas import tpu as pltpu
from jax.experimental.pallas import tpu_sc as plsc

BLK = 128
NPAIR = 28


def _gelu(x):
    return 0.5 * x * (1.0 + jax.lax.erf(x * 0.7071067811865476))



def _route_kernel(task_ids_ref, task_embed_ref, gate_wx_ref, gate_wt_ref,
                  gate_b_ref, x_ref, ltri_ref,
                  grp_ref, rnk_ref, ga_ref, gb_ref, om_ref,
                  po_ref, meta_ref, run_ref,
                  *, blk_a, n_per_batch, num_experts, maxb, tot_pairs):
    i = pl.program_id(0)
    nsteps = pl.num_programs(0)

    @pl.when(i == 0)
    def _init():
        run_ref[...] = jnp.zeros_like(run_ref)

    b = (i * blk_a) // n_per_batch
    x = x_ref[...]

    t_id = task_ids_ref[0, b]
    t_vec = task_embed_ref[pl.ds(t_id, 1), :]
    dn = (((1,), (1,)), ((), ()))
    off = lax.dot_general(t_vec, gate_wt_ref[...], dn,
                          preferred_element_type=jnp.float32)
    off = off + gate_b_ref[...]
    logits = lax.dot_general(x, gate_wx_ref[...], dn,
                             preferred_element_type=jnp.float32) + off

    ne = num_experts
    e_iota = lax.broadcasted_iota(jnp.int32, (blk_a, ne), 1)
    idx1 = jnp.argmax(logits, axis=1)
    m1 = jnp.max(logits, axis=1)
    eq1 = e_iota == idx1[:, None]
    l2 = jnp.where(eq1, -jnp.inf, logits)
    idx2 = jnp.argmax(l2, axis=1)
    m2 = jnp.max(l2, axis=1)
    denom = 1.0 + jnp.exp(m2 - m1)
    g1 = 1.0 / denom
    g2 = 1.0 - g1
    om = 1.0 - g1

    swap = idx2 < idx1
    ea = jnp.where(swap, idx2, idx1)
    eb = jnp.where(swap, idx1, idx2)
    ga = jnp.where(swap, g2, g1)
    gb = jnp.where(swap, g1, g2)
    grp = ea * ne + eb

    gcols = lax.broadcasted_iota(jnp.int32, (blk_a, 64), 1)
    onehot = (grp[:, None] == gcols).astype(jnp.bfloat16)
    incl = lax.dot_general(ltri_ref[...], onehot, (((1,), (0,)), ((), ())),
                           preferred_element_type=jnp.float32)
    run = run_ref[...]
    rank_f = jnp.sum(onehot.astype(jnp.float32) * (incl - 1.0 + run), axis=1)
    run_ref[...] = run + incl[blk_a - 1:blk_a, :]

    grp_ref[0, :, :] = grp[None, :]
    rnk_ref[0, :, :] = rank_f.astype(jnp.int32)[None, :]
    ga_ref[0, :, :] = ga[None, :]
    gb_ref[0, :, :] = gb[None, :]
    om_ref[0, :, :] = om[None, :]

    @pl.when(i == nsteps - 1)
    def _finalize():
        counts = run_ref[...]
        pc = jnp.floor((counts + (BLK - 1.0)) * (1.0 / BLK))
        rows = pc * float(BLK)
        h_iota = lax.broadcasted_iota(jnp.int32, (64, 64), 0)
        v_iota = lax.broadcasted_iota(jnp.int32, (64, 64), 1)
        lstrict = (h_iota < v_iota).astype(jnp.float32)
        po = lax.dot_general(rows, lstrict, (((1,), (0,)), ((), ())),
                             preferred_element_type=jnp.float32)
        po_ref[...] = po.astype(jnp.int32)
        bstart = lax.broadcasted_iota(jnp.int32, (128, 1), 0).astype(jnp.float32) * float(BLK)
        in_g = (bstart >= po) & (bstart < po + rows) & (rows > 0.0)
        gidx = lax.broadcasted_iota(jnp.int32, (128, 64), 1)
        in_gi = in_g.astype(jnp.int32)
        ea_b = jnp.sum(in_gi * (gidx // ne), axis=1)
        eb_b = jnp.sum(in_gi * (gidx % ne), axis=1)
        vld_b = jnp.sum(in_gi, axis=1)
        meta_ref[0, pl.ds(0, 1), :] = ea_b[None, :]
        meta_ref[0, pl.ds(1, 1), :] = eb_b[None, :]
        meta_ref[0, pl.ds(2, 1), :] = vld_b[None, :]


def _route(tokens2d, task_ids, task_embed, gate_wx, gate_wt, gate_b, maxb):
    bn, d = tokens2d.shape
    ne = gate_wx.shape[0]
    blk_a = 1024
    nblk = bn // blk_a
    n_per_batch = bn // task_ids.shape[0]
    r_iota = lax.broadcasted_iota(jnp.int32, (blk_a, blk_a), 0)
    c_iota = lax.broadcasted_iota(jnp.int32, (blk_a, blk_a), 1)
    ltri = (r_iota >= c_iota).astype(jnp.bfloat16)

    full = lambda shape: pl.BlockSpec(shape, lambda i: (0,) * len(shape))
    outs = pl.pallas_call(
        functools.partial(_route_kernel, blk_a=blk_a, n_per_batch=n_per_batch,
                          num_experts=ne, maxb=maxb, tot_pairs=NPAIR),
        grid=(nblk,),
        in_specs=[
            pl.BlockSpec(memory_space=pltpu.SMEM),
            full(task_embed.shape),
            full(gate_wx.shape),
            full(gate_wt.shape),
            full((1, ne)),
            pl.BlockSpec((blk_a, d), lambda i: (i, 0)),
            full((blk_a, blk_a)),
        ],
        out_specs=[
            pl.BlockSpec((1, 1, blk_a), lambda i: (i, 0, 0)),
            pl.BlockSpec((1, 1, blk_a), lambda i: (i, 0, 0)),
            pl.BlockSpec((1, 1, blk_a), lambda i: (i, 0, 0)),
            pl.BlockSpec((1, 1, blk_a), lambda i: (i, 0, 0)),
            pl.BlockSpec((1, 1, blk_a), lambda i: (i, 0, 0)),
            full((1, 64)),
            full((1, 3, 128)),
        ],
        out_shape=[
            jax.ShapeDtypeStruct((nblk, 1, blk_a), jnp.int32),
            jax.ShapeDtypeStruct((nblk, 1, blk_a), jnp.int32),
            jax.ShapeDtypeStruct((nblk, 1, blk_a), jnp.float32),
            jax.ShapeDtypeStruct((nblk, 1, blk_a), jnp.float32),
            jax.ShapeDtypeStruct((nblk, 1, blk_a), jnp.float32),
            jax.ShapeDtypeStruct((1, 64), jnp.int32),
            jax.ShapeDtypeStruct((1, 3, 128), jnp.int32),
        ],
        scratch_shapes=[pltpu.VMEM((1, 64), jnp.float32)],
        compiler_params=pltpu.CompilerParams(
            dimension_semantics=("arbitrary",)),
    )(task_ids.reshape(1, -1).astype(jnp.int32), task_embed, gate_wx,
      gate_wt, gate_b.reshape(1, ne), tokens2d, ltri)
    return outs



def _sc_scatter(grp, rnk, ga, gb, om, po, tot, trash):
    n = grp.shape[0]

    def body(grp_h, rnk_h, ga_h, gb_h, om_h, po_h,
             src_h, dst_h, sga_h, sgb_h, som_h,
             g_v, r_v, ga_v, gb_v, om_v, po_v,
             lsrc, ldst, lga, lgb, lom, sem):
        cid = lax.axis_index("c")
        sid = lax.axis_index("s")

        @pl.when((cid == 0) & (sid == 0))
        def _work():
            pltpu.sync_copy(grp_h, g_v)
            pltpu.sync_copy(rnk_h, r_v)
            pltpu.sync_copy(ga_h, ga_v)
            pltpu.sync_copy(gb_h, gb_v)
            pltpu.sync_copy(om_h, om_v)
            pltpu.sync_copy(po_h, po_v)

            zf = jnp.zeros((16,), jnp.float32)
            zi = jnp.zeros((16,), jnp.int32)
            ti = jnp.full((16,), trash, jnp.int32)

            def init_body(j, _):
                s = j * 16
                lsrc[pl.ds(s, 16)] = zi
                ldst[pl.ds(s, 16)] = ti
                lga[pl.ds(s, 16)] = zf
                lgb[pl.ds(s, 16)] = zf
                lom[pl.ds(s, 16)] = zf
                return 0
            lax.fori_loop(0, tot // 16, init_body, 0)

            iot = lax.iota(jnp.int32, 16)

            def scat_body(j, _):
                s = j * 16
                g = g_v[pl.ds(s, 16)]
                off = plsc.load_gather(po_v, [g])
                dst = off + r_v[pl.ds(s, 16)]
                tok = iot + s
                plsc.store_scatter(lsrc, [dst], tok)
                plsc.store_scatter(ldst, [dst], tok)
                plsc.store_scatter(lga, [dst], ga_v[pl.ds(s, 16)])
                plsc.store_scatter(lgb, [dst], gb_v[pl.ds(s, 16)])
                plsc.store_scatter(lom, [dst], om_v[pl.ds(s, 16)])
                return 0
            lax.fori_loop(0, n // 16, scat_body, 0)

            pltpu.sync_copy(lsrc, src_h)
            pltpu.sync_copy(ldst, dst_h)
            pltpu.sync_copy(lga, sga_h)
            pltpu.sync_copy(lgb, sgb_h)
            pltpu.sync_copy(lom, som_h)

    mesh = plsc.VectorSubcoreMesh(core_axis_name="c", subcore_axis_name="s")
    f = pl.kernel(
        body,
        mesh=mesh,
        out_type=[
            jax.ShapeDtypeStruct((tot,), jnp.int32),
            jax.ShapeDtypeStruct((tot,), jnp.int32),
            jax.ShapeDtypeStruct((tot,), jnp.float32),
            jax.ShapeDtypeStruct((tot,), jnp.float32),
            jax.ShapeDtypeStruct((tot,), jnp.float32),
        ],
        scratch_types=[
            pltpu.VMEM((n,), jnp.int32),
            pltpu.VMEM((n,), jnp.int32),
            pltpu.VMEM((n,), jnp.float32),
            pltpu.VMEM((n,), jnp.float32),
            pltpu.VMEM((n,), jnp.float32),
            pltpu.VMEM((64,), jnp.int32),
            pltpu.VMEM((tot,), jnp.int32),
            pltpu.VMEM((tot,), jnp.int32),
            pltpu.VMEM((tot,), jnp.float32),
            pltpu.VMEM((tot,), jnp.float32),
            pltpu.VMEM((tot,), jnp.float32),
            pltpu.SemaphoreType.DMA,
        ],
        compiler_params=pltpu.CompilerParams(needs_layout_passes=False),
    )
    return f(grp, rnk, ga, gb, om, po)



def _expert_kernel(src_ref, dst_ref, meta_ref, tok_hbm, we_ref, wu_ref,
                   be_ref, bu_ref, ga_ref, gb_ref, om_ref, out_hbm,
                   xbuf, ybuf, gsem, osem, *, blk, d):
    bi = pl.program_id(0)
    valid = meta_ref[2, bi]

    @pl.when(valid > 0)
    def _do():
        ea = meta_ref[0, bi]
        eb = meta_ref[1, bi]
        base = bi * blk

        for j in range(blk):
            s = src_ref[base + j]
            pltpu.make_async_copy(tok_hbm.at[pl.ds(s, 1)],
                                  xbuf.at[pl.ds(j, 1)], gsem).start()
        for j in range(blk):
            pltpu.make_async_copy(tok_hbm.at[pl.ds(0, 1)],
                                  xbuf.at[pl.ds(j, 1)], gsem).wait()

        dn = (((1,), (1,)), ((), ()))
        xb = xbuf[...].astype(jnp.bfloat16)
        ha = lax.dot_general(xb, we_ref[ea], dn,
                             preferred_element_type=jnp.float32)
        ha = _gelu(ha + be_ref[pl.ds(ea, 1), :])
        hb = lax.dot_general(xb, we_ref[eb], dn,
                             preferred_element_type=jnp.float32)
        hb = _gelu(hb + be_ref[pl.ds(eb, 1), :])
        u = lax.dot_general(xb, wu_ref[...], dn,
                            preferred_element_type=jnp.float32)
        u = _gelu(u + bu_ref[...])
        ybuf[...] = ga_ref[0] * ha + gb_ref[0] * hb + om_ref[0] * u

        for j in range(blk):
            t = dst_ref[base + j]
            pltpu.make_async_copy(ybuf.at[pl.ds(j, 1)],
                                  out_hbm.at[pl.ds(t, 1)], osem).start()
        for j in range(blk):
            pltpu.make_async_copy(ybuf.at[pl.ds(j, 1)],
                                  out_hbm.at[pl.ds(0, 1)], osem).wait()


def _expert_compute(tokens2d, we_bf, wu_bf, be, bu, src, dst, meta,
                    sga, sgb, som, maxb):
    bn, d = tokens2d.shape
    ne = we_bf.shape[0]
    full = lambda shape: pl.BlockSpec(shape, lambda i, *_: (0,) * len(shape))
    grid_spec = pltpu.PrefetchScalarGridSpec(
        num_scalar_prefetch=3,
        grid=(maxb,),
        in_specs=[
            pl.BlockSpec(memory_space=pltpu.MemorySpace.HBM),
            full(we_bf.shape),
            full(wu_bf.shape),
            full(be.shape),
            full((1, d)),
            pl.BlockSpec((1, BLK, 1), lambda i, *_: (i, 0, 0)),
            pl.BlockSpec((1, BLK, 1), lambda i, *_: (i, 0, 0)),
            pl.BlockSpec((1, BLK, 1), lambda i, *_: (i, 0, 0)),
        ],
        out_specs=pl.BlockSpec(memory_space=pltpu.MemorySpace.HBM),
        scratch_shapes=[
            pltpu.VMEM((BLK, d), jnp.float32),
            pltpu.VMEM((BLK, d), jnp.float32),
            pltpu.SemaphoreType.DMA,
            pltpu.SemaphoreType.DMA,
        ],
    )
    out = pl.pallas_call(
        functools.partial(_expert_kernel, blk=BLK, d=d),
        grid_spec=grid_spec,
        out_shape=jax.ShapeDtypeStruct((bn + 8, d), jnp.float32),
        compiler_params=pltpu.CompilerParams(
            dimension_semantics=("arbitrary",)),
    )(src, dst, meta, tokens2d, we_bf, wu_bf, be,
      bu.reshape(1, d), sga.reshape(maxb, BLK, 1),
      sgb.reshape(maxb, BLK, 1), som.reshape(maxb, BLK, 1))
    return out


def kernel(tokens, task_ids, task_embed, gate_W, gate_b, We, be, Wu, bu):
    B, N, D = tokens.shape
    E = gate_W.shape[0]
    bn = B * N
    maxb = bn // BLK + NPAIR
    tot = maxb * BLK
    x2d = tokens.reshape(bn, D)

    gate_wx = gate_W[:, :D]
    gate_wt = gate_W[:, D:]
    we_bf = We.astype(jnp.bfloat16)
    wu_bf = Wu.astype(jnp.bfloat16)

    grp3, rnk3, ga3, gb3, om3, po, meta = _route(
        x2d, task_ids, task_embed, gate_wx, gate_wt, gate_b, maxb)

    src, dst, sga, sgb, som = _sc_scatter(
        grp3.reshape(bn), rnk3.reshape(bn), ga3.reshape(bn),
        gb3.reshape(bn), om3.reshape(bn), po.reshape(64), tot, bn)

    out = _expert_compute(x2d, we_bf, wu_bf, be, bu,
                          src, dst, meta.reshape(3, 128),
                          sga, sgb, som, maxb)
    return out[:bn].reshape(B, N, D)

# --- scband reference (transcript-rebuilt; emitter-appended) ---
"""Pipeline reference for scband-multi-stream-model-24318104830190 (READ-ONLY COPY).

The authoritative reference and input builder live on the scoring server;
editing this copy changes nothing except your own understanding.
"""

import jax, jax.numpy as jnp
import numpy as np

B, N, D, E, K, T = 4, 2048, 768, 8, 2, 5


def setup_inputs(seed: int = 0) -> dict:
    key = jax.random.key(seed)
    ks = jax.random.split(key, 9)
    tokens = jax.random.normal(ks[0], (B, N, D), dtype=jnp.float32)
    task_ids = jax.random.randint(ks[1], (B,), 0, T)
    task_embed = jax.random.normal(ks[2], (T, D), dtype=jnp.float32) * 0.02
    gate_W = jax.random.normal(ks[3], (E, 2 * D), dtype=jnp.float32) * 0.02
    gate_b = jnp.zeros((E,), dtype=jnp.float32)
    We = jax.random.normal(ks[4], (E, D, D), dtype=jnp.float32) * 0.02
    be = jnp.zeros((E, D), dtype=jnp.float32)
    Wu = jax.random.normal(ks[5], (D, D), dtype=jnp.float32) * 0.02
    bu = jnp.zeros((D,), dtype=jnp.float32)
    return {
        'tokens': tokens,
        'task_ids': task_ids,
        'task_embed': task_embed,
        'gate_W': gate_W,
        'gate_b': gate_b,
        'We': We,
        'be': be,
        'Wu': Wu,
        'bu': bu,
    }


def reference(tokens, task_ids, task_embed, gate_W, gate_b, We, be, Wu, bu):
    # TaskAwareMoE.forward, eval mode (noisy path and dropout inactive)
    Bb, Nn, Dd = tokens.shape
    Ee = gate_W.shape[0]
    k = min(K, Ee)
    # task embedding lookup + broadcast
    t_vec = jnp.take(task_embed, task_ids, axis=0)            # (B, D)
    t_broadcast = jnp.broadcast_to(t_vec[:, None, :], (Bb, Nn, Dd))
    T_cat = jnp.concatenate([tokens, t_broadcast], axis=-1)   # (B, N, 2D)
    # gate
    logits = T_cat @ gate_W.T + gate_b                        # (B, N, E)
    topk_vals, topk_idx = jax.lax.top_k(logits, k)            # (B, N, k)
    sel = (topk_idx[..., None] == jnp.arange(Ee)).any(axis=-2)  # (B, N, E) bool
    masked = jnp.where(sel, logits, -jnp.inf)
    gates = jax.nn.softmax(masked, axis=-1)                   # (B, N, E)
    # all experts computed densely: ExpertMLP = Linear -> GELU (dropout off)
    expert_outs = jax.nn.gelu(
        jnp.einsum('bnd,eod->bneo', tokens, We) + be[None, None, :, :],
        approximate=False,
    )                                                          # (B, N, E, D)
    T_task = jnp.sum(gates[..., None] * expert_outs, axis=-2)  # (B, N, D)
    T_univ = jax.nn.gelu(tokens @ Wu.T + bu, approximate=False)
    max_e = jnp.max(gates, axis=-1, keepdims=True)
    omega = 1.0 - max_e
    T_out = T_task + omega * T_univ
    return T_out

if __name__ == "__main__":
    import jax
    _d = setup_inputs()
    print(jax.jit(kernel)(*tuple(_d.values())))

</pallas_src>

<mosaic_0001>
#map = affine_map<(d0, d1) -> (0)>
module attributes {stable_mosaic.version = 14 : i64} {
  func.func @body(%arg0: i32, %arg1: i32, %arg2: memref<8192xi32, #tpu.memory_space<hbm>>, %arg3: memref<8192xi32, #tpu.memory_space<hbm>>, %arg4: memref<8192xf32, #tpu.memory_space<hbm>>, %arg5: memref<8192xf32, #tpu.memory_space<hbm>>, %arg6: memref<8192xf32, #tpu.memory_space<hbm>>, %arg7: memref<64xi32, #tpu.memory_space<hbm>>, %arg8: memref<11776xi32, #tpu.memory_space<hbm>>, %arg9: memref<11776xi32, #tpu.memory_space<hbm>>, %arg10: memref<11776xf32, #tpu.memory_space<hbm>>, %arg11: memref<11776xf32, #tpu.memory_space<hbm>>, %arg12: memref<11776xf32, #tpu.memory_space<hbm>>, %arg13: memref<8192xi32, #tpu.memory_space<vmem>>, %arg14: memref<8192xi32, #tpu.memory_space<vmem>>, %arg15: memref<8192xf32, #tpu.memory_space<vmem>>, %arg16: memref<8192xf32, #tpu.memory_space<vmem>>, %arg17: memref<8192xf32, #tpu.memory_space<vmem>>, %arg18: memref<64xi32, #tpu.memory_space<vmem>>, %arg19: memref<11776xi32, #tpu.memory_space<vmem>>, %arg20: memref<11776xi32, #tpu.memory_space<vmem>>, %arg21: memref<11776xf32, #tpu.memory_space<vmem>>, %arg22: memref<11776xf32, #tpu.memory_space<vmem>>, %arg23: memref<11776xf32, #tpu.memory_space<vmem>>, %arg24: memref<!tpu.dma_semaphore, #tpu.memory_space<semaphore_mem>>) attributes {dimension_semantics = [#tpu.dimension_semantics<core_parallel>, #tpu.dimension_semantics<subcore_parallel>], iteration_bounds = array<i64: 2, 16>, scalar_prefetch = 0 : i64, scratch_operands = 12 : i64, tpu.core_type = #tpu.core_type<sc_vector_subcore>, window_params = [{transform_indices = #map}, {transform_indices = #map}, {transform_indices = #map}, {transform_indices = #map}, {transform_indices = #map}, {transform_indices = #map}, {transform_indices = #map}, {transform_indices = #map}, {transform_indices = #map}, {transform_indices = #map}, {transform_indices = #map}]} {
    %eq3A = arith.constant 0 : i32
    %eq3A_0 = arith.cmpi eq, %arg0, %eq3A : i32
    %eq3A_1 = arith.constant 0 : i32
    %eq3A_2 = arith.cmpi eq, %arg1, %eq3A_1 : i32
    %and3A = arith.andi %eq3A_0, %eq3A_2 : i1
    %convert_element_type3A = arith.extui %and3A : i1 to i32
    %cond3A = arith.constant 0 : i32
    %cond3A_3 = arith.cmpi ne, %convert_element_type3A, %cond3A : i32
    scf.if %cond3A_3 {
      "tpu.region"() ({
        %run_scoped3A = tpu.sem_alloc : memref<!tpu.dma_semaphore, #tpu.memory_space<semaphore_mem>>
        tpu.enqueue_dma source(%arg2 : memref<8192xi32, #tpu.memory_space<hbm>>) target(%arg13 : memref<8192xi32, #tpu.memory_space<vmem>>) target_semaphore(%run_scoped3A : memref<!tpu.dma_semaphore, #tpu.memory_space<semaphore_mem>>)
        tpu.wait_dma2 semaphore(%run_scoped3A : memref<!tpu.dma_semaphore, #tpu.memory_space<semaphore_mem>>) src(%arg2 : memref<8192xi32, #tpu.memory_space<hbm>>) dst(%arg13 : memref<8192xi32, #tpu.memory_space<vmem>>)
        tpu.yield
      }) : () -> ()
      "tpu.region"() ({
        %run_scoped3A = tpu.sem_alloc : memref<!tpu.dma_semaphore, #tpu.memory_space<semaphore_mem>>
        tpu.enqueue_dma source(%arg3 : memref<8192xi32, #tpu.memory_space<hbm>>) target(%arg14 : memref<8192xi32, #tpu.memory_space<vmem>>) target_semaphore(%run_scoped3A : memref<!tpu.dma_semaphore, #tpu.memory_space<semaphore_mem>>)
        tpu.wait_dma2 semaphore(%run_scoped3A : memref<!tpu.dma_semaphore, #tpu.memory_space<semaphore_mem>>) src(%arg3 : memref<8192xi32, #tpu.memory_space<hbm>>) dst(%arg14 : memref<8192xi32, #tpu.memory_space<vmem>>)
        tpu.yield
      }) : () -> ()
      "tpu.region"() ({
        %run_scoped3A = tpu.sem_alloc : memref<!tpu.dma_semaphore, #tpu.memory_space<semaphore_mem>>
        tpu.enqueue_dma source(%arg4 : memref<8192xf32, #tpu.memory_space<hbm>>) target(%arg15 : memref<8192xf32, #tpu.memory_space<vmem>>) target_semaphore(%run_scoped3A : memref<!tpu.dma_semaphore, #tpu.memory_space<semaphore_mem>>)
        tpu.wait_dma2 semaphore(%run_scoped3A : memref<!tpu.dma_semaphore, #tpu.memory_space<semaphore_mem>>) src(%arg4 : memref<8192xf32, #tpu.memory_space<hbm>>) dst(%arg15 : memref<8192xf32, #tpu.memory_space<vmem>>)
        tpu.yield
      }) : () -> ()
      "tpu.region"() ({
        %run_scoped3A = tpu.sem_alloc : memref<!tpu.dma_semaphore, #tpu.memory_space<semaphore_mem>>
        tpu.enqueue_dma source(%arg5 : memref<8192xf32, #tpu.memory_space<hbm>>) target(%arg16 : memref<8192xf32, #tpu.memory_space<vmem>>) target_semaphore(%run_scoped3A : memref<!tpu.dma_semaphore, #tpu.memory_space<semaphore_mem>>)
        tpu.wait_dma2 semaphore(%run_scoped3A : memref<!tpu.dma_semaphore, #tpu.memory_space<semaphore_mem>>) src(%arg5 : memref<8192xf32, #tpu.memory_space<hbm>>) dst(%arg16 : memref<8192xf32, #tpu.memory_space<vmem>>)
        tpu.yield
      }) : () -> ()
      "tpu.region"() ({
        %run_scoped3A = tpu.sem_alloc : memref<!tpu.dma_semaphore, #tpu.memory_space<semaphore_mem>>
        tpu.enqueue_dma source(%arg6 : memref<8192xf32, #tpu.memory_space<hbm>>) target(%arg17 : memref<8192xf32, #tpu.memory_space<vmem>>) target_semaphore(%run_scoped3A : memref<!tpu.dma_semaphore, #tpu.memory_space<semaphore_mem>>)
        tpu.wait_dma2 semaphore(%run_scoped3A : memref<!tpu.dma_semaphore, #tpu.memory_space<semaphore_mem>>) src(%arg6 : memref<8192xf32, #tpu.memory_space<hbm>>) dst(%arg17 : memref<8192xf32, #tpu.memory_space<vmem>>)
        tpu.yield
      }) : () -> ()
      "tpu.region"() ({
        %run_scoped3A = tpu.sem_alloc : memref<!tpu.dma_semaphore, #tpu.memory_space<semaphore_mem>>
        tpu.enqueue_dma source(%arg7 : memref<64xi32, #tpu.memory_space<hbm>>) target(%arg18 : memref<64xi32, #tpu.memory_space<vmem>>) target_semaphore(%run_scoped3A : memref<!tpu.dma_semaphore, #tpu.memory_space<semaphore_mem>>)
        tpu.wait_dma2 semaphore(%run_scoped3A : memref<!tpu.dma_semaphore, #tpu.memory_space<semaphore_mem>>) src(%arg7 : memref<64xi32, #tpu.memory_space<hbm>>) dst(%arg18 : memref<64xi32, #tpu.memory_space<vmem>>)
        tpu.yield
      }) : () -> ()
      %broadcast_in_dim3A = arith.constant 0.000000e+00 : f32
      %broadcast_in_dim3A_4 = vector.broadcast %broadcast_in_dim3A : f32 to vector<16xf32>
      %broadcast_in_dim3A_5 = arith.constant 0 : i32
      %broadcast_in_dim3A_6 = vector.broadcast %broadcast_in_dim3A_5 : i32 to vector<16xi32>
      %broadcast_in_dim3A_7 = arith.constant 8192 : i32
      %broadcast_in_dim3A_8 = vector.broadcast %broadcast_in_dim3A_7 : i32 to vector<16xi32>
      %scan3A = arith.constant 0 : i32
      %scan3A_9 = arith.constant 0 : i32
      %scan3A_10 = arith.constant 736 : i32
      %scan3A_11 = arith.addi %scan3A_9, %scan3A_10 : i32
      %scan3A_12 = arith.constant 1 : i32
      %scan3A_13 = scf.for %scan3A_22 = %scan3A_9 to %scan3A_11 step %scan3A_12 iter_args(%scan3A_23 = %scan3A) -> (i32)  : i32 {
        %mul3A = arith.constant 16 : i32
        %mul3A_24 = arith.muli %scan3A_22, %mul3A : i32
        %swap3A = arith.index_cast %mul3A_24 : i32 to index
        %swap3A_25 = tpu.vector_load %arg19[%swap3A] {strides = array<i32>} : memref<11776xi32, #tpu.memory_space<vmem>>, vector<16xi32>,
        tpu.vector_store %arg19[%swap3A], %broadcast_in_dim3A_6 {strides = array<i32>} : memref<11776xi32, #tpu.memory_space<vmem>>, vector<16xi32>,
        %swap3A_26 = arith.index_cast %mul3A_24 : i32 to index
        %swap3A_27 = tpu.vector_load %arg20[%swap3A_26] {strides = array<i32>} : memref<11776xi32, #tpu.memory_space<vmem>>, vector<16xi32>,
        tpu.vector_store %arg20[%swap3A_26], %broadcast_in_dim3A_8 {strides = array<i32>} : memref<11776xi32, #tpu.memory_space<vmem>>, vector<16xi32>,
        %swap3A_28 = arith.index_cast %mul3A_24 : i32 to index
        %swap3A_29 = tpu.vector_load %arg21[%swap3A_28] {strides = array<i32>} : memref<11776xf32, #tpu.memory_space<vmem>>, vector<16xf32>,
        tpu.vector_store %arg21[%swap3A_28], %broadcast_in_dim3A_4 {strides = array<i32>} : memref<11776xf32, #tpu.memory_space<vmem>>, vector<16xf32>,
        %swap3A_30 = arith.index_cast %mul3A_24 : i32 to index
        %swap3A_31 = tpu.vector_load %arg22[%swap3A_30] {strides = array<i32>} : memref<11776xf32, #tpu.memory_space<vmem>>, vector<16xf32>,
        tpu.vector_store %arg22[%swap3A_30], %broadcast_in_dim3A_4 {strides = array<i32>} : memref<11776xf32, #tpu.memory_space<vmem>>, vector<16xf32>,
        %swap3A_32 = arith.index_cast %mul3A_24 : i32 to index
        %swap3A_33 = tpu.vector_load %arg23[%swap3A_32] {strides = array<i32>} : memref<11776xf32, #tpu.memory_space<vmem>>, vector<16xf32>,
        tpu.vector_store %arg23[%swap3A_32], %broadcast_in_dim3A_4 {strides = array<i32>} : memref<11776xf32, #tpu.memory_space<vmem>>, vector<16xf32>,
        %scan3A_34 = arith.constant 0 : i32
        scf.yield %scan3A_34 : i32
      }
      %scan3A_14 = arith.constant 736 : i32
      %iota3A = tpu.iota {dimensions = array<i32: 0>} : vector<16xi32>
      %scan3A_15 = arith.constant 0 : i32
      %scan3A_16 = arith.constant 0 : i32
      %scan3A_17 = arith.constant 512 : i32
      %scan3A_18 = arith.addi %scan3A_16, %scan3A_17 : i32
      %scan3A_19 = arith.constant 1 : i32
      %scan3A_20 = scf.for %scan3A_22 = %scan3A_16 to %scan3A_18 step %scan3A_19 iter_args(%scan3A_23 = %scan3A_15) -> (i32)  : i32 {
        %mul3A = arith.constant 16 : i32
        %mul3A_24 = arith.muli %scan3A_22, %mul3A : i32
        %get3A = arith.index_cast %mul3A_24 : i32 to index
        %get3A_25 = tpu.vector_load %arg13[%get3A] {strides = array<i32>} : memref<8192xi32, #tpu.memory_space<vmem>>, vector<16xi32>,
        %gather3A = tpu.vector_load_idx %arg18[%get3A_25] : memref<64xi32, #tpu.memory_space<vmem>>[vector<16xi32>], vector<16xi32>,
        %get3A_26 = arith.index_cast %mul3A_24 : i32 to index
        %get3A_27 = tpu.vector_load %arg14[%get3A_26] {strides = array<i32>} : memref<8192xi32, #tpu.memory_space<vmem>>, vector<16xi32>,
        %add3A = arith.addi %gather3A, %get3A_27 : vector<16xi32>
        %add3A_28 = vector.broadcast %mul3A_24 : i32 to vector<16xi32>
        %add3A_29 = arith.addi %iota3A, %add3A_28 : vector<16xi32>
        tpu.vector_store_idx %arg19[%add3A], %add3A_29 : memref<11776xi32, #tpu.memory_space<vmem>>[vector<16xi32>], vector<16xi32>,
        tpu.vector_store_idx %arg20[%add3A], %add3A_29 : memref<11776xi32, #tpu.memory_space<vmem>>[vector<16xi32>], vector<16xi32>,
        %get3A_30 = arith.index_cast %mul3A_24 : i32 to index
        %get3A_31 = tpu.vector_load %arg15[%get3A_30] {strides = array<i32>} : memref<8192xf32, #tpu.memory_space<vmem>>, vector<16xf32>,
        tpu.vector_store_idx %arg21[%add3A], %get3A_31 : memref<11776xf32, #tpu.memory_space<vmem>>[vector<16xi32>], vector<16xf32>,
        %get3A_32 = arith.index_cast %mul3A_24 : i32 to index
        %get3A_33 = tpu.vector_load %arg16[%get3A_32] {strides = array<i32>} : memref<8192xf32, #tpu.memory_space<vmem>>, vector<16xf32>,
        tpu.vector_store_idx %arg22[%add3A], %get3A_33 : memref<11776xf32, #tpu.memory_space<vmem>>[vector<16xi32>], vector<16xf32>,
        %get3A_34 = arith.index_cast %mul3A_24 : i32 to index
        %get3A_35 = tpu.vector_load %arg17[%get3A_34] {strides = array<i32>} : memref<8192xf32, #tpu.memory_space<vmem>>, vector<16xf32>,
        tpu.vector_store_idx %arg23[%add3A], %get3A_35 : memref<11776xf32, #tpu.memory_space<vmem>>[vector<16xi32>], vector<16xf32>,
        %scan3A_36 = arith.constant 0 : i32
        scf.yield %scan3A_36 : i32
      }
      %scan3A_21 = arith.constant 512 : i32
      "tpu.region"() ({
        %run_scoped3A = tpu.sem_alloc : memref<!tpu.dma_semaphore, #tpu.memory_space<semaphore_mem>>
        tpu.enqueue_dma source(%arg19 : memref<11776xi32, #tpu.memory_space<vmem>>) target(%arg8 : memref<11776xi32, #tpu.memory_space<hbm>>) target_semaphore(%run_scoped3A : memref<!tpu.dma_semaphore, #tpu.memory_space<semaphore_mem>>)
        tpu.wait_dma2 semaphore(%run_scoped3A : memref<!tpu.dma_semaphore, #tpu.memory_space<semaphore_mem>>) src(%arg19 : memref<11776xi32, #tpu.memory_space<vmem>>) dst(%arg8 : memref<11776xi32, #tpu.memory_space<hbm>>)
        tpu.yield
      }) : () -> ()
      "tpu.region"() ({
        %run_scoped3A = tpu.sem_alloc : memref<!tpu.dma_semaphore, #tpu.memory_space<semaphore_mem>>
        tpu.enqueue_dma source(%arg20 : memref<11776xi32, #tpu.memory_space<vmem>>) target(%arg9 : memref<11776xi32, #tpu.memory_space<hbm>>) target_semaphore(%run_scoped3A : memref<!tpu.dma_semaphore, #tpu.memory_space<semaphore_mem>>)
        tpu.wait_dma2 semaphore(%run_scoped3A : memref<!tpu.dma_semaphore, #tpu.memory_space<semaphore_mem>>) src(%arg20 : memref<11776xi32, #tpu.memory_space<vmem>>) dst(%arg9 : memref<11776xi32, #tpu.memory_space<hbm>>)
        tpu.yield
      }) : () -> ()
      "tpu.region"() ({
        %run_scoped3A = tpu.sem_alloc : memref<!tpu.dma_semaphore, #tpu.memory_space<semaphore_mem>>
        tpu.enqueue_dma source(%arg21 : memref<11776xf32, #tpu.memory_space<vmem>>) target(%arg10 : memref<11776xf32, #tpu.memory_space<hbm>>) target_semaphore(%run_scoped3A : memref<!tpu.dma_semaphore, #tpu.memory_space<semaphore_mem>>)
        tpu.wait_dma2 semaphore(%run_scoped3A : memref<!tpu.dma_semaphore, #tpu.memory_space<semaphore_mem>>) src(%arg21 : memref<11776xf32, #tpu.memory_space<vmem>>) dst(%arg10 : memref<11776xf32, #tpu.memory_space<hbm>>)
        tpu.yield
      }) : () -> ()
      "tpu.region"() ({
        %run_scoped3A = tpu.sem_alloc : memref<!tpu.dma_semaphore, #tpu.memory_space<semaphore_mem>>
        tpu.enqueue_dma source(%arg22 : memref<11776xf32, #tpu.memory_space<vmem>>) target(%arg11 : memref<11776xf32, #tpu.memory_space<hbm>>) target_semaphore(%run_scoped3A : memref<!tpu.dma_semaphore, #tpu.memory_space<semaphore_mem>>)
        tpu.wait_dma2 semaphore(%run_scoped3A : memref<!tpu.dma_semaphore, #tpu.memory_space<semaphore_mem>>) src(%arg22 : memref<11776xf32, #tpu.memory_space<vmem>>) dst(%arg11 : memref<11776xf32, #tpu.memory_space<hbm>>)
        tpu.yield
      }) : () -> ()
      "tpu.region"() ({
        %run_scoped3A = tpu.sem_alloc : memref<!tpu.dma_semaphore, #tpu.memory_space<semaphore_mem>>
        tpu.enqueue_dma source(%arg23 : memref<11776xf32, #tpu.memory_space<vmem>>) target(%arg12 : memref<11776xf32, #tpu.memory_space<hbm>>) target_semaphore(%run_scoped3A : memref<!tpu.dma_semaphore, #tpu.memory_space<semaphore_mem>>)
        tpu.wait_dma2 semaphore(%run_scoped3A : memref<!tpu.dma_semaphore, #tpu.memory_space<semaphore_mem>>) src(%arg23 : memref<11776xf32, #tpu.memory_space<vmem>>) dst(%arg12 : memref<11776xf32, #tpu.memory_space<hbm>>)
        tpu.yield
      }) : () -> ()
    } else {
    }
    return
  }
}

module attributes {stable_mosaic.version = 14 : i64} {
  func.func @_route_kernel(%arg0: i32, %arg1: memref<1x4xi32, #tpu.memory_space<smem>>, %arg2: memref<5x768xf32, #tpu.memory_space<vmem>>, %arg3: memref<8x768xf32, #tpu.memory_space<vmem>>, %arg4: memref<8x768xf32, #tpu.memory_space<vmem>>, %arg5: memref<1x8xf32, #tpu.memory_space<vmem>>, %arg6: memref<1024x768xf32, #tpu.memory_space<vmem>>, %arg7: memref<1024x1024xbf16, #tpu.memory_space<vmem>>, %arg8: memref<1x1x1024xi32, #tpu.memory_space<vmem>>, %arg9: memref<1x1x1024xi32, #tpu.memory_space<vmem>>, %arg10: memref<1x1x1024xf32, #tpu.memory_space<vmem>>, %arg11: memref<1x1x1024xf32, #tpu.memory_space<vmem>>, %arg12: memref<1x1x1024xf32, #tpu.memory_space<vmem>>, %arg13: memref<1x64xi32, #tpu.memory_space<vmem>>, %arg14: memref<1x3x128xi32, #tpu.memory_space<vmem>>, %arg15: memref<1x64xf32, #tpu.memory_space<vmem>>) attributes {dimension_semantics = [#tpu.dimension_semantics<arbitrary>], iteration_bounds = array<i64: 8>, scalar_prefetch = 0 : i64, scratch_operands = 1 : i64, tpu.core_type = #tpu.core_type<tc>, window_params = [{transform_indices = @transform_0, window_bounds = array<i64: 1, 4>}, {pipeline_mode = #tpu.pipeline_mode<synchronous>, transform_indices = @transform_1, window_bounds = array<i64: 5, 768>}, {pipeline_mode = #tpu.pipeline_mode<synchronous>, transform_indices = @transform_2, window_bounds = array<i64: 8, 768>}, {pipeline_mode = #tpu.pipeline_mode<synchronous>, transform_indices = @transform_3, window_bounds = array<i64: 8, 768>}, {pipeline_mode = #tpu.pipeline_mode<synchronous>, transform_indices = @transform_4, window_bounds = array<i64: 1, 8>}, {transform_indices = @transform_5, window_bounds = array<i64: 1024, 768>}, {pipeline_mode = #tpu.pipeline_mode<synchronous>, transform_indices = @transform_6, window_bounds = array<i64: 1024, 1024>}, {transform_indices = @transform_7, window_bounds = array<i64: 1, 1, 1024>}, {transform_indices = @transform_8, window_bounds = array<i64: 1, 1, 1024>}, {transform_indices = @transform_9, window_bounds = array<i64: 1, 1, 1024>}, {transform_indices = @transform_10, window_bounds = array<i64: 1, 1, 1024>}, {transform_indices = @transform_11, window_bounds = array<i64: 1, 1, 1024>}, {pipeline_mode = #tpu.pipeline_mode<synchronous>, transform_indices = @transform_12, window_bounds = array<i64: 1, 64>}, {pipeline_mode = #tpu.pipeline_mode<synchronous>, transform_indices = @transform_13, window_bounds = array<i64: 1, 3, 128>}]} {
    %eq3A = arith.constant 0 : i32
    %eq3A_0 = arith.cmpi eq, %arg0, %eq3A : i32
    %convert_element_type3A = arith.extui %eq3A_0 : i1 to i32
    %cond3A = arith.constant 0 : i32
    %cond3A_1 = arith.cmpi ne, %convert_element_type3A, %cond3A : i32
    scf.if %cond3A_1 {
      %broadcast_in_dim3A_138 = arith.constant 0.000000e+00 : f32
      %broadcast_in_dim3A_139 = vector.broadcast %broadcast_in_dim3A_138 : f32 to vector<1x64xf32>
      %swap3A_140 = arith.constant 0 : index
      %swap3A_141 = arith.constant 0 : index
      %swap3A_142 = vector.load %arg15[%swap3A_140, %swap3A_141] : memref<1x64xf32, #tpu.memory_space<vmem>>, vector<1x64xf32>
      tpu.vector_store %arg15[%swap3A_140, %swap3A_141], %broadcast_in_dim3A_139 {strides = array<i32>} : memref<1x64xf32, #tpu.memory_space<vmem>>, vector<1x64xf32>,
    } else {
    }
    %mul3A = arith.constant 1024 : i32
    %mul3A_2 = arith.muli %arg0, %mul3A : i32
    %jit3A = arith.constant 2048 : i32
    %div3A = arith.divsi %mul3A_2, %jit3A : i32
    %sign3A = arith.constant 0 : i32
    %sign3A_3 = arith.cmpi sgt, %mul3A_2, %sign3A : i32
    %sign3A_4 = arith.extui %sign3A_3 : i1 to i32
    %sign3A_5 = arith.constant 0 : i32
    %sign3A_6 = arith.cmpi slt, %mul3A_2, %sign3A_5 : i32
    %sign3A_7 = arith.extui %sign3A_6 : i1 to i32
    %sign3A_8 = arith.subi %sign3A_4, %sign3A_7 : i32
    %sign3A_9 = arith.constant 0 : i32
    %sign3A_10 = arith.cmpi sgt, %jit3A, %sign3A_9 : i32
    %sign3A_11 = arith.extui %sign3A_10 : i1 to i32
    %sign3A_12 = arith.constant 0 : i32
    %sign3A_13 = arith.cmpi slt, %jit3A, %sign3A_12 : i32
    %sign3A_14 = arith.extui %sign3A_13 : i1 to i32
    %sign3A_15 = arith.subi %sign3A_11, %sign3A_14 : i32
    %ne3A = arith.cmpi ne, %sign3A_8, %sign3A_15 : i32
    %rem3A = arith.remsi %mul3A_2, %jit3A : i32
    %ne3A_16 = arith.constant 0 : i32
    %ne3A_17 = arith.cmpi ne, %rem3A, %ne3A_16 : i32
    %and3A = arith.andi %ne3A, %ne3A_17 : i1
    %sub3A = arith.constant 1 : i32
    %sub3A_18 = arith.subi %div3A, %sub3A : i32
    %select_n3A = arith.select %and3A, %sub3A_18, %div3A : i32
    %get3A = arith.constant 0 : index
    %get3A_19 = arith.constant 0 : index
    %get3A_20 = vector.load %arg6[%get3A, %get3A_19] : memref<1024x768xf32, #tpu.memory_space<vmem>>, vector<1024x768xf32>
    %get3A_21 = arith.constant 0 : index
    %get3A_22 = arith.index_cast %select_n3A : i32 to index
    %get3A_23 = memref.load %arg1[%get3A_21, %get3A_22] : memref<1x4xi32, #tpu.memory_space<smem>>
    %get3A_24 = arith.index_cast %get3A_23 : i32 to index
    %get3A_25 = arith.constant 0 : index
    %get3A_26 = vector.load %arg2[%get3A_24, %get3A_25] : memref<5x768xf32, #tpu.memory_space<vmem>>, vector<1x768xf32>
    %get3A_27 = arith.constant 0 : index
    %get3A_28 = arith.constant 0 : index
    %get3A_29 = vector.load %arg4[%get3A_27, %get3A_28] : memref<8x768xf32, #tpu.memory_space<vmem>>, vector<8x768xf32>
    %dot_general3A = arith.constant dense<0.000000e+00> : vector<1x8xf32>
    %dot_general3A_30 = tpu.matmul %get3A_26, %get3A_29, %dot_general3A {dimension_numbers = #tpu.dot_dimension_numbers<[1], [1], [0], [0], [0, 0, 1, 0], [], []>, transpose_lhs_hint = false} : vector<1x768xf32>, vector<8x768xf32>, vector<1x8xf32> -> vector<1x8xf32>
    %get3A_31 = arith.constant 0 : index
    %get3A_32 = arith.constant 0 : index
    %get3A_33 = vector.load %arg5[%get3A_31, %get3A_32] : memref<1x8xf32, #tpu.memory_space<vmem>>, vector<1x8xf32>
    %add3A = arith.addf %dot_general3A_30, %get3A_33 : vector<1x8xf32>
    %get3A_34 = arith.constant 0 : index
    %get3A_35 = arith.constant 0 : index
    %get3A_36 = vector.load %arg3[%get3A_34, %get3A_35] : memref<8x768xf32, #tpu.memory_space<vmem>>, vector<8x768xf32>
    %dot_general3A_37 = arith.constant dense<0.000000e+00> : vector<1024x8xf32>
    %dot_general3A_38 = tpu.matmul %get3A_20, %get3A_36, %dot_general3A_37 {dimension_numbers = #tpu.dot_dimension_numbers<[1], [1], [0], [0], [0, 0, 1, 0], [], []>, transpose_lhs_hint = false} : vector<1024x768xf32>, vector<8x768xf32>, vector<1024x8xf32> -> vector<1024x8xf32>
    %add3A_39 = vector.broadcast %add3A : vector<1x8xf32> to vector<1024x8xf32>
    %add3A_40 = arith.addf %dot_general3A_38, %add3A_39 : vector<1024x8xf32>
    %iota3A = tpu.iota {dimensions = array<i32: 1>} : vector<1024x8xi32>
    %argmax3A = tpu.reduce_index %add3A_40 {axis = 1 : i32, kind = #tpu.reduction_kind<arg_max>} : vector<1024x8xf32> -> vector<1024xi32>
    %reduce_max3A = arith.constant dense<0xFF800000> : vector<1024xf32>
    %reduce_max3A_41 = vector.multi_reduction <maximumf>, %add3A_40, %reduce_max3A [1] : vector<1024x8xf32> to vector<1024xf32>
    %broadcast_in_dim3A = vector.shape_cast %argmax3A : vector<1024xi32> to vector<1024x1xi32>
    %eq3A_42 = vector.broadcast %broadcast_in_dim3A : vector<1024x1xi32> to vector<1024x8xi32>
    %eq3A_43 = arith.cmpi eq, %iota3A, %eq3A_42 : vector<1024x8xi32>
    %jit3A_44 = arith.constant 0xFF800000 : f32
    %broadcast_in_dim3A_45 = vector.broadcast %jit3A_44 : f32 to vector<1024x8xf32>
    %select_n3A_46 = arith.select %eq3A_43, %broadcast_in_dim3A_45, %add3A_40 : vector<1024x8xi1>, vector<1024x8xf32>
    %argmax3A_47 = tpu.reduce_index %select_n3A_46 {axis = 1 : i32, kind = #tpu.reduction_kind<arg_max>} : vector<1024x8xf32> -> vector<1024xi32>
    %reduce_max3A_48 = arith.constant dense<0xFF800000> : vector<1024xf32>
    %reduce_max3A_49 = vector.multi_reduction <maximumf>, %select_n3A_46, %reduce_max3A_48 [1] : vector<1024x8xf32> to vector<1024xf32>
    %sub3A_50 = arith.subf %reduce_max3A_49, %reduce_max3A_41 : vector<1024xf32>
    %exp3A = math.exp %sub3A_50 : vector<1024xf32>
    %add3A_51 = arith.constant 1.000000e+00 : f32
    %add3A_52 = vector.broadcast %add3A_51 : f32 to vector<1024xf32>
    %add3A_53 = arith.addf %add3A_52, %exp3A : vector<1024xf32>
    %div3A_54 = arith.constant 1.000000e+00 : f32
    %div3A_55 = vector.broadcast %div3A_54 : f32 to vector<1024xf32>
    %div3A_56 = arith.divf %div3A_55, %add3A_53 : vector<1024xf32>
    %sub3A_57 = arith.constant 1.000000e+00 : f32
    %sub3A_58 = vector.broadcast %sub3A_57 : f32 to vector<1024xf32>
    %sub3A_59 = arith.subf %sub3A_58, %div3A_56 : vector<1024xf32>
    %sub3A_60 = arith.constant 1.000000e+00 : f32
    %sub3A_61 = vector.broadcast %sub3A_60 : f32 to vector<1024xf32>
    %sub3A_62 = arith.subf %sub3A_61, %div3A_56 : vector<1024xf32>
    %lt3A = arith.cmpi slt, %argmax3A_47, %argmax3A : vector<1024xi32>
    %select_n3A_63 = arith.select %lt3A, %argmax3A_47, %argmax3A : vector<1024xi1>, vector<1024xi32>
    %select_n3A_64 = arith.select %lt3A, %argmax3A, %argmax3A_47 : vector<1024xi1>, vector<1024xi32>
    %select_n3A_65 = arith.select %lt3A, %sub3A_59, %div3A_56 : vector<1024xi1>, vector<1024xf32>
    %select_n3A_66 = arith.select %lt3A, %div3A_56, %sub3A_59 : vector<1024xi1>, vector<1024xf32>
    %mul3A_67 = arith.constant 8 : i32
    %mul3A_68 = vector.broadcast %mul3A_67 : i32 to vector<1024xi32>
    %mul3A_69 = arith.muli %select_n3A_63, %mul3A_68 : vector<1024xi32>
    %add3A_70 = arith.addi %mul3A_69, %select_n3A_64 : vector<1024xi32>
    %iota3A_71 = tpu.iota {dimensions = array<i32: 1>} : vector<1024x64xi32>
    %broadcast_in_dim3A_72 = vector.shape_cast %add3A_70 : vector<1024xi32> to vector<1024x1xi32>
    %eq3A_73 = vector.broadcast %broadcast_in_dim3A_72 : vector<1024x1xi32> to vector<1024x64xi32>
    %eq3A_74 = arith.cmpi eq, %eq3A_73, %iota3A_71 : vector<1024x64xi32>
    %convert_element_type3A_75 = arith.extui %eq3A_74 : vector<1024x64xi1> to vector<1024x64xi32>
    %convert_element_type3A_76 = arith.sitofp %convert_element_type3A_75 : vector<1024x64xi32> to vector<1024x64xf32>
    %convert_element_type3A_77 = arith.truncf %convert_element_type3A_76 : vector<1024x64xf32> to vector<1024x64xbf16>
    %get3A_78 = arith.constant 0 : index
    %get3A_79 = arith.constant 0 : index
    %get3A_80 = vector.load %arg7[%get3A_78, %get3A_79] : memref<1024x1024xbf16, #tpu.memory_space<vmem>>, vector<1024x1024xbf16>
    %dot_general3A_81 = arith.constant dense<0.000000e+00> : vector<1024x64xf32>
    %dot_general3A_82 = tpu.matmul %get3A_80, %convert_element_type3A_77, %dot_general3A_81 {dimension_numbers = #tpu.dot_dimension_numbers<[1], [0], [0], [1], [0, 0, 1, 1], [], []>, transpose_lhs_hint = false} : vector<1024x1024xbf16>, vector<1024x64xbf16>, vector<1024x64xf32> -> vector<1024x64xf32>
    %get3A_83 = arith.constant 0 : index
    %get3A_84 = arith.constant 0 : index
    %get3A_85 = vector.load %arg15[%get3A_83, %get3A_84] : memref<1x64xf32, #tpu.memory_space<vmem>>, vector<1x64xf32>
    %convert_element_type3A_86 = arith.extf %convert_element_type3A_77 : vector<1024x64xbf16> to vector<1024x64xf32>
    %sub3A_87 = arith.constant 1.000000e+00 : f32
    %sub3A_88 = vector.broadcast %sub3A_87 : f32 to vector<1024x64xf32>
    %sub3A_89 = arith.subf %dot_general3A_82, %sub3A_88 : vector<1024x64xf32>
    %add3A_90 = vector.broadcast %get3A_85 : vector<1x64xf32> to vector<1024x64xf32>
    %add3A_91 = arith.addf %sub3A_89, %add3A_90 : vector<1024x64xf32>
    %mul3A_92 = arith.mulf %convert_element_type3A_86, %add3A_91 : vector<1024x64xf32>
    %reduce_sum3A = arith.constant dense<0.000000e+00> : vector<1024xf32>
    %reduce_sum3A_93 = vector.multi_reduction <add>, %mul3A_92, %reduce_sum3A [1] : vector<1024x64xf32> to vector<1024xf32>
    %slice3A = vector.extract_strided_slice %dot_general3A_82 {offsets = [1023, 0], sizes = [1, 64], strides = [1, 1]} : vector<1024x64xf32> to vector<1x64xf32>
    %add3A_94 = arith.addf %get3A_85, %slice3A : vector<1x64xf32>
    %swap3A = arith.constant 0 : index
    %swap3A_95 = arith.constant 0 : index
    %swap3A_96 = vector.load %arg15[%swap3A, %swap3A_95] : memref<1x64xf32, #tpu.memory_space<vmem>>, vector<1x64xf32>
    tpu.vector_store %arg15[%swap3A, %swap3A_95], %add3A_94 {strides = array<i32>} : memref<1x64xf32, #tpu.memory_space<vmem>>, vector<1x64xf32>,
    %broadcast_in_dim3A_97 = vector.shape_cast %add3A_70 : vector<1024xi32> to vector<1x1024xi32>
    %swap3A_98 = arith.constant 0 : index
    %swap3A_99 = arith.constant 0 : index
    %swap3A_100 = arith.constant 0 : index
    %swap3A_101 = vector.load %arg8[%swap3A_98, %swap3A_99, %swap3A_100] : memref<1x1x1024xi32, #tpu.memory_space<vmem>>, vector<1x1x1024xi32>
    %swap3A_102 = vector.shape_cast %swap3A_101 : vector<1x1x1024xi32> to vector<1x1024xi32>
    %swap3A_103 = vector.shape_cast %broadcast_in_dim3A_97 : vector<1x1024xi32> to vector<1x1x1024xi32>
    tpu.vector_store %arg8[%swap3A_98, %swap3A_99, %swap3A_100], %swap3A_103 {strides = array<i32>} : memref<1x1x1024xi32, #tpu.memory_space<vmem>>, vector<1x1x1024xi32>,
    %convert_element_type3A_104 = arith.fptosi %reduce_sum3A_93 : vector<1024xf32> to vector<1024xi32>
    %broadcast_in_dim3A_105 = vector.shape_cast %convert_element_type3A_104 : vector<1024xi32> to vector<1x1024xi32>
    %swap3A_106 = arith.constant 0 : index
    %swap3A_107 = arith.constant 0 : index
    %swap3A_108 = arith.constant 0 : index
    %swap3A_109 = vector.load %arg9[%swap3A_106, %swap3A_107, %swap3A_108] : memref<1x1x1024xi32, #tpu.memory_space<vmem>>, vector<1x1x1024xi32>
    %swap3A_110 = vector.shape_cast %swap3A_109 : vector<1x1x1024xi32> to vector<1x1024xi32>
    %swap3A_111 = vector.shape_cast %broadcast_in_dim3A_105 : vector<1x1024xi32> to vector<1x1x1024xi32>
    tpu.vector_store %arg9[%swap3A_106, %swap3A_107, %swap3A_108], %swap3A_111 {strides = array<i32>} : memref<1x1x1024xi32, #tpu.memory_space<vmem>>, vector<1x1x1024xi32>,
    %broadcast_in_dim3A_112 = vector.shape_cast %select_n3A_65 : vector<1024xf32> to vector<1x1024xf32>
    %swap3A_113 = arith.constant 0 : index
    %swap3A_114 = arith.constant 0 : index
    %swap3A_115 = arith.constant 0 : index
    %swap3A_116 = vector.load %arg10[%swap3A_113, %swap3A_114, %swap3A_115] : memref<1x1x1024xf32, #tpu.memory_space<vmem>>, vector<1x1x1024xf32>
    %swap3A_117 = vector.shape_cast %swap3A_116 : vector<1x1x1024xf32> to vector<1x1024xf32>
    %swap3A_118 = vector.shape_cast %broadcast_in_dim3A_112 : vector<1x1024xf32> to vector<1x1x1024xf32>
    tpu.vector_store %arg10[%swap3A_113, %swap3A_114, %swap3A_115], %swap3A_118 {strides = array<i32>} : memref<1x1x1024xf32, #tpu.memory_space<vmem>>, vector<1x1x1024xf32>,
    %broadcast_in_dim3A_119 = vector.shape_cast %select_n3A_66 : vector<1024xf32> to vector<1x1024xf32>
    %swap3A_120 = arith.constant 0 : index
    %swap3A_121 = arith.constant 0 : index
    %swap3A_122 = arith.constant 0 : index
    %swap3A_123 = vector.load %arg11[%swap3A_120, %swap3A_121, %swap3A_122] : memref<1x1x1024xf32, #tpu.memory_space<vmem>>, vector<1x1x1024xf32>
    %swap3A_124 = vector.shape_cast %swap3A_123 : vector<1x1x1024xf32> to vector<1x1024xf32>
    %swap3A_125 = vector.shape_cast %broadcast_in_dim3A_119 : vector<1x1024xf32> to vector<1x1x1024xf32>
    tpu.vector_store %arg11[%swap3A_120, %swap3A_121, %swap3A_122], %swap3A_125 {strides = array<i32>} : memref<1x1x1024xf32, #tpu.memory_space<vmem>>, vector<1x1x1024xf32>,
    %broadcast_in_dim3A_126 = vector.shape_cast %sub3A_62 : vector<1024xf32> to vector<1x1024xf32>
    %swap3A_127 = arith.constant 0 : index
    %swap3A_128 = arith.constant 0 : index
    %swap3A_129 = arith.constant 0 : index
    %swap3A_130 = vector.load %arg12[%swap3A_127, %swap3A_128, %swap3A_129] : memref<1x1x1024xf32, #tpu.memory_space<vmem>>, vector<1x1x1024xf32>
    %swap3A_131 = vector.shape_cast %swap3A_130 : vector<1x1x1024xf32> to vector<1x1024xf32>
    %swap3A_132 = vector.shape_cast %broadcast_in_dim3A_126 : vector<1x1024xf32> to vector<1x1x1024xf32>
    tpu.vector_store %arg12[%swap3A_127, %swap3A_128, %swap3A_129], %swap3A_132 {strides = array<i32>} : memref<1x1x1024xf32, #tpu.memory_space<vmem>>, vector<1x1x1024xf32>,
    %eq3A_133 = arith.constant 7 : i32
    %eq3A_134 = arith.cmpi eq, %arg0, %eq3A_133 : i32
    %convert_element_type3A_135 = arith.extui %eq3A_134 : i1 to i32
    %cond3A_136 = arith.constant 0 : i32
    %cond3A_137 = arith.cmpi ne, %convert_element_type3A_135, %cond3A_136 : i32
    scf.if %cond3A_137 {
      %get3A_138 = arith.constant 0 : index
      %get3A_139 = arith.constant 0 : index
      %get3A_140 = vector.load %arg15[%get3A_138, %get3A_139] : memref<1x64xf32, #tpu.memory_space<vmem>>, vector<1x64xf32>
      %add3A_141 = arith.constant 1.270000e+02 : f32
      %add3A_142 = vector.broadcast %add3A_141 : f32 to vector<1x64xf32>
      %add3A_143 = arith.addf %get3A_140, %add3A_142 : vector<1x64xf32>
      %mul3A_144 = arith.constant 7.812500e-03 : f32
      %mul3A_145 = vector.broadcast %mul3A_144 : f32 to vector<1x64xf32>
      %mul3A_146 = arith.mulf %add3A_143, %mul3A_145 : vector<1x64xf32>
      %floor3A = math.floor %mul3A_146 : vector<1x64xf32>
      %mul3A_147 = arith.constant 1.280000e+02 : f32
      %mul3A_148 = vector.broadcast %mul3A_147 : f32 to vector<1x64xf32>
      %mul3A_149 = arith.mulf %floor3A, %mul3A_148 : vector<1x64xf32>
      %iota3A_150 = tpu.iota {dimensions = array<i32: 0>} : vector<64x64xi32>
      %iota3A_151 = tpu.iota {dimensions = array<i32: 1>} : vector<64x64xi32>
      %lt3A_152 = arith.cmpi slt, %iota3A_150, %iota3A_151 : vector<64x64xi32>
      %convert_element_type3A_153 = arith.extui %lt3A_152 : vector<64x64xi1> to vector<64x64xi32>
      %convert_element_type3A_154 = arith.sitofp %convert_element_type3A_153 : vector<64x64xi32> to vector<64x64xf32>
      %dot_general3A_155 = arith.constant dense<0.000000e+00> : vector<1x64xf32>
      %dot_general3A_156 = tpu.matmul %mul3A_149, %convert_element_type3A_154, %dot_general3A_155 {dimension_numbers = #tpu.dot_dimension_numbers<[1], [0], [0], [1], [0, 0, 1, 1], [], []>, transpose_lhs_hint = false} : vector<1x64xf32>, vector<64x64xf32>, vector<1x64xf32> -> vector<1x64xf32>
      %convert_element_type3A_157 = arith.fptosi %dot_general3A_156 : vector<1x64xf32> to vector<1x64xi32>
      %swap3A_158 = arith.constant 0 : index
      %swap3A_159 = arith.constant 0 : index
      %swap3A_160 = vector.load %arg13[%swap3A_158, %swap3A_159] : memref<1x64xi32, #tpu.memory_space<vmem>>, vector<1x64xi32>
      tpu.vector_store %arg13[%swap3A_158, %swap3A_159], %convert_element_type3A_157 {strides = array<i32>} : memref<1x64xi32, #tpu.memory_space<vmem>>, vector<1x64xi32>,
      %iota3A_161 = tpu.iota {dimensions = array<i32: 0>} : vector<128x1xi32>
      %convert_element_type3A_162 = arith.sitofp %iota3A_161 : vector<128x1xi32> to vector<128x1xf32>
      %mul3A_163 = arith.constant 1.280000e+02 : f32
      %mul3A_164 = vector.broadcast %mul3A_163 : f32 to vector<128x1xf32>
      %mul3A_165 = arith.mulf %convert_element_type3A_162, %mul3A_164 : vector<128x1xf32>
      %ge3A = vector.broadcast %mul3A_165 : vector<128x1xf32> to vector<128x64xf32>
      %ge3A_166 = vector.broadcast %dot_general3A_156 : vector<1x64xf32> to vector<128x64xf32>
      %ge3A_167 = arith.cmpf oge, %ge3A, %ge3A_166 : vector<128x64xf32>
      %add3A_168 = arith.addf %dot_general3A_156, %mul3A_149 : vector<1x64xf32>
      %lt3A_169 = vector.broadcast %mul3A_165 : vector<128x1xf32> to vector<128x64xf32>
      %lt3A_170 = vector.broadcast %add3A_168 : vector<1x64xf32> to vector<128x64xf32>
      %lt3A_171 = arith.cmpf olt, %lt3A_169, %lt3A_170 : vector<128x64xf32>
      %and3A_172 = arith.andi %ge3A_167, %lt3A_171 : vector<128x64xi1>
      %gt3A = arith.constant 0.000000e+00 : f32
      %gt3A_173 = vector.broadcast %gt3A : f32 to vector<1x64xf32>
      %gt3A_174 = arith.cmpf ogt, %mul3A_149, %gt3A_173 : vector<1x64xf32>
      %and3A_175 = vector.broadcast %gt3A_174 : vector<1x64xi1> to vector<128x64xi1>
      %and3A_176 = arith.andi %and3A_172, %and3A_175 : vector<128x64xi1>
      %iota3A_177 = tpu.iota {dimensions = array<i32: 1>} : vector<128x64xi32>
      %convert_element_type3A_178 = arith.extui %and3A_176 : vector<128x64xi1> to vector<128x64xi32>
      %jit3A_179 = arith.constant 8 : i32
      %div3A_180 = vector.broadcast %jit3A_179 : i32 to vector<128x64xi32>
      %div3A_181 = arith.divsi %iota3A_177, %div3A_180 : vector<128x64xi32>
      %sign3A_182 = arith.constant 0 : i32
      %sign3A_183 = vector.broadcast %sign3A_182 : i32 to vector<128x64xi32>
      %sign3A_184 = arith.cmpi sgt, %iota3A_177, %sign3A_183 : vector<128x64xi32>
      %sign3A_185 = arith.extui %sign3A_184 : vector<128x64xi1> to vector<128x64xi32>
      %sign3A_186 = arith.constant 0 : i32
      %sign3A_187 = vector.broadcast %sign3A_186 : i32 to vector<128x64xi32>
      %sign3A_188 = arith.cmpi slt, %iota3A_177, %sign3A_187 : vector<128x64xi32>
      %sign3A_189 = arith.extui %sign3A_188 : vector<128x64xi1> to vector<128x64xi32>
      %sign3A_190 = arith.subi %sign3A_185, %sign3A_189 : vector<128x64xi32>
      %sign3A_191 = arith.constant 0 : i32
      %sign3A_192 = arith.cmpi sgt, %jit3A_179, %sign3A_191 : i32
      %sign3A_193 = arith.extui %sign3A_192 : i1 to i32
      %sign3A_194 = arith.constant 0 : i32
      %sign3A_195 = arith.cmpi slt, %jit3A_179, %sign3A_194 : i32
      %sign3A_196 = arith.extui %sign3A_195 : i1 to i32
      %sign3A_197 = arith.subi %sign3A_193, %sign3A_196 : i32
      %ne3A_198 = vector.broadcast %sign3A_197 : i32 to vector<128x64xi32>
      %ne3A_199 = arith.cmpi ne, %sign3A_190, %ne3A_198 : vector<128x64xi32>
      %rem3A_200 = vector.broadcast %jit3A_179 : i32 to vector<128x64xi32>
      %rem3A_201 = arith.remsi %iota3A_177, %rem3A_200 : vector<128x64xi32>
      %ne3A_202 = arith.constant 0 : i32
      %ne3A_203 = vector.broadcast %ne3A_202 : i32 to vector<128x64xi32>
      %ne3A_204 = arith.cmpi ne, %rem3A_201, %ne3A_203 : vector<128x64xi32>
      %and3A_205 = arith.andi %ne3A_199, %ne3A_204 : vector<128x64xi1>
      %sub3A_206 = arith.constant 1 : i32
      %sub3A_207 = vector.broadcast %sub3A_206 : i32 to vector<128x64xi32>
      %sub3A_208 = arith.subi %div3A_181, %sub3A_207 : vector<128x64xi32>
      %select_n3A_209 = arith.select %and3A_205, %sub3A_208, %div3A_181 : vector<128x64xi1>, vector<128x64xi32>
      %mul3A_210 = arith.muli %convert_element_type3A_178, %select_n3A_209 : vector<128x64xi32>
      %reduce_sum3A_211 = arith.constant dense<0> : vector<128xi32>
      %reduce_sum3A_212 = vector.multi_reduction <add>, %mul3A_210, %reduce_sum3A_211 [1] : vector<128x64xi32> to vector<128xi32>
      %jit3A_213 = arith.constant 8 : i32
      %eq3A_214 = arith.constant 0 : i32
      %eq3A_215 = arith.cmpi eq, %jit3A_213, %eq3A_214 : i32
      %jit3A_216 = arith.constant 1 : i32
      %select_n3A_217 = arith.select %eq3A_215, %jit3A_216, %jit3A_213 : i32
      %rem3A_218 = vector.broadcast %select_n3A_217 : i32 to vector<128x64xi32>
      %rem3A_219 = arith.remsi %iota3A_177, %rem3A_218 : vector<128x64xi32>
      %ne3A_220 = arith.constant 0 : i32
      %ne3A_221 = vector.broadcast %ne3A_220 : i32 to vector<128x64xi32>
      %ne3A_222 = arith.cmpi ne, %rem3A_219, %ne3A_221 : vector<128x64xi32>
      %lt3A_223 = arith.constant 0 : i32
      %lt3A_224 = vector.broadcast %lt3A_223 : i32 to vector<128x64xi32>
      %lt3A_225 = arith.cmpi slt, %rem3A_219, %lt3A_224 : vector<128x64xi32>
      %lt3A_226 = arith.constant 0 : i32
      %lt3A_227 = arith.cmpi slt, %select_n3A_217, %lt3A_226 : i32
      %ne3A_228 = vector.broadcast %lt3A_227 : i1 to vector<128x64xi1>
      %ne3A_229 = vector.broadcast %ne3A_228 : vector<128x64xi1> to vector<128x64xi1>
      %ne3A_230 = arith.xori %lt3A_225, %ne3A_229 : vector<128x64xi1>
      %and3A_231 = arith.andi %ne3A_230, %ne3A_222 : vector<128x64xi1>
      %add3A_232 = vector.broadcast %select_n3A_217 : i32 to vector<128x64xi32>
      %add3A_233 = arith.addi %rem3A_219, %add3A_232 : vector<128x64xi32>
      %select_n3A_234 = arith.select %and3A_231, %add3A_233, %rem3A_219 : vector<128x64xi1>, vector<128x64xi32>
      %mul3A_235 = arith.muli %convert_element_type3A_178, %select_n3A_234 : vector<128x64xi32>
      %reduce_sum3A_236 = arith.constant dense<0> : vector<128xi32>
      %reduce_sum3A_237 = vector.multi_reduction <add>, %mul3A_235, %reduce_sum3A_236 [1] : vector<128x64xi32> to vector<128xi32>
      %reduce_sum3A_238 = arith.constant dense<0> : vector<128xi32>
      %reduce_sum3A_239 = vector.multi_reduction <add>, %convert_element_type3A_178, %reduce_sum3A_238 [1] : vector<128x64xi32> to vector<128xi32>
      %broadcast_in_dim3A_240 = vector.shape_cast %reduce_sum3A_212 : vector<128xi32> to vector<1x128xi32>
      %swap3A_241 = arith.constant 0 : index
      %swap3A_242 = arith.constant 0 : index
      %swap3A_243 = arith.constant 0 : index
      %swap3A_244 = vector.load %arg14[%swap3A_241, %swap3A_242, %swap3A_243] : memref<1x3x128xi32, #tpu.memory_space<vmem>>, vector<1x1x128xi32>
      %swap3A_245 = vector.shape_cast %swap3A_244 : vector<1x1x128xi32> to vector<1x128xi32>
      %swap3A_246 = vector.shape_cast %broadcast_in_dim3A_240 : vector<1x128xi32> to vector<1x1x128xi32>
      tpu.vector_store %arg14[%swap3A_241, %swap3A_242, %swap3A_243], %swap3A_246 {strides = array<i32>} : memref<1x3x128xi32, #tpu.memory_space<vmem>>, vector<1x1x128xi32>,
      %broadcast_in_dim3A_247 = vector.shape_cast %reduce_sum3A_237 : vector<128xi32> to vector<1x128xi32>
      %swap3A_248 = arith.constant 0 : index
      %swap3A_249 = arith.constant 1 : index
      %swap3A_250 = arith.constant 0 : index
      %swap3A_251 = vector.load %arg14[%swap3A_248, %swap3A_249, %swap3A_250] : memref<1x3x128xi32, #tpu.memory_space<vmem>>, vector<1x1x128xi32>
      %swap3A_252 = vector.shape_cast %swap3A_251 : vector<1x1x128xi32> to vector<1x128xi32>
      %swap3A_253 = vector.shape_cast %broadcast_in_dim3A_247 : vector<1x128xi32> to vector<1x1x128xi32>
      tpu.vector_store %arg14[%swap3A_248, %swap3A_249, %swap3A_250], %swap3A_253 {strides = array<i32>} : memref<1x3x128xi32, #tpu.memory_space<vmem>>, vector<1x1x128xi32>,
      %broadcast_in_dim3A_254 = vector.shape_cast %reduce_sum3A_239 : vector<128xi32> to vector<1x128xi32>
      %swap3A_255 = arith.constant 0 : index
      %swap3A_256 = arith.constant 2 : index
      %swap3A_257 = arith.constant 0 : index
      %swap3A_258 = vector.load %arg14[%swap3A_255, %swap3A_256, %swap3A_257] : memref<1x3x128xi32, #tpu.memory_space<vmem>>, vector<1x1x128xi32>
      %swap3A_259 = vector.shape_cast %swap3A_258 : vector<1x1x128xi32> to vector<1x128xi32>
      %swap3A_260 = vector.shape_cast %broadcast_in_dim3A_254 : vector<1x128xi32> to vector<1x1x128xi32>
      tpu.vector_store %arg14[%swap3A_255, %swap3A_256, %swap3A_257], %swap3A_260 {strides = array<i32>} : memref<1x3x128xi32, #tpu.memory_space<vmem>>, vector<1x1x128xi32>,
    } else {
    }
    return
  }
  func.func @transform_0(%arg0: i32) -> (i32, i32) {
    %c0_i32 = arith.constant 0 : i32
    %c0_i32_0 = arith.constant 0 : i32
    %c0_i32_1 = arith.constant 0 : i32
    return %c0_i32, %c0_i32_0 : i32, i32
  }
  func.func @transform_1(%arg0: i32) -> (i32, i32) {
    %c0_i32 = arith.constant 0 : i32
    %c0_i32_0 = arith.constant 0 : i32
    %c0_i32_1 = arith.constant 0 : i32
    return %c0_i32, %c0_i32_0 : i32, i32
  }
  func.func @transform_2(%arg0: i32) -> (i32, i32) {
    %c0_i32 = arith.constant 0 : i32
    %c0_i32_0 = arith.constant 0 : i32
    %c0_i32_1 = arith.constant 0 : i32
    return %c0_i32, %c0_i32_0 : i32, i32
  }
  func.func @transform_3(%arg0: i32) -> (i32, i32) {
    %c0_i32 = arith.constant 0 : i32
    %c0_i32_0 = arith.constant 0 : i32
    %c0_i32_1 = arith.constant 0 : i32
    return %c0_i32, %c0_i32_0 : i32, i32
  }
  func.func @transform_4(%arg0: i32) -> (i32, i32) {
    %c0_i32 = arith.constant 0 : i32
    %c0_i32_0 = arith.constant 0 : i32
    %c0_i32_1 = arith.constant 0 : i32
    return %c0_i32, %c0_i32_0 : i32, i32
  }
  func.func @transform_5(%arg0: i32) -> (i32, i32) {
    %c0_i32 = arith.constant 0 : i32
    %c0_i32_0 = arith.constant 0 : i32
    return %arg0, %c0_i32 : i32, i32
  }
  func.func @transform_6(%arg0: i32) -> (i32, i32) {
    %c0_i32 = arith.constant 0 : i32
    %c0_i32_0 = arith.constant 0 : i32
    %c0_i32_1 = arith.constant 0 : i32
    return %c0_i32, %c0_i32_0 : i32, i32
  }
  func.func @transform_7(%arg0: i32) -> (i32, i32, i32) {
    %c0_i32 = arith.constant 0 : i32
    %c0_i32_0 = arith.constant 0 : i32
    %c0_i32_1 = arith.constant 0 : i32
    return %arg0, %c0_i32, %c0_i32_0 : i32, i32, i32
  }
  func.func @transform_8(%arg0: i32) -> (i32, i32, i32) {
    %c0_i32 = arith.constant 0 : i32
    %c0_i32_0 = arith.constant 0 : i32
    %c0_i32_1 = arith.constant 0 : i32
    return %arg0, %c0_i32, %c0_i32_0 : i32, i32, i32
  }
  func.func @transform_9(%arg0: i32) -> (i32, i32, i32) {
    %c0_i32 = arith.constant 0 : i32
    %c0_i32_0 = arith.constant 0 : i32
    %c0_i32_1 = arith.constant 0 : i32
    return %arg0, %c0_i32, %c0_i32_0 : i32, i32, i32
  }
  func.func @transform_10(%arg0: i32) -> (i32, i32, i32) {
    %c0_i32 = arith.constant 0 : i32
    %c0_i32_0 = arith.constant 0 : i32
    %c0_i32_1 = arith.constant 0 : i32
    return %arg0, %c0_i32, %c0_i32_0 : i32, i32, i32
  }
  func.func @transform_11(%arg0: i32) -> (i32, i32, i32) {
    %c0_i32 = arith.constant 0 : i32
    %c0_i32_0 = arith.constant 0 : i32
    %c0_i32_1 = arith.constant 0 : i32
    return %arg0, %c0_i32, %c0_i32_0 : i32, i32, i32
  }
  func.func @transform_12(%arg0: i32) -> (i32, i32) {
    %c0_i32 = arith.constant 0 : i32
    %c0_i32_0 = arith.constant 0 : i32
    %c0_i32_1 = arith.constant 0 : i32
    return %c0_i32, %c0_i32_0 : i32, i32
  }
  func.func @transform_13(%arg0: i32) -> (i32, i32, i32) {
    %c0_i32 = arith.constant 0 : i32
    %c0_i32_0 = arith.constant 0 : i32
    %c0_i32_1 = arith.constant 0 : i32
    %c0_i32_2 = arith.constant 0 : i32
    return %c0_i32, %c0_i32_0, %c0_i32_1 : i32, i32, i32
  }
}

module attributes {stable_mosaic.version = 14 : i64} {
  func.func @_expert_kernel(%arg0: i32, %arg1: memref<11776xi32, #tpu.memory_space<smem>>, %arg2: memref<11776xi32, #tpu.memory_space<smem>>, %arg3: memref<3x128xi32, #tpu.memory_space<smem>>, %arg4: memref<8192x768xf32, #tpu.memory_space<hbm>>, %arg5: memref<8x768x768xbf16, #tpu.memory_space<vmem>>, %arg6: memref<768x768xbf16, #tpu.memory_space<vmem>>, %arg7: memref<8x768xf32, #tpu.memory_space<vmem>>, %arg8: memref<1x768xf32, #tpu.memory_space<vmem>>, %arg9: memref<1x128x1xf32, #tpu.memory_space<vmem>>, %arg10: memref<1x128x1xf32, #tpu.memory_space<vmem>>, %arg11: memref<1x128x1xf32, #tpu.memory_space<vmem>>, %arg12: memref<8200x768xf32, #tpu.memory_space<hbm>>, %arg13: memref<128x768xf32, #tpu.memory_space<vmem>>, %arg14: memref<128x768xf32, #tpu.memory_space<vmem>>, %arg15: memref<!tpu.dma_semaphore, #tpu.memory_space<semaphore_mem>>, %arg16: memref<!tpu.dma_semaphore, #tpu.memory_space<semaphore_mem>>) attributes {dimension_semantics = [#tpu.dimension_semantics<arbitrary>], iteration_bounds = array<i64: 92>, scalar_prefetch = 3 : i64, scratch_operands = 4 : i64, tpu.core_type = #tpu.core_type<tc>, window_params = [{}, {pipeline_mode = #tpu.pipeline_mode<synchronous>, transform_indices = @transform_1, window_bounds = array<i64: 8, 768, 768>}, {pipeline_mode = #tpu.pipeline_mode<synchronous>, transform_indices = @transform_2, window_bounds = array<i64: 768, 768>}, {pipeline_mode = #tpu.pipeline_mode<synchronous>, transform_indices = @transform_3, window_bounds = array<i64: 8, 768>}, {pipeline_mode = #tpu.pipeline_mode<synchronous>, transform_indices = @transform_4, window_bounds = array<i64: 1, 768>}, {transform_indices = @transform_5, window_bounds = array<i64: 1, 128, 1>}, {transform_indices = @transform_6, window_bounds = array<i64: 1, 128, 1>}, {transform_indices = @transform_7, window_bounds = array<i64: 1, 128, 1>}, {}]} {
    %get3A = arith.constant 2 : index
    %get3A_0 = arith.index_cast %arg0 : i32 to index
    %get3A_1 = memref.load %arg3[%get3A, %get3A_0] : memref<3x128xi32, #tpu.memory_space<smem>>
    %gt3A = arith.constant 0 : i32
    %gt3A_2 = arith.cmpi sgt, %get3A_1, %gt3A : i32
    %convert_element_type3A = arith.extui %gt3A_2 : i1 to i32
    %cond3A = arith.constant 0 : i32
    %cond3A_3 = arith.cmpi ne, %convert_element_type3A, %cond3A : i32
    scf.if %cond3A_3 {
      %get3A_4 = arith.constant 0 : index
      %get3A_5 = arith.index_cast %arg0 : i32 to index
      %get3A_6 = memref.load %arg3[%get3A_4, %get3A_5] : memref<3x128xi32, #tpu.memory_space<smem>>
      %get3A_7 = arith.constant 1 : index
      %get3A_8 = arith.index_cast %arg0 : i32 to index
      %get3A_9 = memref.load %arg3[%get3A_7, %get3A_8] : memref<3x128xi32, #tpu.memory_space<smem>>
      %mul3A = arith.constant 128 : i32
      %mul3A_10 = arith.muli %arg0, %mul3A : i32
      %add3A = arith.constant 0 : i32
      %add3A_11 = arith.addi %mul3A_10, %add3A : i32
      %get3A_12 = arith.index_cast %add3A_11 : i32 to index
      %get3A_13 = memref.load %arg1[%get3A_12] : memref<11776xi32, #tpu.memory_space<smem>>
      %dma_start3A = arith.constant 0 : i32
      %dma_start3A_14 = arith.constant 0 : i32
      %dma_start3A_15 = tpu.memref_slice %arg13[%dma_start3A, %dma_start3A_14] : memref<128x768xf32, #tpu.memory_space<vmem>> -> memref<1x768xf32, #tpu.memory_space<vmem>>
      %dma_start3A_16 = arith.constant 0 : i32
      %dma_start3A_17 = tpu.memref_slice %arg4[%get3A_13, %dma_start3A_16] : memref<8192x768xf32, #tpu.memory_space<hbm>> -> memref<1x768xf32, #tpu.memory_space<hbm>>
      tpu.enqueue_dma source(%dma_start3A_17 : memref<1x768xf32, #tpu.memory_space<hbm>>) target(%dma_start3A_15 : memref<1x768xf32, #tpu.memory_space<vmem>>) target_semaphore(%arg15 : memref<!tpu.dma_semaphore, #tpu.memory_space<semaphore_mem>>)
      %add3A_18 = arith.constant 1 : i32
      %add3A_19 = arith.addi %mul3A_10, %add3A_18 : i32
      %get3A_20 = arith.index_cast %add3A_19 : i32 to index
      %get3A_21 = memref.load %arg1[%get3A_20] : memref<11776xi32, #tpu.memory_space<smem>>
      %dma_start3A_22 = arith.constant 1 : i32
      %dma_start3A_23 = arith.constant 0 : i32
      %dma_start3A_24 = tpu.memref_slice %arg13[%dma_start3A_22, %dma_start3A_23] : memref<128x768xf32, #tpu.memory_space<vmem>> -> memref<1x768xf32, #tpu.memory_space<vmem>>
      %dma_start3A_25 = arith.constant 0 : i32
      %dma_start3A_26 = tpu.memref_slice %arg4[%get3A_21, %dma_start3A_25] : memref<8192x768xf32, #tpu.memory_space<hbm>> -> memref<1x768xf32, #tpu.memory_space<hbm>>
      tpu.enqueue_dma source(%dma_start3A_26 : memref<1x768xf32, #tpu.memory_space<hbm>>) target(%dma_start3A_24 : memref<1x768xf32, #tpu.memory_space<vmem>>) target_semaphore(%arg15 : memref<!tpu.dma_semaphore, #tpu.memory_space<semaphore_mem>>)
      %add3A_27 = arith.constant 2 : i32
      %add3A_28 = arith.addi %mul3A_10, %add3A_27 : i32
      %get3A_29 = arith.index_cast %add3A_28 : i32 to index
      %get3A_30 = memref.load %arg1[%get3A_29] : memref<11776xi32, #tpu.memory_space<smem>>
      %dma_start3A_31 = arith.constant 2 : i32
      %dma_start3A_32 = arith.constant 0 : i32
      %dma_start3A_33 = tpu.memref_slice %arg13[%dma_start3A_31, %dma_start3A_32] : memref<128x768xf32, #tpu.memory_space<vmem>> -> memref<1x768xf32, #tpu.memory_space<vmem>>
      %dma_start3A_34 = arith.constant 0 : i32
      %dma_start3A_35 = tpu.memref_slice %arg4[%get3A_30, %dma_start3A_34] : memref<8192x768xf32, #tpu.memory_space<hbm>> -> memref<1x768xf32, #tpu.memory_space<hbm>>
      tpu.enqueue_dma source(%dma_start3A_35 : memref<1x768xf32, #tpu.memory_space<hbm>>) target(%dma_start3A_33 : memref<1x768xf32, #tpu.memory_space<vmem>>) target_semaphore(%arg15 : memref<!tpu.dma_semaphore, #tpu.memory_space<semaphore_mem>>)
      %add3A_36 = arith.constant 3 : i32
      %add3A_37 = arith.addi %mul3A_10, %add3A_36 : i32
      %get3A_38 = arith.index_cast %add3A_37 : i32 to index
      %get3A_39 = memref.load %arg1[%get3A_38] : memref<11776xi32, #tpu.memory_space<smem>>
      %dma_start3A_40 = arith.constant 3 : i32
      %dma_start3A_41 = arith.constant 0 : i32
      %dma_start3A_42 = tpu.memref_slice %arg13[%dma_start3A_40, %dma_start3A_41] : memref<128x768xf32, #tpu.memory_space<vmem>> -> memref<1x768xf32, #tpu.memory_space<vmem>>
      %dma_start3A_43 = arith.constant 0 : i32
      %dma_start3A_44 = tpu.memref_slice %arg4[%get3A_39, %dma_start3A_43] : memref<8192x768xf32, #tpu.memory_space<hbm>> -> memref<1x768xf32, #tpu.memory_space<hbm>>
      tpu.enqueue_dma source(%dma_start3A_44 : memref<1x768xf32, #tpu.memory_space<hbm>>) target(%dma_start3A_42 : memref<1x768xf32, #tpu.memory_space<vmem>>) target_semaphore(%arg15 : memref<!tpu.dma_semaphore, #tpu.memory_space<semaphore_mem>>)
      %add3A_45 = arith.constant 4 : i32
      %add3A_46 = arith.addi %mul3A_10, %add3A_45 : i32
      %get3A_47 = arith.index_cast %add3A_46 : i32 to index
      %get3A_48 = memref.load %arg1[%get3A_47] : memref<11776xi32, #tpu.memory_space<smem>>
      %dma_start3A_49 = arith.constant 4 : i32
      %dma_start3A_50 = arith.constant 0 : i32
      %dma_start3A_51 = tpu.memref_slice %arg13[%dma_start3A_49, %dma_start3A_50] : memref<128x768xf32, #tpu.memory_space<vmem>> -> memref<1x768xf32, #tpu.memory_space<vmem>>
      %dma_start3A_52 = arith.constant 0 : i32
      %dma_start3A_53 = tpu.memref_slice %arg4[%get3A_48, %dma_start3A_52] : memref<8192x768xf32, #tpu.memory_space<hbm>> -> memref<1x768xf32, #tpu.memory_space<hbm>>
      tpu.enqueue_dma source(%dma_start3A_53 : memref<1x768xf32, #tpu.memory_space<hbm>>) target(%dma_start3A_51 : memref<1x768xf32, #tpu.memory_space<vmem>>) target_semaphore(%arg15 : memref<!tpu.dma_semaphore, #tpu.memory_space<semaphore_mem>>)
      %add3A_54 = arith.constant 5 : i32
      %add3A_55 = arith.addi %mul3A_10, %add3A_54 : i32
      %get3A_56 = arith.index_cast %add3A_55 : i32 to index
      %get3A_57 = memref.load %arg1[%get3A_56] : memref<11776xi32, #tpu.memory_space<smem>>
      %dma_start3A_58 = arith.constant 5 : i32
      %dma_start3A_59 = arith.constant 0 : i32
      %dma_start3A_60 = tpu.memref_slice %arg13[%dma_start3A_58, %dma_start3A_59] : memref<128x768xf32, #tpu.memory_space<vmem>> -> memref<1x768xf32, #tpu.memory_space<vmem>>
      %dma_start3A_61 = arith.constant 0 : i32
      %dma_start3A_62 = tpu.memref_slice %arg4[%get3A_57, %dma_start3A_61] : memref<8192x768xf32, #tpu.memory_space<hbm>> -> memref<1x768xf32, #tpu.memory_space<hbm>>
      tpu.enqueue_dma source(%dma_start3A_62 : memref<1x768xf32, #tpu.memory_space<hbm>>) target(%dma_start3A_60 : memref<1x768xf32, #tpu.memory_space<vmem>>) target_semaphore(%arg15 : memref<!tpu.dma_semaphore, #tpu.memory_space<semaphore_mem>>)
      %add3A_63 = arith.constant 6 : i32
      %add3A_64 = arith.addi %mul3A_10, %add3A_63 : i32
      %get3A_65 = arith.index_cast %add3A_64 : i32 to index
      %get3A_66 = memref.load %arg1[%get3A_65] : memref<11776xi32, #tpu.memory_space<smem>>
      %dma_start3A_67 = arith.constant 6 : i32
      %dma_start3A_68 = arith.constant 0 : i32
      %dma_start3A_69 = tpu.memref_slice %arg13[%dma_start3A_67, %dma_start3A_68] : memref<128x768xf32, #tpu.memory_space<vmem>> -> memref<1x768xf32, #tpu.memory_space<vmem>>
      %dma_start3A_70 = arith.constant 0 : i32
      %dma_start3A_71 = tpu.memref_slice %arg4[%get3A_66, %dma_start3A_70] : memref<8192x768xf32, #tpu.memory_space<hbm>> -> memref<1x768xf32, #tpu.memory_space<hbm>>
      tpu.enqueue_dma source(%dma_start3A_71 : memref<1x768xf32, #tpu.memory_space<hbm>>) target(%dma_start3A_69 : memref<1x768xf32, #tpu.memory_space<vmem>>) target_semaphore(%arg15 : memref<!tpu.dma_semaphore, #tpu.memory_space<semaphore_mem>>)
      %add3A_72 = arith.constant 7 : i32
      %add3A_73 = arith.addi %mul3A_10, %add3A_72 : i32
      %get3A_74 = arith.index_cast %add3A_73 : i32 to index
      %get3A_75 = memref.load %arg1[%get3A_74] : memref<11776xi32, #tpu.memory_space<smem>>
      %dma_start3A_76 = arith.constant 7 : i32
      %dma_start3A_77 = arith.constant 0 : i32
      %dma_start3A_78 = tpu.memref_slice %arg13[%dma_start3A_76, %dma_start3A_77] : memref<128x768xf32, #tpu.memory_space<vmem>> -> memref<1x768xf32, #tpu.memory_space<vmem>>
      %dma_start3A_79 = arith.constant 0 : i32
      %dma_start3A_80 = tpu.memref_slice %arg4[%get3A_75, %dma_start3A_79] : memref<8192x768xf32, #tpu.memory_space<hbm>> -> memref<1x768xf32, #tpu.memory_space<hbm>>
      tpu.enqueue_dma source(%dma_start3A_80 : memref<1x768xf32, #tpu.memory_space<hbm>>) target(%dma_start3A_78 : memref<1x768xf32, #tpu.memory_space<vmem>>) target_semaphore(%arg15 : memref<!tpu.dma_semaphore, #tpu.memory_space<semaphore_mem>>)
      %add3A_81 = arith.constant 8 : i32
      %add3A_82 = arith.addi %mul3A_10, %add3A_81 : i32
      %get3A_83 = arith.index_cast %add3A_82 : i32 to index
      %get3A_84 = memref.load %arg1[%get3A_83] : memref<11776xi32, #tpu.memory_space<smem>>
      %dma_start3A_85 = arith.constant 8 : i32
      %dma_start3A_86 = arith.constant 0 : i32
      %dma_start3A_87 = tpu.memref_slice %arg13[%dma_start3A_85, %dma_start3A_86] : memref<128x768xf32, #tpu.memory_space<vmem>> -> memref<1x768xf32, #tpu.memory_space<vmem>>
      %dma_start3A_88 = arith.constant 0 : i32
      %dma_start3A_89 = tpu.memref_slice %arg4[%get3A_84, %dma_start3A_88] : memref<8192x768xf32, #tpu.memory_space<hbm>> -> memref<1x768xf32, #tpu.memory_space<hbm>>
      tpu.enqueue_dma source(%dma_start3A_89 : memref<1x768xf32, #tpu.memory_space<hbm>>) target(%dma_start3A_87 : memref<1x768xf32, #tpu.memory_space<vmem>>) target_semaphore(%arg15 : memref<!tpu.dma_semaphore, #tpu.memory_space<semaphore_mem>>)
      %add3A_90 = arith.constant 9 : i32
      %add3A_91 = arith.addi %mul3A_10, %add3A_90 : i32
      %get3A_92 = arith.index_cast %add3A_91 : i32 to index
      %get3A_93 = memref.load %arg1[%get3A_92] : memref<11776xi32, #tpu.memory_space<smem>>
      %dma_start3A_94 = arith.constant 9 : i32
      %dma_start3A_95 = arith.constant 0 : i32
      %dma_start3A_96 = tpu.memref_slice %arg13[%dma_start3A_94, %dma_start3A_95] : memref<128x768xf32, #tpu.memory_space<vmem>> -> memref<1x768xf32, #tpu.memory_space<vmem>>
      %dma_start3A_97 = arith.constant 0 : i32
      %dma_start3A_98 = tpu.memref_slice %arg4[%get3A_93, %dma_start3A_97] : memref<8192x768xf32, #tpu.memory_space<hbm>> -> memref<1x768xf32, #tpu.memory_space<hbm>>
      tpu.enqueue_dma source(%dma_start3A_98 : memref<1x768xf32, #tpu.memory_space<hbm>>) target(%dma_start3A_96 : memref<1x768xf32, #tpu.memory_space<vmem>>) target_semaphore(%arg15 : memref<!tpu.dma_semaphore, #tpu.memory_space<semaphore_mem>>)
      %add3A_99 = arith.constant 10 : i32
      %add3A_100 = arith.addi %mul3A_10, %add3A_99 : i32
      %get3A_101 = arith.index_cast %add3A_100 : i32 to index
      %get3A_102 = memref.load %arg1[%get3A_101] : memref<11776xi32, #tpu.memory_space<smem>>
      %dma_start3A_103 = arith.constant 10 : i32
      %dma_start3A_104 = arith.constant 0 : i32
      %dma_start3A_105 = tpu.memref_slice %arg13[%dma_start3A_103, %dma_start3A_104] : memref<128x768xf32, #tpu.memory_space<vmem>> -> memref<1x768xf32, #tpu.memory_space<vmem>>
      %dma_start3A_106 = arith.constant 0 : i32
      %dma_start3A_107 = tpu.memref_slice %arg4[%get3A_102, %dma_start3A_106] : memref<8192x768xf32, #tpu.memory_space<hbm>> -> memref<1x768xf32, #tpu.memory_space<hbm>>
      tpu.enqueue_dma source(%dma_start3A_107 : memref<1x768xf32, #tpu.memory_space<hbm>>) target(%dma_start3A_105 : memref<1x768xf32, #tpu.memory_space<vmem>>) target_semaphore(%arg15 : memref<!tpu.dma_semaphore, #tpu.memory_space<semaphore_mem>>)
      %add3A_108 = arith.constant 11 : i32
      %add3A_109 = arith.addi %mul3A_10, %add3A_108 : i32
      %get3A_110 = arith.index_cast %add3A_109 : i32 to index
      %get3A_111 = memref.load %arg1[%get3A_110] : memref<11776xi32, #tpu.memory_space<smem>>
      %dma_start3A_112 = arith.constant 11 : i32
      %dma_start3A_113 = arith.constant 0 : i32
      %dma_start3A_114 = tpu.memref_slice %arg13[%dma_start3A_112, %dma_start3A_113] : memref<128x768xf32, #tpu.memory_space<vmem>> -> memref<1x768xf32, #tpu.memory_space<vmem>>
      %dma_start3A_115 = arith.constant 0 : i32
      %dma_start3A_116 = tpu.memref_slice %arg4[%get3A_111, %dma_start3A_115] : memref<8192x768xf32, #tpu.memory_space<hbm>> -> memref<1x768xf32, #tpu.memory_space<hbm>>
      tpu.enqueue_dma source(%dma_start3A_116 : memref<1x768xf32, #tpu.memory_space<hbm>>) target(%dma_start3A_114 : memref<1x768xf32, #tpu.memory_space<vmem>>) target_semaphore(%arg15 : memref<!tpu.dma_semaphore, #tpu.memory_space<semaphore_mem>>)
      %add3A_117 = arith.constant 12 : i32
      %add3A_118 = arith.addi %mul3A_10, %add3A_117 : i32
      %get3A_119 = arith.index_cast %add3A_118 : i32 to index
      %get3A_120 = memref.load %arg1[%get3A_119] : memref<11776xi32, #tpu.memory_space<smem>>
      %dma_start3A_121 = arith.constant 12 : i32
      %dma_start3A_122 = arith.constant 0 : i32
      %dma_start3A_123 = tpu.memref_slice %arg13[%dma_start3A_121, %dma_start3A_122] : memref<128x768xf32, #tpu.memory_space<vmem>> -> memref<1x768xf32, #tpu.memory_space<vmem>>
      %dma_start3A_124 = arith.constant 0 : i32
      %dma_start3A_125 = tpu.memref_slice %arg4[%get3A_120, %dma_start3A_124] : memref<8192x768xf32, #tpu.memory_space<hbm>> -> memref<1x768xf32, #tpu.memory_space<hbm>>
      tpu.enqueue_dma source(%dma_start3A_125 : memref<1x768xf32, #tpu.memory_space<hbm>>) target(%dma_start3A_123 : memref<1x768xf32, #tpu.memory_space<vmem>>) target_semaphore(%arg15 : memref<!tpu.dma_semaphore, #tpu.memory_space<semaphore_mem>>)
      %add3A_126 = arith.constant 13 : i32
      %add3A_127 = arith.addi %mul3A_10, %add3A_126 : i32
      %get3A_128 = arith.index_cast %add3A_127 : i32 to index
      %get3A_129 = memref.load %arg1[%get3A_128] : memref<11776xi32, #tpu.memory_space<smem>>
      %dma_start3A_130 = arith.constant 13 : i32
      %dma_start3A_131 = arith.constant 0 : i32
      %dma_start3A_132 = tpu.memref_slice %arg13[%dma_start3A_130, %dma_start3A_131] : memref<128x768xf32, #tpu.memory_space<vmem>> -> memref<1x768xf32, #tpu.memory_space<vmem>>
      %dma_start3A_133 = arith.constant 0 : i32
      %dma_start3A_134 = tpu.memref_slice %arg4[%get3A_129, %dma_start3A_133] : memref<8192x768xf32, #tpu.memory_space<hbm>> -> memref<1x768xf32, #tpu.memory_space<hbm>>
      tpu.enqueue_dma source(%dma_start3A_134 : memref<1x768xf32, #tpu.memory_space<hbm>>) target(%dma_start3A_132 : memref<1x768xf32, #tpu.memory_space<vmem>>) target_semaphore(%arg15 : memref<!tpu.dma_semaphore, #tpu.memory_space<semaphore_mem>>)
      %add3A_135 = arith.constant 14 : i32
      %add3A_136 = arith.addi %mul3A_10, %add3A_135 : i32
      %get3A_137 = arith.index_cast %add3A_136 : i32 to index
      %get3A_138 = memref.load %arg1[%get3A_137] : memref<11776xi32, #tpu.memory_space<smem>>
      %dma_start3A_139 = arith.constant 14 : i32
      %dma_start3A_140 = arith.constant 0 : i32
      %dma_start3A_141 = tpu.memref_slice %arg13[%dma_start3A_139, %dma_start3A_140] : memref<128x768xf32, #tpu.memory_space<vmem>> -> memref<1x768xf32, #tpu.memory_space<vmem>>
      %dma_start3A_142 = arith.constant 0 : i32
      %dma_start3A_143 = tpu.memref_slice %arg4[%get3A_138, %dma_start3A_142] : memref<8192x768xf32, #tpu.memory_space<hbm>> -> memref<1x768xf32, #tpu.memory_space<hbm>>
      tpu.enqueue_dma source(%dma_start3A_143 : memref<1x768xf32, #tpu.memory_space<hbm>>) target(%dma_start3A_141 : memref<1x768xf32, #tpu.memory_space<vmem>>) target_semaphore(%arg15 : memref<!tpu.dma_semaphore, #tpu.memory_space<semaphore_mem>>)
      %add3A_144 = arith.constant 15 : i32
      %add3A_145 = arith.addi %mul3A_10, %add3A_144 : i32
      %get3A_146 = arith.index_cast %add3A_145 : i32 to index
      %get3A_147 = memref.load %arg1[%get3A_146] : memref<11776xi32, #tpu.memory_space<smem>>
      %dma_start3A_148 = arith.constant 15 : i32
      %dma_start3A_149 = arith.constant 0 : i32
      %dma_start3A_150 = tpu.memref_slice %arg13[%dma_start3A_148, %dma_start3A_149] : memref<128x768xf32, #tpu.memory_space<vmem>> -> memref<1x768xf32, #tpu.memory_space<vmem>>
      %dma_start3A_151 = arith.constant 0 : i32
      %dma_start3A_152 = tpu.memref_slice %arg4[%get3A_147, %dma_start3A_151] : memref<8192x768xf32, #tpu.memory_space<hbm>> -> memref<1x768xf32, #tpu.memory_space<hbm>>
      tpu.enqueue_dma source(%dma_start3A_152 : memref<1x768xf32, #tpu.memory_space<hbm>>) target(%dma_start3A_150 : memref<1x768xf32, #tpu.memory_space<vmem>>) target_semaphore(%arg15 : memref<!tpu.dma_semaphore, #tpu.memory_space<semaphore_mem>>)
      %add3A_153 = arith.constant 16 : i32
      %add3A_154 = arith.addi %mul3A_10, %add3A_153 : i32
      %get3A_155 = arith.index_cast %add3A_154 : i32 to index
      %get3A_156 = memref.load %arg1[%get3A_155] : memref<11776xi32, #tpu.memory_space<smem>>
      %dma_start3A_157 = arith.constant 16 : i32
      %dma_start3A_158 = arith.constant 0 : i32
      %dma_start3A_159 = tpu.memref_slice %arg13[%dma_start3A_157, %dma_start3A_158] : memref<128x768xf32, #tpu.memory_space<vmem>> -> memref<1x768xf32, #tpu.memory_space<vmem>>
      %dma_start3A_160 = arith.constant 0 : i32
      %dma_start3A_161 = tpu.memref_slice %arg4[%get3A_156, %dma_start3A_160] : memref<8192x768xf32, #tpu.memory_space<hbm>> -> memref<1x768xf32, #tpu.memory_space<hbm>>
      tpu.enqueue_dma source(%dma_start3A_161 : memref<1x768xf32, #tpu.memory_space<hbm>>) target(%dma_start3A_159 : memref<1x768xf32, #tpu.memory_space<vmem>>) target_semaphore(%arg15 : memref<!tpu.dma_semaphore, #tpu.memory_space<semaphore_mem>>)
      %add3A_162 = arith.constant 17 : i32
      %add3A_163 = arith.addi %mul3A_10, %add3A_162 : i32
      %get3A_164 = arith.index_cast %add3A_163 : i32 to index
      %get3A_165 = memref.load %arg1[%get3A_164] : memref<11776xi32, #tpu.memory_space<smem>>
      %dma_start3A_166 = arith.constant 17 : i32
      %dma_start3A_167 = arith.constant 0 : i32
      %dma_start3A_168 = tpu.memref_slice %arg13[%dma_start3A_166, %dma_start3A_167] : memref<128x768xf32, #tpu.memory_space<vmem>> -> memref<1x768xf32, #tpu.memory_space<vmem>>
      %dma_start3A_169 = arith.constant 0 : i32
      %dma_start3A_170 = tpu.memref_slice %arg4[%get3A_165, %dma_start3A_169] : memref<8192x768xf32, #tpu.memory_space<hbm>> -> memref<1x768xf32, #tpu.memory_space<hbm>>
      tpu.enqueue_dma source(%dma_start3A_170 : memref<1x768xf32, #tpu.memory_space<hbm>>) target(%dma_start3A_168 : memref<1x768xf32, #tpu.memory_space<vmem>>) target_semaphore(%arg15 : memref<!tpu.dma_semaphore, #tpu.memory_space<semaphore_mem>>)
      %add3A_171 = arith.constant 18 : i32
      %add3A_172 = arith.addi %mul3A_10, %add3A_171 : i32
      %get3A_173 = arith.index_cast %add3A_172 : i32 to index
      %get3A_174 = memref.load %arg1[%get3A_173] : memref<11776xi32, #tpu.memory_space<smem>>
      %dma_start3A_175 = arith.constant 18 : i32
      %dma_start3A_176 = arith.constant 0 : i32
      %dma_start3A_177 = tpu.memref_slice %arg13[%dma_start3A_175, %dma_start3A_176] : memref<128x768xf32, #tpu.memory_space<vmem>> -> memref<1x768xf32, #tpu.memory_space<vmem>>
      %dma_start3A_178 = arith.constant 0 : i32
      %dma_start3A_179 = tpu.memref_slice %arg4[%get3A_174, %dma_start3A_178] : memref<8192x768xf32, #tpu.memory_space<hbm>> -> memref<1x768xf32, #tpu.memory_space<hbm>>
      tpu.enqueue_dma source(%dma_start3A_179 : memref<1x768xf32, #tpu.memory_space<hbm>>) target(%dma_start3A_177 : memref<1x768xf32, #tpu.memory_space<vmem>>) target_semaphore(%arg15 : memref<!tpu.dma_semaphore, #tpu.memory_space<semaphore_mem>>)
      %add3A_180 = arith.constant 19 : i32
      %add3A_181 = arith.addi %mul3A_10, %add3A_180 : i32
      %get3A_182 = arith.index_cast %add3A_181 : i32 to index
      %get3A_183 = memref.load %arg1[%get3A_182] : memref<11776xi32, #tpu.memory_space<smem>>
      %dma_start3A_184 = arith.constant 19 : i32
      %dma_start3A_185 = arith.constant 0 : i32
      %dma_start3A_186 = tpu.memref_slice %arg13[%dma_start3A_184, %dma_start3A_185] : memref<128x768xf32, #tpu.memory_space<vmem>> -> memref<1x768xf32, #tpu.memory_space<vmem>>
      %dma_start3A_187 = arith.constant 0 : i32
      %dma_start3A_188 = tpu.memref_slice %arg4[%get3A_183, %dma_start3A_187] : memref<8192x768xf32, #tpu.memory_space<hbm>> -> memref<1x768xf32, #tpu.memory_space<hbm>>
      tpu.enqueue_dma source(%dma_start3A_188 : memref<1x768xf32, #tpu.memory_space<hbm>>) target(%dma_start3A_186 : memref<1x768xf32, #tpu.memory_space<vmem>>) target_semaphore(%arg15 : memref<!tpu.dma_semaphore, #tpu.memory_space<semaphore_mem>>)
      %add3A_189 = arith.constant 20 : i32
      %add3A_190 = arith.addi %mul3A_10, %add3A_189 : i32
      %get3A_191 = arith.index_cast %add3A_190 : i32 to index
      %get3A_192 = memref.load %arg1[%get3A_191] : memref<11776xi32, #tpu.memory_space<smem>>
      %dma_start3A_193 = arith.constant 20 : i32
      %dma_start3A_194 = arith.constant 0 : i32
      %dma_start3A_195 = tpu.memref_slice %arg13[%dma_start3A_193, %dma_start3A_194] : memref<128x768xf32, #tpu.memory_space<vmem>> -> memref<1x768xf32, #tpu.memory_space<vmem>>
      %dma_start3A_196 = arith.constant 0 : i32
      %dma_start3A_197 = tpu.memref_slice %arg4[%get3A_192, %dma_start3A_196] : memref<8192x768xf32, #tpu.memory_space<hbm>> -> memref<1x768xf32, #tpu.memory_space<hbm>>
      tpu.enqueue_dma source(%dma_start3A_197 : memref<1x768xf32, #tpu.memory_space<hbm>>) target(%dma_start3A_195 : memref<1x768xf32, #tpu.memory_space<vmem>>) target_semaphore(%arg15 : memref<!tpu.dma_semaphore, #tpu.memory_space<semaphore_mem>>)
      %add3A_198 = arith.constant 21 : i32
      %add3A_199 = arith.addi %mul3A_10, %add3A_198 : i32
      %get3A_200 = arith.index_cast %add3A_199 : i32 to index
      %get3A_201 = memref.load %arg1[%get3A_200] : memref<11776xi32, #tpu.memory_space<smem>>
      %dma_start3A_202 = arith.constant 21 : i32
      %dma_start3A_203 = arith.constant 0 : i32
      %dma_start3A_204 = tpu.memref_slice %arg13[%dma_start3A_202, %dma_start3A_203] : memref<128x768xf32, #tpu.memory_space<vmem>> -> memref<1x768xf32, #tpu.memory_space<vmem>>
      %dma_start3A_205 = arith.constant 0 : i32
      %dma_start3A_206 = tpu.memref_slice %arg4[%get3A_201, %dma_start3A_205] : memref<8192x768xf32, #tpu.memory_space<hbm>> -> memref<1x768xf32, #tpu.memory_space<hbm>>
      tpu.enqueue_dma source(%dma_start3A_206 : memref<1x768xf32, #tpu.memory_space<hbm>>) target(%dma_start3A_204 : memref<1x768xf32, #tpu.memory_space<vmem>>) target_semaphore(%arg15 : memref<!tpu.dma_semaphore, #tpu.memory_space<semaphore_mem>>)
      %add3A_207 = arith.constant 22 : i32
      %add3A_208 = arith.addi %mul3A_10, %add3A_207 : i32
      %get3A_209 = arith.index_cast %add3A_208 : i32 to index
      %get3A_210 = memref.load %arg1[%get3A_209] : memref<11776xi32, #tpu.memory_space<smem>>
      %dma_start3A_211 = arith.constant 22 : i32
      %dma_start3A_212 = arith.constant 0 : i32
      %dma_start3A_213 = tpu.memref_slice %arg13[%dma_start3A_211, %dma_start3A_212] : memref<128x768xf32, #tpu.memory_space<vmem>> -> memref<1x768xf32, #tpu.memory_space<vmem>>
      %dma_start3A_214 = arith.constant 0 : i32
      %dma_start3A_215 = tpu.memref_slice %arg4[%get3A_210, %dma_start3A_214] : memref<8192x768xf32, #tpu.memory_space<hbm>> -> memref<1x768xf32, #tpu.memory_space<hbm>>
      tpu.enqueue_dma source(%dma_start3A_215 : memref<1x768xf32, #tpu.memory_space<hbm>>) target(%dma_start3A_213 : memref<1x768xf32, #tpu.memory_space<vmem>>) target_semaphore(%arg15 : memref<!tpu.dma_semaphore, #tpu.memory_space<semaphore_mem>>)
      %add3A_216 = arith.constant 23 : i32
      %add3A_217 = arith.addi %mul3A_10, %add3A_216 : i32
      %get3A_218 = arith.index_cast %add3A_217 : i32 to index
      %get3A_219 = memref.load %arg1[%get3A_218] : memref<11776xi32, #tpu.memory_space<smem>>
      %dma_start3A_220 = arith.constant 23 : i32
      %dma_start3A_221 = arith.constant 0 : i32
      %dma_start3A_222 = tpu.memref_slice %arg13[%dma_start3A_220, %dma_start3A_221] : memref<128x768xf32, #tpu.memory_space<vmem>> -> memref<1x768xf32, #tpu.memory_space<vmem>>
      %dma_start3A_223 = arith.constant 0 : i32
      %dma_start3A_224 = tpu.memref_slice %arg4[%get3A_219, %dma_start3A_223] : memref<8192x768xf32, #tpu.memory_space<hbm>> -> memref<1x768xf32, #tpu.memory_space<hbm>>
      tpu.enqueue_dma source(%dma_start3A_224 : memref<1x768xf32, #tpu.memory_space<hbm>>) target(%dma_start3A_222 : memref<1x768xf32, #tpu.memory_space<vmem>>) target_semaphore(%arg15 : memref<!tpu.dma_semaphore, #tpu.memory_space<semaphore_mem>>)
      %add3A_225 = arith.constant 24 : i32
      %add3A_226 = arith.addi %mul3A_10, %add3A_225 : i32
      %get3A_227 = arith.index_cast %add3A_226 : i32 to index
      %get3A_228 = memref.load %arg1[%get3A_227] : memref<11776xi32, #tpu.memory_space<smem>>
      %dma_start3A_229 = arith.constant 24 : i32
      %dma_start3A_230 = arith.constant 0 : i32
      %dma_start3A_231 = tpu.memref_slice %arg13[%dma_start3A_229, %dma_start3A_230] : memref<128x768xf32, #tpu.memory_space<vmem>> -> memref<1x768xf32, #tpu.memory_space<vmem>>
      %dma_start3A_232 = arith.constant 0 : i32
      %dma_start3A_233 = tpu.memref_slice %arg4[%get3A_228, %dma_start3A_232] : memref<8192x768xf32, #tpu.memory_space<hbm>> -> memref<1x768xf32, #tpu.memory_space<hbm>>
      tpu.enqueue_dma source(%dma_start3A_233 : memref<1x768xf32, #tpu.memory_space<hbm>>) target(%dma_start3A_231 : memref<1x768xf32, #tpu.memory_space<vmem>>) target_semaphore(%arg15 : memref<!tpu.dma_semaphore, #tpu.memory_space<semaphore_mem>>)
      %add3A_234 = arith.constant 25 : i32
      %add3A_235 = arith.addi %mul3A_10, %add3A_234 : i32
      %get3A_236 = arith.index_cast %add3A_235 : i32 to index
      %get3A_237 = memref.load %arg1[%get3A_236] : memref<11776xi32, #tpu.memory_space<smem>>
      %dma_start3A_238 = arith.constant 25 : i32
      %dma_start3A_239 = arith.constant 0 : i32
      %dma_start3A_240 = tpu.memref_slice %arg13[%dma_start3A_238, %dma_start3A_239] : memref<128x768xf32, #tpu.memory_space<vmem>> -> memref<1x768xf32, #tpu.memory_space<vmem>>
      %dma_start3A_241 = arith.constant 0 : i32
      %dma_start3A_242 = tpu.memref_slice %arg4[%get3A_237, %dma_start3A_241] : memref<8192x768xf32, #tpu.memory_space<hbm>> -> memref<1x768xf32, #tpu.memory_space<hbm>>
      tpu.enqueue_dma source(%dma_start3A_242 : memref<1x768xf32, #tpu.memory_space<hbm>>) target(%dma_start3A_240 : memref<1x768xf32, #tpu.memory_space<vmem>>) target_semaphore(%arg15 : memref<!tpu.dma_semaphore, #tpu.memory_space<semaphore_mem>>)
      %add3A_243 = arith.constant 26 : i32
      %add3A_244 = arith.addi %mul3A_10, %add3A_243 : i32
      %get3A_245 = arith.index_cast %add3A_244 : i32 to index
      %get3A_246 = memref.load %arg1[%get3A_245] : memref<11776xi32, #tpu.memory_space<smem>>
      %dma_start3A_247 = arith.constant 26 : i32
      %dma_start3A_248 = arith.constant 0 : i32
      %dma_start3A_249 = tpu.memref_slice %arg13[%dma_start3A_247, %dma_start3A_248] : memref<128x768xf32, #tpu.memory_space<vmem>> -> memref<1x768xf32, #tpu.memory_space<vmem>>
      %dma_start3A_250 = arith.constant 0 : i32
      %dma_start3A_251 = tpu.memref_slice %arg4[%get3A_246, %dma_start3A_250] : memref<8192x768xf32, #tpu.memory_space<hbm>> -> memref<1x768xf32, #tpu.memory_space<hbm>>
      tpu.enqueue_dma source(%dma_start3A_251 : memref<1x768xf32, #tpu.memory_space<hbm>>) target(%dma_start3A_249 : memref<1x768xf32, #tpu.memory_space<vmem>>) target_semaphore(%arg15 : memref<!tpu.dma_semaphore, #tpu.memory_space<semaphore_mem>>)
      %add3A_252 = arith.constant 27 : i32
      %add3A_253 = arith.addi %mul3A_10, %add3A_252 : i32
      %get3A_254 = arith.index_cast %add3A_253 : i32 to index
      %get3A_255 = memref.load %arg1[%get3A_254] : memref<11776xi32, #tpu.memory_space<smem>>
      %dma_start3A_256 = arith.constant 27 : i32
      %dma_start3A_257 = arith.constant 0 : i32
      %dma_start3A_258 = tpu.memref_slice %arg13[%dma_start3A_256, %dma_start3A_257] : memref<128x768xf32, #tpu.memory_space<vmem>> -> memref<1x768xf32, #tpu.memory_space<vmem>>
      %dma_start3A_259 = arith.constant 0 : i32
      %dma_start3A_260 = tpu.memref_slice %arg4[%get3A_255, %dma_start3A_259] : memref<8192x768xf32, #tpu.memory_space<hbm>> -> memref<1x768xf32, #tpu.memory_space<hbm>>
      tpu.enqueue_dma source(%dma_start3A_260 : memref<1x768xf32, #tpu.memory_space<hbm>>) target(%dma_start3A_258 : memref<1x768xf32, #tpu.memory_space<vmem>>) target_semaphore(%arg15 : memref<!tpu.dma_semaphore, #tpu.memory_space<semaphore_mem>>)
      %add3A_261 = arith.constant 28 : i32
      %add3A_262 = arith.addi %mul3A_10, %add3A_261 : i32
      %get3A_263 = arith.index_cast %add3A_262 : i32 to index
      %get3A_264 = memref.load %arg1[%get3A_263] : memref<11776xi32, #tpu.memory_space<smem>>
      %dma_start3A_265 = arith.constant 28 : i32
      %dma_start3A_266 = arith.constant 0 : i32
      %dma_start3A_267 = tpu.memref_slice %arg13[%dma_start3A_265, %dma_start3A_266] : memref<128x768xf32, #tpu.memory_space<vmem>> -> memref<1x768xf32, #tpu.memory_space<vmem>>
      %dma_start3A_268 = arith.constant 0 : i32
      %dma_start3A_269 = tpu.memref_slice %arg4[%get3A_264, %dma_start3A_268] : memref<8192x768xf32, #tpu.memory_space<hbm>> -> memref<1x768xf32, #tpu.memory_space<hbm>>
      tpu.enqueue_dma source(%dma_start3A_269 : memref<1x768xf32, #tpu.memory_space<hbm>>) target(%dma_start3A_267 : memref<1x768xf32, #tpu.memory_space<vmem>>) target_semaphore(%arg15 : memref<!tpu.dma_semaphore, #tpu.memory_space<semaphore_mem>>)
      %add3A_270 = arith.constant 29 : i32
      %add3A_271 = arith.addi %mul3A_10, %add3A_270 : i32
      %get3A_272 = arith.index_cast %add3A_271 : i32 to index
      %get3A_273 = memref.load %arg1[%get3A_272] : memref<11776xi32, #tpu.memory_space<smem>>
      %dma_start3A_274 = arith.constant 29 : i32
      %dma_start3A_275 = arith.constant 0 : i32
      %dma_start3A_276 = tpu.memref_slice %arg13[%dma_start3A_274, %dma_start3A_275] : memref<128x768xf32, #tpu.memory_space<vmem>> -> memref<1x768xf32, #tpu.memory_space<vmem>>
      %dma_start3A_277 = arith.constant 0 : i32
      %dma_start3A_278 = tpu.memref_slice %arg4[%get3A_273, %dma_start3A_277] : memref<8192x768xf32, #tpu.memory_space<hbm>> -> memref<1x768xf32, #tpu.memory_space<hbm>>
      tpu.enqueue_dma source(%dma_start3A_278 : memref<1x768xf32, #tpu.memory_space<hbm>>) target(%dma_start3A_276 : memref<1x768xf32, #tpu.memory_space<vmem>>) target_semaphore(%arg15 : memref<!tpu.dma_semaphore, #tpu.memory_space<semaphore_mem>>)
      %add3A_279 = arith.constant 30 : i32
      %add3A_280 = arith.addi %mul3A_10, %add3A_279 : i32
      %get3A_281 = arith.index_cast %add3A_280 : i32 to index
      %get3A_282 = memref.load %arg1[%get3A_281] : memref<11776xi32, #tpu.memory_space<smem>>
      %dma_start3A_283 = arith.constant 30 : i32
      %dma_start3A_284 = arith.constant 0 : i32
      %dma_start3A_285 = tpu.memref_slice %arg13[%dma_start3A_283, %dma_start3A_284] : memref<128x768xf32, #tpu.memory_space<vmem>> -> memref<1x768xf32, #tpu.memory_space<vmem>>
      %dma_start3A_286 = arith.constant 0 : i32
      %dma_start3A_287 = tpu.memref_slice %arg4[%get3A_282, %dma_start3A_286] : memref<8192x768xf32, #tpu.memory_space<hbm>> -> memref<1x768xf32, #tpu.memory_space<hbm>>
      tpu.enqueue_dma source(%dma_start3A_287 : memref<1x768xf32, #tpu.memory_space<hbm>>) target(%dma_start3A_285 : memref<1x768xf32, #tpu.memory_space<vmem>>) target_semaphore(%arg15 : memref<!tpu.dma_semaphore, #tpu.memory_space<semaphore_mem>>)
      %add3A_288 = arith.constant 31 : i32
      %add3A_289 = arith.addi %mul3A_10, %add3A_288 : i32
      %get3A_290 = arith.index_cast %add3A_289 : i32 to index
      %get3A_291 = memref.load %arg1[%get3A_290] : memref<11776xi32, #tpu.memory_space<smem>>
      %dma_start3A_292 = arith.constant 31 : i32
      %dma_start3A_293 = arith.constant 0 : i32
      %dma_start3A_294 = tpu.memref_slice %arg13[%dma_start3A_292, %dma_start3A_293] : memref<128x768xf32, #tpu.memory_space<vmem>> -> memref<1x768xf32, #tpu.memory_space<vmem>>
      %dma_start3A_295 = arith.constant 0 : i32
      %dma_start3A_296 = tpu.memref_slice %arg4[%get3A_291, %dma_start3A_295] : memref<8192x768xf32, #tpu.memory_space<hbm>> -> memref<1x768xf32, #tpu.memory_space<hbm>>
      tpu.enqueue_dma source(%dma_start3A_296 : memref<1x768xf32, #tpu.memory_space<hbm>>) target(%dma_start3A_294 : memref<1x768xf32, #tpu.memory_space<vmem>>) target_semaphore(%arg15 : memref<!tpu.dma_semaphore, #tpu.memory_space<semaphore_mem>>)
      %add3A_297 = arith.constant 32 : i32
      %add3A_298 = arith.addi %mul3A_10, %add3A_297 : i32
      %get3A_299 = arith.index_cast %add3A_298 : i32 to index
      %get3A_300 = memref.load %arg1[%get3A_299] : memref<11776xi32, #tpu.memory_space<smem>>
      %dma_start3A_301 = arith.constant 32 : i32
      %dma_start3A_302 = arith.constant 0 : i32
      %dma_start3A_303 = tpu.memref_slice %arg13[%dma_start3A_301, %dma_start3A_302] : memref<128x768xf32, #tpu.memory_space<vmem>> -> memref<1x768xf32, #tpu.memory_space<vmem>>
      %dma_start3A_304 = arith.constant 0 : i32
      %dma_start3A_305 = tpu.memref_slice %arg4[%get3A_300, %dma_start3A_304] : memref<8192x768xf32, #tpu.memory_space<hbm>> -> memref<1x768xf32, #tpu.memory_space<hbm>>
      tpu.enqueue_dma source(%dma_start3A_305 : memref<1x768xf32, #tpu.memory_space<hbm>>) target(%dma_start3A_303 : memref<1x768xf32, #tpu.memory_space<vmem>>) target_semaphore(%arg15 : memref<!tpu.dma_semaphore, #tpu.memory_space<semaphore_mem>>)
      %add3A_306 = arith.constant 33 : i32
      %add3A_307 = arith.addi %mul3A_10, %add3A_306 : i32
      %get3A_308 = arith.index_cast %add3A_307 : i32 to index
      %get3A_309 = memref.load %arg1[%get3A_308] : memref<11776xi32, #tpu.memory_space<smem>>
      %dma_start3A_310 = arith.constant 33 : i32
      %dma_start3A_311 = arith.constant 0 : i32
      %dma_start3A_312 = tpu.memref_slice %arg13[%dma_start3A_310, %dma_start3A_311] : memref<128x768xf32, #tpu.memory_space<vmem>> -> memref<1x768xf32, #tpu.memory_space<vmem>>
      %dma_start3A_313 = arith.constant 0 : i32
      %dma_start3A_314 = tpu.memref_slice %arg4[%get3A_309, %dma_start3A_313] : memref<8192x768xf32, #tpu.memory_space<hbm>> -> memref<1x768xf32, #tpu.memory_space<hbm>>
      tpu.enqueue_dma source(%dma_start3A_314 : memref<1x768xf32, #tpu.memory_space<hbm>>) target(%dma_start3A_312 : memref<1x768xf32, #tpu.memory_space<vmem>>) target_semaphore(%arg15 : memref<!tpu.dma_semaphore, #tpu.memory_space<semaphore_mem>>)
      %add3A_315 = arith.constant 34 : i32
      %add3A_316 = arith.addi %mul3A_10, %add3A_315 : i32
      %get3A_317 = arith.index_cast %add3A_316 : i32 to index
      %get3A_318 = memref.load %arg1[%get3A_317] : memref<11776xi32, #tpu.memory_space<smem>>
      %dma_start3A_319 = arith.constant 34 : i32
      %dma_start3A_320 = arith.constant 0 : i32
      %dma_start3A_321 = tpu.memref_slice %arg13[%dma_start3A_319, %dma_start3A_320] : memref<128x768xf32, #tpu.memory_space<vmem>> -> memref<1x768xf32, #tpu.memory_space<vmem>>
      %dma_start3A_322 = arith.constant 0 : i32
      %dma_start3A_323 = tpu.memref_slice %arg4[%get3A_318, %dma_start3A_322] : memref<8192x768xf32, #tpu.memory_space<hbm>> -> memref<1x768xf32, #tpu.memory_space<hbm>>
      tpu.enqueue_dma source(%dma_start3A_323 : memref<1x768xf32, #tpu.memory_space<hbm>>) target(%dma_start3A_321 : memref<1x768xf32, #tpu.memory_space<vmem>>) target_semaphore(%arg15 : memref<!tpu.dma_semaphore, #tpu.memory_space<semaphore_mem>>)
      %add3A_324 = arith.constant 35 : i32
      %add3A_325 = arith.addi %mul3A_10, %add3A_324 : i32
      %get3A_326 = arith.index_cast %add3A_325 : i32 to index
      %get3A_327 = memref.load %arg1[%get3A_326] : memref<11776xi32, #tpu.memory_space<smem>>
      %dma_start3A_328 = arith.constant 35 : i32
      %dma_start3A_329 = arith.constant 0 : i32
      %dma_start3A_330 = tpu.memref_slice %arg13[%dma_start3A_328, %dma_start3A_329] : memref<128x768xf32, #tpu.memory_space<vmem>> -> memref<1x768xf32, #tpu.memory_space<vmem>>
      %dma_start3A_331 = arith.constant 0 : i32
      %dma_start3A_332 = tpu.memref_slice %arg4[%get3A_327, %dma_start3A_331] : memref<8192x768xf32, #tpu.memory_space<hbm>> -> memref<1x768xf32, #tpu.memory_space<hbm>>
      tpu.enqueue_dma source(%dma_start3A_332 : memref<1x768xf32, #tpu.memory_space<hbm>>) target(%dma_start3A_330 : memref<1x768xf32, #tpu.memory_space<vmem>>) target_semaphore(%arg15 : memref<!tpu.dma_semaphore, #tpu.memory_space<semaphore_mem>>)
      %add3A_333 = arith.constant 36 : i32
      %add3A_334 = arith.addi %mul3A_10, %add3A_333 : i32
      %get3A_335 = arith.index_cast %add3A_334 : i32 to index
      %get3A_336 = memref.load %arg1[%get3A_335] : memref<11776xi32, #tpu.memory_space<smem>>
      %dma_start3A_337 = arith.constant 36 : i32
      %dma_start3A_338 = arith.constant 0 : i32
      %dma_start3A_339 = tpu.memref_slice %arg13[%dma_start3A_337, %dma_start3A_338] : memref<128x768xf32, #tpu.memory_space<vmem>> -> memref<1x768xf32, #tpu.memory_space<vmem>>
      %dma_start3A_340 = arith.constant 0 : i32
      %dma_start3A_341 = tpu.memref_slice %arg4[%get3A_336, %dma_start3A_340] : memref<8192x768xf32, #tpu.memory_space<hbm>> -> memref<1x768xf32, #tpu.memory_space<hbm>>
      tpu.enqueue_dma source(%dma_start3A_341 : memref<1x768xf32, #tpu.memory_space<hbm>>) target(%dma_start3A_339 : memref<1x768xf32, #tpu.memory_space<vmem>>) target_semaphore(%arg15 : memref<!tpu.dma_semaphore, #tpu.memory_space<semaphore_mem>>)
      %add3A_342 = arith.constant 37 : i32
      %add3A_343 = arith.addi %mul3A_10, %add3A_342 : i32
      %get3A_344 = arith.index_cast %add3A_343 : i32 to index
      %get3A_345 = memref.load %arg1[%get3A_344] : memref<11776xi32, #tpu.memory_space<smem>>
      %dma_start3A_346 = arith.constant 37 : i32
      %dma_start3A_347 = arith.constant 0 : i32
      %dma_start3A_348 = tpu.memref_slice %arg13[%dma_start3A_346, %dma_start3A_347] : memref<128x768xf32, #tpu.memory_space<vmem>> -> memref<1x768xf32, #tpu.memory_space<vmem>>
      %dma_start3A_349 = arith.constant 0 : i32
      %dma_start3A_350 = tpu.memref_slice %arg4[%get3A_345, %dma_start3A_349] : memref<8192x768xf32, #tpu.memory_space<hbm>> -> memref<1x768xf32, #tpu.memory_space<hbm>>
      tpu.enqueue_dma source(%dma_start3A_350 : memref<1x768xf32, #tpu.memory_space<hbm>>) target(%dma_start3A_348 : memref<1x768xf32, #tpu.memory_space<vmem>>) target_semaphore(%arg15 : memref<!tpu.dma_semaphore, #tpu.memory_space<semaphore_mem>>)
      %add3A_351 = arith.constant 38 : i32
      %add3A_352 = arith.addi %mul3A_10, %add3A_351 : i32
      %get3A_353 = arith.index_cast %add3A_352 : i32 to index
      %get3A_354 = memref.load %arg1[%get3A_353] : memref<11776xi32, #tpu.memory_space<smem>>
      %dma_start3A_355 = arith.constant 38 : i32
      %dma_start3A_356 = arith.constant 0 : i32
      %dma_start3A_357 = tpu.memref_slice %arg13[%dma_start3A_355, %dma_start3A_356] : memref<128x768xf32, #tpu.memory_space<vmem>> -> memref<1x768xf32, #tpu.memory_space<vmem>>
      %dma_start3A_358 = arith.constant 0 : i32
      %dma_start3A_359 = tpu.memref_slice %arg4[%get3A_354, %dma_start3A_358] : memref<8192x768xf32, #tpu.memory_space<hbm>> -> memref<1x768xf32, #tpu.memory_space<hbm>>
      tpu.enqueue_dma source(%dma_start3A_359 : memref<1x768xf32, #tpu.memory_space<hbm>>) target(%dma_start3A_357 : memref<1x768xf32, #tpu.memory_space<vmem>>) target_semaphore(%arg15 : memref<!tpu.dma_semaphore, #tpu.memory_space<semaphore_mem>>)
      %add3A_360 = arith.constant 39 : i32
      %add3A_361 = arith.addi %mul3A_10, %add3A_360 : i32
      %get3A_362 = arith.index_cast %add3A_361 : i32 to index
      %get3A_363 = memref.load %arg1[%get3A_362] : memref<11776xi32, #tpu.memory_space<smem>>
      %dma_start3A_364 = arith.constant 39 : i32
      %dma_start3A_365 = arith.constant 0 : i32
      %dma_start3A_366 = tpu.memref_slice %arg13[%dma_start3A_364, %dma_start3A_365] : memref<128x768xf32, #tpu.memory_space<vmem>> -> memref<1x768xf32, #tpu.memory_space<vmem>>
      %dma_start3A_367 = arith.constant 0 : i32
      %dma_start3A_368 = tpu.memref_slice %arg4[%get3A_363, %dma_start3A_367] : memref<8192x768xf32, #tpu.memory_space<hbm>> -> memref<1x768xf32, #tpu.memory_space<hbm>>
      tpu.enqueue_dma source(%dma_start3A_368 : memref<1x768xf32, #tpu.memory_space<hbm>>) target(%dma_start3A_366 : memref<1x768xf32, #tpu.memory_space<vmem>>) target_semaphore(%arg15 : memref<!tpu.dma_semaphore, #tpu.memory_space<semaphore_mem>>)
      %add3A_369 = arith.constant 40 : i32
      %add3A_370 = arith.addi %mul3A_10, %add3A_369 : i32
      %get3A_371 = arith.index_cast %add3A_370 : i32 to index
      %get3A_372 = memref.load %arg1[%get3A_371] : memref<11776xi32, #tpu.memory_space<smem>>
      %dma_start3A_373 = arith.constant 40 : i32
      %dma_start3A_374 = arith.constant 0 : i32
      %dma_start3A_375 = tpu.memref_slice %arg13[%dma_start3A_373, %dma_start3A_374] : memref<128x768xf32, #tpu.memory_space<vmem>> -> memref<1x768xf32, #tpu.memory_space<vmem>>
      %dma_start3A_376 = arith.constant 0 : i32
      %dma_start3A_377 = tpu.memref_slice %arg4[%get3A_372, %dma_start3A_376] : memref<8192x768xf32, #tpu.memory_space<hbm>> -> memref<1x768xf32, #tpu.memory_space<hbm>>
      tpu.enqueue_dma source(%dma_start3A_377 : memref<1x768xf32, #tpu.memory_space<hbm>>) target(%dma_start3A_375 : memref<1x768xf32, #tpu.memory_space<vmem>>) target_semaphore(%arg15 : memref<!tpu.dma_semaphore, #tpu.memory_space<semaphore_mem>>)
      %add3A_378 = arith.constant 41 : i32
      %add3A_379 = arith.addi %mul3A_10, %add3A_378 : i32
      %get3A_380 = arith.index_cast %add3A_379 : i32 to index
      %get3A_381 = memref.load %arg1[%get3A_380] : memref<11776xi32, #tpu.memory_space<smem>>
      %dma_start3A_382 = arith.constant 41 : i32
      %dma_start3A_383 = arith.constant 0 : i32
      %dma_start3A_384 = tpu.memref_slice %arg13[%dma_start3A_382, %dma_start3A_383] : memref<128x768xf32, #tpu.memory_space<vmem>> -> memref<1x768xf32, #tpu.memory_space<vmem>>
      %dma_start3A_385 = arith.constant 0 : i32
      %dma_start3A_386 = tpu.memref_slice %arg4[%get3A_381, %dma_start3A_385] : memref<8192x768xf32, #tpu.memory_space<hbm>> -> memref<1x768xf32, #tpu.memory_space<hbm>>
      tpu.enqueue_dma source(%dma_start3A_386 : memref<1x768xf32, #tpu.memory_space<hbm>>) target(%dma_start3A_384 : memref<1x768xf32, #tpu.memory_space<vmem>>) target_semaphore(%arg15 : memref<!tpu.dma_semaphore, #tpu.memory_space<semaphore_mem>>)
      %add3A_387 = arith.constant 42 : i32
      %add3A_388 = arith.addi %mul3A_10, %add3A_387 : i32
      %get3A_389 = arith.index_cast %add3A_388 : i32 to index
      %get3A_390 = memref.load %arg1[%get3A_389] : memref<11776xi32, #tpu.memory_space<smem>>
      %dma_start3A_391 = arith.constant 42 : i32
      %dma_start3A_392 = arith.constant 0 : i32
      %dma_start3A_393 = tpu.memref_slice %arg13[%dma_start3A_391, %dma_start3A_392] : memref<128x768xf32, #tpu.memory_space<vmem>> -> memref<1x768xf32, #tpu.memory_space<vmem>>
      %dma_start3A_394 = arith.constant 0 : i32
      %dma_start3A_395 = tpu.memref_slice %arg4[%get3A_390, %dma_start3A_394] : memref<8192x768xf32, #tpu.memory_space<hbm>> -> memref<1x768xf32, #tpu.memory_space<hbm>>
      tpu.enqueue_dma source(%dma_start3A_395 : memref<1x768xf32, #tpu.memory_space<hbm>>) target(%dma_start3A_393 : memref<1x768xf32, #tpu.memory_space<vmem>>) target_semaphore(%arg15 : memref<!tpu.dma_semaphore, #tpu.memory_space<semaphore_mem>>)
      %add3A_396 = arith.constant 43 : i32
      %add3A_397 = arith.addi %mul3A_10, %add3A_396 : i32
      %get3A_398 = arith.index_cast %add3A_397 : i32 to index
      %get3A_399 = memref.load %arg1[%get3A_398] : memref<11776xi32, #tpu.memory_space<smem>>
      %dma_start3A_400 = arith.constant 43 : i32
      %dma_start3A_401 = arith.constant 0 : i32
      %dma_start3A_402 = tpu.memref_slice %arg13[%dma_start3A_400, %dma_start3A_401] : memref<128x768xf32, #tpu.memory_space<vmem>> -> memref<1x768xf32, #tpu.memory_space<vmem>>
      %dma_start3A_403 = arith.constant 0 : i32
      %dma_start3A_404 = tpu.memref_slice %arg4[%get3A_399, %dma_start3A_403] : memref<8192x768xf32, #tpu.memory_space<hbm>> -> memref<1x768xf32, #tpu.memory_space<hbm>>
      tpu.enqueue_dma source(%dma_start3A_404 : memref<1x768xf32, #tpu.memory_space<hbm>>) target(%dma_start3A_402 : memref<1x768xf32, #tpu.memory_space<vmem>>) target_semaphore(%arg15 : memref<!tpu.dma_semaphore, #tpu.memory_space<semaphore_mem>>)
      %add3A_405 = arith.constant 44 : i32
      %add3A_406 = arith.addi %mul3A_10, %add3A_405 : i32
      %get3A_407 = arith.index_cast %add3A_406 : i32 to index
      %get3A_408 = memref.load %arg1[%get3A_407] : memref<11776xi32, #tpu.memory_space<smem>>
      %dma_start3A_409 = arith.constant 44 : i32
      %dma_start3A_410 = arith.constant 0 : i32
      %dma_start3A_411 = tpu.memref_slice %arg13[%dma_start3A_409, %dma_start3A_410] : memref<128x768xf32, #tpu.memory_space<vmem>> -> memref<1x768xf32, #tpu.memory_space<vmem>>
      %dma_start3A_412 = arith.constant 0 : i32
      %dma_start3A_413 = tpu.memref_slice %arg4[%get3A_408, %dma_start3A_412] : memref<8192x768xf32, #tpu.memory_space<hbm>> -> memref<1x768xf32, #tpu.memory_space<hbm>>
      tpu.enqueue_dma source(%dma_start3A_413 : memref<1x768xf32, #tpu.memory_space<hbm>>) target(%dma_start3A_411 : memref<1x768xf32, #tpu.memory_space<vmem>>) target_semaphore(%arg15 : memref<!tpu.dma_semaphore, #tpu.memory_space<semaphore_mem>>)
      %add3A_414 = arith.constant 45 : i32
      %add3A_415 = arith.addi %mul3A_10, %add3A_414 : i32
      %get3A_416 = arith.index_cast %add3A_415 : i32 to index
      %get3A_417 = memref.load %arg1[%get3A_416] : memref<11776xi32, #tpu.memory_space<smem>>
      %dma_start3A_418 = arith.constant 45 : i32
      %dma_start3A_419 = arith.constant 0 : i32
      %dma_start3A_420 = tpu.memref_slice %arg13[%dma_start3A_418, %dma_start3A_419] : memref<128x768xf32, #tpu.memory_space<vmem>> -> memref<1x768xf32, #tpu.memory_space<vmem>>
      %dma_start3A_421 = arith.constant 0 : i32
      %dma_start3A_422 = tpu.memref_slice %arg4[%get3A_417, %dma_start3A_421] : memref<8192x768xf32, #tpu.memory_space<hbm>> -> memref<1x768xf32, #tpu.memory_space<hbm>>
      tpu.enqueue_dma source(%dma_start3A_422 : memref<1x768xf32, #tpu.memory_space<hbm>>) target(%dma_start3A_420 : memref<1x768xf32, #tpu.memory_space<vmem>>) target_semaphore(%arg15 : memref<!tpu.dma_semaphore, #tpu.memory_space<semaphore_mem>>)
      %add3A_423 = arith.constant 46 : i32
      %add3A_424 = arith.addi %mul3A_10, %add3A_423 : i32
      %get3A_425 = arith.index_cast %add3A_424 : i32 to index
      %get3A_426 = memref.load %arg1[%get3A_425] : memref<11776xi32, #tpu.memory_space<smem>>
      %dma_start3A_427 = arith.constant 46 : i32
      %dma_start3A_428 = arith.constant 0 : i32
      %dma_start3A_429 = tpu.memref_slice %arg13[%dma_start3A_427, %dma_start3A_428] : memref<128x768xf32, #tpu.memory_space<vmem>> -> memref<1x768xf32, #tpu.memory_space<vmem>>
      %dma_start3A_430 = arith.constant 0 : i32
      %dma_start3A_431 = tpu.memref_slice %arg4[%get3A_426, %dma_start3A_430] : memref<8192x768xf32, #tpu.memory_space<hbm>> -> memref<1x768xf32, #tpu.memory_space<hbm>>
      tpu.enqueue_dma source(%dma_start3A_431 : memref<1x768xf32, #tpu.memory_space<hbm>>) target(%dma_start3A_429 : memref<1x768xf32, #tpu.memory_space<vmem>>) target_semaphore(%arg15 : memref<!tpu.dma_semaphore, #tpu.memory_space<semaphore_mem>>)
      %add3A_432 = arith.constant 47 : i32
      %add3A_433 = arith.addi %mul3A_10, %add3A_432 : i32
      %get3A_434 = arith.index_cast %add3A_433 : i32 to index
      %get3A_435 = memref.load %arg1[%get3A_434] : memref<11776xi32, #tpu.memory_space<smem>>
      %dma_start3A_436 = arith.constant 47 : i32
      %dma_start3A_437 = arith.constant 0 : i32
      %dma_start3A_438 = tpu.memref_slice %arg13[%dma_start3A_436, %dma_start3A_437] : memref<128x768xf32, #tpu.memory_space<vmem>> -> memref<1x768xf32, #tpu.memory_space<vmem>>
      %dma_start3A_439 = arith.constant 0 : i32
      %dma_start3A_440 = tpu.memref_slice %arg4[%get3A_435, %dma_start3A_439] : memref<8192x768xf32, #tpu.memory_space<hbm>> -> memref<1x768xf32, #tpu.memory_space<hbm>>
      tpu.enqueue_dma source(%dma_start3A_440 : memref<1x768xf32, #tpu.memory_space<hbm>>) target(%dma_start3A_438 : memref<1x768xf32, #tpu.memory_space<vmem>>) target_semaphore(%arg15 : memref<!tpu.dma_semaphore, #tpu.memory_space<semaphore_mem>>)
      %add3A_441 = arith.constant 48 : i32
      %add3A_442 = arith.addi %mul3A_10, %add3A_441 : i32
      %get3A_443 = arith.index_cast %add3A_442 : i32 to index
      %get3A_444 = memref.load %arg1[%get3A_443] : memref<11776xi32, #tpu.memory_space<smem>>
      %dma_start3A_445 = arith.constant 48 : i32
      %dma_start3A_446 = arith.constant 0 : i32
      %dma_start3A_447 = tpu.memref_slice %arg13[%dma_start3A_445, %dma_start3A_446] : memref<128x768xf32, #tpu.memory_space<vmem>> -> memref<1x768xf32, #tpu.memory_space<vmem>>
      %dma_start3A_448 = arith.constant 0 : i32
      %dma_start3A_449 = tpu.memref_slice %arg4[%get3A_444, %dma_start3A_448] : memref<8192x768xf32, #tpu.memory_space<hbm>> -> memref<1x768xf32, #tpu.memory_space<hbm>>
      tpu.enqueue_dma source(%dma_start3A_449 : memref<1x768xf32, #tpu.memory_space<hbm>>) target(%dma_start3A_447 : memref<1x768xf32, #tpu.memory_space<vmem>>) target_semaphore(%arg15 : memref<!tpu.dma_semaphore, #tpu.memory_space<semaphore_mem>>)
      %add3A_450 = arith.constant 49 : i32
      %add3A_451 = arith.addi %mul3A_10, %add3A_450 : i32
      %get3A_452 = arith.index_cast %add3A_451 : i32 to index
      %get3A_453 = memref.load %arg1[%get3A_452] : memref<11776xi32, #tpu.memory_space<smem>>
      %dma_start3A_454 = arith.constant 49 : i32
      %dma_start3A_455 = arith.constant 0 : i32
      %dma_start3A_456 = tpu.memref_slice %arg13[%dma_start3A_454, %dma_start3A_455] : memref<128x768xf32, #tpu.memory_space<vmem>> -> memref<1x768xf32, #tpu.memory_space<vmem>>
      %dma_start3A_457 = arith.constant 0 : i32
      %dma_start3A_458 = tpu.memref_slice %arg4[%get3A_453, %dma_start3A_457] : memref<8192x768xf32, #tpu.memory_space<hbm>> -> memref<1x768xf32, #tpu.memory_space<hbm>>
      tpu.enqueue_dma source(%dma_start3A_458 : memref<1x768xf32, #tpu.memory_space<hbm>>) target(%dma_start3A_456 : memref<1x768xf32, #tpu.memory_space<vmem>>) target_semaphore(%arg15 : memref<!tpu.dma_semaphore, #tpu.memory_space<semaphore_mem>>)
      %add3A_459 = arith.constant 50 : i32
      %add3A_460 = arith.addi %mul3A_10, %add3A_459 : i32
      %get3A_461 = arith.index_cast %add3A_460 : i32 to index
      %get3A_462 = memref.load %arg1[%get3A_461] : memref<11776xi32, #tpu.memory_space<smem>>
      %dma_start3A_463 = arith.constant 50 : i32
      %dma_start3A_464 = arith.constant 0 : i32
      %dma_start3A_465 = tpu.memref_slice %arg13[%dma_start3A_463, %dma_start3A_464] : memref<128x768xf32, #tpu.memory_space<vmem>> -> memref<1x768xf32, #tpu.memory_space<vmem>>
      %dma_start3A_466 = arith.constant 0 : i32
      %dma_start3A_467 = tpu.memref_slice %arg4[%get3A_462, %dma_start3A_466] : memref<8192x768xf32, #tpu.memory_space<hbm>> -> memref<1x768xf32, #tpu.memory_space<hbm>>
      tpu.enqueue_dma source(%dma_start3A_467 : memref<1x768xf32, #tpu.memory_space<hbm>>) target(%dma_start3A_465 : memref<1x768xf32, #tpu.memory_space<vmem>>) target_semaphore(%arg15 : memref<!tpu.dma_semaphore, #tpu.memory_space<semaphore_mem>>)
      %add3A_468 = arith.constant 51 : i32
      %add3A_469 = arith.addi %mul3A_10, %add3A_468 : i32
      %get3A_470 = arith.index_cast %add3A_469 : i32 to index
      %get3A_471 = memref.load %arg1[%get3A_470] : memref<11776xi32, #tpu.memory_space<smem>>
      %dma_start3A_472 = arith.constant 51 : i32
      %dma_start3A_473 = arith.constant 0 : i32
      %dma_start3A_474 = tpu.memref_slice %arg13[%dma_start3A_472, %dma_start3A_473] : memref<128x768xf32, #tpu.memory_space<vmem>> -> memref<1x768xf32, #tpu.memory_space<vmem>>
      %dma_start3A_475 = arith.constant 0 : i32
      %dma_start3A_476 = tpu.memref_slice %arg4[%get3A_471, %dma_start3A_475] : memref<8192x768xf32, #tpu.memory_space<hbm>> -> memref<1x768xf32, #tpu.memory_space<hbm>>
      tpu.enqueue_dma source(%dma_start3A_476 : memref<1x768xf32, #tpu.memory_space<hbm>>) target(%dma_start3A_474 : memref<1x768xf32, #tpu.memory_space<vmem>>) target_semaphore(%arg15 : memref<!tpu.dma_semaphore, #tpu.memory_space<semaphore_mem>>)
      %add3A_477 = arith.constant 52 : i32
      %add3A_478 = arith.addi %mul3A_10, %add3A_477 : i32
      %get3A_479 = arith.index_cast %add3A_478 : i32 to index
      %get3A_480 = memref.load %arg1[%get3A_479] : memref<11776xi32, #tpu.memory_space<smem>>
      %dma_start3A_481 = arith.constant 52 : i32
      %dma_start3A_482 = arith.constant 0 : i32
      %dma_start3A_483 = tpu.memref_slice %arg13[%dma_start3A_481, %dma_start3A_482] : memref<128x768xf32, #tpu.memory_space<vmem>> -> memref<1x768xf32, #tpu.memory_space<vmem>>
      %dma_start3A_484 = arith.constant 0 : i32
      %dma_start3A_485 = tpu.memref_slice %arg4[%get3A_480, %dma_start3A_484] : memref<8192x768xf32, #tpu.memory_space<hbm>> -> memref<1x768xf32, #tpu.memory_space<hbm>>
      tpu.enqueue_dma source(%dma_start3A_485 : memref<1x768xf32, #tpu.memory_space<hbm>>) target(%dma_start3A_483 : memref<1x768xf32, #tpu.memory_space<vmem>>) target_semaphore(%arg15 : memref<!tpu.dma_semaphore, #tpu.memory_space<semaphore_mem>>)
      %add3A_486 = arith.constant 53 : i32
      %add3A_487 = arith.addi %mul3A_10, %add3A_486 : i32
      %get3A_488 = arith.index_cast %add3A_487 : i32 to index
      %get3A_489 = memref.load %arg1[%get3A_488] : memref<11776xi32, #tpu.memory_space<smem>>
      %dma_start3A_490 = arith.constant 53 : i32
      %dma_start3A_491 = arith.constant 0 : i32
      %dma_start3A_492 = tpu.memref_slice %arg13[%dma_start3A_490, %dma_start3A_491] : memref<128x768xf32, #tpu.memory_space<vmem>> -> memref<1x768xf32, #tpu.memory_space<vmem>>
      %dma_start3A_493 = arith.constant 0 : i32
      %dma_start3A_494 = tpu.memref_slice %arg4[%get3A_489, %dma_start3A_493] : memref<8192x768xf32, #tpu.memory_space<hbm>> -> memref<1x768xf32, #tpu.memory_space<hbm>>
      tpu.enqueue_dma source(%dma_start3A_494 : memref<1x768xf32, #tpu.memory_space<hbm>>) target(%dma_start3A_492 : memref<1x768xf32, #tpu.memory_space<vmem>>) target_semaphore(%arg15 : memref<!tpu.dma_semaphore, #tpu.memory_space<semaphore_mem>>)
      %add3A_495 = arith.constant 54 : i32
      %add3A_496 = arith.addi %mul3A_10, %add3A_495 : i32
      %get3A_497 = arith.index_cast %add3A_496 : i32 to index
      %get3A_498 = memref.load %arg1[%get3A_497] : memref<11776xi32, #tpu.memory_space<smem>>
      %dma_start3A_499 = arith.constant 54 : i32
      %dma_start3A_500 = arith.constant 0 : i32
      %dma_start3A_501 = tpu.memref_slice %arg13[%dma_start3A_499, %dma_start3A_500] : memref<128x768xf32, #tpu.memory_space<vmem>> -> memref<1x768xf32, #tpu.memory_space<vmem>>
      %dma_start3A_502 = arith.constant 0 : i32
      %dma_start3A_503 = tpu.memref_slice %arg4[%get3A_498, %dma_start3A_502] : memref<8192x768xf32, #tpu.memory_space<hbm>> -> memref<1x768xf32, #tpu.memory_space<hbm>>
      tpu.enqueue_dma source(%dma_start3A_503 : memref<1x768xf32, #tpu.memory_space<hbm>>) target(%dma_start3A_501 : memref<1x768xf32, #tpu.memory_space<vmem>>) target_semaphore(%arg15 : memref<!tpu.dma_semaphore, #tpu.memory_space<semaphore_mem>>)
      %add3A_504 = arith.constant 55 : i32
      %add3A_505 = arith.addi %mul3A_10, %add3A_504 : i32
      %get3A_506 = arith.index_cast %add3A_505 : i32 to index
      %get3A_507 = memref.load %arg1[%get3A_506] : memref<11776xi32, #tpu.memory_space<smem>>
      %dma_start3A_508 = arith.constant 55 : i32
      %dma_start3A_509 = arith.constant 0 : i32
      %dma_start3A_510 = tpu.memref_slice %arg13[%dma_start3A_508, %dma_start3A_509] : memref<128x768xf32, #tpu.memory_space<vmem>> -> memref<1x768xf32, #tpu.memory_space<vmem>>
      %dma_start3A_511 = arith.constant 0 : i32
      %dma_start3A_512 = tpu.memref_slice %arg4[%get3A_507, %dma_start3A_511] : memref<8192x768xf32, #tpu.memory_space<hbm>> -> memref<1x768xf32, #tpu.memory_space<hbm>>
      tpu.enqueue_dma source(%dma_start3A_512 : memref<1x768xf32, #tpu.memory_space<hbm>>) target(%dma_start3A_510 : memref<1x768xf32, #tpu.memory_space<vmem>>) target_semaphore(%arg15 : memref<!tpu.dma_semaphore, #tpu.memory_space<semaphore_mem>>)
      %add3A_513 = arith.constant 56 : i32
      %add3A_514 = arith.addi %mul3A_10, %add3A_513 : i32
      %get3A_515 = arith.index_cast %add3A_514 : i32 to index
      %get3A_516 = memref.load %arg1[%get3A_515] : memref<11776xi32, #tpu.memory_space<smem>>
      %dma_start3A_517 = arith.constant 56 : i32
      %dma_start3A_518 = arith.constant 0 : i32
      %dma_start3A_519 = tpu.memref_slice %arg13[%dma_start3A_517, %dma_start3A_518] : memref<128x768xf32, #tpu.memory_space<vmem>> -> memref<1x768xf32, #tpu.memory_space<vmem>>
      %dma_start3A_520 = arith.constant 0 : i32
      %dma_start3A_521 = tpu.memref_slice %arg4[%get3A_516, %dma_start3A_520] : memref<8192x768xf32, #tpu.memory_space<hbm>> -> memref<1x768xf32, #tpu.memory_space<hbm>>
      tpu.enqueue_dma source(%dma_start3A_521 : memref<1x768xf32, #tpu.memory_space<hbm>>) target(%dma_start3A_519 : memref<1x768xf32, #tpu.memory_space<vmem>>) target_semaphore(%arg15 : memref<!tpu.dma_semaphore, #tpu.memory_space<semaphore_mem>>)
      %add3A_522 = arith.constant 57 : i32
      %add3A_523 = arith.addi %mul3A_10, %add3A_522 : i32
      %get3A_524 = arith.index_cast %add3A_523 : i32 to index
      %get3A_525 = memref.load %arg1[%get3A_524] : memref<11776xi32, #tpu.memory_space<smem>>
      %dma_start3A_526 = arith.constant 57 : i32
      %dma_start3A_527 = arith.constant 0 : i32
      %dma_start3A_528 = tpu.memref_slice %arg13[%dma_start3A_526, %dma_start3A_527] : memref<128x768xf32, #tpu.memory_space<vmem>> -> memref<1x768xf32, #tpu.memory_space<vmem>>
      %dma_start3A_529 = arith.constant 0 : i32
      %dma_start3A_530 = tpu.memref_slice %arg4[%get3A_525, %dma_start3A_529] : memref<8192x768xf32, #tpu.memory_space<hbm>> -> memref<1x768xf32, #tpu.memory_space<hbm>>
      tpu.enqueue_dma source(%dma_start3A_530 : memref<1x768xf32, #tpu.memory_space<hbm>>) target(%dma_start3A_528 : memref<1x768xf32, #tpu.memory_space<vmem>>) target_semaphore(%arg15 : memref<!tpu.dma_semaphore, #tpu.memory_space<semaphore_mem>>)
      %add3A_531 = arith.constant 58 : i32
      %add3A_532 = arith.addi %mul3A_10, %add3A_531 : i32
      %get3A_533 = arith.index_cast %add3A_532 : i32 to index
      %get3A_534 = memref.load %arg1[%get3A_533] : memref<11776xi32, #tpu.memory_space<smem>>
      %dma_start3A_535 = arith.constant 58 : i32
      %dma_start3A_536 = arith.constant 0 : i32
      %dma_start3A_537 = tpu.memref_slice %arg13[%dma_start3A_535, %dma_start3A_536] : memref<128x768xf32, #tpu.memory_space<vmem>> -> memref<1x768xf32, #tpu.memory_space<vmem>>
      %dma_start3A_538 = arith.constant 0 : i32
      %dma_start3A_539 = tpu.memref_slice %arg4[%get3A_534, %dma_start3A_538] : memref<8192x768xf32, #tpu.memory_space<hbm>> -> memref<1x768xf32, #tpu.memory_space<hbm>>
      tpu.enqueue_dma source(%dma_start3A_539 : memref<1x768xf32, #tpu.memory_space<hbm>>) target(%dma_start3A_537 : memref<1x768xf32, #tpu.memory_space<vmem>>) target_semaphore(%arg15 : memref<!tpu.dma_semaphore, #tpu.memory_space<semaphore_mem>>)
      %add3A_540 = arith.constant 59 : i32
      %add3A_541 = arith.addi %mul3A_10, %add3A_540 : i32
      %get3A_542 = arith.index_cast %add3A_541 : i32 to index
      %get3A_543 = memref.load %arg1[%get3A_542] : memref<11776xi32, #tpu.memory_space<smem>>
      %dma_start3A_544 = arith.constant 59 : i32
      %dma_start3A_545 = arith.constant 0 : i32
      %dma_start3A_546 = tpu.memref_slice %arg13[%dma_start3A_544, %dma_start3A_545] : memref<128x768xf32, #tpu.memory_space<vmem>> -> memref<1x768xf32, #tpu.memory_space<vmem>>
      %dma_start3A_547 = arith.constant 0 : i32
      %dma_start3A_548 = tpu.memref_slice %arg4[%get3A_543, %dma_start3A_547] : memref<8192x768xf32, #tpu.memory_space<hbm>> -> memref<1x768xf32, #tpu.memory_space<hbm>>
      tpu.enqueue_dma source(%dma_start3A_548 : memref<1x768xf32, #tpu.memory_space<hbm>>) target(%dma_start3A_546 : memref<1x768xf32, #tpu.memory_space<vmem>>) target_semaphore(%arg15 : memref<!tpu.dma_semaphore, #tpu.memory_space<semaphore_mem>>)
      %add3A_549 = arith.constant 60 : i32
      %add3A_550 = arith.addi %mul3A_10, %add3A_549 : i32
      %get3A_551 = arith.index_cast %add3A_550 : i32 to index
      %get3A_552 = memref.load %arg1[%get3A_551] : memref<11776xi32, #tpu.memory_space<smem>>
      %dma_start3A_553 = arith.constant 60 : i32
      %dma_start3A_554 = arith.constant 0 : i32
      %dma_start3A_555 = tpu.memref_slice %arg13[%dma_start3A_553, %dma_start3A_554] : memref<128x768xf32, #tpu.memory_space<vmem>> -> memref<1x768xf32, #tpu.memory_space<vmem>>
      %dma_start3A_556 = arith.constant 0 : i32
      %dma_start3A_557 = tpu.memref_slice %arg4[%get3A_552, %dma_start3A_556] : memref<8192x768xf32, #tpu.memory_space<hbm>> -> memref<1x768xf32, #tpu.memory_space<hbm>>
      tpu.enqueue_dma source(%dma_start3A_557 : memref<1x768xf32, #tpu.memory_space<hbm>>) target(%dma_start3A_555 : memref<1x768xf32, #tpu.memory_space<vmem>>) target_semaphore(%arg15 : memref<!tpu.dma_semaphore, #tpu.memory_space<semaphore_mem>>)
      %add3A_558 = arith.constant 61 : i32
      %add3A_559 = arith.addi %mul3A_10, %add3A_558 : i32
      %get3A_560 = arith.index_cast %add3A_559 : i32 to index
      %get3A_561 = memref.load %arg1[%get3A_560] : memref<11776xi32, #tpu.memory_space<smem>>
      %dma_start3A_562 = arith.constant 61 : i32
      %dma_start3A_563 = arith.constant 0 : i32
      %dma_start3A_564 = tpu.memref_slice %arg13[%dma_start3A_562, %dma_start3A_563] : memref<128x768xf32, #tpu.memory_space<vmem>> -> memref<1x768xf32, #tpu.memory_space<vmem>>
      %dma_start3A_565 = arith.constant 0 : i32
      %dma_start3A_566 = tpu.memref_slice %arg4[%get3A_561, %dma_start3A_565] : memref<8192x768xf32, #tpu.memory_space<hbm>> -> memref<1x768xf32, #tpu.memory_space<hbm>>
      tpu.enqueue_dma source(%dma_start3A_566 : memref<1x768xf32, #tpu.memory_space<hbm>>) target(%dma_start3A_564 : memref<1x768xf32, #tpu.memory_space<vmem>>) target_semaphore(%arg15 : memref<!tpu.dma_semaphore, #tpu.memory_space<semaphore_mem>>)
      %add3A_567 = arith.constant 62 : i32
      %add3A_568 = arith.addi %mul3A_10, %add3A_567 : i32
      %get3A_569 = arith.index_cast %add3A_568 : i32 to index
      %get3A_570 = memref.load %arg1[%get3A_569] : memref<11776xi32, #tpu.memory_space<smem>>
      %dma_start3A_571 = arith.constant 62 : i32
      %dma_start3A_572 = arith.constant 0 : i32
      %dma_start3A_573 = tpu.memref_slice %arg13[%dma_start3A_571, %dma_start3A_572] : memref<128x768xf32, #tpu.memory_space<vmem>> -> memref<1x768xf32, #tpu.memory_space<vmem>>
      %dma_start3A_574 = arith.constant 0 : i32
      %dma_start3A_575 = tpu.memref_slice %arg4[%get3A_570, %dma_start3A_574] : memref<8192x768xf32, #tpu.memory_space<hbm>> -> memref<1x768xf32, #tpu.memory_space<hbm>>
      tpu.enqueue_dma source(%dma_start3A_575 : memref<1x768xf32, #tpu.memory_space<hbm>>) target(%dma_start3A_573 : memref<1x768xf32, #tpu.memory_space<vmem>>) target_semaphore(%arg15 : memref<!tpu.dma_semaphore, #tpu.memory_space<semaphore_mem>>)
      %add3A_576 = arith.constant 63 : i32
      %add3A_577 = arith.addi %mul3A_10, %add3A_576 : i32
      %get3A_578 = arith.index_cast %add3A_577 : i32 to index
      %get3A_579 = memref.load %arg1[%get3A_578] : memref<11776xi32, #tpu.memory_space<smem>>
      %dma_start3A_580 = arith.constant 63 : i32
      %dma_start3A_581 = arith.constant 0 : i32
      %dma_start3A_582 = tpu.memref_slice %arg13[%dma_start3A_580, %dma_start3A_581] : memref<128x768xf32, #tpu.memory_space<vmem>> -> memref<1x768xf32, #tpu.memory_space<vmem>>
      %dma_start3A_583 = arith.constant 0 : i32
      %dma_start3A_584 = tpu.memref_slice %arg4[%get3A_579, %dma_start3A_583] : memref<8192x768xf32, #tpu.memory_space<hbm>> -> memref<1x768xf32, #tpu.memory_space<hbm>>
      tpu.enqueue_dma source(%dma_start3A_584 : memref<1x768xf32, #tpu.memory_space<hbm>>) target(%dma_start3A_582 : memref<1x768xf32, #tpu.memory_space<vmem>>) target_semaphore(%arg15 : memref<!tpu.dma_semaphore, #tpu.memory_space<semaphore_mem>>)
      %add3A_585 = arith.constant 64 : i32
      %add3A_586 = arith.addi %mul3A_10, %add3A_585 : i32
      %get3A_587 = arith.index_cast %add3A_586 : i32 to index
      %get3A_588 = memref.load %arg1[%get3A_587] : memref<11776xi32, #tpu.memory_space<smem>>
      %dma_start3A_589 = arith.constant 64 : i32
      %dma_start3A_590 = arith.constant 0 : i32
      %dma_start3A_591 = tpu.memref_slice %arg13[%dma_start3A_589, %dma_start3A_590] : memref<128x768xf32, #tpu.memory_space<vmem>> -> memref<1x768xf32, #tpu.memory_space<vmem>>
      %dma_start3A_592 = arith.constant 0 : i32
      %dma_start3A_593 = tpu.memref_slice %arg4[%get3A_588, %dma_start3A_592] : memref<8192x768xf32, #tpu.memory_space<hbm>> -> memref<1x768xf32, #tpu.memory_space<hbm>>
      tpu.enqueue_dma source(%dma_start3A_593 : memref<1x768xf32, #tpu.memory_space<hbm>>) target(%dma_start3A_591 : memref<1x768xf32, #tpu.memory_space<vmem>>) target_semaphore(%arg15 : memref<!tpu.dma_semaphore, #tpu.memory_space<semaphore_mem>>)
      %add3A_594 = arith.constant 65 : i32
      %add3A_595 = arith.addi %mul3A_10, %add3A_594 : i32
      %get3A_596 = arith.index_cast %add3A_595 : i32 to index
      %get3A_597 = memref.load %arg1[%get3A_596] : memref<11776xi32, #tpu.memory_space<smem>>
      %dma_start3A_598 = arith.constant 65 : i32
      %dma_start3A_599 = arith.constant 0 : i32
      %dma_start3A_600 = tpu.memref_slice %arg13[%dma_start3A_598, %dma_start3A_599] : memref<128x768xf32, #tpu.memory_space<vmem>> -> memref<1x768xf32, #tpu.memory_space<vmem>>
      %dma_start3A_601 = arith.constant 0 : i32
      %dma_start3A_602 = tpu.memref_slice %arg4[%get3A_597, %dma_start3A_601] : memref<8192x768xf32, #tpu.memory_space<hbm>> -> memref<1x768xf32, #tpu.memory_space<hbm>>
      tpu.enqueue_dma source(%dma_start3A_602 : memref<1x768xf32, #tpu.memory_space<hbm>>) target(%dma_start3A_600 : memref<1x768xf32, #tpu.memory_space<vmem>>) target_semaphore(%arg15 : memref<!tpu.dma_semaphore, #tpu.memory_space<semaphore_mem>>)
      %add3A_603 = arith.constant 66 : i32
      %add3A_604 = arith.addi %mul3A_10, %add3A_603 : i32
      %get3A_605 = arith.index_cast %add3A_604 : i32 to index
      %get3A_606 = memref.load %arg1[%get3A_605] : memref<11776xi32, #tpu.memory_space<smem>>
      %dma_start3A_607 = arith.constant 66 : i32
      %dma_start3A_608 = arith.constant 0 : i32
      %dma_start3A_609 = tpu.memref_slice %arg13[%dma_start3A_607, %dma_start3A_608] : memref<128x768xf32, #tpu.memory_space<vmem>> -> memref<1x768xf32, #tpu.memory_space<vmem>>
      %dma_start3A_610 = arith.constant 0 : i32
      %dma_start3A_611 = tpu.memref_slice %arg4[%get3A_606, %dma_start3A_610] : memref<8192x768xf32, #tpu.memory_space<hbm>> -> memref<1x768xf32, #tpu.memory_space<hbm>>
      tpu.enqueue_dma source(%dma_start3A_611 : memref<1x768xf32, #tpu.memory_space<hbm>>) target(%dma_start3A_609 : memref<1x768xf32, #tpu.memory_space<vmem>>) target_semaphore(%arg15 : memref<!tpu.dma_semaphore, #tpu.memory_space<semaphore_mem>>)
      %add3A_612 = arith.constant 67 : i32
      %add3A_613 = arith.addi %mul3A_10, %add3A_612 : i32
      %get3A_614 = arith.index_cast %add3A_613 : i32 to index
      %get3A_615 = memref.load %arg1[%get3A_614] : memref<11776xi32, #tpu.memory_space<smem>>
      %dma_start3A_616 = arith.constant 67 : i32
      %dma_start3A_617 = arith.constant 0 : i32
      %dma_start3A_618 = tpu.memref_slice %arg13[%dma_start3A_616, %dma_start3A_617] : memref<128x768xf32, #tpu.memory_space<vmem>> -> memref<1x768xf32, #tpu.memory_space<vmem>>
      %dma_start3A_619 = arith.constant 0 : i32
      %dma_start3A_620 = tpu.memref_slice %arg4[%get3A_615, %dma_start3A_619] : memref<8192x768xf32, #tpu.memory_space<hbm>> -> memref<1x768xf32, #tpu.memory_space<hbm>>
      tpu.enqueue_dma source(%dma_start3A_620 : memref<1x768xf32, #tpu.memory_space<hbm>>) target(%dma_start3A_618 : memref<1x768xf32, #tpu.memory_space<vmem>>) target_semaphore(%arg15 : memref<!tpu.dma_semaphore, #tpu.memory_space<semaphore_mem>>)
      %add3A_621 = arith.constant 68 : i32
      %add3A_622 = arith.addi %mul3A_10, %add3A_621 : i32
      %get3A_623 = arith.index_cast %add3A_622 : i32 to index
      %get3A_624 = memref.load %arg1[%get3A_623] : memref<11776xi32, #tpu.memory_space<smem>>
      %dma_start3A_625 = arith.constant 68 : i32
      %dma_start3A_626 = arith.constant 0 : i32
      %dma_start3A_627 = tpu.memref_slice %arg13[%dma_start3A_625, %dma_start3A_626] : memref<128x768xf32, #tpu.memory_space<vmem>> -> memref<1x768xf32, #tpu.memory_space<vmem>>
      %dma_start3A_628 = arith.constant 0 : i32
      %dma_start3A_629 = tpu.memref_slice %arg4[%get3A_624, %dma_start3A_628] : memref<8192x768xf32, #tpu.memory_space<hbm>> -> memref<1x768xf32, #tpu.memory_space<hbm>>
      tpu.enqueue_dma source(%dma_start3A_629 : memref<1x768xf32, #tpu.memory_space<hbm>>) target(%dma_start3A_627 : memref<1x768xf32, #tpu.memory_space<vmem>>) target_semaphore(%arg15 : memref<!tpu.dma_semaphore, #tpu.memory_space<semaphore_mem>>)
      %add3A_630 = arith.constant 69 : i32
      %add3A_631 = arith.addi %mul3A_10, %add3A_630 : i32
      %get3A_632 = arith.index_cast %add3A_631 : i32 to index
      %get3A_633 = memref.load %arg1[%get3A_632] : memref<11776xi32, #tpu.memory_space<smem>>
      %dma_start3A_634 = arith.constant 69 : i32
      %dma_start3A_635 = arith.constant 0 : i32
      %dma_start3A_636 = tpu.memref_slice %arg13[%dma_start3A_634, %dma_start3A_635] : memref<128x768xf32, #tpu.memory_space<vmem>> -> memref<1x768xf32, #tpu.memory_space<vmem>>
      %dma_start3A_637 = arith.constant 0 : i32
      %dma_start3A_638 = tpu.memref_slice %arg4[%get3A_633, %dma_start3A_637] : memref<8192x768xf32, #tpu.memory_space<hbm>> -> memref<1x768xf32, #tpu.memory_space<hbm>>
      tpu.enqueue_dma source(%dma_start3A_638 : memref<1x768xf32, #tpu.memory_space<hbm>>) target(%dma_start3A_636 : memref<1x768xf32, #tpu.memory_space<vmem>>) target_semaphore(%arg15 : memref<!tpu.dma_semaphore, #tpu.memory_space<semaphore_mem>>)
      %add3A_639 = arith.constant 70 : i32
      %add3A_640 = arith.addi %mul3A_10, %add3A_639 : i32
      %get3A_641 = arith.index_cast %add3A_640 : i32 to index
      %get3A_642 = memref.load %arg1[%get3A_641] : memref<11776xi32, #tpu.memory_space<smem>>
      %dma_start3A_643 = arith.constant 70 : i32
      %dma_start3A_644 = arith.constant 0 : i32
      %dma_start3A_645 = tpu.memref_slice %arg13[%dma_start3A_643, %dma_start3A_644] : memref<128x768xf32, #tpu.memory_space<vmem>> -> memref<1x768xf32, #tpu.memory_space<vmem>>
      %dma_start3A_646 = arith.constant 0 : i32
      %dma_start3A_647 = tpu.memref_slice %arg4[%get3A_642, %dma_start3A_646] : memref<8192x768xf32, #tpu.memory_space<hbm>> -> memref<1x768xf32, #tpu.memory_space<hbm>>
      tpu.enqueue_dma source(%dma_start3A_647 : memref<1x768xf32, #tpu.memory_space<hbm>>) target(%dma_start3A_645 : memref<1x768xf32, #tpu.memory_space<vmem>>) target_semaphore(%arg15 : memref<!tpu.dma_semaphore, #tpu.memory_space<semaphore_mem>>)
      %add3A_648 = arith.constant 71 : i32
      %add3A_649 = arith.addi %mul3A_10, %add3A_648 : i32
      %get3A_650 = arith.index_cast %add3A_649 : i32 to index
      %get3A_651 = memref.load %arg1[%get3A_650] : memref<11776xi32, #tpu.memory_space<smem>>
      %dma_start3A_652 = arith.constant 71 : i32
      %dma_start3A_653 = arith.constant 0 : i32
      %dma_start3A_654 = tpu.memref_slice %arg13[%dma_start3A_652, %dma_start3A_653] : memref<128x768xf32, #tpu.memory_space<vmem>> -> memref<1x768xf32, #tpu.memory_space<vmem>>
      %dma_start3A_655 = arith.constant 0 : i32
      %dma_start3A_656 = tpu.memref_slice %arg4[%get3A_651, %dma_start3A_655] : memref<8192x768xf32, #tpu.memory_space<hbm>> -> memref<1x768xf32, #tpu.memory_space<hbm>>
      tpu.enqueue_dma source(%dma_start3A_656 : memref<1x768xf32, #tpu.memory_space<hbm>>) target(%dma_start3A_654 : memref<1x768xf32, #tpu.memory_space<vmem>>) target_semaphore(%arg15 : memref<!tpu.dma_semaphore, #tpu.memory_space<semaphore_mem>>)
      %add3A_657 = arith.constant 72 : i32
      %add3A_658 = arith.addi %mul3A_10, %add3A_657 : i32
      %get3A_659 = arith.index_cast %add3A_658 : i32 to index
      %get3A_660 = memref.load %arg1[%get3A_659] : memref<11776xi32, #tpu.memory_space<smem>>
      %dma_start3A_661 = arith.constant 72 : i32
      %dma_start3A_662 = arith.constant 0 : i32
      %dma_start3A_663 = tpu.memref_slice %arg13[%dma_start3A_661, %dma_start3A_662] : memref<128x768xf32, #tpu.memory_space<vmem>> -> memref<1x768xf32, #tpu.memory_space<vmem>>
      %dma_start3A_664 = arith.constant 0 : i32
      %dma_start3A_665 = tpu.memref_slice %arg4[%get3A_660, %dma_start3A_664] : memref<8192x768xf32, #tpu.memory_space<hbm>> -> memref<1x768xf32, #tpu.memory_space<hbm>>
      tpu.enqueue_dma source(%dma_start3A_665 : memref<1x768xf32, #tpu.memory_space<hbm>>) target(%dma_start3A_663 : memref<1x768xf32, #tpu.memory_space<vmem>>) target_semaphore(%arg15 : memref<!tpu.dma_semaphore, #tpu.memory_space<semaphore_mem>>)
      %add3A_666 = arith.constant 73 : i32
      %add3A_667 = arith.addi %mul3A_10, %add3A_666 : i32
      %get3A_668 = arith.index_cast %add3A_667 : i32 to index
      %get3A_669 = memref.load %arg1[%get3A_668] : memref<11776xi32, #tpu.memory_space<smem>>
      %dma_start3A_670 = arith.constant 73 : i32
      %dma_start3A_671 = arith.constant 0 : i32
      %dma_start3A_672 = tpu.memref_slice %arg13[%dma_start3A_670, %dma_start3A_671] : memref<128x768xf32, #tpu.memory_space<vmem>> -> memref<1x768xf32, #tpu.memory_space<vmem>>
      %dma_start3A_673 = arith.constant 0 : i32
      %dma_start3A_674 = tpu.memref_slice %arg4[%get3A_669, %dma_start3A_673] : memref<8192x768xf32, #tpu.memory_space<hbm>> -> memref<1x768xf32, #tpu.memory_space<hbm>>
      tpu.enqueue_dma source(%dma_start3A_674 : memref<1x768xf32, #tpu.memory_space<hbm>>) target(%dma_start3A_672 : memref<1x768xf32, #tpu.memory_space<vmem>>) target_semaphore(%arg15 : memref<!tpu.dma_semaphore, #tpu.memory_space<semaphore_mem>>)
      %add3A_675 = arith.constant 74 : i32
      %add3A_676 = arith.addi %mul3A_10, %add3A_675 : i32
      %get3A_677 = arith.index_cast %add3A_676 : i32 to index
      %get3A_678 = memref.load %arg1[%get3A_677] : memref<11776xi32, #tpu.memory_space<smem>>
      %dma_start3A_679 = arith.constant 74 : i32
      %dma_start3A_680 = arith.constant 0 : i32
      %dma_start3A_681 = tpu.memref_slice %arg13[%dma_start3A_679, %dma_start3A_680] : memref<128x768xf32, #tpu.memory_space<vmem>> -> memref<1x768xf32, #tpu.memory_space<vmem>>
      %dma_start3A_682 = arith.constant 0 : i32
      %dma_start3A_683 = tpu.memref_slice %arg4[%get3A_678, %dma_start3A_682] : memref<8192x768xf32, #tpu.memory_space<hbm>> -> memref<1x768xf32, #tpu.memory_space<hbm>>
      tpu.enqueue_dma source(%dma_start3A_683 : memref<1x768xf32, #tpu.memory_space<hbm>>) target(%dma_start3A_681 : memref<1x768xf32, #tpu.memory_space<vmem>>) target_semaphore(%arg15 : memref<!tpu.dma_semaphore, #tpu.memory_space<semaphore_mem>>)
      %add3A_684 = arith.constant 75 : i32
      %add3A_685 = arith.addi %mul3A_10, %add3A_684 : i32
      %get3A_686 = arith.index_cast %add3A_685 : i32 to index
      %get3A_687 = memref.load %arg1[%get3A_686] : memref<11776xi32, #tpu.memory_space<smem>>
      %dma_start3A_688 = arith.constant 75 : i32
      %dma_start3A_689 = arith.constant 0 : i32
      %dma_start3A_690 = tpu.memref_slice %arg13[%dma_start3A_688, %dma_start3A_689] : memref<128x768xf32, #tpu.memory_space<vmem>> -> memref<1x768xf32, #tpu.memory_space<vmem>>
      %dma_start3A_691 = arith.constant 0 : i32
      %dma_start3A_692 = tpu.memref_slice %arg4[%get3A_687, %dma_start3A_691] : memref<8192x768xf32, #tpu.memory_space<hbm>> -> memref<1x768xf32, #tpu.memory_space<hbm>>
      tpu.enqueue_dma source(%dma_start3A_692 : memref<1x768xf32, #tpu.memory_space<hbm>>) target(%dma_start3A_690 : memref<1x768xf32, #tpu.memory_space<vmem>>) target_semaphore(%arg15 : memref<!tpu.dma_semaphore, #tpu.memory_space<semaphore_mem>>)
      %add3A_693 = arith.constant 76 : i32
      %add3A_694 = arith.addi %mul3A_10, %add3A_693 : i32
      %get3A_695 = arith.index_cast %add3A_694 : i32 to index
      %get3A_696 = memref.load %arg1[%get3A_695] : memref<11776xi32, #tpu.memory_space<smem>>
      %dma_start3A_697 = arith.constant 76 : i32
      %dma_start3A_698 = arith.constant 0 : i32
      %dma_start3A_699 = tpu.memref_slice %arg13[%dma_start3A_697, %dma_start3A_698] : memref<128x768xf32, #tpu.memory_space<vmem>> -> memref<1x768xf32, #tpu.memory_space<vmem>>
      %dma_start3A_700 = arith.constant 0 : i32
      %dma_start3A_701 = tpu.memref_slice %arg4[%get3A_696, %dma_start3A_700] : memref<8192x768xf32, #tpu.memory_space<hbm>> -> memref<1x768xf32, #tpu.memory_space<hbm>>
      tpu.enqueue_dma source(%dma_start3A_701 : memref<1x768xf32, #tpu.memory_space<hbm>>) target(%dma_start3A_699 : memref<1x768xf32, #tpu.memory_space<vmem>>) target_semaphore(%arg15 : memref<!tpu.dma_semaphore, #tpu.memory_space<semaphore_mem>>)
      %add3A_702 = arith.constant 77 : i32
      %add3A_703 = arith.addi %mul3A_10, %add3A_702 : i32
      %get3A_704 = arith.index_cast %add3A_703 : i32 to index
      %get3A_705 = memref.load %arg1[%get3A_704] : memref<11776xi32, #tpu.memory_space<smem>>
      %dma_start3A_706 = arith.constant 77 : i32
      %dma_start3A_707 = arith.constant 0 : i32
      %dma_start3A_708 = tpu.memref_slice %arg13[%dma_start3A_706, %dma_start3A_707] : memref<128x768xf32, #tpu.memory_space<vmem>> -> memref<1x768xf32, #tpu.memory_space<vmem>>
      %dma_start3A_709 = arith.constant 0 : i32
      %dma_start3A_710 = tpu.memref_slice %arg4[%get3A_705, %dma_start3A_709] : memref<8192x768xf32, #tpu.memory_space<hbm>> -> memref<1x768xf32, #tpu.memory_space<hbm>>
      tpu.enqueue_dma source(%dma_start3A_710 : memref<1x768xf32, #tpu.memory_space<hbm>>) target(%dma_start3A_708 : memref<1x768xf32, #tpu.memory_space<vmem>>) target_semaphore(%arg15 : memref<!tpu.dma_semaphore, #tpu.memory_space<semaphore_mem>>)
      %add3A_711 = arith.constant 78 : i32
      %add3A_712 = arith.addi %mul3A_10, %add3A_711 : i32
      %get3A_713 = arith.index_cast %add3A_712 : i32 to index
      %get3A_714 = memref.load %arg1[%get3A_713] : memref<11776xi32, #tpu.memory_space<smem>>
      %dma_start3A_715 = arith.constant 78 : i32
      %dma_start3A_716 = arith.constant 0 : i32
      %dma_start3A_717 = tpu.memref_slice %arg13[%dma_start3A_715, %dma_start3A_716] : memref<128x768xf32, #tpu.memory_space<vmem>> -> memref<1x768xf32, #tpu.memory_space<vmem>>
      %dma_start3A_718 = arith.constant 0 : i32
      %dma_start3A_719 = tpu.memref_slice %arg4[%get3A_714, %dma_start3A_718] : memref<8192x768xf32, #tpu.memory_space<hbm>> -> memref<1x768xf32, #tpu.memory_space<hbm>>
      tpu.enqueue_dma source(%dma_start3A_719 : memref<1x768xf32, #tpu.memory_space<hbm>>) target(%dma_start3A_717 : memref<1x768xf32, #tpu.memory_space<vmem>>) target_semaphore(%arg15 : memref<!tpu.dma_semaphore, #tpu.memory_space<semaphore_mem>>)
      %add3A_720 = arith.constant 79 : i32
      %add3A_721 = arith.addi %mul3A_10, %add3A_720 : i32
      %get3A_722 = arith.index_cast %add3A_721 : i32 to index
      %get3A_723 = memref.load %arg1[%get3A_722] : memref<11776xi32, #tpu.memory_space<smem>>
      %dma_start3A_724 = arith.constant 79 : i32
      %dma_start3A_725 = arith.constant 0 : i32
      %dma_start3A_726 = tpu.memref_slice %arg13[%dma_start3A_724, %dma_start3A_725] : memref<128x768xf32, #tpu.memory_space<vmem>> -> memref<1x768xf32, #tpu.memory_space<vmem>>
      %dma_start3A_727 = arith.constant 0 : i32
      %dma_start3A_728 = tpu.memref_slice %arg4[%get3A_723, %dma_start3A_727] : memref<8192x768xf32, #tpu.memory_space<hbm>> -> memref<1x768xf32, #tpu.memory_space<hbm>>
      tpu.enqueue_dma source(%dma_start3A_728 : memref<1x768xf32, #tpu.memory_space<hbm>>) target(%dma_start3A_726 : memref<1x768xf32, #tpu.memory_space<vmem>>) target_semaphore(%arg15 : memref<!tpu.dma_semaphore, #tpu.memory_space<semaphore_mem>>)
      %add3A_729 = arith.constant 80 : i32
      %add3A_730 = arith.addi %mul3A_10, %add3A_729 : i32
      %get3A_731 = arith.index_cast %add3A_730 : i32 to index
      %get3A_732 = memref.load %arg1[%get3A_731] : memref<11776xi32, #tpu.memory_space<smem>>
      %dma_start3A_733 = arith.constant 80 : i32
      %dma_start3A_734 = arith.constant 0 : i32
      %dma_start3A_735 = tpu.memref_slice %arg13[%dma_start3A_733, %dma_start3A_734] : memref<128x768xf32, #tpu.memory_space<vmem>> -> memref<1x768xf32, #tpu.memory_space<vmem>>
      %dma_start3A_736 = arith.constant 0 : i32
      %dma_start3A_737 = tpu.memref_slice %arg4[%get3A_732, %dma_start3A_736] : memref<8192x768xf32, #tpu.memory_space<hbm>> -> memref<1x768xf32, #tpu.memory_space<hbm>>
      tpu.enqueue_dma source(%dma_start3A_737 : memref<1x768xf32, #tpu.memory_space<hbm>>) target(%dma_start3A_735 : memref<1x768xf32, #tpu.memory_space<vmem>>) target_semaphore(%arg15 : memref<!tpu.dma_semaphore, #tpu.memory_space<semaphore_mem>>)
      %add3A_738 = arith.constant 81 : i32
      %add3A_739 = arith.addi %mul3A_10, %add3A_738 : i32
      %get3A_740 = arith.index_cast %add3A_739 : i32 to index
      %get3A_741 = memref.load %arg1[%get3A_740] : memref<11776xi32, #tpu.memory_space<smem>>
      %dma_start3A_742 = arith.constant 81 : i32
      %dma_start3A_743 = arith.constant 0 : i32
      %dma_start3A_744 = tpu.memref_slice %arg13[%dma_start3A_742, %dma_start3A_743] : memref<128x768xf32, #tpu.memory_space<vmem>> -> memref<1x768xf32, #tpu.memory_space<vmem>>
      %dma_start3A_745 = arith.constant 0 : i32
      %dma_start3A_746 = tpu.memref_slice %arg4[%get3A_741, %dma_start3A_745] : memref<8192x768xf32, #tpu.memory_space<hbm>> -> memref<1x768xf32, #tpu.memory_space<hbm>>
      tpu.enqueue_dma source(%dma_start3A_746 : memref<1x768xf32, #tpu.memory_space<hbm>>) target(%dma_start3A_744 : memref<1x768xf32, #tpu.memory_space<vmem>>) target_semaphore(%arg15 : memref<!tpu.dma_semaphore, #tpu.memory_space<semaphore_mem>>)
      %add3A_747 = arith.constant 82 : i32
      %add3A_748 = arith.addi %mul3A_10, %add3A_747 : i32
      %get3A_749 = arith.index_cast %add3A_748 : i32 to index
      %get3A_750 = memref.load %arg1[%get3A_749] : memref<11776xi32, #tpu.memory_space<smem>>
      %dma_start3A_751 = arith.constant 82 : i32
      %dma_start3A_752 = arith.constant 0 : i32
      %dma_start3A_753 = tpu.memref_slice %arg13[%dma_start3A_751, %dma_start3A_752] : memref<128x768xf32, #tpu.memory_space<vmem>> -> memref<1x768xf32, #tpu.memory_space<vmem>>
      %dma_start3A_754 = arith.constant 0 : i32
      %dma_start3A_755 = tpu.memref_slice %arg4[%get3A_750, %dma_start3A_754] : memref<8192x768xf32, #tpu.memory_space<hbm>> -> memref<1x768xf32, #tpu.memory_space<hbm>>
      tpu.enqueue_dma source(%dma_start3A_755 : memref<1x768xf32, #tpu.memory_space<hbm>>) target(%dma_start3A_753 : memref<1x768xf32, #tpu.memory_space<vmem>>) target_semaphore(%arg15 : memref<!tpu.dma_semaphore, #tpu.memory_space<semaphore_mem>>)
      %add3A_756 = arith.constant 83 : i32
      %add3A_757 = arith.addi %mul3A_10, %add3A_756 : i32
      %get3A_758 = arith.index_cast %add3A_757 : i32 to index
      %get3A_759 = memref.load %arg1[%get3A_758] : memref<11776xi32, #tpu.memory_space<smem>>
      %dma_start3A_760 = arith.constant 83 : i32
      %dma_start3A_761 = arith.constant 0 : i32
      %dma_start3A_762 = tpu.memref_slice %arg13[%dma_start3A_760, %dma_start3A_761] : memref<128x768xf32, #tpu.memory_space<vmem>> -> memref<1x768xf32, #tpu.memory_space<vmem>>
      %dma_start3A_763 = arith.constant 0 : i32
      %dma_start3A_764 = tpu.memref_slice %arg4[%get3A_759, %dma_start3A_763] : memref<8192x768xf32, #tpu.memory_space<hbm>> -> memref<1x768xf32, #tpu.memory_space<hbm>>
      tpu.enqueue_dma source(%dma_start3A_764 : memref<1x768xf32, #tpu.memory_space<hbm>>) target(%dma_start3A_762 : memref<1x768xf32, #tpu.memory_space<vmem>>) target_semaphore(%arg15 : memref<!tpu.dma_semaphore, #tpu.memory_space<semaphore_mem>>)
      %add3A_765 = arith.constant 84 : i32
      %add3A_766 = arith.addi %mul3A_10, %add3A_765 : i32
      %get3A_767 = arith.index_cast %add3A_766 : i32 to index
      %get3A_768 = memref.load %arg1[%get3A_767] : memref<11776xi32, #tpu.memory_space<smem>>
      %dma_start3A_769 = arith.constant 84 : i32
      %dma_start3A_770 = arith.constant 0 : i32
      %dma_start3A_771 = tpu.memref_slice %arg13[%dma_start3A_769, %dma_start3A_770] : memref<128x768xf32, #tpu.memory_space<vmem>> -> memref<1x768xf32, #tpu.memory_space<vmem>>
      %dma_start3A_772 = arith.constant 0 : i32
      %dma_start3A_773 = tpu.memref_slice %arg4[%get3A_768, %dma_start3A_772] : memref<8192x768xf32, #tpu.memory_space<hbm>> -> memref<1x768xf32, #tpu.memory_space<hbm>>
      tpu.enqueue_dma source(%dma_start3A_773 : memref<1x768xf32, #tpu.memory_space<hbm>>) target(%dma_start3A_771 : memref<1x768xf32, #tpu.memory_space<vmem>>) target_semaphore(%arg15 : memref<!tpu.dma_semaphore, #tpu.memory_space<semaphore_mem>>)
      %add3A_774 = arith.constant 85 : i32
      %add3A_775 = arith.addi %mul3A_10, %add3A_774 : i32
      %get3A_776 = arith.index_cast %add3A_775 : i32 to index
      %get3A_777 = memref.load %arg1[%get3A_776] : memref<11776xi32, #tpu.memory_space<smem>>
      %dma_start3A_778 = arith.constant 85 : i32
      %dma_start3A_779 = arith.constant 0 : i32
      %dma_start3A_780 = tpu.memref_slice %arg13[%dma_start3A_778, %dma_start3A_779] : memref<128x768xf32, #tpu.memory_space<vmem>> -> memref<1x768xf32, #tpu.memory_space<vmem>>
      %dma_start3A_781 = arith.constant 0 : i32
      %dma_start3A_782 = tpu.memref_slice %arg4[%get3A_777, %dma_start3A_781] : memref<8192x768xf32, #tpu.memory_space<hbm>> -> memref<1x768xf32, #tpu.memory_space<hbm>>
      tpu.enqueue_dma source(%dma_start3A_782 : memref<1x768xf32, #tpu.memory_space<hbm>>) target(%dma_start3A_780 : memref<1x768xf32, #tpu.memory_space<vmem>>) target_semaphore(%arg15 : memref<!tpu.dma_semaphore, #tpu.memory_space<semaphore_mem>>)
      %add3A_783 = arith.constant 86 : i32
      %add3A_784 = arith.addi %mul3A_10, %add3A_783 : i32
      %get3A_785 = arith.index_cast %add3A_784 : i32 to index
      %get3A_786 = memref.load %arg1[%get3A_785] : memref<11776xi32, #tpu.memory_space<smem>>
      %dma_start3A_787 = arith.constant 86 : i32
      %dma_start3A_788 = arith.constant 0 : i32
      %dma_start3A_789 = tpu.memref_slice %arg13[%dma_start3A_787, %dma_start3A_788] : memref<128x768xf32, #tpu.memory_space<vmem>> -> memref<1x768xf32, #tpu.memory_space<vmem>>
      %dma_start3A_790 = arith.constant 0 : i32
      %dma_start3A_791 = tpu.memref_slice %arg4[%get3A_786, %dma_start3A_790] : memref<8192x768xf32, #tpu.memory_space<hbm>> -> memref<1x768xf32, #tpu.memory_space<hbm>>
      tpu.enqueue_dma source(%dma_start3A_791 : memref<1x768xf32, #tpu.memory_space<hbm>>) target(%dma_start3A_789 : memref<1x768xf32, #tpu.memory_space<vmem>>) target_semaphore(%arg15 : memref<!tpu.dma_semaphore, #tpu.memory_space<semaphore_mem>>)
      %add3A_792 = arith.constant 87 : i32
      %add3A_793 = arith.addi %mul3A_10, %add3A_792 : i32
      %get3A_794 = arith.index_cast %add3A_793 : i32 to index
      %get3A_795 = memref.load %arg1[%get3A_794] : memref<11776xi32, #tpu.memory_space<smem>>
      %dma_start3A_796 = arith.constant 87 : i32
      %dma_start3A_797 = arith.constant 0 : i32
      %dma_start3A_798 = tpu.memref_slice %arg13[%dma_start3A_796, %dma_start3A_797] : memref<128x768xf32, #tpu.memory_space<vmem>> -> memref<1x768xf32, #tpu.memory_space<vmem>>
      %dma_start3A_799 = arith.constant 0 : i32
      %dma_start3A_800 = tpu.memref_slice %arg4[%get3A_795, %dma_start3A_799] : memref<8192x768xf32, #tpu.memory_space<hbm>> -> memref<1x768xf32, #tpu.memory_space<hbm>>
      tpu.enqueue_dma source(%dma_start3A_800 : memref<1x768xf32, #tpu.memory_space<hbm>>) target(%dma_start3A_798 : memref<1x768xf32, #tpu.memory_space<vmem>>) target_semaphore(%arg15 : memref<!tpu.dma_semaphore, #tpu.memory_space<semaphore_mem>>)
      %add3A_801 = arith.constant 88 : i32
      %add3A_802 = arith.addi %mul3A_10, %add3A_801 : i32
      %get3A_803 = arith.index_cast %add3A_802 : i32 to index
      %get3A_804 = memref.load %arg1[%get3A_803] : memref<11776xi32, #tpu.memory_space<smem>>
      %dma_start3A_805 = arith.constant 88 : i32
      %dma_start3A_806 = arith.constant 0 : i32
      %dma_start3A_807 = tpu.memref_slice %arg13[%dma_start3A_805, %dma_start3A_806] : memref<128x768xf32, #tpu.memory_space<vmem>> -> memref<1x768xf32, #tpu.memory_space<vmem>>
      %dma_start3A_808 = arith.constant 0 : i32
      %dma_start3A_809 = tpu.memref_slice %arg4[%get3A_804, %dma_start3A_808] : memref<8192x768xf32, #tpu.memory_space<hbm>> -> memref<1x768xf32, #tpu.memory_space<hbm>>
      tpu.enqueue_dma source(%dma_start3A_809 : memref<1x768xf32, #tpu.memory_space<hbm>>) target(%dma_start3A_807 : memref<1x768xf32, #tpu.memory_space<vmem>>) target_semaphore(%arg15 : memref<!tpu.dma_semaphore, #tpu.memory_space<semaphore_mem>>)
      %add3A_810 = arith.constant 89 : i32
      %add3A_811 = arith.addi %mul3A_10, %add3A_810 : i32
      %get3A_812 = arith.index_cast %add3A_811 : i32 to index
      %get3A_813 = memref.load %arg1[%get3A_812] : memref<11776xi32, #tpu.memory_space<smem>>
      %dma_start3A_814 = arith.constant 89 : i32
      %dma_start3A_815 = arith.constant 0 : i32
      %dma_start3A_816 = tpu.memref_slice %arg13[%dma_start3A_814, %dma_start3A_815] : memref<128x768xf32, #tpu.memory_space<vmem>> -> memref<1x768xf32, #tpu.memory_space<vmem>>
      %dma_start3A_817 = arith.constant 0 : i32
      %dma_start3A_818 = tpu.memref_slice %arg4[%get3A_813, %dma_start3A_817] : memref<8192x768xf32, #tpu.memory_space<hbm>> -> memref<1x768xf32, #tpu.memory_space<hbm>>
      tpu.enqueue_dma source(%dma_start3A_818 : memref<1x768xf32, #tpu.memory_space<hbm>>) target(%dma_start3A_816 : memref<1x768xf32, #tpu.memory_space<vmem>>) target_semaphore(%arg15 : memref<!tpu.dma_semaphore, #tpu.memory_space<semaphore_mem>>)
      %add3A_819 = arith.constant 90 : i32
      %add3A_820 = arith.addi %mul3A_10, %add3A_819 : i32
      %get3A_821 = arith.index_cast %add3A_820 : i32 to index
      %get3A_822 = memref.load %arg1[%get3A_821] : memref<11776xi32, #tpu.memory_space<smem>>
      %dma_start3A_823 = arith.constant 90 : i32
      %dma_start3A_824 = arith.constant 0 : i32
      %dma_start3A_825 = tpu.memref_slice %arg13[%dma_start3A_823, %dma_start3A_824] : memref<128x768xf32, #tpu.memory_space<vmem>> -> memref<1x768xf32, #tpu.memory_space<vmem>>
      %dma_start3A_826 = arith.constant 0 : i32
      %dma_start3A_827 = tpu.memref_slice %arg4[%get3A_822, %dma_start3A_826] : memref<8192x768xf32, #tpu.memory_space<hbm>> -> memref<1x768xf32, #tpu.memory_space<hbm>>
      tpu.enqueue_dma source(%dma_start3A_827 : memref<1x768xf32, #tpu.memory_space<hbm>>) target(%dma_start3A_825 : memref<1x768xf32, #tpu.memory_space<vmem>>) target_semaphore(%arg15 : memref<!tpu.dma_semaphore, #tpu.memory_space<semaphore_mem>>)
      %add3A_828 = arith.constant 91 : i32
      %add3A_829 = arith.addi %mul3A_10, %add3A_828 : i32
      %get3A_830 = arith.index_cast %add3A_829 : i32 to index
      %get3A_831 = memref.load %arg1[%get3A_830] : memref<11776xi32, #tpu.memory_space<smem>>
      %dma_start3A_832 = arith.constant 91 : i32
      %dma_start3A_833 = arith.constant 0 : i32
      %dma_start3A_834 = tpu.memref_slice %arg13[%dma_start3A_832, %dma_start3A_833] : memref<128x768xf32, #tpu.memory_space<vmem>> -> memref<1x768xf32, #tpu.memory_space<vmem>>
      %dma_start3A_835 = arith.constant 0 : i32
      %dma_start3A_836 = tpu.memref_slice %arg4[%get3A_831, %dma_start3A_835] : memref<8192x768xf32, #tpu.memory_space<hbm>> -> memref<1x768xf32, #tpu.memory_space<hbm>>
      tpu.enqueue_dma source(%dma_start3A_836 : memref<1x768xf32, #tpu.memory_space<hbm>>) target(%dma_start3A_834 : memref<1x768xf32, #tpu.memory_space<vmem>>) target_semaphore(%arg15 : memref<!tpu.dma_semaphore, #tpu.memory_space<semaphore_mem>>)
      %add3A_837 = arith.constant 92 : i32
      %add3A_838 = arith.addi %mul3A_10, %add3A_837 : i32
      %get3A_839 = arith.index_cast %add3A_838 : i32 to index
      %get3A_840 = memref.load %arg1[%get3A_839] : memref<11776xi32, #tpu.memory_space<smem>>
      %dma_start3A_841 = arith.constant 92 : i32
      %dma_start3A_842 = arith.constant 0 : i32
      %dma_start3A_843 = tpu.memref_slice %arg13[%dma_start3A_841, %dma_start3A_842] : memref<128x768xf32, #tpu.memory_space<vmem>> -> memref<1x768xf32, #tpu.memory_space<vmem>>
      %dma_start3A_844 = arith.constant 0 : i32
      %dma_start3A_845 = tpu.memref_slice %arg4[%get3A_840, %dma_start3A_844] : memref<8192x768xf32, #tpu.memory_space<hbm>> -> memref<1x768xf32, #tpu.memory_space<hbm>>
      tpu.enqueue_dma source(%dma_start3A_845 : memref<1x768xf32, #tpu.memory_space<hbm>>) target(%dma_start3A_843 : memref<1x768xf32, #tpu.memory_space<vmem>>) target_semaphore(%arg15 : memref<!tpu.dma_semaphore, #tpu.memory_space<semaphore_mem>>)
      %add3A_846 = arith.constant 93 : i32
      %add3A_847 = arith.addi %mul3A_10, %add3A_846 : i32
      %get3A_848 = arith.index_cast %add3A_847 : i32 to index
      %get3A_849 = memref.load %arg1[%get3A_848] : memref<11776xi32, #tpu.memory_space<smem>>
      %dma_start3A_850 = arith.constant 93 : i32
      %dma_start3A_851 = arith.constant 0 : i32
      %dma_start3A_852 = tpu.memref_slice %arg13[%dma_start3A_850, %dma_start3A_851] : memref<128x768xf32, #tpu.memory_space<vmem>> -> memref<1x768xf32, #tpu.memory_space<vmem>>
      %dma_start3A_853 = arith.constant 0 : i32
      %dma_start3A_854 = tpu.memref_slice %arg4[%get3A_849, %dma_start3A_853] : memref<8192x768xf32, #tpu.memory_space<hbm>> -> memref<1x768xf32, #tpu.memory_space<hbm>>
      tpu.enqueue_dma source(%dma_start3A_854 : memref<1x768xf32, #tpu.memory_space<hbm>>) target(%dma_start3A_852 : memref<1x768xf32, #tpu.memory_space<vmem>>) target_semaphore(%arg15 : memref<!tpu.dma_semaphore, #tpu.memory_space<semaphore_mem>>)
      %add3A_855 = arith.constant 94 : i32
      %add3A_856 = arith.addi %mul3A_10, %add3A_855 : i32
      %get3A_857 = arith.index_cast %add3A_856 : i32 to index
      %get3A_858 = memref.load %arg1[%get3A_857] : memref<11776xi32, #tpu.memory_space<smem>>
      %dma_start3A_859 = arith.constant 94 : i32
      %dma_start3A_860 = arith.constant 0 : i32
      %dma_start3A_861 = tpu.memref_slice %arg13[%dma_start3A_859, %dma_start3A_860] : memref<128x768xf32, #tpu.memory_space<vmem>> -> memref<1x768xf32, #tpu.memory_space<vmem>>
      %dma_start3A_862 = arith.constant 0 : i32
      %dma_start3A_863 = tpu.memref_slice %arg4[%get3A_858, %dma_start3A_862] : memref<8192x768xf32, #tpu.memory_space<hbm>> -> memref<1x768xf32, #tpu.memory_space<hbm>>
      tpu.enqueue_dma source(%dma_start3A_863 : memref<1x768xf32, #tpu.memory_space<hbm>>) target(%dma_start3A_861 : memref<1x768xf32, #tpu.memory_space<vmem>>) target_semaphore(%arg15 : memref<!tpu.dma_semaphore, #tpu.memory_space<semaphore_mem>>)
      %add3A_864 = arith.constant 95 : i32
      %add3A_865 = arith.addi %mul3A_10, %add3A_864 : i32
      %get3A_866 = arith.index_cast %add3A_865 : i32 to index
      %get3A_867 = memref.load %arg1[%get3A_866] : memref<11776xi32, #tpu.memory_space<smem>>
      %dma_start3A_868 = arith.constant 95 : i32
      %dma_start3A_869 = arith.constant 0 : i32
      %dma_start3A_870 = tpu.memref_slice %arg13[%dma_start3A_868, %dma_start3A_869] : memref<128x768xf32, #tpu.memory_space<vmem>> -> memref<1x768xf32, #tpu.memory_space<vmem>>
      %dma_start3A_871 = arith.constant 0 : i32
      %dma_start3A_872 = tpu.memref_slice %arg4[%get3A_867, %dma_start3A_871] : memref<8192x768xf32, #tpu.memory_space<hbm>> -> memref<1x768xf32, #tpu.memory_space<hbm>>
      tpu.enqueue_dma source(%dma_start3A_872 : memref<1x768xf32, #tpu.memory_space<hbm>>) target(%dma_start3A_870 : memref<1x768xf32, #tpu.memory_space<vmem>>) target_semaphore(%arg15 : memref<!tpu.dma_semaphore, #tpu.memory_space<semaphore_mem>>)
      %add3A_873 = arith.constant 96 : i32
      %add3A_874 = arith.addi %mul3A_10, %add3A_873 : i32
      %get3A_875 = arith.index_cast %add3A_874 : i32 to index
      %get3A_876 = memref.load %arg1[%get3A_875] : memref<11776xi32, #tpu.memory_space<smem>>
      %dma_start3A_877 = arith.constant 96 : i32
      %dma_start3A_878 = arith.constant 0 : i32
      %dma_start3A_879 = tpu.memref_slice %arg13[%dma_start3A_877, %dma_start3A_878] : memref<128x768xf32, #tpu.memory_space<vmem>> -> memref<1x768xf32, #tpu.memory_space<vmem>>
      %dma_start3A_880 = arith.constant 0 : i32
      %dma_start3A_881 = tpu.memref_slice %arg4[%get3A_876, %dma_start3A_880] : memref<8192x768xf32, #tpu.memory_space<hbm>> -> memref<1x768xf32, #tpu.memory_space<hbm>>
      tpu.enqueue_dma source(%dma_start3A_881 : memref<1x768xf32, #tpu.memory_space<hbm>>) target(%dma_start3A_879 : memref<1x768xf32, #tpu.memory_space<vmem>>) target_semaphore(%arg15 : memref<!tpu.dma_semaphore, #tpu.memory_space<semaphore_mem>>)
      %add3A_882 = arith.constant 97 : i32
      %add3A_883 = arith.addi %mul3A_10, %add3A_882 : i32
      %get3A_884 = arith.index_cast %add3A_883 : i32 to index
      %get3A_885 = memref.load %arg1[%get3A_884] : memref<11776xi32, #tpu.memory_space<smem>>
      %dma_start3A_886 = arith.constant 97 : i32
      %dma_start3A_887 = arith.constant 0 : i32
      %dma_start3A_888 = tpu.memref_slice %arg13[%dma_start3A_886, %dma_start3A_887] : memref<128x768xf32, #tpu.memory_space<vmem>> -> memref<1x768xf32, #tpu.memory_space<vmem>>
      %dma_start3A_889 = arith.constant 0 : i32
      %dma_start3A_890 = tpu.memref_slice %arg4[%get3A_885, %dma_start3A_889] : memref<8192x768xf32, #tpu.memory_space<hbm>> -> memref<1x768xf32, #tpu.memory_space<hbm>>
      tpu.enqueue_dma source(%dma_start3A_890 : memref<1x768xf32, #tpu.memory_space<hbm>>) target(%dma_start3A_888 : memref<1x768xf32, #tpu.memory_space<vmem>>) target_semaphore(%arg15 : memref<!tpu.dma_semaphore, #tpu.memory_space<semaphore_mem>>)
      %add3A_891 = arith.constant 98 : i32
      %add3A_892 = arith.addi %mul3A_10, %add3A_891 : i32
      %get3A_893 = arith.index_cast %add3A_892 : i32 to index
      %get3A_894 = memref.load %arg1[%get3A_893] : memref<11776xi32, #tpu.memory_space<smem>>
      %dma_start3A_895 = arith.constant 98 : i32
      %dma_start3A_896 = arith.constant 0 : i32
      %dma_start3A_897 = tpu.memref_slice %arg13[%dma_start3A_895, %dma_start3A_896] : memref<128x768xf32, #tpu.memory_space<vmem>> -> memref<1x768xf32, #tpu.memory_space<vmem>>
      %dma_start3A_898 = arith.constant 0 : i32
      %dma_start3A_899 = tpu.memref_slice %arg4[%get3A_894, %dma_start3A_898] : memref<8192x768xf32, #tpu.memory_space<hbm>> -> memref<1x768xf32, #tpu.memory_space<hbm>>
      tpu.enqueue_dma source(%dma_start3A_899 : memref<1x768xf32, #tpu.memory_space<hbm>>) target(%dma_start3A_897 : memref<1x768xf32, #tpu.memory_space<vmem>>) target_semaphore(%arg15 : memref<!tpu.dma_semaphore, #tpu.memory_space<semaphore_mem>>)
      %add3A_900 = arith.constant 99 : i32
      %add3A_901 = arith.addi %mul3A_10, %add3A_900 : i32
      %get3A_902 = arith.index_cast %add3A_901 : i32 to index
      %get3A_903 = memref.load %arg1[%get3A_902] : memref<11776xi32, #tpu.memory_space<smem>>
      %dma_start3A_904 = arith.constant 99 : i32
      %dma_start3A_905 = arith.constant 0 : i32
      %dma_start3A_906 = tpu.memref_slice %arg13[%dma_start3A_904, %dma_start3A_905] : memref<128x768xf32, #tpu.memory_space<vmem>> -> memref<1x768xf32, #tpu.memory_space<vmem>>
      %dma_start3A_907 = arith.constant 0 : i32
      %dma_start3A_908 = tpu.memref_slice %arg4[%get3A_903, %dma_start3A_907] : memref<8192x768xf32, #tpu.memory_space<hbm>> -> memref<1x768xf32, #tpu.memory_space<hbm>>
      tpu.enqueue_dma source(%dma_start3A_908 : memref<1x768xf32, #tpu.memory_space<hbm>>) target(%dma_start3A_906 : memref<1x768xf32, #tpu.memory_space<vmem>>) target_semaphore(%arg15 : memref<!tpu.dma_semaphore, #tpu.memory_space<semaphore_mem>>)
      %add3A_909 = arith.constant 100 : i32
      %add3A_910 = arith.addi %mul3A_10, %add3A_909 : i32
      %get3A_911 = arith.index_cast %add3A_910 : i32 to index
      %get3A_912 = memref.load %arg1[%get3A_911] : memref<11776xi32, #tpu.memory_space<smem>>
      %dma_start3A_913 = arith.constant 100 : i32
      %dma_start3A_914 = arith.constant 0 : i32
      %dma_start3A_915 = tpu.memref_slice %arg13[%dma_start3A_913, %dma_start3A_914] : memref<128x768xf32, #tpu.memory_space<vmem>> -> memref<1x768xf32, #tpu.memory_space<vmem>>
      %dma_start3A_916 = arith.constant 0 : i32
      %dma_start3A_917 = tpu.memref_slice %arg4[%get3A_912, %dma_start3A_916] : memref<8192x768xf32, #tpu.memory_space<hbm>> -> memref<1x768xf32, #tpu.memory_space<hbm>>
      tpu.enqueue_dma source(%dma_start3A_917 : memref<1x768xf32, #tpu.memory_space<hbm>>) target(%dma_start3A_915 : memref<1x768xf32, #tpu.memory_space<vmem>>) target_semaphore(%arg15 : memref<!tpu.dma_semaphore, #tpu.memory_space<semaphore_mem>>)
      %add3A_918 = arith.constant 101 : i32
      %add3A_919 = arith.addi %mul3A_10, %add3A_918 : i32
      %get3A_920 = arith.index_cast %add3A_919 : i32 to index
      %get3A_921 = memref.load %arg1[%get3A_920] : memref<11776xi32, #tpu.memory_space<smem>>
      %dma_start3A_922 = arith.constant 101 : i32
      %dma_start3A_923 = arith.constant 0 : i32
      %dma_start3A_924 = tpu.memref_slice %arg13[%dma_start3A_922, %dma_start3A_923] : memref<128x768xf32, #tpu.memory_space<vmem>> -> memref<1x768xf32, #tpu.memory_space<vmem>>
      %dma_start3A_925 = arith.constant 0 : i32
      %dma_start3A_926 = tpu.memref_slice %arg4[%get3A_921, %dma_start3A_925] : memref<8192x768xf32, #tpu.memory_space<hbm>> -> memref<1x768xf32, #tpu.memory_space<hbm>>
      tpu.enqueue_dma source(%dma_start3A_926 : memref<1x768xf32, #tpu.memory_space<hbm>>) target(%dma_start3A_924 : memref<1x768xf32, #tpu.memory_space<vmem>>) target_semaphore(%arg15 : memref<!tpu.dma_semaphore, #tpu.memory_space<semaphore_mem>>)
      %add3A_927 = arith.constant 102 : i32
      %add3A_928 = arith.addi %mul3A_10, %add3A_927 : i32
      %get3A_929 = arith.index_cast %add3A_928 : i32 to index
      %get3A_930 = memref.load %arg1[%get3A_929] : memref<11776xi32, #tpu.memory_space<smem>>
      %dma_start3A_931 = arith.constant 102 : i32
      %dma_start3A_932 = arith.constant 0 : i32
      %dma_start3A_933 = tpu.memref_slice %arg13[%dma_start3A_931, %dma_start3A_932] : memref<128x768xf32, #tpu.memory_space<vmem>> -> memref<1x768xf32, #tpu.memory_space<vmem>>
      %dma_start3A_934 = arith.constant 0 : i32
      %dma_start3A_935 = tpu.memref_slice %arg4[%get3A_930, %dma_start3A_934] : memref<8192x768xf32, #tpu.memory_space<hbm>> -> memref<1x768xf32, #tpu.memory_space<hbm>>
      tpu.enqueue_dma source(%dma_start3A_935 : memref<1x768xf32, #tpu.memory_space<hbm>>) target(%dma_start3A_933 : memref<1x768xf32, #tpu.memory_space<vmem>>) target_semaphore(%arg15 : memref<!tpu.dma_semaphore, #tpu.memory_space<semaphore_mem>>)
      %add3A_936 = arith.constant 103 : i32
      %add3A_937 = arith.addi %mul3A_10, %add3A_936 : i32
      %get3A_938 = arith.index_cast %add3A_937 : i32 to index
      %get3A_939 = memref.load %arg1[%get3A_938] : memref<11776xi32, #tpu.memory_space<smem>>
      %dma_start3A_940 = arith.constant 103 : i32
      %dma_start3A_941 = arith.constant 0 : i32
      %dma_start3A_942 = tpu.memref_slice %arg13[%dma_start3A_940, %dma_start3A_941] : memref<128x768xf32, #tpu.memory_space<vmem>> -> memref<1x768xf32, #tpu.memory_space<vmem>>
      %dma_start3A_943 = arith.constant 0 : i32
      %dma_start3A_944 = tpu.memref_slice %arg4[%get3A_939, %dma_start3A_943] : memref<8192x768xf32, #tpu.memory_space<hbm>> -> memref<1x768xf32, #tpu.memory_space<hbm>>
      tpu.enqueue_dma source(%dma_start3A_944 : memref<1x768xf32, #tpu.memory_space<hbm>>) target(%dma_start3A_942 : memref<1x768xf32, #tpu.memory_space<vmem>>) target_semaphore(%arg15 : memref<!tpu.dma_semaphore, #tpu.memory_space<semaphore_mem>>)
      %add3A_945 = arith.constant 104 : i32
      %add3A_946 = arith.addi %mul3A_10, %add3A_945 : i32
      %get3A_947 = arith.index_cast %add3A_946 : i32 to index
      %get3A_948 = memref.load %arg1[%get3A_947] : memref<11776xi32, #tpu.memory_space<smem>>
      %dma_start3A_949 = arith.constant 104 : i32
      %dma_start3A_950 = arith.constant 0 : i32
      %dma_start3A_951 = tpu.memref_slice %arg13[%dma_start3A_949, %dma_start3A_950] : memref<128x768xf32, #tpu.memory_space<vmem>> -> memref<1x768xf32, #tpu.memory_space<vmem>>
      %dma_start3A_952 = arith.constant 0 : i32
      %dma_start3A_953 = tpu.memref_slice %arg4[%get3A_948, %dma_start3A_952] : memref<8192x768xf32, #tpu.memory_space<hbm>> -> memref<1x768xf32, #tpu.memory_space<hbm>>
      tpu.enqueue_dma source(%dma_start3A_953 : memref<1x768xf32, #tpu.memory_space<hbm>>) target(%dma_start3A_951 : memref<1x768xf32, #tpu.memory_space<vmem>>) target_semaphore(%arg15 : memref<!tpu.dma_semaphore, #tpu.memory_space<semaphore_mem>>)
      %add3A_954 = arith.constant 105 : i32
      %add3A_955 = arith.addi %mul3A_10, %add3A_954 : i32
      %get3A_956 = arith.index_cast %add3A_955 : i32 to index
      %get3A_957 = memref.load %arg1[%get3A_956] : memref<11776xi32, #tpu.memory_space<smem>>
      %dma_start3A_958 = arith.constant 105 : i32
      %dma_start3A_959 = arith.constant 0 : i32
      %dma_start3A_960 = tpu.memref_slice %arg13[%dma_start3A_958, %dma_start3A_959] : memref<128x768xf32, #tpu.memory_space<vmem>> -> memref<1x768xf32, #tpu.memory_space<vmem>>
      %dma_start3A_961 = arith.constant 0 : i32
      %dma_start3A_962 = tpu.memref_slice %arg4[%get3A_957, %dma_start3A_961] : memref<8192x768xf32, #tpu.memory_space<hbm>> -> memref<1x768xf32, #tpu.memory_space<hbm>>
      tpu.enqueue_dma source(%dma_start3A_962 : memref<1x768xf32, #tpu.memory_space<hbm>>) target(%dma_start3A_960 : memref<1x768xf32, #tpu.memory_space<vmem>>) target_semaphore(%arg15 : memref<!tpu.dma_semaphore, #tpu.memory_space<semaphore_mem>>)
      %add3A_963 = arith.constant 106 : i32
      %add3A_964 = arith.addi %mul3A_10, %add3A_963 : i32
      %get3A_965 = arith.index_cast %add3A_964 : i32 to index
      %get3A_966 = memref.load %arg1[%get3A_965] : memref<11776xi32, #tpu.memory_space<smem>>
      %dma_start3A_967 = arith.constant 106 : i32
      %dma_start3A_968 = arith.constant 0 : i32
      %dma_start3A_969 = tpu.memref_slice %arg13[%dma_start3A_967, %dma_start3A_968] : memref<128x768xf32, #tpu.memory_space<vmem>> -> memref<1x768xf32, #tpu.memory_space<vmem>>
      %dma_start3A_970 = arith.constant 0 : i32
      %dma_start3A_971 = tpu.memref_slice %arg4[%get3A_966, %dma_start3A_970] : memref<8192x768xf32, #tpu.memory_space<hbm>> -> memref<1x768xf32, #tpu.memory_space<hbm>>
      tpu.enqueue_dma source(%dma_start3A_971 : memref<1x768xf32, #tpu.memory_space<hbm>>) target(%dma_start3A_969 : memref<1x768xf32, #tpu.memory_space<vmem>>) target_semaphore(%arg15 : memref<!tpu.dma_semaphore, #tpu.memory_space<semaphore_mem>>)
      %add3A_972 = arith.constant 107 : i32
      %add3A_973 = arith.addi %mul3A_10, %add3A_972 : i32
      %get3A_974 = arith.index_cast %add3A_973 : i32 to index
      %get3A_975 = memref.load %arg1[%get3A_974] : memref<11776xi32, #tpu.memory_space<smem>>
      %dma_start3A_976 = arith.constant 107 : i32
      %dma_start3A_977 = arith.constant 0 : i32
      %dma_start3A_978 = tpu.memref_slice %arg13[%dma_start3A_976, %dma_start3A_977] : memref<128x768xf32, #tpu.memory_space<vmem>> -> memref<1x768xf32, #tpu.memory_space<vmem>>
      %dma_start3A_979 = arith.constant 0 : i32
      %dma_start3A_980 = tpu.memref_slice %arg4[%get3A_975, %dma_start3A_979] : memref<8192x768xf32, #tpu.memory_space<hbm>> -> memref<1x768xf32, #tpu.memory_space<hbm>>
      tpu.enqueue_dma source(%dma_start3A_980 : memref<1x768xf32, #tpu.memory_space<hbm>>) target(%dma_start3A_978 : memref<1x768xf32, #tpu.memory_space<vmem>>) target_semaphore(%arg15 : memref<!tpu.dma_semaphore, #tpu.memory_space<semaphore_mem>>)
      %add3A_981 = arith.constant 108 : i32
      %add3A_982 = arith.addi %mul3A_10, %add3A_981 : i32
      %get3A_983 = arith.index_cast %add3A_982 : i32 to index
      %get3A_984 = memref.load %arg1[%get3A_983] : memref<11776xi32, #tpu.memory_space<smem>>
      %dma_start3A_985 = arith.constant 108 : i32
      %dma_start3A_986 = arith.constant 0 : i32
      %dma_start3A_987 = tpu.memref_slice %arg13[%dma_start3A_985, %dma_start3A_986] : memref<128x768xf32, #tpu.memory_space<vmem>> -> memref<1x768xf32, #tpu.memory_space<vmem>>
      %dma_start3A_988 = arith.constant 0 : i32
      %dma_start3A_989 = tpu.memref_slice %arg4[%get3A_984, %dma_start3A_988] : memref<8192x768xf32, #tpu.memory_space<hbm>> -> memref<1x768xf32, #tpu.memory_space<hbm>>
      tpu.enqueue_dma source(%dma_start3A_989 : memref<1x768xf32, #tpu.memory_space<hbm>>) target(%dma_start3A_987 : memref<1x768xf32, #tpu.memory_space<vmem>>) target_semaphore(%arg15 : memref<!tpu.dma_semaphore, #tpu.memory_space<semaphore_mem>>)
      %add3A_990 = arith.constant 109 : i32
      %add3A_991 = arith.addi %mul3A_10, %add3A_990 : i32
      %get3A_992 = arith.index_cast %add3A_991 : i32 to index
      %get3A_993 = memref.load %arg1[%get3A_992] : memref<11776xi32, #tpu.memory_space<smem>>
      %dma_start3A_994 = arith.constant 109 : i32
      %dma_start3A_995 = arith.constant 0 : i32
      %dma_start3A_996 = tpu.memref_slice %arg13[%dma_start3A_994, %dma_start3A_995] : memref<128x768xf32, #tpu.memory_space<vmem>> -> memref<1x768xf32, #tpu.memory_space<vmem>>
      %dma_start3A_997 = arith.constant 0 : i32
      %dma_start3A_998 = tpu.memref_slice %arg4[%get3A_993, %dma_start3A_997] : memref<8192x768xf32, #tpu.memory_space<hbm>> -> memref<1x768xf32, #tpu.memory_space<hbm>>
      tpu.enqueue_dma source(%dma_start3A_998 : memref<1x768xf32, #tpu.memory_space<hbm>>) target(%dma_start3A_996 : memref<1x768xf32, #tpu.memory_space<vmem>>) target_semaphore(%arg15 : memref<!tpu.dma_semaphore, #tpu.memory_space<semaphore_mem>>)
      %add3A_999 = arith.constant 110 : i32
      %add3A_1000 = arith.addi %mul3A_10, %add3A_999 : i32
      %get3A_1001 = arith.index_cast %add3A_1000 : i32 to index
      %get3A_1002 = memref.load %arg1[%get3A_1001] : memref<11776xi32, #tpu.memory_space<smem>>
      %dma_start3A_1003 = arith.constant 110 : i32
      %dma_start3A_1004 = arith.constant 0 : i32
      %dma_start3A_1005 = tpu.memref_slice %arg13[%dma_start3A_1003, %dma_start3A_1004] : memref<128x768xf32, #tpu.memory_space<vmem>> -> memref<1x768xf32, #tpu.memory_space<vmem>>
      %dma_start3A_1006 = arith.constant 0 : i32
      %dma_start3A_1007 = tpu.memref_slice %arg4[%get3A_1002, %dma_start3A_1006] : memref<8192x768xf32, #tpu.memory_space<hbm>> -> memref<1x768xf32, #tpu.memory_space<hbm>>
      tpu.enqueue_dma source(%dma_start3A_1007 : memref<1x768xf32, #tpu.memory_space<hbm>>) target(%dma_start3A_1005 : memref<1x768xf32, #tpu.memory_space<vmem>>) target_semaphore(%arg15 : memref<!tpu.dma_semaphore, #tpu.memory_space<semaphore_mem>>)
      %add3A_1008 = arith.constant 111 : i32
      %add3A_1009 = arith.addi %mul3A_10, %add3A_1008 : i32
      %get3A_1010 = arith.index_cast %add3A_1009 : i32 to index
      %get3A_1011 = memref.load %arg1[%get3A_1010] : memref<11776xi32, #tpu.memory_space<smem>>
      %dma_start3A_1012 = arith.constant 111 : i32
      %dma_start3A_1013 = arith.constant 0 : i32
      %dma_start3A_1014 = tpu.memref_slice %arg13[%dma_start3A_1012, %dma_start3A_1013] : memref<128x768xf32, #tpu.memory_space<vmem>> -> memref<1x768xf32, #tpu.memory_space<vmem>>
      %dma_start3A_1015 = arith.constant 0 : i32
      %dma_start3A_1016 = tpu.memref_slice %arg4[%get3A_1011, %dma_start3A_1015] : memref<8192x768xf32, #tpu.memory_space<hbm>> -> memref<1x768xf32, #tpu.memory_space<hbm>>
      tpu.enqueue_dma source(%dma_start3A_1016 : memref<1x768xf32, #tpu.memory_space<hbm>>) target(%dma_start3A_1014 : memref<1x768xf32, #tpu.memory_space<vmem>>) target_semaphore(%arg15 : memref<!tpu.dma_semaphore, #tpu.memory_space<semaphore_mem>>)
      %add3A_1017 = arith.constant 112 : i32
      %add3A_1018 = arith.addi %mul3A_10, %add3A_1017 : i32
      %get3A_1019 = arith.index_cast %add3A_1018 : i32 to index
      %get3A_1020 = memref.load %arg1[%get3A_1019] : memref<11776xi32, #tpu.memory_space<smem>>
      %dma_start3A_1021 = arith.constant 112 : i32
      %dma_start3A_1022 = arith.constant 0 : i32
      %dma_start3A_1023 = tpu.memref_slice %arg13[%dma_start3A_1021, %dma_start3A_1022] : memref<128x768xf32, #tpu.memory_space<vmem>> -> memref<1x768xf32, #tpu.memory_space<vmem>>
      %dma_start3A_1024 = arith.constant 0 : i32
      %dma_start3A_1025 = tpu.memref_slice %arg4[%get3A_1020, %dma_start3A_1024] : memref<8192x768xf32, #tpu.memory_space<hbm>> -> memref<1x768xf32, #tpu.memory_space<hbm>>
      tpu.enqueue_dma source(%dma_start3A_1025 : memref<1x768xf32, #tpu.memory_space<hbm>>) target(%dma_start3A_1023 : memref<1x768xf32, #tpu.memory_space<vmem>>) target_semaphore(%arg15 : memref<!tpu.dma_semaphore, #tpu.memory_space<semaphore_mem>>)
      %add3A_1026 = arith.constant 113 : i32
      %add3A_1027 = arith.addi %mul3A_10, %add3A_1026 : i32
      %get3A_1028 = arith.index_cast %add3A_1027 : i32 to index
      %get3A_1029 = memref.load %arg1[%get3A_1028] : memref<11776xi32, #tpu.memory_space<smem>>
      %dma_start3A_1030 = arith.constant 113 : i32
      %dma_start3A_1031 = arith.constant 0 : i32
      %dma_start3A_1032 = tpu.memref_slice %arg13[%dma_start3A_1030, %dma_start3A_1031] : memref<128x768xf32, #tpu.memory_space<vmem>> -> memref<1x768xf32, #tpu.memory_space<vmem>>
      %dma_start3A_1033 = arith.constant 0 : i32
      %dma_start3A_1034 = tpu.memref_slice %arg4[%get3A_1029, %dma_start3A_1033] : memref<8192x768xf32, #tpu.memory_space<hbm>> -> memref<1x768xf32, #tpu.memory_space<hbm>>
      tpu.enqueue_dma source(%dma_start3A_1034 : memref<1x768xf32, #tpu.memory_space<hbm>>) target(%dma_start3A_1032 : memref<1x768xf32, #tpu.memory_space<vmem>>) target_semaphore(%arg15 : memref<!tpu.dma_semaphore, #tpu.memory_space<semaphore_mem>>)
      %add3A_1035 = arith.constant 114 : i32
      %add3A_1036 = arith.addi %mul3A_10, %add3A_1035 : i32
      %get3A_1037 = arith.index_cast %add3A_1036 : i32 to index
      %get3A_1038 = memref.load %arg1[%get3A_1037] : memref<11776xi32, #tpu.memory_space<smem>>
      %dma_start3A_1039 = arith.constant 114 : i32
      %dma_start3A_1040 = arith.constant 0 : i32
      %dma_start3A_1041 = tpu.memref_slice %arg13[%dma_start3A_1039, %dma_start3A_1040] : memref<128x768xf32, #tpu.memory_space<vmem>> -> memref<1x768xf32, #tpu.memory_space<vmem>>
      %dma_start3A_1042 = arith.constant 0 : i32
      %dma_start3A_1043 = tpu.memref_slice %arg4[%get3A_1038, %dma_start3A_1042] : memref<8192x768xf32, #tpu.memory_space<hbm>> -> memref<1x768xf32, #tpu.memory_space<hbm>>
      tpu.enqueue_dma source(%dma_start3A_1043 : memref<1x768xf32, #tpu.memory_space<hbm>>) target(%dma_start3A_1041 : memref<1x768xf32, #tpu.memory_space<vmem>>) target_semaphore(%arg15 : memref<!tpu.dma_semaphore, #tpu.memory_space<semaphore_mem>>)
      %add3A_1044 = arith.constant 115 : i32
      %add3A_1045 = arith.addi %mul3A_10, %add3A_1044 : i32
      %get3A_1046 = arith.index_cast %add3A_1045 : i32 to index
      %get3A_1047 = memref.load %arg1[%get3A_1046] : memref<11776xi32, #tpu.memory_space<smem>>
      %dma_start3A_1048 = arith.constant 115 : i32
      %dma_start3A_1049 = arith.constant 0 : i32
      %dma_start3A_1050 = tpu.memref_slice %arg13[%dma_start3A_1048, %dma_start3A_1049] : memref<128x768xf32, #tpu.memory_space<vmem>> -> memref<1x768xf32, #tpu.memory_space<vmem>>
      %dma_start3A_1051 = arith.constant 0 : i32
      %dma_start3A_1052 = tpu.memref_slice %arg4[%get3A_1047, %dma_start3A_1051] : memref<8192x768xf32, #tpu.memory_space<hbm>> -> memref<1x768xf32, #tpu.memory_space<hbm>>
      tpu.enqueue_dma source(%dma_start3A_1052 : memref<1x768xf32, #tpu.memory_space<hbm>>) target(%dma_start3A_1050 : memref<1x768xf32, #tpu.memory_space<vmem>>) target_semaphore(%arg15 : memref<!tpu.dma_semaphore, #tpu.memory_space<semaphore_mem>>)
      %add3A_1053 = arith.constant 116 : i32
      %add3A_1054 = arith.addi %mul3A_10, %add3A_1053 : i32
      %get3A_1055 = arith.index_cast %add3A_1054 : i32 to index
      %get3A_1056 = memref.load %arg1[%get3A_1055] : memref<11776xi32, #tpu.memory_space<smem>>
      %dma_start3A_1057 = arith.constant 116 : i32
      %dma_start3A_1058 = arith.constant 0 : i32
      %dma_start3A_1059 = tpu.memref_slice %arg13[%dma_start3A_1057, %dma_start3A_1058] : memref<128x768xf32, #tpu.memory_space<vmem>> -> memref<1x768xf32, #tpu.memory_space<vmem>>
      %dma_start3A_1060 = arith.constant 0 : i32
      %dma_start3A_1061 = tpu.memref_slice %arg4[%get3A_1056, %dma_start3A_1060] : memref<8192x768xf32, #tpu.memory_space<hbm>> -> memref<1x768xf32, #tpu.memory_space<hbm>>
      tpu.enqueue_dma source(%dma_start3A_1061 : memref<1x768xf32, #tpu.memory_space<hbm>>) target(%dma_start3A_1059 : memref<1x768xf32, #tpu.memory_space<vmem>>) target_semaphore(%arg15 : memref<!tpu.dma_semaphore, #tpu.memory_space<semaphore_mem>>)
      %add3A_1062 = arith.constant 117 : i32
      %add3A_1063 = arith.addi %mul3A_10, %add3A_1062 : i32
      %get3A_1064 = arith.index_cast %add3A_1063 : i32 to index
      %get3A_1065 = memref.load %arg1[%get3A_1064] : memref<11776xi32, #tpu.memory_space<smem>>
      %dma_start3A_1066 = arith.constant 117 : i32
      %dma_start3A_1067 = arith.constant 0 : i32
      %dma_start3A_1068 = tpu.memref_slice %arg13[%dma_start3A_1066, %dma_start3A_1067] : memref<128x768xf32, #tpu.memory_space<vmem>> -> memref<1x768xf32, #tpu.memory_space<vmem>>
      %dma_start3A_1069 = arith.constant 0 : i32
      %dma_start3A_1070 = tpu.memref_slice %arg4[%get3A_1065, %dma_start3A_1069] : memref<8192x768xf32, #tpu.memory_space<hbm>> -> memref<1x768xf32, #tpu.memory_space<hbm>>
      tpu.enqueue_dma source(%dma_start3A_1070 : memref<1x768xf32, #tpu.memory_space<hbm>>) target(%dma_start3A_1068 : memref<1x768xf32, #tpu.memory_space<vmem>>) target_semaphore(%arg15 : memref<!tpu.dma_semaphore, #tpu.memory_space<semaphore_mem>>)
      %add3A_1071 = arith.constant 118 : i32
      %add3A_1072 = arith.addi %mul3A_10, %add3A_1071 : i32
      %get3A_1073 = arith.index_cast %add3A_1072 : i32 to index
      %get3A_1074 = memref.load %arg1[%get3A_1073] : memref<11776xi32, #tpu.memory_space<smem>>
      %dma_start3A_1075 = arith.constant 118 : i32
      %dma_start3A_1076 = arith.constant 0 : i32
      %dma_start3A_1077 = tpu.memref_slice %arg13[%dma_start3A_1075, %dma_start3A_1076] : memref<128x768xf32, #tpu.memory_space<vmem>> -> memref<1x768xf32, #tpu.memory_space<vmem>>
      %dma_start3A_1078 = arith.constant 0 : i32
      %dma_start3A_1079 = tpu.memref_slice %arg4[%get3A_1074, %dma_start3A_1078] : memref<8192x768xf32, #tpu.memory_space<hbm>> -> memref<1x768xf32, #tpu.memory_space<hbm>>
      tpu.enqueue_dma source(%dma_start3A_1079 : memref<1x768xf32, #tpu.memory_space<hbm>>) target(%dma_start3A_1077 : memref<1x768xf32, #tpu.memory_space<vmem>>) target_semaphore(%arg15 : memref<!tpu.dma_semaphore, #tpu.memory_space<semaphore_mem>>)
      %add3A_1080 = arith.constant 119 : i32
      %add3A_1081 = arith.addi %mul3A_10, %add3A_1080 : i32
      %get3A_1082 = arith.index_cast %add3A_1081 : i32 to index
      %get3A_1083 = memref.load %arg1[%get3A_1082] : memref<11776xi32, #tpu.memory_space<smem>>
      %dma_start3A_1084 = arith.constant 119 : i32
      %dma_start3A_1085 = arith.constant 0 : i32
      %dma_start3A_1086 = tpu.memref_slice %arg13[%dma_start3A_1084, %dma_start3A_1085] : memref<128x768xf32, #tpu.memory_space<vmem>> -> memref<1x768xf32, #tpu.memory_space<vmem>>
      %dma_start3A_1087 = arith.constant 0 : i32
      %dma_start3A_1088 = tpu.memref_slice %arg4[%get3A_1083, %dma_start3A_1087] : memref<8192x768xf32, #tpu.memory_space<hbm>> -> memref<1x768xf32, #tpu.memory_space<hbm>>
      tpu.enqueue_dma source(%dma_start3A_1088 : memref<1x768xf32, #tpu.memory_space<hbm>>) target(%dma_start3A_1086 : memref<1x768xf32, #tpu.memory_space<vmem>>) target_semaphore(%arg15 : memref<!tpu.dma_semaphore, #tpu.memory_space<semaphore_mem>>)
      %add3A_1089 = arith.constant 120 : i32
      %add3A_1090 = arith.addi %mul3A_10, %add3A_1089 : i32
      %get3A_1091 = arith.index_cast %add3A_1090 : i32 to index
      %get3A_1092 = memref.load %arg1[%get3A_1091] : memref<11776xi32, #tpu.memory_space<smem>>
      %dma_start3A_1093 = arith.constant 120 : i32
      %dma_start3A_1094 = arith.constant 0 : i32
      %dma_start3A_1095 = tpu.memref_slice %arg13[%dma_start3A_1093, %dma_start3A_1094] : memref<128x768xf32, #tpu.memory_space<vmem>> -> memref<1x768xf32, #tpu.memory_space<vmem>>
      %dma_start3A_1096 = arith.constant 0 : i32
      %dma_start3A_1097 = tpu.memref_slice %arg4[%get3A_1092, %dma_start3A_1096] : memref<8192x768xf32, #tpu.memory_space<hbm>> -> memref<1x768xf32, #tpu.memory_space<hbm>>
      tpu.enqueue_dma source(%dma_start3A_1097 : memref<1x768xf32, #tpu.memory_space<hbm>>) target(%dma_start3A_1095 : memref<1x768xf32, #tpu.memory_space<vmem>>) target_semaphore(%arg15 : memref<!tpu.dma_semaphore, #tpu.memory_space<semaphore_mem>>)
      %add3A_1098 = arith.constant 121 : i32
      %add3A_1099 = arith.addi %mul3A_10, %add3A_1098 : i32
      %get3A_1100 = arith.index_cast %add3A_1099 : i32 to index
      %get3A_1101 = memref.load %arg1[%get3A_1100] : memref<11776xi32, #tpu.memory_space<smem>>
      %dma_start3A_1102 = arith.constant 121 : i32
      %dma_start3A_1103 = arith.constant 0 : i32
      %dma_start3A_1104 = tpu.memref_slice %arg13[%dma_start3A_1102, %dma_start3A_1103] : memref<128x768xf32, #tpu.memory_space<vmem>> -> memref<1x768xf32, #tpu.memory_space<vmem>>
      %dma_start3A_1105 = arith.constant 0 : i32
      %dma_start3A_1106 = tpu.memref_slice %arg4[%get3A_1101, %dma_start3A_1105] : memref<8192x768xf32, #tpu.memory_space<hbm>> -> memref<1x768xf32, #tpu.memory_space<hbm>>
      tpu.enqueue_dma source(%dma_start3A_1106 : memref<1x768xf32, #tpu.memory_space<hbm>>) target(%dma_start3A_1104 : memref<1x768xf32, #tpu.memory_space<vmem>>) target_semaphore(%arg15 : memref<!tpu.dma_semaphore, #tpu.memory_space<semaphore_mem>>)
      %add3A_1107 = arith.constant 122 : i32
      %add3A_1108 = arith.addi %mul3A_10, %add3A_1107 : i32
      %get3A_1109 = arith.index_cast %add3A_1108 : i32 to index
      %get3A_1110 = memref.load %arg1[%get3A_1109] : memref<11776xi32, #tpu.memory_space<smem>>
      %dma_start3A_1111 = arith.constant 122 : i32
      %dma_start3A_1112 = arith.constant 0 : i32
      %dma_start3A_1113 = tpu.memref_slice %arg13[%dma_start3A_1111, %dma_start3A_1112] : memref<128x768xf32, #tpu.memory_space<vmem>> -> memref<1x768xf32, #tpu.memory_space<vmem>>
      %dma_start3A_1114 = arith.constant 0 : i32
      %dma_start3A_1115 = tpu.memref_slice %arg4[%get3A_1110, %dma_start3A_1114] : memref<8192x768xf32, #tpu.memory_space<hbm>> -> memref<1x768xf32, #tpu.memory_space<hbm>>
      tpu.enqueue_dma source(%dma_start3A_1115 : memref<1x768xf32, #tpu.memory_space<hbm>>) target(%dma_start3A_1113 : memref<1x768xf32, #tpu.memory_space<vmem>>) target_semaphore(%arg15 : memref<!tpu.dma_semaphore, #tpu.memory_space<semaphore_mem>>)
      %add3A_1116 = arith.constant 123 : i32
      %add3A_1117 = arith.addi %mul3A_10, %add3A_1116 : i32
      %get3A_1118 = arith.index_cast %add3A_1117 : i32 to index
      %get3A_1119 = memref.load %arg1[%get3A_1118] : memref<11776xi32, #tpu.memory_space<smem>>
      %dma_start3A_1120 = arith.constant 123 : i32
      %dma_start3A_1121 = arith.constant 0 : i32
      %dma_start3A_1122 = tpu.memref_slice %arg13[%dma_start3A_1120, %dma_start3A_1121] : memref<128x768xf32, #tpu.memory_space<vmem>> -> memref<1x768xf32, #tpu.memory_space<vmem>>
      %dma_start3A_1123 = arith.constant 0 : i32
      %dma_start3A_1124 = tpu.memref_slice %arg4[%get3A_1119, %dma_start3A_1123] : memref<8192x768xf32, #tpu.memory_space<hbm>> -> memref<1x768xf32, #tpu.memory_space<hbm>>
      tpu.enqueue_dma source(%dma_start3A_1124 : memref<1x768xf32, #tpu.memory_space<hbm>>) target(%dma_start3A_1122 : memref<1x768xf32, #tpu.memory_space<vmem>>) target_semaphore(%arg15 : memref<!tpu.dma_semaphore, #tpu.memory_space<semaphore_mem>>)
      %add3A_1125 = arith.constant 124 : i32
      %add3A_1126 = arith.addi %mul3A_10, %add3A_1125 : i32
      %get3A_1127 = arith.index_cast %add3A_1126 : i32 to index
      %get3A_1128 = memref.load %arg1[%get3A_1127] : memref<11776xi32, #tpu.memory_space<smem>>
      %dma_start3A_1129 = arith.constant 124 : i32
      %dma_start3A_1130 = arith.constant 0 : i32
      %dma_start3A_1131 = tpu.memref_slice %arg13[%dma_start3A_1129, %dma_start3A_1130] : memref<128x768xf32, #tpu.memory_space<vmem>> -> memref<1x768xf32, #tpu.memory_space<vmem>>
      %dma_start3A_1132 = arith.constant 0 : i32
      %dma_start3A_1133 = tpu.memref_slice %arg4[%get3A_1128, %dma_start3A_1132] : memref<8192x768xf32, #tpu.memory_space<hbm>> -> memref<1x768xf32, #tpu.memory_space<hbm>>
      tpu.enqueue_dma source(%dma_start3A_1133 : memref<1x768xf32, #tpu.memory_space<hbm>>) target(%dma_start3A_1131 : memref<1x768xf32, #tpu.memory_space<vmem>>) target_semaphore(%arg15 : memref<!tpu.dma_semaphore, #tpu.memory_space<semaphore_mem>>)
      %add3A_1134 = arith.constant 125 : i32
      %add3A_1135 = arith.addi %mul3A_10, %add3A_1134 : i32
      %get3A_1136 = arith.index_cast %add3A_1135 : i32 to index
      %get3A_1137 = memref.load %arg1[%get3A_1136] : memref<11776xi32, #tpu.memory_space<smem>>
      %dma_start3A_1138 = arith.constant 125 : i32
      %dma_start3A_1139 = arith.constant 0 : i32
      %dma_start3A_1140 = tpu.memref_slice %arg13[%dma_start3A_1138, %dma_start3A_1139] : memref<128x768xf32, #tpu.memory_space<vmem>> -> memref<1x768xf32, #tpu.memory_space<vmem>>
      %dma_start3A_1141 = arith.constant 0 : i32
      %dma_start3A_1142 = tpu.memref_slice %arg4[%get3A_1137, %dma_start3A_1141] : memref<8192x768xf32, #tpu.memory_space<hbm>> -> memref<1x768xf32, #tpu.memory_space<hbm>>
      tpu.enqueue_dma source(%dma_start3A_1142 : memref<1x768xf32, #tpu.memory_space<hbm>>) target(%dma_start3A_1140 : memref<1x768xf32, #tpu.memory_space<vmem>>) target_semaphore(%arg15 : memref<!tpu.dma_semaphore, #tpu.memory_space<semaphore_mem>>)
      %add3A_1143 = arith.constant 126 : i32
      %add3A_1144 = arith.addi %mul3A_10, %add3A_1143 : i32
      %get3A_1145 = arith.index_cast %add3A_1144 : i32 to index
      %get3A_1146 = memref.load %arg1[%get3A_1145] : memref<11776xi32, #tpu.memory_space<smem>>
      %dma_start3A_1147 = arith.constant 126 : i32
      %dma_start3A_1148 = arith.constant 0 : i32
      %dma_start3A_1149 = tpu.memref_slice %arg13[%dma_start3A_1147, %dma_start3A_1148] : memref<128x768xf32, #tpu.memory_space<vmem>> -> memref<1x768xf32, #tpu.memory_space<vmem>>
      %dma_start3A_1150 = arith.constant 0 : i32
      %dma_start3A_1151 = tpu.memref_slice %arg4[%get3A_1146, %dma_start3A_1150] : memref<8192x768xf32, #tpu.memory_space<hbm>> -> memref<1x768xf32, #tpu.memory_space<hbm>>
      tpu.enqueue_dma source(%dma_start3A_1151 : memref<1x768xf32, #tpu.memory_space<hbm>>) target(%dma_start3A_1149 : memref<1x768xf32, #tpu.memory_space<vmem>>) target_semaphore(%arg15 : memref<!tpu.dma_semaphore, #tpu.memory_space<semaphore_mem>>)
      %add3A_1152 = arith.constant 127 : i32
      %add3A_1153 = arith.addi %mul3A_10, %add3A_1152 : i32
      %get3A_1154 = arith.index_cast %add3A_1153 : i32 to index
      %get3A_1155 = memref.load %arg1[%get3A_1154] : memref<11776xi32, #tpu.memory_space<smem>>
      %dma_start3A_1156 = arith.constant 127 : i32
      %dma_start3A_1157 = arith.constant 0 : i32
      %dma_start3A_1158 = tpu.memref_slice %arg13[%dma_start3A_1156, %dma_start3A_1157] : memref<128x768xf32, #tpu.memory_space<vmem>> -> memref<1x768xf32, #tpu.memory_space<vmem>>
      %dma_start3A_1159 = arith.constant 0 : i32
      %dma_start3A_1160 = tpu.memref_slice %arg4[%get3A_1155, %dma_start3A_1159] : memref<8192x768xf32, #tpu.memory_space<hbm>> -> memref<1x768xf32, #tpu.memory_space<hbm>>
      tpu.enqueue_dma source(%dma_start3A_1160 : memref<1x768xf32, #tpu.memory_space<hbm>>) target(%dma_start3A_1158 : memref<1x768xf32, #tpu.memory_space<vmem>>) target_semaphore(%arg15 : memref<!tpu.dma_semaphore, #tpu.memory_space<semaphore_mem>>)
      %dma_wait3A = arith.constant 0 : i32
      %dma_wait3A_1161 = arith.constant 0 : i32
      %dma_wait3A_1162 = tpu.memref_slice %arg13[%dma_wait3A, %dma_wait3A_1161] : memref<128x768xf32, #tpu.memory_space<vmem>> -> memref<1x768xf32, #tpu.memory_space<vmem>>
      %dma_wait3A_1163 = arith.constant 0 : i32
      %dma_wait3A_1164 = arith.constant 0 : i32
      %dma_wait3A_1165 = tpu.memref_slice %arg4[%dma_wait3A_1163, %dma_wait3A_1164] : memref<8192x768xf32, #tpu.memory_space<hbm>> -> memref<1x768xf32, #tpu.memory_space<hbm>>
      tpu.wait_dma2 semaphore(%arg15 : memref<!tpu.dma_semaphore, #tpu.memory_space<semaphore_mem>>) src(%dma_wait3A_1165 : memref<1x768xf32, #tpu.memory_space<hbm>>) dst(%dma_wait3A_1162 : memref<1x768xf32, #tpu.memory_space<vmem>>)
      %dma_wait3A_1166 = arith.constant 1 : i32
      %dma_wait3A_1167 = arith.constant 0 : i32
      %dma_wait3A_1168 = tpu.memref_slice %arg13[%dma_wait3A_1166, %dma_wait3A_1167] : memref<128x768xf32, #tpu.memory_space<vmem>> -> memref<1x768xf32, #tpu.memory_space<vmem>>
      %dma_wait3A_1169 = arith.constant 0 : i32
      %dma_wait3A_1170 = arith.constant 0 : i32
      %dma_wait3A_1171 = tpu.memref_slice %arg4[%dma_wait3A_1169, %dma_wait3A_1170] : memref<8192x768xf32, #tpu.memory_space<hbm>> -> memref<1x768xf32, #tpu.memory_space<hbm>>
      tpu.wait_dma2 semaphore(%arg15 : memref<!tpu.dma_semaphore, #tpu.memory_space<semaphore_mem>>) src(%dma_wait3A_1171 : memref<1x768xf32, #tpu.memory_space<hbm>>) dst(%dma_wait3A_1168 : memref<1x768xf32, #tpu.memory_space<vmem>>)
      %dma_wait3A_1172 = arith.constant 2 : i32
      %dma_wait3A_1173 = arith.constant 0 : i32
      %dma_wait3A_1174 = tpu.memref_slice %arg13[%dma_wait3A_1172, %dma_wait3A_1173] : memref<128x768xf32, #tpu.memory_space<vmem>> -> memref<1x768xf32, #tpu.memory_space<vmem>>
      %dma_wait3A_1175 = arith.constant 0 : i32
      %dma_wait3A_1176 = arith.constant 0 : i32
      %dma_wait3A_1177 = tpu.memref_slice %arg4[%dma_wait3A_1175, %dma_wait3A_1176] : memref<8192x768xf32, #tpu.memory_space<hbm>> -> memref<1x768xf32, #tpu.memory_space<hbm>>
      tpu.wait_dma2 semaphore(%arg15 : memref<!tpu.dma_semaphore, #tpu.memory_space<semaphore_mem>>) src(%dma_wait3A_1177 : memref<1x768xf32, #tpu.memory_space<hbm>>) dst(%dma_wait3A_1174 : memref<1x768xf32, #tpu.memory_space<vmem>>)
      %dma_wait3A_1178 = arith.constant 3 : i32
      %dma_wait3A_1179 = arith.constant 0 : i32
      %dma_wait3A_1180 = tpu.memref_slice %arg13[%dma_wait3A_1178, %dma_wait3A_1179] : memref<128x768xf32, #tpu.memory_space<vmem>> -> memref<1x768xf32, #tpu.memory_space<vmem>>
      %dma_wait3A_1181 = arith.constant 0 : i32
      %dma_wait3A_1182 = arith.constant 0 : i32
      %dma_wait3A_1183 = tpu.memref_slice %arg4[%dma_wait3A_1181, %dma_wait3A_1182] : memref<8192x768xf32, #tpu.memory_space<hbm>> -> memref<1x768xf32, #tpu.memory_space<hbm>>
      tpu.wait_dma2 semaphore(%arg15 : memref<!tpu.dma_semaphore, #tpu.memory_space<semaphore_mem>>) src(%dma_wait3A_1183 : memref<1x768xf32, #tpu.memory_space<hbm>>) dst(%dma_wait3A_1180 : memref<1x768xf32, #tpu.memory_space<vmem>>)
      %dma_wait3A_1184 = arith.constant 4 : i32
      %dma_wait3A_1185 = arith.constant 0 : i32
      %dma_wait3A_1186 = tpu.memref_slice %arg13[%dma_wait3A_1184, %dma_wait3A_1185] : memref<128x768xf32, #tpu.memory_space<vmem>> -> memref<1x768xf32, #tpu.memory_space<vmem>>
      %dma_wait3A_1187 = arith.constant 0 : i32
      %dma_wait3A_1188 = arith.constant 0 : i32
      %dma_wait3A_1189 = tpu.memref_slice %arg4[%dma_wait3A_1187, %dma_wait3A_1188] : memref<8192x768xf32, #tpu.memory_space<hbm>> -> memref<1x768xf32, #tpu.memory_space<hbm>>
      tpu.wait_dma2 semaphore(%arg15 : memref<!tpu.dma_semaphore, #tpu.memory_space<semaphore_mem>>) src(%dma_wait3A_1189 : memref<1x768xf32, #tpu.memory_space<hbm>>) dst(%dma_wait3A_1186 : memref<1x768xf32, #tpu.memory_space<vmem>>)
      %dma_wait3A_1190 = arith.constant 5 : i32
      %dma_wait3A_1191 = arith.constant 0 : i32
      %dma_wait3A_1192 = tpu.memref_slice %arg13[%dma_wait3A_1190, %dma_wait3A_1191] : memref<128x768xf32, #tpu.memory_space<vmem>> -> memref<1x768xf32, #tpu.memory_space<vmem>>
      %dma_wait3A_1193 = arith.constant 0 : i32
      %dma_wait3A_1194 = arith.constant 0 : i32
      %dma_wait3A_1195 = tpu.memref_slice %arg4[%dma_wait3A_1193, %dma_wait3A_1194] : memref<8192x768xf32, #tpu.memory_space<hbm>> -> memref<1x768xf32, #tpu.memory_space<hbm>>
      tpu.wait_dma2 semaphore(%arg15 : memref<!tpu.dma_semaphore, #tpu.memory_space<semaphore_mem>>) src(%dma_wait3A_1195 : memref<1x768xf32, #tpu.memory_space<hbm>>) dst(%dma_wait3A_1192 : memref<1x768xf32, #tpu.memory_space<vmem>>)
      %dma_wait3A_1196 = arith.constant 6 : i32
      %dma_wait3A_1197 = arith.constant 0 : i32
      %dma_wait3A_1198 = tpu.memref_slice %arg13[%dma_wait3A_1196, %dma_wait3A_1197] : memref<128x768xf32, #tpu.memory_space<vmem>> -> memref<1x768xf32, #tpu.memory_space<vmem>>
      %dma_wait3A_1199 = arith.constant 0 : i32
      %dma_wait3A_1200 = arith.constant 0 : i32
      %dma_wait3A_1201 = tpu.memref_slice %arg4[%dma_wait3A_1199, %dma_wait3A_1200] : memref<8192x768xf32, #tpu.memory_space<hbm>> -> memref<1x768xf32, #tpu.memory_space<hbm>>
      tpu.wait_dma2 semaphore(%arg15 : memref<!tpu.dma_semaphore, #tpu.memory_space<semaphore_mem>>) src(%dma_wait3A_1201 : memref<1x768xf32, #tpu.memory_space<hbm>>) dst(%dma_wait3A_1198 : memref<1x768xf32, #tpu.memory_space<vmem>>)
      %dma_wait3A_1202 = arith.constant 7 : i32
      %dma_wait3A_1203 = arith.constant 0 : i32
      %dma_wait3A_1204 = tpu.memref_slice %arg13[%dma_wait3A_1202, %dma_wait3A_1203] : memref<128x768xf32, #tpu.memory_space<vmem>> -> memref<1x768xf32, #tpu.memory_space<vmem>>
      %dma_wait3A_1205 = arith.constant 0 : i32
      %dma_wait3A_1206 = arith.constant 0 : i32
      %dma_wait3A_1207 = tpu.memref_slice %arg4[%dma_wait3A_1205, %dma_wait3A_1206] : memref<8192x768xf32, #tpu.memory_space<hbm>> -> memref<1x768xf32, #tpu.memory_space<hbm>>
      tpu.wait_dma2 semaphore(%arg15 : memref<!tpu.dma_semaphore, #tpu.memory_space<semaphore_mem>>) src(%dma_wait3A_1207 : memref<1x768xf32, #tpu.memory_space<hbm>>) dst(%dma_wait3A_1204 : memref<1x768xf32, #tpu.memory_space<vmem>>)
      %dma_wait3A_1208 = arith.constant 8 : i32
      %dma_wait3A_1209 = arith.constant 0 : i32
      %dma_wait3A_1210 = tpu.memref_slice %arg13[%dma_wait3A_1208, %dma_wait3A_1209] : memref<128x768xf32, #tpu.memory_space<vmem>> -> memref<1x768xf32, #tpu.memory_space<vmem>>
      %dma_wait3A_1211 = arith.constant 0 : i32
      %dma_wait3A_1212 = arith.constant 0 : i32
      %dma_wait3A_1213 = tpu.memref_slice %arg4[%dma_wait3A_1211, %dma_wait3A_1212] : memref<8192x768xf32, #tpu.memory_space<hbm>> -> memref<1x768xf32, #tpu.memory_space<hbm>>
      tpu.wait_dma2 semaphore(%arg15 : memref<!tpu.dma_semaphore, #tpu.memory_space<semaphore_mem>>) src(%dma_wait3A_1213 : memref<1x768xf32, #tpu.memory_space<hbm>>) dst(%dma_wait3A_1210 : memref<1x768xf32, #tpu.memory_space<vmem>>)
      %dma_wait3A_1214 = arith.constant 9 : i32
      %dma_wait3A_1215 = arith.constant 0 : i32
      %dma_wait3A_1216 = tpu.memref_slice %arg13[%dma_wait3A_1214, %dma_wait3A_1215] : memref<128x768xf32, #tpu.memory_space<vmem>> -> memref<1x768xf32, #tpu.memory_space<vmem>>
      %dma_wait3A_1217 = arith.constant 0 : i32
      %dma_wait3A_1218 = arith.constant 0 : i32
      %dma_wait3A_1219 = tpu.memref_slice %arg4[%dma_wait3A_1217, %dma_wait3A_1218] : memref<8192x768xf32, #tpu.memory_space<hbm>> -> memref<1x768xf32, #tpu.memory_space<hbm>>
      tpu.wait_dma2 semaphore(%arg15 : memref<!tpu.dma_semaphore, #tpu.memory_space<semaphore_mem>>) src(%dma_wait3A_1219 : memref<1x768xf32, #tpu.memory_space<hbm>>) dst(%dma_wait3A_1216 : memref<1x768xf32, #tpu.memory_space<vmem>>)
      %dma_wait3A_1220 = arith.constant 10 : i32
      %dma_wait3A_1221 = arith.constant 0 : i32
      %dma_wait3A_1222 = tpu.memref_slice %arg13[%dma_wait3A_1220, %dma_wait3A_1221] : memref<128x768xf32, #tpu.memory_space<vmem>> -> memref<1x768xf32, #tpu.memory_space<vmem>>
      %dma_wait3A_1223 = arith.constant 0 : i32
      %dma_wait3A_1224 = arith.constant 0 : i32
      %dma_wait3A_1225 = tpu.memref_slice %arg4[%dma_wait3A_1223, %dma_wait3A_1224] : memref<8192x768xf32, #tpu.memory_space<hbm>> -> memref<1x768xf32, #tpu.memory_space<hbm>>
      tpu.wait_dma2 semaphore(%arg15 : memref<!tpu.dma_semaphore, #tpu.memory_space<semaphore_mem>>) src(%dma_wait3A_1225 : memref<1x768xf32, #tpu.memory_space<hbm>>) dst(%dma_wait3A_1222 : memref<1x768xf32, #tpu.memory_space<vmem>>)
      %dma_wait3A_1226 = arith.constant 11 : i32
      %dma_wait3A_1227 = arith.constant 0 : i32
      %dma_wait3A_1228 = tpu.memref_slice %arg13[%dma_wait3A_1226, %dma_wait3A_1227] : memref<128x768xf32, #tpu.memory_space<vmem>> -> memref<1x768xf32, #tpu.memory_space<vmem>>
      %dma_wait3A_1229 = arith.constant 0 : i32
      %dma_wait3A_1230 = arith.constant 0 : i32
      %dma_wait3A_1231 = tpu.memref_slice %arg4[%dma_wait3A_1229, %dma_wait3A_1230] : memref<8192x768xf32, #tpu.memory_space<hbm>> -> memref<1x768xf32, #tpu.memory_space<hbm>>
      tpu.wait_dma2 semaphore(%arg15 : memref<!tpu.dma_semaphore, #tpu.memory_space<semaphore_mem>>) src(%dma_wait3A_1231 : memref<1x768xf32, #tpu.memory_space<hbm>>) dst(%dma_wait3A_1228 : memref<1x768xf32, #tpu.memory_space<vmem>>)
      %dma_wait3A_1232 = arith.constant 12 : i32
      %dma_wait3A_1233 = arith.constant 0 : i32
      %dma_wait3A_1234 = tpu.memref_slice %arg13[%dma_wait3A_1232, %dma_wait3A_1233] : memref<128x768xf32, #tpu.memory_space<vmem>> -> memref<1x768xf32, #tpu.memory_space<vmem>>
      %dma_wait3A_1235 = arith.constant 0 : i32
      %dma_wait3A_1236 = arith.constant 0 : i32
      %dma_wait3A_1237 = tpu.memref_slice %arg4[%dma_wait3A_1235, %dma_wait3A_1236] : memref<8192x768xf32, #tpu.memory_space<hbm>> -> memref<1x768xf32, #tpu.memory_space<hbm>>
      tpu.wait_dma2 semaphore(%arg15 : memref<!tpu.dma_semaphore, #tpu.memory_space<semaphore_mem>>) src(%dma_wait3A_1237 : memref<1x768xf32, #tpu.memory_space<hbm>>) dst(%dma_wait3A_1234 : memref<1x768xf32, #tpu.memory_space<vmem>>)
      %dma_wait3A_1238 = arith.constant 13 : i32
      %dma_wait3A_1239 = arith.constant 0 : i32
      %dma_wait3A_1240 = tpu.memref_slice %arg13[%dma_wait3A_1238, %dma_wait3A_1239] : memref<128x768xf32, #tpu.memory_space<vmem>> -> memref<1x768xf32, #tpu.memory_space<vmem>>
      %dma_wait3A_1241 = arith.constant 0 : i32
      %dma_wait3A_1242 = arith.constant 0 : i32
      %dma_wait3A_1243 = tpu.memref_slice %arg4[%dma_wait3A_1241, %dma_wait3A_1242] : memref<8192x768xf32, #tpu.memory_space<hbm>> -> memref<1x768xf32, #tpu.memory_space<hbm>>
      tpu.wait_dma2 semaphore(%arg15 : memref<!tpu.dma_semaphore, #tpu.memory_space<semaphore_mem>>) src(%dma_wait3A_1243 : memref<1x768xf32, #tpu.memory_space<hbm>>) dst(%dma_wait3A_1240 : memref<1x768xf32, #tpu.memory_space<vmem>>)
      %dma_wait3A_1244 = arith.constant 14 : i32
      %dma_wait3A_1245 = arith.constant 0 : i32
      %dma_wait3A_1246 = tpu.memref_slice %arg13[%dma_wait3A_1244, %dma_wait3A_1245] : memref<128x768xf32, #tpu.memory_space<vmem>> -> memref<1x768xf32, #tpu.memory_space<vmem>>
      %dma_wait3A_1247 = arith.constant 0 : i32
      %dma_wait3A_1248 = arith.constant 0 : i32
      %dma_wait3A_1249 = tpu.memref_slice %arg4[%dma_wait3A_1247, %dma_wait3A_1248] : memref<8192x768xf32, #tpu.memory_space<hbm>> -> memref<1x768xf32, #tpu.memory_space<hbm>>
      tpu.wait_dma2 semaphore(%arg15 : memref<!tpu.dma_semaphore, #tpu.memory_space<semaphore_mem>>) src(%dma_wait3A_1249 : memref<1x768xf32, #tpu.memory_space<hbm>>) dst(%dma_wait3A_1246 : memref<1x768xf32, #tpu.memory_space<vmem>>)
      %dma_wait3A_1250 = arith.constant 15 : i32
      %dma_wait3A_1251 = arith.constant 0 : i32
      %dma_wait3A_1252 = tpu.memref_slice %arg13[%dma_wait3A_1250, %dma_wait3A_1251] : memref<128x768xf32, #tpu.memory_space<vmem>> -> memref<1x768xf32, #tpu.memory_space<vmem>>
      %dma_wait3A_1253 = arith.constant 0 : i32
      %dma_wait3A_1254 = arith.constant 0 : i32
      %dma_wait3A_1255 = tpu.memref_slice %arg4[%dma_wait3A_1253, %dma_wait3A_1254] : memref<8192x768xf32, #tpu.memory_space<hbm>> -> memref<1x768xf32, #tpu.memory_space<hbm>>
      tpu.wait_dma2 semaphore(%arg15 : memref<!tpu.dma_semaphore, #tpu.memory_space<semaphore_mem>>) src(%dma_wait3A_1255 : memref<1x768xf32, #tpu.memory_space<hbm>>) dst(%dma_wait3A_1252 : memref<1x768xf32, #tpu.memory_space<vmem>>)
      %dma_wait3A_1256 = arith.constant 16 : i32
      %dma_wait3A_1257 = arith.constant 0 : i32
      %dma_wait3A_1258 = tpu.memref_slice %arg13[%dma_wait3A_1256, %dma_wait3A_1257] : memref<128x768xf32, #tpu.memory_space<vmem>> -> memref<1x768xf32, #tpu.memory_space<vmem>>
      %dma_wait3A_1259 = arith.constant 0 : i32
      %dma_wait3A_1260 = arith.constant 0 : i32
      %dma_wait3A_1261 = tpu.memref_slice %arg4[%dma_wait3A_1259, %dma_wait3A_1260] : memref<8192x768xf32, #tpu.memory_space<hbm>> -> memref<1x768xf32, #tpu.memory_space<hbm>>
      tpu.wait_dma2 semaphore(%arg15 : memref<!tpu.dma_semaphore, #tpu.memory_space<semaphore_mem>>) src(%dma_wait3A_1261 : memref<1x768xf32, #tpu.memory_space<hbm>>) dst(%dma_wait3A_1258 : memref<1x768xf32, #tpu.memory_space<vmem>>)
      %dma_wait3A_1262 = arith.constant 17 : i32
      %dma_wait3A_1263 = arith.constant 0 : i32
      %dma_wait3A_1264 = tpu.memref_slice %arg13[%dma_wait3A_1262, %dma_wait3A_1263] : memref<128x768xf32, #tpu.memory_space<vmem>> -> memref<1x768xf32, #tpu.memory_space<vmem>>
      %dma_wait3A_1265 = arith.constant 0 : i32
      %dma_wait3A_1266 = arith.constant 0 : i32
      %dma_wait3A_1267 = tpu.memref_slice %arg4[%dma_wait3A_1265, %dma_wait3A_1266] : memref<8192x768xf32, #tpu.memory_space<hbm>> -> memref<1x768xf32, #tpu.memory_space<hbm>>
      tpu.wait_dma2 semaphore(%arg15 : memref<!tpu.dma_semaphore, #tpu.memory_space<semaphore_mem>>) src(%dma_wait3A_1267 : memref<1x768xf32, #tpu.memory_space<hbm>>) dst(%dma_wait3A_1264 : memref<1x768xf32, #tpu.memory_space<vmem>>)
      %dma_wait3A_1268 = arith.constant 18 : i32
      %dma_wait3A_1269 = arith.constant 0 : i32
      %dma_wait3A_1270 = tpu.memref_slice %arg13[%dma_wait3A_1268, %dma_wait3A_1269] : memref<128x768xf32, #tpu.memory_space<vmem>> -> memref<1x768xf32, #tpu.memory_space<vmem>>
      %dma_wait3A_1271 = arith.constant 0 : i32
      %dma_wait3A_1272 = arith.constant 0 : i32
      %dma_wait3A_1273 = tpu.memref_slice %arg4[%dma_wait3A_1271, %dma_wait3A_1272] : memref<8192x768xf32, #tpu.memory_space<hbm>> -> memref<1x768xf32, #tpu.memory_space<hbm>>
      tpu.wait_dma2 semaphore(%arg15 : memref<!tpu.dma_semaphore, #tpu.memory_space<semaphore_mem>>) src(%dma_wait3A_1273 : memref<1x768xf32, #tpu.memory_space<hbm>>) dst(%dma_wait3A_1270 : memref<1x768xf32, #tpu.memory_space<vmem>>)
      %dma_wait3A_1274 = arith.constant 19 : i32
      %dma_wait3A_1275 = arith.constant 0 : i32
      %dma_wait3A_1276 = tpu.memref_slice %arg13[%dma_wait3A_1274, %dma_wait3A_1275] : memref<128x768xf32, #tpu.memory_space<vmem>> -> memref<1x768xf32, #tpu.memory_space<vmem>>
      %dma_wait3A_1277 = arith.constant 0 : i32
      %dma_wait3A_1278 = arith.constant 0 : i32
      %dma_wait3A_1279 = tpu.memref_slice %arg4[%dma_wait3A_1277, %dma_wait3A_1278] : memref<8192x768xf32, #tpu.memory_space<hbm>> -> memref<1x768xf32, #tpu.memory_space<hbm>>
      tpu.wait_dma2 semaphore(%arg15 : memref<!tpu.dma_semaphore, #tpu.memory_space<semaphore_mem>>) src(%dma_wait3A_1279 : memref<1x768xf32, #tpu.memory_space<hbm>>) dst(%dma_wait3A_1276 : memref<1x768xf32, #tpu.memory_space<vmem>>)
      %dma_wait3A_1280 = arith.constant 20 : i32
      %dma_wait3A_1281 = arith.constant 0 : i32
      %dma_wait3A_1282 = tpu.memref_slice %arg13[%dma_wait3A_1280, %dma_wait3A_1281] : memref<128x768xf32, #tpu.memory_space<vmem>> -> memref<1x768xf32, #tpu.memory_space<vmem>>
      %dma_wait3A_1283 = arith.constant 0 : i32
      %dma_wait3A_1284 = arith.constant 0 : i32
      %dma_wait3A_1285 = tpu.memref_slice %arg4[%dma_wait3A_1283, %dma_wait3A_1284] : memref<8192x768xf32, #tpu.memory_space<hbm>> -> memref<1x768xf32, #tpu.memory_space<hbm>>
      tpu.wait_dma2 semaphore(%arg15 : memref<!tpu.dma_semaphore, #tpu.memory_space<semaphore_mem>>) src(%dma_wait3A_1285 : memref<1x768xf32, #tpu.memory_space<hbm>>) dst(%dma_wait3A_1282 : memref<1x768xf32, #tpu.memory_space<vmem>>)
      %dma_wait3A_1286 = arith.constant 21 : i32
      %dma_wait3A_1287 = arith.constant 0 : i32
      %dma_wait3A_1288 = tpu.memref_slice %arg13[%dma_wait3A_1286, %dma_wait3A_1287] : memref<128x768xf32, #tpu.memory_space<vmem>> -> memref<1x768xf32, #tpu.memory_space<vmem>>
      %dma_wait3A_1289 = arith.constant 0 : i32
      %dma_wait3A_1290 = arith.constant 0 : i32
      %dma_wait3A_1291 = tpu.memref_slice %arg4[%dma_wait3A_1289, %dma_wait3A_1290] : memref<8192x768xf32, #tpu.memory_space<hbm>> -> memref<1x768xf32, #tpu.memory_space<hbm>>
      tpu.wait_dma2 semaphore(%arg15 : memref<!tpu.dma_semaphore, #tpu.memory_space<semaphore_mem>>) src(%dma_wait3A_1291 : memref<1x768xf32, #tpu.memory_space<hbm>>) dst(%dma_wait3A_1288 : memref<1x768xf32, #tpu.memory_space<vmem>>)
      %dma_wait3A_1292 = arith.constant 22 : i32
      %dma_wait3A_1293 = arith.constant 0 : i32
      %dma_wait3A_1294 = tpu.memref_slice %arg13[%dma_wait3A_1292, %dma_wait3A_1293] : memref<128x768xf32, #tpu.memory_space<vmem>> -> memref<1x768xf32, #tpu.memory_space<vmem>>
      %dma_wait3A_1295 = arith.constant 0 : i32
      %dma_wait3A_1296 = arith.constant 0 : i32
      %dma_wait3A_1297 = tpu.memref_slice %arg4[%dma_wait3A_1295, %dma_wait3A_1296] : memref<8192x768xf32, #tpu.memory_space<hbm>> -> memref<1x768xf32, #tpu.memory_space<hbm>>
      tpu.wait_dma2 semaphore(%arg15 : memref<!tpu.dma_semaphore, #tpu.memory_space<semaphore_mem>>) src(%dma_wait3A_1297 : memref<1x768xf32, #tpu.memory_space<hbm>>) dst(%dma_wait3A_1294 : memref<1x768xf32, #tpu.memory_space<vmem>>)
      %dma_wait3A_1298 = arith.constant 23 : i32
      %dma_wait3A_1299 = arith.constant 0 : i32
      %dma_wait3A_1300 = tpu.memref_slice %arg13[%dma_wait3A_1298, %dma_wait3A_1299] : memref<128x768xf32, #tpu.memory_space<vmem>> -> memref<1x768xf32, #tpu.memory_space<vmem>>
      %dma_wait3A_1301 = arith.constant 0 : i32
      %dma_wait3A_1302 = arith.constant 0 : i32
      %dma_wait3A_1303 = tpu.memref_slice %arg4[%dma_wait3A_1301, %dma_wait3A_1302] : memref<8192x768xf32, #tpu.memory_space<hbm>> -> memref<1x768xf32, #tpu.memory_space<hbm>>
      tpu.wait_dma2 semaphore(%arg15 : memref<!tpu.dma_semaphore, #tpu.memory_space<semaphore_mem>>) src(%dma_wait3A_1303 : memref<1x768xf32, #tpu.memory_space<hbm>>) dst(%dma_wait3A_1300 : memref<1x768xf32, #tpu.memory_space<vmem>>)
      %dma_wait3A_1304 = arith.constant 24 : i32
      %dma_wait3A_1305 = arith.constant 0 : i32
      %dma_wait3A_1306 = tpu.memref_slice %arg13[%dma_wait3A_1304, %dma_wait3A_1305] : memref<128x768xf32, #tpu.memory_space<vmem>> -> memref<1x768xf32, #tpu.memory_space<vmem>>
      %dma_wait3A_1307 = arith.constant 0 : i32
      %dma_wait3A_1308 = arith.constant 0 : i32
      %dma_wait3A_1309 = tpu.memref_slice %arg4[%dma_wait3A_1307, %dma_wait3A_1308] : memref<8192x768xf32, #tpu.memory_space<hbm>> -> memref<1x768xf32, #tpu.memory_space<hbm>>
      tpu.wait_dma2 semaphore(%arg15 : memref<!tpu.dma_semaphore, #tpu.memory_space<semaphore_mem>>) src(%dma_wait3A_1309 : memref<1x768xf32, #tpu.memory_space<hbm>>) dst(%dma_wait3A_1306 : memref<1x768xf32, #tpu.memory_space<vmem>>)
      %dma_wait3A_1310 = arith.constant 25 : i32
      %dma_wait3A_1311 = arith.constant 0 : i32
      %dma_wait3A_1312 = tpu.memref_slice %arg13[%dma_wait3A_1310, %dma_wait3A_1311] : memref<128x768xf32, #tpu.memory_space<vmem>> -> memref<1x768xf32, #tpu.memory_space<vmem>>
      %dma_wait3A_1313 = arith.constant 0 : i32
      %dma_wait3A_1314 = arith.constant 0 : i32
      %dma_wait3A_1315 = tpu.memref_slice %arg4[%dma_wait3A_1313, %dma_wait3A_1314] : memref<8192x768xf32, #tpu.memory_space<hbm>> -> memref<1x768xf32, #tpu.memory_space<hbm>>
      tpu.wait_dma2 semaphore(%arg15 : memref<!tpu.dma_semaphore, #tpu.memory_space<semaphore_mem>>) src(%dma_wait3A_1315 : memref<1x768xf32, #tpu.memory_space<hbm>>) dst(%dma_wait3A_1312 : memref<1x768xf32, #tpu.memory_space<vmem>>)
      %dma_wait3A_1316 = arith.constant 26 : i32
      %dma_wait3A_1317 = arith.constant 0 : i32
      %dma_wait3A_1318 = tpu.memref_slice %arg13[%dma_wait3A_1316, %dma_wait3A_1317] : memref<128x768xf32, #tpu.memory_space<vmem>> -> memref<1x768xf32, #tpu.memory_space<vmem>>
      %dma_wait3A_1319 = arith.constant 0 : i32
      %dma_wait3A_1320 = arith.constant 0 : i32
      %dma_wait3A_1321 = tpu.memref_slice %arg4[%dma_wait3A_1319, %dma_wait3A_1320] : memref<8192x768xf32, #tpu.memory_space<hbm>> -> memref<1x768xf32, #tpu.memory_space<hbm>>
      tpu.wait_dma2 semaphore(%arg15 : memref<!tpu.dma_semaphore, #tpu.memory_space<semaphore_mem>>) src(%dma_wait3A_1321 : memref<1x768xf32, #tpu.memory_space<hbm>>) dst(%dma_wait3A_1318 : memref<1x768xf32, #tpu.memory_space<vmem>>)
      %dma_wait3A_1322 = arith.constant 27 : i32
      %dma_wait3A_1323 = arith.constant 0 : i32
      %dma_wait3A_1324 = tpu.memref_slice %arg13[%dma_wait3A_1322, %dma_wait3A_1323] : memref<128x768xf32, #tpu.memory_space<vmem>> -> memref<1x768xf32, #tpu.memory_space<vmem>>
      %dma_wait3A_1325 = arith.constant 0 : i32
      %dma_wait3A_1326 = arith.constant 0 : i32
      %dma_wait3A_1327 = tpu.memref_slice %arg4[%dma_wait3A_1325, %dma_wait3A_1326] : memref<8192x768xf32, #tpu.memory_space<hbm>> -> memref<1x768xf32, #tpu.memory_space<hbm>>
      tpu.wait_dma2 semaphore(%arg15 : memref<!tpu.dma_semaphore, #tpu.memory_space<semaphore_mem>>) src(%dma_wait3A_1327 : memref<1x768xf32, #tpu.memory_space<hbm>>) dst(%dma_wait3A_1324 : memref<1x768xf32, #tpu.memory_space<vmem>>)
      %dma_wait3A_1328 = arith.constant 28 : i32
      %dma_wait3A_1329 = arith.constant 0 : i32
      %dma_wait3A_1330 = tpu.memref_slice %arg13[%dma_wait3A_1328, %dma_wait3A_1329] : memref<128x768xf32, #tpu.memory_space<vmem>> -> memref<1x768xf32, #tpu.memory_space<vmem>>
      %dma_wait3A_1331 = arith.constant 0 : i32
      %dma_wait3A_1332 = arith.constant 0 : i32
      %dma_wait3A_1333 = tpu.memref_slice %arg4[%dma_wait3A_1331, %dma_wait3A_1332] : memref<8192x768xf32, #tpu.memory_space<hbm>> -> memref<1x768xf32, #tpu.memory_space<hbm>>
      tpu.wait_dma2 semaphore(%arg15 : memref<!tpu.dma_semaphore, #tpu.memory_space<semaphore_mem>>) src(%dma_wait3A_1333 : memref<1x768xf32, #tpu.memory_space<hbm>>) dst(%dma_wait3A_1330 : memref<1x768xf32, #tpu.memory_space<vmem>>)
      %dma_wait3A_1334 = arith.constant 29 : i32
      %dma_wait3A_1335 = arith.constant 0 : i32
      %dma_wait3A_1336 = tpu.memref_slice %arg13[%dma_wait3A_1334, %dma_wait3A_1335] : memref<128x768xf32, #tpu.memory_space<vmem>> -> memref<1x768xf32, #tpu.memory_space<vmem>>
      %dma_wait3A_1337 = arith.constant 0 : i32
      %dma_wait3A_1338 = arith.constant 0 : i32
      %dma_wait3A_1339 = tpu.memref_slice %arg4[%dma_wait3A_1337, %dma_wait3A_1338] : memref<8192x768xf32, #tpu.memory_space<hbm>> -> memref<1x768xf32, #tpu.memory_space<hbm>>
      tpu.wait_dma2 semaphore(%arg15 : memref<!tpu.dma_semaphore, #tpu.memory_space<semaphore_mem>>) src(%dma_wait3A_1339 : memref<1x768xf32, #tpu.memory_space<hbm>>) dst(%dma_wait3A_1336 : memref<1x768xf32, #tpu.memory_space<vmem>>)
      %dma_wait3A_1340 = arith.constant 30 : i32
      %dma_wait3A_1341 = arith.constant 0 : i32
      %dma_wait3A_1342 = tpu.memref_slice %arg13[%dma_wait3A_1340, %dma_wait3A_1341] : memref<128x768xf32, #tpu.memory_space<vmem>> -> memref<1x768xf32, #tpu.memory_space<vmem>>
      %dma_wait3A_1343 = arith.constant 0 : i32
      %dma_wait3A_1344 = arith.constant 0 : i32
      %dma_wait3A_1345 = tpu.memref_slice %arg4[%dma_wait3A_1343, %dma_wait3A_1344] : memref<8192x768xf32, #tpu.memory_space<hbm>> -> memref<1x768xf32, #tpu.memory_space<hbm>>
      tpu.wait_dma2 semaphore(%arg15 : memref<!tpu.dma_semaphore, #tpu.memory_space<semaphore_mem>>) src(%dma_wait3A_1345 : memref<1x768xf32, #tpu.memory_space<hbm>>) dst(%dma_wait3A_1342 : memref<1x768xf32, #tpu.memory_space<vmem>>)
      %dma_wait3A_1346 = arith.constant 31 : i32
      %dma_wait3A_1347 = arith.constant 0 : i32
      %dma_wait3A_1348 = tpu.memref_slice %arg13[%dma_wait3A_1346, %dma_wait3A_1347] : memref<128x768xf32, #tpu.memory_space<vmem>> -> memref<1x768xf32, #tpu.memory_space<vmem>>
      %dma_wait3A_1349 = arith.constant 0 : i32
      %dma_wait3A_1350 = arith.constant 0 : i32
      %dma_wait3A_1351 = tpu.memref_slice %arg4[%dma_wait3A_1349, %dma_wait3A_1350] : memref<8192x768xf32, #tpu.memory_space<hbm>> -> memref<1x768xf32, #tpu.memory_space<hbm>>
      tpu.wait_dma2 semaphore(%arg15 : memref<!tpu.dma_semaphore, #tpu.memory_space<semaphore_mem>>) src(%dma_wait3A_1351 : memref<1x768xf32, #tpu.memory_space<hbm>>) dst(%dma_wait3A_1348 : memref<1x768xf32, #tpu.memory_space<vmem>>)
      %dma_wait3A_1352 = arith.constant 32 : i32
      %dma_wait3A_1353 = arith.constant 0 : i32
      %dma_wait3A_1354 = tpu.memref_slice %arg13[%dma_wait3A_1352, %dma_wait3A_1353] : memref<128x768xf32, #tpu.memory_space<vmem>> -> memref<1x768xf32, #tpu.memory_space<vmem>>
      %dma_wait3A_1355 = arith.constant 0 : i32
      %dma_wait3A_1356 = arith.constant 0 : i32
      %dma_wait3A_1357 = tpu.memref_slice %arg4[%dma_wait3A_1355, %dma_wait3A_1356] : memref<8192x768xf32, #tpu.memory_space<hbm>> -> memref<1x768xf32, #tpu.memory_space<hbm>>
      tpu.wait_dma2 semaphore(%arg15 : memref<!tpu.dma_semaphore, #tpu.memory_space<semaphore_mem>>) src(%dma_wait3A_1357 : memref<1x768xf32, #tpu.memory_space<hbm>>) dst(%dma_wait3A_1354 : memref<1x768xf32, #tpu.memory_space<vmem>>)
      %dma_wait3A_1358 = arith.constant 33 : i32
      %dma_wait3A_1359 = arith.constant 0 : i32
      %dma_wait3A_1360 = tpu.memref_slice %arg13[%dma_wait3A_1358, %dma_wait3A_1359] : memref<128x768xf32, #tpu.memory_space<vmem>> -> memref<1x768xf32, #tpu.memory_space<vmem>>
      %dma_wait3A_1361 = arith.constant 0 : i32
      %dma_wait3A_1362 = arith.constant 0 : i32
      %dma_wait3A_1363 = tpu.memref_slice %arg4[%dma_wait3A_1361, %dma_wait3A_1362] : memref<8192x768xf32, #tpu.memory_space<hbm>> -> memref<1x768xf32, #tpu.memory_space<hbm>>
      tpu.wait_dma2 semaphore(%arg15 : memref<!tpu.dma_semaphore, #tpu.memory_space<semaphore_mem>>) src(%dma_wait3A_1363 : memref<1x768xf32, #tpu.memory_space<hbm>>) dst(%dma_wait3A_1360 : memref<1x768xf32, #tpu.memory_space<vmem>>)
      %dma_wait3A_1364 = arith.constant 34 : i32
      %dma_wait3A_1365 = arith.constant 0 : i32
      %dma_wait3A_1366 = tpu.memref_slice %arg13[%dma_wait3A_1364, %dma_wait3A_1365] : memref<128x768xf32, #tpu.memory_space<vmem>> -> memref<1x768xf32, #tpu.memory_space<vmem>>
      %dma_wait3A_1367 = arith.constant 0 : i32
      %dma_wait3A_1368 = arith.constant 0 : i32
      %dma_wait3A_1369 = tpu.memref_slice %arg4[%dma_wait3A_1367, %dma_wait3A_1368] : memref<8192x768xf32, #tpu.memory_space<hbm>> -> memref<1x768xf32, #tpu.memory_space<hbm>>
      tpu.wait_dma2 semaphore(%arg15 : memref<!tpu.dma_semaphore, #tpu.memory_space<semaphore_mem>>) src(%dma_wait3A_1369 : memref<1x768xf32, #tpu.memory_space<hbm>>) dst(%dma_wait3A_1366 : memref<1x768xf32, #tpu.memory_space<vmem>>)
      %dma_wait3A_1370 = arith.constant 35 : i32
      %dma_wait3A_1371 = arith.constant 0 : i32
      %dma_wait3A_1372 = tpu.memref_slice %arg13[%dma_wait3A_1370, %dma_wait3A_1371] : memref<128x768xf32, #tpu.memory_space<vmem>> -> memref<1x768xf32, #tpu.memory_space<vmem>>
      %dma_wait3A_1373 = arith.constant 0 : i32
      %dma_wait3A_1374 = arith.constant 0 : i32
      %dma_wait3A_1375 = tpu.memref_slice %arg4[%dma_wait3A_1373, %dma_wait3A_1374] : memref<8192x768xf32, #tpu.memory_space<hbm>> -> memref<1x768xf32, #tpu.memory_space<hbm>>
      tpu.wait_dma2 semaphore(%arg15 : memref<!tpu.dma_semaphore, #tpu.memory_space<semaphore_mem>>) src(%dma_wait3A_1375 : memref<1x768xf32, #tpu.memory_space<hbm>>) dst(%dma_wait3A_1372 : memref<1x768xf32, #tpu.memory_space<vmem>>)
      %dma_wait3A_1376 = arith.constant 36 : i32
      %dma_wait3A_1377 = arith.constant 0 : i32
      %dma_wait3A_1378 = tpu.memref_slice %arg13[%dma_wait3A_1376, %dma_wait3A_1377] : memref<128x768xf32, #tpu.memory_space<vmem>> -> memref<1x768xf32, #tpu.memory_space<vmem>>
      %dma_wait3A_1379 = arith.constant 0 : i32
      %dma_wait3A_1380 = arith.constant 0 : i32
      %dma_wait3A_1381 = tpu.memref_slice %arg4[%dma_wait3A_1379, %dma_wait3A_1380] : memref<8192x768xf32, #tpu.memory_space<hbm>> -> memref<1x768xf32, #tpu.memory_space<hbm>>
      tpu.wait_dma2 semaphore(%arg15 : memref<!tpu.dma_semaphore, #tpu.memory_space<semaphore_mem>>) src(%dma_wait3A_1381 : memref<1x768xf32, #tpu.memory_space<hbm>>) dst(%dma_wait3A_1378 : memref<1x768xf32, #tpu.memory_space<vmem>>)
      %dma_wait3A_1382 = arith.constant 37 : i32
      %dma_wait3A_1383 = arith.constant 0 : i32
      %dma_wait3A_1384 = tpu.memref_slice %arg13[%dma_wait3A_1382, %dma_wait3A_1383] : memref<128x768xf32, #tpu.memory_space<vmem>> -> memref<1x768xf32, #tpu.memory_space<vmem>>
      %dma_wait3A_1385 = arith.constant 0 : i32
      %dma_wait3A_1386 = arith.constant 0 : i32
      %dma_wait3A_1387 = tpu.memref_slice %arg4[%dma_wait3A_1385, %dma_wait3A_1386] : memref<8192x768xf32, #tpu.memory_space<hbm>> -> memref<1x768xf32, #tpu.memory_space<hbm>>
      tpu.wait_dma2 semaphore(%arg15 : memref<!tpu.dma_semaphore, #tpu.memory_space<semaphore_mem>>) src(%dma_wait3A_1387 : memref<1x768xf32, #tpu.memory_space<hbm>>) dst(%dma_wait3A_1384 : memref<1x768xf32, #tpu.memory_space<vmem>>)
      %dma_wait3A_1388 = arith.constant 38 : i32
      %dma_wait3A_1389 = arith.constant 0 : i32
      %dma_wait3A_1390 = tpu.memref_slice %arg13[%dma_wait3A_1388, %dma_wait3A_1389] : memref<128x768xf32, #tpu.memory_space<vmem>> -> memref<1x768xf32, #tpu.memory_space<vmem>>
      %dma_wait3A_1391 = arith.constant 0 : i32
      %dma_wait3A_1392 = arith.constant 0 : i32
      %dma_wait3A_1393 = tpu.memref_slice %arg4[%dma_wait3A_1391, %dma_wait3A_1392] : memref<8192x768xf32, #tpu.memory_space<hbm>> -> memref<1x768xf32, #tpu.memory_space<hbm>>
      tpu.wait_dma2 semaphore(%arg15 : memref<!tpu.dma_semaphore, #tpu.memory_space<semaphore_mem>>) src(%dma_wait3A_1393 : memref<1x768xf32, #tpu.memory_space<hbm>>) dst(%dma_wait3A_1390 : memref<1x768xf32, #tpu.memory_space<vmem>>)
      %dma_wait3A_1394 = arith.constant 39 : i32
      %dma_wait3A_1395 = arith.constant 0 : i32
      %dma_wait3A_1396 = tpu.memref_slice %arg13[%dma_wait3A_1394, %dma_wait3A_1395] : memref<128x768xf32, #tpu.memory_space<vmem>> -> memref<1x768xf32, #tpu.memory_space<vmem>>
      %dma_wait3A_1397 = arith.constant 0 : i32
      %dma_wait3A_1398 = arith.constant 0 : i32
      %dma_wait3A_1399 = tpu.memref_slice %arg4[%dma_wait3A_1397, %dma_wait3A_1398] : memref<8192x768xf32, #tpu.memory_space<hbm>> -> memref<1x768xf32, #tpu.memory_space<hbm>>
      tpu.wait_dma2 semaphore(%arg15 : memref<!tpu.dma_semaphore, #tpu.memory_space<semaphore_mem>>) src(%dma_wait3A_1399 : memref<1x768xf32, #tpu.memory_space<hbm>>) dst(%dma_wait3A_1396 : memref<1x768xf32, #tpu.memory_space<vmem>>)
      %dma_wait3A_1400 = arith.constant 40 : i32
      %dma_wait3A_1401 = arith.constant 0 : i32
      %dma_wait3A_1402 = tpu.memref_slice %arg13[%dma_wait3A_1400, %dma_wait3A_1401] : memref<128x768xf32, #tpu.memory_space<vmem>> -> memref<1x768xf32, #tpu.memory_space<vmem>>
      %dma_wait3A_1403 = arith.constant 0 : i32
      %dma_wait3A_1404 = arith.constant 0 : i32
      %dma_wait3A_1405 = tpu.memref_slice %arg4[%dma_wait3A_1403, %dma_wait3A_1404] : memref<8192x768xf32, #tpu.memory_space<hbm>> -> memref<1x768xf32, #tpu.memory_space<hbm>>
      tpu.wait_dma2 semaphore(%arg15 : memref<!tpu.dma_semaphore, #tpu.memory_space<semaphore_mem>>) src(%dma_wait3A_1405 : memref<1x768xf32, #tpu.memory_space<hbm>>) dst(%dma_wait3A_1402 : memref<1x768xf32, #tpu.memory_space<vmem>>)
      %dma_wait3A_1406 = arith.constant 41 : i32
      %dma_wait3A_1407 = arith.constant 0 : i32
      %dma_wait3A_1408 = tpu.memref_slice %arg13[%dma_wait3A_1406, %dma_wait3A_1407] : memref<128x768xf32, #tpu.memory_space<vmem>> -> memref<1x768xf32, #tpu.memory_space<vmem>>
      %dma_wait3A_1409 = arith.constant 0 : i32
      %dma_wait3A_1410 = arith.constant 0 : i32
      %dma_wait3A_1411 = tpu.memref_slice %arg4[%dma_wait3A_1409, %dma_wait3A_1410] : memref<8192x768xf32, #tpu.memory_space<hbm>> -> memref<1x768xf32, #tpu.memory_space<hbm>>
      tpu.wait_dma2 semaphore(%arg15 : memref<!tpu.dma_semaphore, #tpu.memory_space<semaphore_mem>>) src(%dma_wait3A_1411 : memref<1x768xf32, #tpu.memory_space<hbm>>) dst(%dma_wait3A_1408 : memref<1x768xf32, #tpu.memory_space<vmem>>)
      %dma_wait3A_1412 = arith.constant 42 : i32
      %dma_wait3A_1413 = arith.constant 0 : i32
      %dma_wait3A_1414 = tpu.memref_slice %arg13[%dma_wait3A_1412, %dma_wait3A_1413] : memref<128x768xf32, #tpu.memory_space<vmem>> -> memref<1x768xf32, #tpu.memory_space<vmem>>
      %dma_wait3A_1415 = arith.constant 0 : i32
      %dma_wait3A_1416 = arith.constant 0 : i32
      %dma_wait3A_1417 = tpu.memref_slice %arg4[%dma_wait3A_1415, %dma_wait3A_1416] : memref<8192x768xf32, #tpu.memory_space<hbm>> -> memref<1x768xf32, #tpu.memory_space<hbm>>
      tpu.wait_dma2 semaphore(%arg15 : memref<!tpu.dma_semaphore, #tpu.memory_space<semaphore_mem>>) src(%dma_wait3A_1417 : memref<1x768xf32, #tpu.memory_space<hbm>>) dst(%dma_wait3A_1414 : memref<1x768xf32, #tpu.memory_space<vmem>>)
      %dma_wait3A_1418 = arith.constant 43 : i32
      %dma_wait3A_1419 = arith.constant 0 : i32
      %dma_wait3A_1420 = tpu.memref_slice %arg13[%dma_wait3A_1418, %dma_wait3A_1419] : memref<128x768xf32, #tpu.memory_space<vmem>> -> memref<1x768xf32, #tpu.memory_space<vmem>>
      %dma_wait3A_1421 = arith.constant 0 : i32
      %dma_wait3A_1422 = arith.constant 0 : i32
      %dma_wait3A_1423 = tpu.memref_slice %arg4[%dma_wait3A_1421, %dma_wait3A_1422] : memref<8192x768xf32, #tpu.memory_space<hbm>> -> memref<1x768xf32, #tpu.memory_space<hbm>>
      tpu.wait_dma2 semaphore(%arg15 : memref<!tpu.dma_semaphore, #tpu.memory_space<semaphore_mem>>) src(%dma_wait3A_1423 : memref<1x768xf32, #tpu.memory_space<hbm>>) dst(%dma_wait3A_1420 : memref<1x768xf32, #tpu.memory_space<vmem>>)
      %dma_wait3A_1424 = arith.constant 44 : i32
      %dma_wait3A_1425 = arith.constant 0 : i32
      %dma_wait3A_1426 = tpu.memref_slice %arg13[%dma_wait3A_1424, %dma_wait3A_1425] : memref<128x768xf32, #tpu.memory_space<vmem>> -> memref<1x768xf32, #tpu.memory_space<vmem>>
      %dma_wait3A_1427 = arith.constant 0 : i32
      %dma_wait3A_1428 = arith.constant 0 : i32
      %dma_wait3A_1429 = tpu.memref_slice %arg4[%dma_wait3A_1427, %dma_wait3A_1428] : memref<8192x768xf32, #tpu.memory_space<hbm>> -> memref<1x768xf32, #tpu.memory_space<hbm>>
      tpu.wait_dma2 semaphore(%arg15 : memref<!tpu.dma_semaphore, #tpu.memory_space<semaphore_mem>>) src(%dma_wait3A_1429 : memref<1x768xf32, #tpu.memory_space<hbm>>) dst(%dma_wait3A_1426 : memref<1x768xf32, #tpu.memory_space<vmem>>)
      %dma_wait3A_1430 = arith.constant 45 : i32
      %dma_wait3A_1431 = arith.constant 0 : i32
      %dma_wait3A_1432 = tpu.memref_slice %arg13[%dma_wait3A_1430, %dma_wait3A_1431] : memref<128x768xf32, #tpu.memory_space<vmem>> -> memref<1x768xf32, #tpu.memory_space<vmem>>
      %dma_wait3A_1433 = arith.constant 0 : i32
      %dma_wait3A_1434 = arith.constant 0 : i32
      %dma_wait3A_1435 = tpu.memref_slice %arg4[%dma_wait3A_1433, %dma_wait3A_1434] : memref<8192x768xf32, #tpu.memory_space<hbm>> -> memref<1x768xf32, #tpu.memory_space<hbm>>
      tpu.wait_dma2 semaphore(%arg15 : memref<!tpu.dma_semaphore, #tpu.memory_space<semaphore_mem>>) src(%dma_wait3A_1435 : memref<1x768xf32, #tpu.memory_space<hbm>>) dst(%dma_wait3A_1432 : memref<1x768xf32, #tpu.memory_space<vmem>>)
      %dma_wait3A_1436 = arith.constant 46 : i32
      %dma_wait3A_1437 = arith.constant 0 : i32
      %dma_wait3A_1438 = tpu.memref_slice %arg13[%dma_wait3A_1436, %dma_wait3A_1437] : memref<128x768xf32, #tpu.memory_space<vmem>> -> memref<1x768xf32, #tpu.memory_space<vmem>>
      %dma_wait3A_1439 = arith.constant 0 : i32
      %dma_wait3A_1440 = arith.constant 0 : i32
      %dma_wait3A_1441 = tpu.memref_slice %arg4[%dma_wait3A_1439, %dma_wait3A_1440] : memref<8192x768xf32, #tpu.memory_space<hbm>> -> memref<1x768xf32, #tpu.memory_space<hbm>>
      tpu.wait_dma2 semaphore(%arg15 : memref<!tpu.dma_semaphore, #tpu.memory_space<semaphore_mem>>) src(%dma_wait3A_1441 : memref<1x768xf32, #tpu.memory_space<hbm>>) dst(%dma_wait3A_1438 : memref<1x768xf32, #tpu.memory_space<vmem>>)
      %dma_wait3A_1442 = arith.constant 47 : i32
      %dma_wait3A_1443 = arith.constant 0 : i32
      %dma_wait3A_1444 = tpu.memref_slice %arg13[%dma_wait3A_1442, %dma_wait3A_1443] : memref<128x768xf32, #tpu.memory_space<vmem>> -> memref<1x768xf32, #tpu.memory_space<vmem>>
      %dma_wait3A_1445 = arith.constant 0 : i32
      %dma_wait3A_1446 = arith.constant 0 : i32
      %dma_wait3A_1447 = tpu.memref_slice %arg4[%dma_wait3A_1445, %dma_wait3A_1446] : memref<8192x768xf32, #tpu.memory_space<hbm>> -> memref<1x768xf32, #tpu.memory_space<hbm>>
      tpu.wait_dma2 semaphore(%arg15 : memref<!tpu.dma_semaphore, #tpu.memory_space<semaphore_mem>>) src(%dma_wait3A_1447 : memref<1x768xf32, #tpu.memory_space<hbm>>) dst(%dma_wait3A_1444 : memref<1x768xf32, #tpu.memory_space<vmem>>)
      %dma_wait3A_1448 = arith.constant 48 : i32
      %dma_wait3A_1449 = arith.constant 0 : i32
      %dma_wait3A_1450 = tpu.memref_slice %arg13[%dma_wait3A_1448, %dma_wait3A_1449] : memref<128x768xf32, #tpu.memory_space<vmem>> -> memref<1x768xf32, #tpu.memory_space<vmem>>
      %dma_wait3A_1451 = arith.constant 0 : i32
      %dma_wait3A_1452 = arith.constant 0 : i32
      %dma_wait3A_1453 = tpu.memref_slice %arg4[%dma_wait3A_1451, %dma_wait3A_1452] : memref<8192x768xf32, #tpu.memory_space<hbm>> -> memref<1x768xf32, #tpu.memory_space<hbm>>
      tpu.wait_dma2 semaphore(%arg15 : memref<!tpu.dma_semaphore, #tpu.memory_space<semaphore_mem>>) src(%dma_wait3A_1453 : memref<1x768xf32, #tpu.memory_space<hbm>>) dst(%dma_wait3A_1450 : memref<1x768xf32, #tpu.memory_space<vmem>>)
      %dma_wait3A_1454 = arith.constant 49 : i32
      %dma_wait3A_1455 = arith.constant 0 : i32
      %dma_wait3A_1456 = tpu.memref_slice %arg13[%dma_wait3A_1454, %dma_wait3A_1455] : memref<128x768xf32, #tpu.memory_space<vmem>> -> memref<1x768xf32, #tpu.memory_space<vmem>>
      %dma_wait3A_1457 = arith.constant 0 : i32
      %dma_wait3A_1458 = arith.constant 0 : i32
      %dma_wait3A_1459 = tpu.memref_slice %arg4[%dma_wait3A_1457, %dma_wait3A_1458] : memref<8192x768xf32, #tpu.memory_space<hbm>> -> memref<1x768xf32, #tpu.memory_space<hbm>>
      tpu.wait_dma2 semaphore(%arg15 : memref<!tpu.dma_semaphore, #tpu.memory_space<semaphore_mem>>) src(%dma_wait3A_1459 : memref<1x768xf32, #tpu.memory_space<hbm>>) dst(%dma_wait3A_1456 : memref<1x768xf32, #tpu.memory_space<vmem>>)
      %dma_wait3A_1460 = arith.constant 50 : i32
      %dma_wait3A_1461 = arith.constant 0 : i32
      %dma_wait3A_1462 = tpu.memref_slice %arg13[%dma_wait3A_1460, %dma_wait3A_1461] : memref<128x768xf32, #tpu.memory_space<vmem>> -> memref<1x768xf32, #tpu.memory_space<vmem>>
      %dma_wait3A_1463 = arith.constant 0 : i32
      %dma_wait3A_1464 = arith.constant 0 : i32
      %dma_wait3A_1465 = tpu.memref_slice %arg4[%dma_wait3A_1463, %dma_wait3A_1464] : memref<8192x768xf32, #tpu.memory_space<hbm>> -> memref<1x768xf32, #tpu.memory_space<hbm>>
      tpu.wait_dma2 semaphore(%arg15 : memref<!tpu.dma_semaphore, #tpu.memory_space<semaphore_mem>>) src(%dma_wait3A_1465 : memref<1x768xf32, #tpu.memory_space<hbm>>) dst(%dma_wait3A_1462 : memref<1x768xf32, #tpu.memory_space<vmem>>)
      %dma_wait3A_1466 = arith.constant 51 : i32
      %dma_wait3A_1467 = arith.constant 0 : i32
      %dma_wait3A_1468 = tpu.memref_slice %arg13[%dma_wait3A_1466, %dma_wait3A_1467] : memref<128x768xf32, #tpu.memory_space<vmem>> -> memref<1x768xf32, #tpu.memory_space<vmem>>
      %dma_wait3A_1469 = arith.constant 0 : i32
      %dma_wait3A_1470 = arith.constant 0 : i32
      %dma_wait3A_1471 = tpu.memref_slice %arg4[%dma_wait3A_1469, %dma_wait3A_1470] : memref<8192x768xf32, #tpu.memory_space<hbm>> -> memref<1x768xf32, #tpu.memory_space<hbm>>
      tpu.wait_dma2 semaphore(%arg15 : memref<!tpu.dma_semaphore, #tpu.memory_space<semaphore_mem>>) src(%dma_wait3A_1471 : memref<1x768xf32, #tpu.memory_space<hbm>>) dst(%dma_wait3A_1468 : memref<1x768xf32, #tpu.memory_space<vmem>>)
      %dma_wait3A_1472 = arith.constant 52 : i32
      %dma_wait3A_1473 = arith.constant 0 : i32
      %dma_wait3A_1474 = tpu.memref_slice %arg13[%dma_wait3A_1472, %dma_wait3A_1473] : memref<128x768xf32, #tpu.memory_space<vmem>> -> memref<1x768xf32, #tpu.memory_space<vmem>>
      %dma_wait3A_1475 = arith.constant 0 : i32
      %dma_wait3A_1476 = arith.constant 0 : i32
      %dma_wait3A_1477 = tpu.memref_slice %arg4[%dma_wait3A_1475, %dma_wait3A_1476] : memref<8192x768xf32, #tpu.memory_space<hbm>> -> memref<1x768xf32, #tpu.memory_space<hbm>>
      tpu.wait_dma2 semaphore(%arg15 : memref<!tpu.dma_semaphore, #tpu.memory_space<semaphore_mem>>) src(%dma_wait3A_1477 : memref<1x768xf32, #tpu.memory_space<hbm>>) dst(%dma_wait3A_1474 : memref<1x768xf32, #tpu.memory_space<vmem>>)
      %dma_wait3A_1478 = arith.constant 53 : i32
      %dma_wait3A_1479 = arith.constant 0 : i32
      %dma_wait3A_1480 = tpu.memref_slice %arg13[%dma_wait3A_1478, %dma_wait3A_1479] : memref<128x768xf32, #tpu.memory_space<vmem>> -> memref<1x768xf32, #tpu.memory_space<vmem>>
      %dma_wait3A_1481 = arith.constant 0 : i32
      %dma_wait3A_1482 = arith.constant 0 : i32
      %dma_wait3A_1483 = tpu.memref_slice %arg4[%dma_wait3A_1481, %dma_wait3A_1482] : memref<8192x768xf32, #tpu.memory_space<hbm>> -> memref<1x768xf32, #tpu.memory_space<hbm>>
      tpu.wait_dma2 semaphore(%arg15 : memref<!tpu.dma_semaphore, #tpu.memory_space<semaphore_mem>>) src(%dma_wait3A_1483 : memref<1x768xf32, #tpu.memory_space<hbm>>) dst(%dma_wait3A_1480 : memref<1x768xf32, #tpu.memory_space<vmem>>)
      %dma_wait3A_1484 = arith.constant 54 : i32
      %dma_wait3A_1485 = arith.constant 0 : i32
      %dma_wait3A_1486 = tpu.memref_slice %arg13[%dma_wait3A_1484, %dma_wait3A_1485] : memref<128x768xf32, #tpu.memory_space<vmem>> -> memref<1x768xf32, #tpu.memory_space<vmem>>
      %dma_wait3A_1487 = arith.constant 0 : i32
      %dma_wait3A_1488 = arith.constant 0 : i32
      %dma_wait3A_1489 = tpu.memref_slice %arg4[%dma_wait3A_1487, %dma_wait3A_1488] : memref<8192x768xf32, #tpu.memory_space<hbm>> -> memref<1x768xf32, #tpu.memory_space<hbm>>
      tpu.wait_dma2 semaphore(%arg15 : memref<!tpu.dma_semaphore, #tpu.memory_space<semaphore_mem>>) src(%dma_wait3A_1489 : memref<1x768xf32, #tpu.memory_space<hbm>>) dst(%dma_wait3A_1486 : memref<1x768xf32, #tpu.memory_space<vmem>>)
      %dma_wait3A_1490 = arith.constant 55 : i32
      %dma_wait3A_1491 = arith.constant 0 : i32
      %dma_wait3A_1492 = tpu.memref_slice %arg13[%dma_wait3A_1490, %dma_wait3A_1491] : memref<128x768xf32, #tpu.memory_space<vmem>> -> memref<1x768xf32, #tpu.memory_space<vmem>>
      %dma_wait3A_1493 = arith.constant 0 : i32
      %dma_wait3A_1494 = arith.constant 0 : i32
      %dma_wait3A_1495 = tpu.memref_slice %arg4[%dma_wait3A_1493, %dma_wait3A_1494] : memref<8192x768xf32, #tpu.memory_space<hbm>> -> memref<1x768xf32, #tpu.memory_space<hbm>>
      tpu.wait_dma2 semaphore(%arg15 : memref<!tpu.dma_semaphore, #tpu.memory_space<semaphore_mem>>) src(%dma_wait3A_1495 : memref<1x768xf32, #tpu.memory_space<hbm>>) dst(%dma_wait3A_1492 : memref<1x768xf32, #tpu.memory_space<vmem>>)
      %dma_wait3A_1496 = arith.constant 56 : i32
      %dma_wait3A_1497 = arith.constant 0 : i32
      %dma_wait3A_1498 = tpu.memref_slice %arg13[%dma_wait3A_1496, %dma_wait3A_1497] : memref<128x768xf32, #tpu.memory_space<vmem>> -> memref<1x768xf32, #tpu.memory_space<vmem>>
      %dma_wait3A_1499 = arith.constant 0 : i32
      %dma_wait3A_1500 = arith.constant 0 : i32
      %dma_wait3A_1501 = tpu.memref_slice %arg4[%dma_wait3A_1499, %dma_wait3A_1500] : memref<8192x768xf32, #tpu.memory_space<hbm>> -> memref<1x768xf32, #tpu.memory_space<hbm>>
      tpu.wait_dma2 semaphore(%arg15 : memref<!tpu.dma_semaphore, #tpu.memory_space<semaphore_mem>>) src(%dma_wait3A_1501 : memref<1x768xf32, #tpu.memory_space<hbm>>) dst(%dma_wait3A_1498 : memref<1x768xf32, #tpu.memory_space<vmem>>)
      %dma_wait3A_1502 = arith.constant 57 : i32
      %dma_wait3A_1503 = arith.constant 0 : i32
      %dma_wait3A_1504 = tpu.memref_slice %arg13[%dma_wait3A_1502, %dma_wait3A_1503] : memref<128x768xf32, #tpu.memory_space<vmem>> -> memref<1x768xf32, #tpu.memory_space<vmem>>
      %dma_wait3A_1505 = arith.constant 0 : i32
      %dma_wait3A_1506 = arith.constant 0 : i32
      %dma_wait3A_1507 = tpu.memref_slice %arg4[%dma_wait3A_1505, %dma_wait3A_1506] : memref<8192x768xf32, #tpu.memory_space<hbm>> -> memref<1x768xf32, #tpu.memory_space<hbm>>
      tpu.wait_dma2 semaphore(%arg15 : memref<!tpu.dma_semaphore, #tpu.memory_space<semaphore_mem>>) src(%dma_wait3A_1507 : memref<1x768xf32, #tpu.memory_space<hbm>>) dst(%dma_wait3A_1504 : memref<1x768xf32, #tpu.memory_space<vmem>>)
      %dma_wait3A_1508 = arith.constant 58 : i32
      %dma_wait3A_1509 = arith.constant 0 : i32
      %dma_wait3A_1510 = tpu.memref_slice %arg13[%dma_wait3A_1508, %dma_wait3A_1509] : memref<128x768xf32, #tpu.memory_space<vmem>> -> memref<1x768xf32, #tpu.memory_space<vmem>>
      %dma_wait3A_1511 = arith.constant 0 : i32
      %dma_wait3A_1512 = arith.constant 0 : i32
      %dma_wait3A_1513 = tpu.memref_slice %arg4[%dma_wait3A_1511, %dma_wait3A_1512] : memref<8192x768xf32, #tpu.memory_space<hbm>> -> memref<1x768xf32, #tpu.memory_space<hbm>>
      tpu.wait_dma2 semaphore(%arg15 : memref<!tpu.dma_semaphore, #tpu.memory_space<semaphore_mem>>) src(%dma_wait3A_1513 : memref<1x768xf32, #tpu.memory_space<hbm>>) dst(%dma_wait3A_1510 : memref<1x768xf32, #tpu.memory_space<vmem>>)
      %dma_wait3A_1514 = arith.constant 59 : i32
      %dma_wait3A_1515 = arith.constant 0 : i32
      %dma_wait3A_1516 = tpu.memref_slice %arg13[%dma_wait3A_1514, %dma_wait3A_1515] : memref<128x768xf32, #tpu.memory_space<vmem>> -> memref<1x768xf32, #tpu.memory_space<vmem>>
      %dma_wait3A_1517 = arith.constant 0 : i32
      %dma_wait3A_1518 = arith.constant 0 : i32
      %dma_wait3A_1519 = tpu.memref_slice %arg4[%dma_wait3A_1517, %dma_wait3A_1518] : memref<8192x768xf32, #tpu.memory_space<hbm>> -> memref<1x768xf32, #tpu.memory_space<hbm>>
      tpu.wait_dma2 semaphore(%arg15 : memref<!tpu.dma_semaphore, #tpu.memory_space<semaphore_mem>>) src(%dma_wait3A_1519 : memref<1x768xf32, #tpu.memory_space<hbm>>) dst(%dma_wait3A_1516 : memref<1x768xf32, #tpu.memory_space<vmem>>)
      %dma_wait3A_1520 = arith.constant 60 : i32
      %dma_wait3A_1521 = arith.constant 0 : i32
      %dma_wait3A_1522 = tpu.memref_slice %arg13[%dma_wait3A_1520, %dma_wait3A_1521] : memref<128x768xf32, #tpu.memory_space<vmem>> -> memref<1x768xf32, #tpu.memory_space<vmem>>
      %dma_wait3A_1523 = arith.constant 0 : i32
      %dma_wait3A_1524 = arith.constant 0 : i32
      %dma_wait3A_1525 = tpu.memref_slice %arg4[%dma_wait3A_1523, %dma_wait3A_1524] : memref<8192x768xf32, #tpu.memory_space<hbm>> -> memref<1x768xf32, #tpu.memory_space<hbm>>
      tpu.wait_dma2 semaphore(%arg15 : memref<!tpu.dma_semaphore, #tpu.memory_space<semaphore_mem>>) src(%dma_wait3A_1525 : memref<1x768xf32, #tpu.memory_space<hbm>>) dst(%dma_wait3A_1522 : memref<1x768xf32, #tpu.memory_space<vmem>>)
      %dma_wait3A_1526 = arith.constant 61 : i32
      %dma_wait3A_1527 = arith.constant 0 : i32
      %dma_wait3A_1528 = tpu.memref_slice %arg13[%dma_wait3A_1526, %dma_wait3A_1527] : memref<128x768xf32, #tpu.memory_space<vmem>> -> memref<1x768xf32, #tpu.memory_space<vmem>>
      %dma_wait3A_1529 = arith.constant 0 : i32
      %dma_wait3A_1530 = arith.constant 0 : i32
      %dma_wait3A_1531 = tpu.memref_slice %arg4[%dma_wait3A_1529, %dma_wait3A_1530] : memref<8192x768xf32, #tpu.memory_space<hbm>> -> memref<1x768xf32, #tpu.memory_space<hbm>>
      tpu.wait_dma2 semaphore(%arg15 : memref<!tpu.dma_semaphore, #tpu.memory_space<semaphore_mem>>) src(%dma_wait3A_1531 : memref<1x768xf32, #tpu.memory_space<hbm>>) dst(%dma_wait3A_1528 : memref<1x768xf32, #tpu.memory_space<vmem>>)
      %dma_wait3A_1532 = arith.constant 62 : i32
      %dma_wait3A_1533 = arith.constant 0 : i32
      %dma_wait3A_1534 = tpu.memref_slice %arg13[%dma_wait3A_1532, %dma_wait3A_1533] : memref<128x768xf32, #tpu.memory_space<vmem>> -> memref<1x768xf32, #tpu.memory_space<vmem>>
      %dma_wait3A_1535 = arith.constant 0 : i32
      %dma_wait3A_1536 = arith.constant 0 : i32
      %dma_wait3A_1537 = tpu.memref_slice %arg4[%dma_wait3A_1535, %dma_wait3A_1536] : memref<8192x768xf32, #tpu.memory_space<hbm>> -> memref<1x768xf32, #tpu.memory_space<hbm>>
      tpu.wait_dma2 semaphore(%arg15 : memref<!tpu.dma_semaphore, #tpu.memory_space<semaphore_mem>>) src(%dma_wait3A_1537 : memref<1x768xf32, #tpu.memory_space<hbm>>) dst(%dma_wait3A_1534 : memref<1x768xf32, #tpu.memory_space<vmem>>)
      %dma_wait3A_1538 = arith.constant 63 : i32
      %dma_wait3A_1539 = arith.constant 0 : i32
      %dma_wait3A_1540 = tpu.memref_slice %arg13[%dma_wait3A_1538, %dma_wait3A_1539] : memref<128x768xf32, #tpu.memory_space<vmem>> -> memref<1x768xf32, #tpu.memory_space<vmem>>
      %dma_wait3A_1541 = arith.constant 0 : i32
      %dma_wait3A_1542 = arith.constant 0 : i32
      %dma_wait3A_1543 = tpu.memref_slice %arg4[%dma_wait3A_1541, %dma_wait3A_1542] : memref<8192x768xf32, #tpu.memory_space<hbm>> -> memref<1x768xf32, #tpu.memory_space<hbm>>
      tpu.wait_dma2 semaphore(%arg15 : memref<!tpu.dma_semaphore, #tpu.memory_space<semaphore_mem>>) src(%dma_wait3A_1543 : memref<1x768xf32, #tpu.memory_space<hbm>>) dst(%dma_wait3A_1540 : memref<1x768xf32, #tpu.memory_space<vmem>>)
      %dma_wait3A_1544 = arith.constant 64 : i32
      %dma_wait3A_1545 = arith.constant 0 : i32
      %dma_wait3A_1546 = tpu.memref_slice %arg13[%dma_wait3A_1544, %dma_wait3A_1545] : memref<128x768xf32, #tpu.memory_space<vmem>> -> memref<1x768xf32, #tpu.memory_space<vmem>>
      %dma_wait3A_1547 = arith.constant 0 : i32
      %dma_wait3A_1548 = arith.constant 0 : i32
      %dma_wait3A_1549 = tpu.memref_slice %arg4[%dma_wait3A_1547, %dma_wait3A_1548] : memref<8192x768xf32, #tpu.memory_space<hbm>> -> memref<1x768xf32, #tpu.memory_space<hbm>>
      tpu.wait_dma2 semaphore(%arg15 : memref<!tpu.dma_semaphore, #tpu.memory_space<semaphore_mem>>) src(%dma_wait3A_1549 : memref<1x768xf32, #tpu.memory_space<hbm>>) dst(%dma_wait3A_1546 : memref<1x768xf32, #tpu.memory_space<vmem>>)
      %dma_wait3A_1550 = arith.constant 65 : i32
      %dma_wait3A_1551 = arith.constant 0 : i32
      %dma_wait3A_1552 = tpu.memref_slice %arg13[%dma_wait3A_1550, %dma_wait3A_1551] : memref<128x768xf32, #tpu.memory_space<vmem>> -> memref<1x768xf32, #tpu.memory_space<vmem>>
      %dma_wait3A_1553 = arith.constant 0 : i32
      %dma_wait3A_1554 = arith.constant 0 : i32
      %dma_wait3A_1555 = tpu.memref_slice %arg4[%dma_wait3A_1553, %dma_wait3A_1554] : memref<8192x768xf32, #tpu.memory_space<hbm>> -> memref<1x768xf32, #tpu.memory_space<hbm>>
      tpu.wait_dma2 semaphore(%arg15 : memref<!tpu.dma_semaphore, #tpu.memory_space<semaphore_mem>>) src(%dma_wait3A_1555 : memref<1x768xf32, #tpu.memory_space<hbm>>) dst(%dma_wait3A_1552 : memref<1x768xf32, #tpu.memory_space<vmem>>)
      %dma_wait3A_1556 = arith.constant 66 : i32
      %dma_wait3A_1557 = arith.constant 0 : i32
      %dma_wait3A_1558 = tpu.memref_slice %arg13[%dma_wait3A_1556, %dma_wait3A_1557] : memref<128x768xf32, #tpu.memory_space<vmem>> -> memref<1x768xf32, #tpu.memory_space<vmem>>
      %dma_wait3A_1559 = arith.constant 0 : i32
      %dma_wait3A_1560 = arith.constant 0 : i32
      %dma_wait3A_1561 = tpu.memref_slice %arg4[%dma_wait3A_1559, %dma_wait3A_1560] : memref<8192x768xf32, #tpu.memory_space<hbm>> -> memref<1x768xf32, #tpu.memory_space<hbm>>
      tpu.wait_dma2 semaphore(%arg15 : memref<!tpu.dma_semaphore, #tpu.memory_space<semaphore_mem>>) src(%dma_wait3A_1561 : memref<1x768xf32, #tpu.memory_space<hbm>>) dst(%dma_wait3A_1558 : memref<1x768xf32, #tpu.memory_space<vmem>>)
      %dma_wait3A_1562 = arith.constant 67 : i32
      %dma_wait3A_1563 = arith.constant 0 : i32
      %dma_wait3A_1564 = tpu.memref_slice %arg13[%dma_wait3A_1562, %dma_wait3A_1563] : memref<128x768xf32, #tpu.memory_space<vmem>> -> memref<1x768xf32, #tpu.memory_space<vmem>>
      %dma_wait3A_1565 = arith.constant 0 : i32
      %dma_wait3A_1566 = arith.constant 0 : i32
      %dma_wait3A_1567 = tpu.memref_slice %arg4[%dma_wait3A_1565, %dma_wait3A_1566] : memref<8192x768xf32, #tpu.memory_space<hbm>> -> memref<1x768xf32, #tpu.memory_space<hbm>>
      tpu.wait_dma2 semaphore(%arg15 : memref<!tpu.dma_semaphore, #tpu.memory_space<semaphore_mem>>) src(%dma_wait3A_1567 : memref<1x768xf32, #tpu.memory_space<hbm>>) dst(%dma_wait3A_1564 : memref<1x768xf32, #tpu.memory_space<vmem>>)
      %dma_wait3A_1568 = arith.constant 68 : i32
      %dma_wait3A_1569 = arith.constant 0 : i32
      %dma_wait3A_1570 = tpu.memref_slice %arg13[%dma_wait3A_1568, %dma_wait3A_1569] : memref<128x768xf32, #tpu.memory_space<vmem>> -> memref<1x768xf32, #tpu.memory_space<vmem>>
      %dma_wait3A_1571 = arith.constant 0 : i32
      %dma_wait3A_1572 = arith.constant 0 : i32
      %dma_wait3A_1573 = tpu.memref_slice %arg4[%dma_wait3A_1571, %dma_wait3A_1572] : memref<8192x768xf32, #tpu.memory_space<hbm>> -> memref<1x768xf32, #tpu.memory_space<hbm>>
      tpu.wait_dma2 semaphore(%arg15 : memref<!tpu.dma_semaphore, #tpu.memory_space<semaphore_mem>>) src(%dma_wait3A_1573 : memref<1x768xf32, #tpu.memory_space<hbm>>) dst(%dma_wait3A_1570 : memref<1x768xf32, #tpu.memory_space<vmem>>)
      %dma_wait3A_1574 = arith.constant 69 : i32
      %dma_wait3A_1575 = arith.constant 0 : i32
      %dma_wait3A_1576 = tpu.memref_slice %arg13[%dma_wait3A_1574, %dma_wait3A_1575] : memref<128x768xf32, #tpu.memory_space<vmem>> -> memref<1x768xf32, #tpu.memory_space<vmem>>
      %dma_wait3A_1577 = arith.constant 0 : i32
      %dma_wait3A_1578 = arith.constant 0 : i32
      %dma_wait3A_1579 = tpu.memref_slice %arg4[%dma_wait3A_1577, %dma_wait3A_1578] : memref<8192x768xf32, #tpu.memory_space<hbm>> -> memref<1x768xf32, #tpu.memory_space<hbm>>
      tpu.wait_dma2 semaphore(%arg15 : memref<!tpu.dma_semaphore, #tpu.memory_space<semaphore_mem>>) src(%dma_wait3A_1579 : memref<1x768xf32, #tpu.memory_space<hbm>>) dst(%dma_wait3A_1576 : memref<1x768xf32, #tpu.memory_space<vmem>>)
      %dma_wait3A_1580 = arith.constant 70 : i32
      %dma_wait3A_1581 = arith.constant 0 : i32
      %dma_wait3A_1582 = tpu.memref_slice %arg13[%dma_wait3A_1580, %dma_wait3A_1581] : memref<128x768xf32, #tpu.memory_space<vmem>> -> memref<1x768xf32, #tpu.memory_space<vmem>>
      %dma_wait3A_1583 = arith.constant 0 : i32
      %dma_wait3A_1584 = arith.constant 0 : i32
      %dma_wait3A_1585 = tpu.memref_slice %arg4[%dma_wait3A_1583, %dma_wait3A_1584] : memref<8192x768xf32, #tpu.memory_space<hbm>> -> memref<1x768xf32, #tpu.memory_space<hbm>>
      tpu.wait_dma2 semaphore(%arg15 : memref<!tpu.dma_semaphore, #tpu.memory_space<semaphore_mem>>) src(%dma_wait3A_1585 : memref<1x768xf32, #tpu.memory_space<hbm>>) dst(%dma_wait3A_1582 : memref<1x768xf32, #tpu.memory_space<vmem>>)
      %dma_wait3A_1586 = arith.constant 71 : i32
      %dma_wait3A_1587 = arith.constant 0 : i32
      %dma_wait3A_1588 = tpu.memref_slice %arg13[%dma_wait3A_1586, %dma_wait3A_1587] : memref<128x768xf32, #tpu.memory_space<vmem>> -> memref<1x768xf32, #tpu.memory_space<vmem>>
      %dma_wait3A_1589 = arith.constant 0 : i32
      %dma_wait3A_1590 = arith.constant 0 : i32
      %dma_wait3A_1591 = tpu.memref_slice %arg4[%dma_wait3A_1589, %dma_wait3A_1590] : memref<8192x768xf32, #tpu.memory_space<hbm>> -> memref<1x768xf32, #tpu.memory_space<hbm>>
      tpu.wait_dma2 semaphore(%arg15 : memref<!tpu.dma_semaphore, #tpu.memory_space<semaphore_mem>>) src(%dma_wait3A_1591 : memref<1x768xf32, #tpu.memory_space<hbm>>) dst(%dma_wait3A_1588 : memref<1x768xf32, #tpu.memory_space<vmem>>)
      %dma_wait3A_1592 = arith.constant 72 : i32
      %dma_wait3A_1593 = arith.constant 0 : i32
      %dma_wait3A_1594 = tpu.memref_slice %arg13[%dma_wait3A_1592, %dma_wait3A_1593] : memref<128x768xf32, #tpu.memory_space<vmem>> -> memref<1x768xf32, #tpu.memory_space<vmem>>
      %dma_wait3A_1595 = arith.constant 0 : i32
      %dma_wait3A_1596 = arith.constant 0 : i32
      %dma_wait3A_1597 = tpu.memref_slice %arg4[%dma_wait3A_1595, %dma_wait3A_1596] : memref<8192x768xf32, #tpu.memory_space<hbm>> -> memref<1x768xf32, #tpu.memory_space<hbm>>
      tpu.wait_dma2 semaphore(%arg15 : memref<!tpu.dma_semaphore, #tpu.memory_space<semaphore_mem>>) src(%dma_wait3A_1597 : memref<1x768xf32, #tpu.memory_space<hbm>>) dst(%dma_wait3A_1594 : memref<1x768xf32, #tpu.memory_space<vmem>>)
      %dma_wait3A_1598 = arith.constant 73 : i32
      %dma_wait3A_1599 = arith.constant 0 : i32
      %dma_wait3A_1600 = tpu.memref_slice %arg13[%dma_wait3A_1598, %dma_wait3A_1599] : memref<128x768xf32, #tpu.memory_space<vmem>> -> memref<1x768xf32, #tpu.memory_space<vmem>>
      %dma_wait3A_1601 = arith.constant 0 : i32
      %dma_wait3A_1602 = arith.constant 0 : i32
      %dma_wait3A_1603 = tpu.memref_slice %arg4[%dma_wait3A_1601, %dma_wait3A_1602] : memref<8192x768xf32, #tpu.memory_space<hbm>> -> memref<1x768xf32, #tpu.memory_space<hbm>>
      tpu.wait_dma2 semaphore(%arg15 : memref<!tpu.dma_semaphore, #tpu.memory_space<semaphore_mem>>) src(%dma_wait3A_1603 : memref<1x768xf32, #tpu.memory_space<hbm>>) dst(%dma_wait3A_1600 : memref<1x768xf32, #tpu.memory_space<vmem>>)
      %dma_wait3A_1604 = arith.constant 74 : i32
      %dma_wait3A_1605 = arith.constant 0 : i32
      %dma_wait3A_1606 = tpu.memref_slice %arg13[%dma_wait3A_1604, %dma_wait3A_1605] : memref<128x768xf32, #tpu.memory_space<vmem>> -> memref<1x768xf32, #tpu.memory_space<vmem>>
      %dma_wait3A_1607 = arith.constant 0 : i32
      %dma_wait3A_1608 = arith.constant 0 : i32
      %dma_wait3A_1609 = tpu.memref_slice %arg4[%dma_wait3A_1607, %dma_wait3A_1608] : memref<8192x768xf32, #tpu.memory_space<hbm>> -> memref<1x768xf32, #tpu.memory_space<hbm>>
      tpu.wait_dma2 semaphore(%arg15 : memref<!tpu.dma_semaphore, #tpu.memory_space<semaphore_mem>>) src(%dma_wait3A_1609 : memref<1x768xf32, #tpu.memory_space<hbm>>) dst(%dma_wait3A_1606 : memref<1x768xf32, #tpu.memory_space<vmem>>)
      %dma_wait3A_1610 = arith.constant 75 : i32
      %dma_wait3A_1611 = arith.constant 0 : i32
      %dma_wait3A_1612 = tpu.memref_slice %arg13[%dma_wait3A_1610, %dma_wait3A_1611] : memref<128x768xf32, #tpu.memory_space<vmem>> -> memref<1x768xf32, #tpu.memory_space<vmem>>
      %dma_wait3A_1613 = arith.constant 0 : i32
      %dma_wait3A_1614 = arith.constant 0 : i32
      %dma_wait3A_1615 = tpu.memref_slice %arg4[%dma_wait3A_1613, %dma_wait3A_1614] : memref<8192x768xf32, #tpu.memory_space<hbm>> -> memref<1x768xf32, #tpu.memory_space<hbm>>
      tpu.wait_dma2 semaphore(%arg15 : memref<!tpu.dma_semaphore, #tpu.memory_space<semaphore_mem>>) src(%dma_wait3A_1615 : memref<1x768xf32, #tpu.memory_space<hbm>>) dst(%dma_wait3A_1612 : memref<1x768xf32, #tpu.memory_space<vmem>>)
      %dma_wait3A_1616 = arith.constant 76 : i32
      %dma_wait3A_1617 = arith.constant 0 : i32
      %dma_wait3A_1618 = tpu.memref_slice %arg13[%dma_wait3A_1616, %dma_wait3A_1617] : memref<128x768xf32, #tpu.memory_space<vmem>> -> memref<1x768xf32, #tpu.memory_space<vmem>>
      %dma_wait3A_1619 = arith.constant 0 : i32
      %dma_wait3A_1620 = arith.constant 0 : i32
      %dma_wait3A_1621 = tpu.memref_slice %arg4[%dma_wait3A_1619, %dma_wait3A_1620] : memref<8192x768xf32, #tpu.memory_space<hbm>> -> memref<1x768xf32, #tpu.memory_space<hbm>>
      tpu.wait_dma2 semaphore(%arg15 : memref<!tpu.dma_semaphore, #tpu.memory_space<semaphore_mem>>) src(%dma_wait3A_1621 : memref<1x768xf32, #tpu.memory_space<hbm>>) dst(%dma_wait3A_1618 : memref<1x768xf32, #tpu.memory_space<vmem>>)
      %dma_wait3A_1622 = arith.constant 77 : i32
      %dma_wait3A_1623 = arith.constant 0 : i32
      %dma_wait3A_1624 = tpu.memref_slice %arg13[%dma_wait3A_1622, %dma_wait3A_1623] : memref<128x768xf32, #tpu.memory_space<vmem>> -> memref<1x768xf32, #tpu.memory_space<vmem>>
      %dma_wait3A_1625 = arith.constant 0 : i32
      %dma_wait3A_1626 = arith.constant 0 : i32
      %dma_wait3A_1627 = tpu.memref_slice %arg4[%dma_wait3A_1625, %dma_wait3A_1626] : memref<8192x768xf32, #tpu.memory_space<hbm>> -> memref<1x768xf32, #tpu.memory_space<hbm>>
      tpu.wait_dma2 semaphore(%arg15 : memref<!tpu.dma_semaphore, #tpu.memory_space<semaphore_mem>>) src(%dma_wait3A_1627 : memref<1x768xf32, #tpu.memory_space<hbm>>) dst(%dma_wait3A_1624 : memref<1x768xf32, #tpu.memory_space<vmem>>)
      %dma_wait3A_1628 = arith.constant 78 : i32
      %dma_wait3A_1629 = arith.constant 0 : i32
      %dma_wait3A_1630 = tpu.memref_slice %arg13[%dma_wait3A_1628, %dma_wait3A_1629] : memref<128x768xf32, #tpu.memory_space<vmem>> -> memref<1x768xf32, #tpu.memory_space<vmem>>
      %dma_wait3A_1631 = arith.constant 0 : i32
      %dma_wait3A_1632 = arith.constant 0 : i32
      %dma_wait3A_1633 = tpu.memref_slice %arg4[%dma_wait3A_1631, %dma_wait3A_1632] : memref<8192x768xf32, #tpu.memory_space<hbm>> -> memref<1x768xf32, #tpu.memory_space<hbm>>
      tpu.wait_dma2 semaphore(%arg15 : memref<!tpu.dma_semaphore, #tpu.memory_space<semaphore_mem>>) src(%dma_wait3A_1633 : memref<1x768xf32, #tpu.memory_space<hbm>>) dst(%dma_wait3A_1630 : memref<1x768xf32, #tpu.memory_space<vmem>>)
      %dma_wait3A_1634 = arith.constant 79 : i32
      %dma_wait3A_1635 = arith.constant 0 : i32
      %dma_wait3A_1636 = tpu.memref_slice %arg13[%dma_wait3A_1634, %dma_wait3A_1635] : memref<128x768xf32, #tpu.memory_space<vmem>> -> memref<1x768xf32, #tpu.memory_space<vmem>>
      %dma_wait3A_1637 = arith.constant 0 : i32
      %dma_wait3A_1638 = arith.constant 0 : i32
      %dma_wait3A_1639 = tpu.memref_slice %arg4[%dma_wait3A_1637, %dma_wait3A_1638] : memref<8192x768xf32, #tpu.memory_space<hbm>> -> memref<1x768xf32, #tpu.memory_space<hbm>>
      tpu.wait_dma2 semaphore(%arg15 : memref<!tpu.dma_semaphore, #tpu.memory_space<semaphore_mem>>) src(%dma_wait3A_1639 : memref<1x768xf32, #tpu.memory_space<hbm>>) dst(%dma_wait3A_1636 : memref<1x768xf32, #tpu.memory_space<vmem>>)
      %dma_wait3A_1640 = arith.constant 80 : i32
      %dma_wait3A_1641 = arith.constant 0 : i32
      %dma_wait3A_1642 = tpu.memref_slice %arg13[%dma_wait3A_1640, %dma_wait3A_1641] : memref<128x768xf32, #tpu.memory_space<vmem>> -> memref<1x768xf32, #tpu.memory_space<vmem>>
      %dma_wait3A_1643 = arith.constant 0 : i32
      %dma_wait3A_1644 = arith.constant 0 : i32
      %dma_wait3A_1645 = tpu.memref_slice %arg4[%dma_wait3A_1643, %dma_wait3A_1644] : memref<8192x768xf32, #tpu.memory_space<hbm>> -> memref<1x768xf32, #tpu.memory_space<hbm>>
      tpu.wait_dma2 semaphore(%arg15 : memref<!tpu.dma_semaphore, #tpu.memory_space<semaphore_mem>>) src(%dma_wait3A_1645 : memref<1x768xf32, #tpu.memory_space<hbm>>) dst(%dma_wait3A_1642 : memref<1x768xf32, #tpu.memory_space<vmem>>)
      %dma_wait3A_1646 = arith.constant 81 : i32
      %dma_wait3A_1647 = arith.constant 0 : i32
      %dma_wait3A_1648 = tpu.memref_slice %arg13[%dma_wait3A_1646, %dma_wait3A_1647] : memref<128x768xf32, #tpu.memory_space<vmem>> -> memref<1x768xf32, #tpu.memory_space<vmem>>
      %dma_wait3A_1649 = arith.constant 0 : i32
      %dma_wait3A_1650 = arith.constant 0 : i32
      %dma_wait3A_1651 = tpu.memref_slice %arg4[%dma_wait3A_1649, %dma_wait3A_1650] : memref<8192x768xf32, #tpu.memory_space<hbm>> -> memref<1x768xf32, #tpu.memory_space<hbm>>
      tpu.wait_dma2 semaphore(%arg15 : memref<!tpu.dma_semaphore, #tpu.memory_space<semaphore_mem>>) src(%dma_wait3A_1651 : memref<1x768xf32, #tpu.memory_space<hbm>>) dst(%dma_wait3A_1648 : memref<1x768xf32, #tpu.memory_space<vmem>>)
      %dma_wait3A_1652 = arith.constant 82 : i32
      %dma_wait3A_1653 = arith.constant 0 : i32
      %dma_wait3A_1654 = tpu.memref_slice %arg13[%dma_wait3A_1652, %dma_wait3A_1653] : memref<128x768xf32, #tpu.memory_space<vmem>> -> memref<1x768xf32, #tpu.memory_space<vmem>>
      %dma_wait3A_1655 = arith.constant 0 : i32
      %dma_wait3A_1656 = arith.constant 0 : i32
      %dma_wait3A_1657 = tpu.memref_slice %arg4[%dma_wait3A_1655, %dma_wait3A_1656] : memref<8192x768xf32, #tpu.memory_space<hbm>> -> memref<1x768xf32, #tpu.memory_space<hbm>>
      tpu.wait_dma2 semaphore(%arg15 : memref<!tpu.dma_semaphore, #tpu.memory_space<semaphore_mem>>) src(%dma_wait3A_1657 : memref<1x768xf32, #tpu.memory_space<hbm>>) dst(%dma_wait3A_1654 : memref<1x768xf32, #tpu.memory_space<vmem>>)
      %dma_wait3A_1658 = arith.constant 83 : i32
      %dma_wait3A_1659 = arith.constant 0 : i32
      %dma_wait3A_1660 = tpu.memref_slice %arg13[%dma_wait3A_1658, %dma_wait3A_1659] : memref<128x768xf32, #tpu.memory_space<vmem>> -> memref<1x768xf32, #tpu.memory_space<vmem>>
      %dma_wait3A_1661 = arith.constant 0 : i32
      %dma_wait3A_1662 = arith.constant 0 : i32
      %dma_wait3A_1663 = tpu.memref_slice %arg4[%dma_wait3A_1661, %dma_wait3A_1662] : memref<8192x768xf32, #tpu.memory_space<hbm>> -> memref<1x768xf32, #tpu.memory_space<hbm>>
      tpu.wait_dma2 semaphore(%arg15 : memref<!tpu.dma_semaphore, #tpu.memory_space<semaphore_mem>>) src(%dma_wait3A_1663 : memref<1x768xf32, #tpu.memory_space<hbm>>) dst(%dma_wait3A_1660 : memref<1x768xf32, #tpu.memory_space<vmem>>)
      %dma_wait3A_1664 = arith.constant 84 : i32
      %dma_wait3A_1665 = arith.constant 0 : i32
      %dma_wait3A_1666 = tpu.memref_slice %arg13[%dma_wait3A_1664, %dma_wait3A_1665] : memref<128x768xf32, #tpu.memory_space<vmem>> -> memref<1x768xf32, #tpu.memory_space<vmem>>
      %dma_wait3A_1667 = arith.constant 0 : i32
      %dma_wait3A_1668 = arith.constant 0 : i32
      %dma_wait3A_1669 = tpu.memref_slice %arg4[%dma_wait3A_1667, %dma_wait3A_1668] : memref<8192x768xf32, #tpu.memory_space<hbm>> -> memref<1x768xf32, #tpu.memory_space<hbm>>
      tpu.wait_dma2 semaphore(%arg15 : memref<!tpu.dma_semaphore, #tpu.memory_space<semaphore_mem>>) src(%dma_wait3A_1669 : memref<1x768xf32, #tpu.memory_space<hbm>>) dst(%dma_wait3A_1666 : memref<1x768xf32, #tpu.memory_space<vmem>>)
      %dma_wait3A_1670 = arith.constant 85 : i32
      %dma_wait3A_1671 = arith.constant 0 : i32
      %dma_wait3A_1672 = tpu.memref_slice %arg13[%dma_wait3A_1670, %dma_wait3A_1671] : memref<128x768xf32, #tpu.memory_space<vmem>> -> memref<1x768xf32, #tpu.memory_space<vmem>>
      %dma_wait3A_1673 = arith.constant 0 : i32
      %dma_wait3A_1674 = arith.constant 0 : i32
      %dma_wait3A_1675 = tpu.memref_slice %arg4[%dma_wait3A_1673, %dma_wait3A_1674] : memref<8192x768xf32, #tpu.memory_space<hbm>> -> memref<1x768xf32, #tpu.memory_space<hbm>>
      tpu.wait_dma2 semaphore(%arg15 : memref<!tpu.dma_semaphore, #tpu.memory_space<semaphore_mem>>) src(%dma_wait3A_1675 : memref<1x768xf32, #tpu.memory_space<hbm>>) dst(%dma_wait3A_1672 : memref<1x768xf32, #tpu.memory_space<vmem>>)
      %dma_wait3A_1676 = arith.constant 86 : i32
      %dma_wait3A_1677 = arith.constant 0 : i32
      %dma_wait3A_1678 = tpu.memref_slice %arg13[%dma_wait3A_1676, %dma_wait3A_1677] : memref<128x768xf32, #tpu.memory_space<vmem>> -> memref<1x768xf32, #tpu.memory_space<vmem>>
      %dma_wait3A_1679 = arith.constant 0 : i32
      %dma_wait3A_1680 = arith.constant 0 : i32
      %dma_wait3A_1681 = tpu.memref_slice %arg4[%dma_wait3A_1679, %dma_wait3A_1680] : memref<8192x768xf32, #tpu.memory_space<hbm>> -> memref<1x768xf32, #tpu.memory_space<hbm>>
      tpu.wait_dma2 semaphore(%arg15 : memref<!tpu.dma_semaphore, #tpu.memory_space<semaphore_mem>>) src(%dma_wait3A_1681 : memref<1x768xf32, #tpu.memory_space<hbm>>) dst(%dma_wait3A_1678 : memref<1x768xf32, #tpu.memory_space<vmem>>)
      %dma_wait3A_1682 = arith.constant 87 : i32
      %dma_wait3A_1683 = arith.constant 0 : i32
      %dma_wait3A_1684 = tpu.memref_slice %arg13[%dma_wait3A_1682, %dma_wait3A_1683] : memref<128x768xf32, #tpu.memory_space<vmem>> -> memref<1x768xf32, #tpu.memory_space<vmem>>
      %dma_wait3A_1685 = arith.constant 0 : i32
      %dma_wait3A_1686 = arith.constant 0 : i32
      %dma_wait3A_1687 = tpu.memref_slice %arg4[%dma_wait3A_1685, %dma_wait3A_1686] : memref<8192x768xf32, #tpu.memory_space<hbm>> -> memref<1x768xf32, #tpu.memory_space<hbm>>
      tpu.wait_dma2 semaphore(%arg15 : memref<!tpu.dma_semaphore, #tpu.memory_space<semaphore_mem>>) src(%dma_wait3A_1687 : memref<1x768xf32, #tpu.memory_space<hbm>>) dst(%dma_wait3A_1684 : memref<1x768xf32, #tpu.memory_space<vmem>>)
      %dma_wait3A_1688 = arith.constant 88 : i32
      %dma_wait3A_1689 = arith.constant 0 : i32
      %dma_wait3A_1690 = tpu.memref_slice %arg13[%dma_wait3A_1688, %dma_wait3A_1689] : memref<128x768xf32, #tpu.memory_space<vmem>> -> memref<1x768xf32, #tpu.memory_space<vmem>>
      %dma_wait3A_1691 = arith.constant 0 : i32
      %dma_wait3A_1692 = arith.constant 0 : i32
      %dma_wait3A_1693 = tpu.memref_slice %arg4[%dma_wait3A_1691, %dma_wait3A_1692] : memref<8192x768xf32, #tpu.memory_space<hbm>> -> memref<1x768xf32, #tpu.memory_space<hbm>>
      tpu.wait_dma2 semaphore(%arg15 : memref<!tpu.dma_semaphore, #tpu.memory_space<semaphore_mem>>) src(%dma_wait3A_1693 : memref<1x768xf32, #tpu.memory_space<hbm>>) dst(%dma_wait3A_1690 : memref<1x768xf32, #tpu.memory_space<vmem>>)
      %dma_wait3A_1694 = arith.constant 89 : i32
      %dma_wait3A_1695 = arith.constant 0 : i32
      %dma_wait3A_1696 = tpu.memref_slice %arg13[%dma_wait3A_1694, %dma_wait3A_1695] : memref<128x768xf32, #tpu.memory_space<vmem>> -> memref<1x768xf32, #tpu.memory_space<vmem>>
      %dma_wait3A_1697 = arith.constant 0 : i32
      %dma_wait3A_1698 = arith.constant 0 : i32
      %dma_wait3A_1699 = tpu.memref_slice %arg4[%dma_wait3A_1697, %dma_wait3A_1698] : memref<8192x768xf32, #tpu.memory_space<hbm>> -> memref<1x768xf32, #tpu.memory_space<hbm>>
      tpu.wait_dma2 semaphore(%arg15 : memref<!tpu.dma_semaphore, #tpu.memory_space<semaphore_mem>>) src(%dma_wait3A_1699 : memref<1x768xf32, #tpu.memory_space<hbm>>) dst(%dma_wait3A_1696 : memref<1x768xf32, #tpu.memory_space<vmem>>)
      %dma_wait3A_1700 = arith.constant 90 : i32
      %dma_wait3A_1701 = arith.constant 0 : i32
      %dma_wait3A_1702 = tpu.memref_slice %arg13[%dma_wait3A_1700, %dma_wait3A_1701] : memref<128x768xf32, #tpu.memory_space<vmem>> -> memref<1x768xf32, #tpu.memory_space<vmem>>
      %dma_wait3A_1703 = arith.constant 0 : i32
      %dma_wait3A_1704 = arith.constant 0 : i32
      %dma_wait3A_1705 = tpu.memref_slice %arg4[%dma_wait3A_1703, %dma_wait3A_1704] : memref<8192x768xf32, #tpu.memory_space<hbm>> -> memref<1x768xf32, #tpu.memory_space<hbm>>
      tpu.wait_dma2 semaphore(%arg15 : memref<!tpu.dma_semaphore, #tpu.memory_space<semaphore_mem>>) src(%dma_wait3A_1705 : memref<1x768xf32, #tpu.memory_space<hbm>>) dst(%dma_wait3A_1702 : memref<1x768xf32, #tpu.memory_space<vmem>>)
      %dma_wait3A_1706 = arith.constant 91 : i32
      %dma_wait3A_1707 = arith.constant 0 : i32
      %dma_wait3A_1708 = tpu.memref_slice %arg13[%dma_wait3A_1706, %dma_wait3A_1707] : memref<128x768xf32, #tpu.memory_space<vmem>> -> memref<1x768xf32, #tpu.memory_space<vmem>>
      %dma_wait3A_1709 = arith.constant 0 : i32
      %dma_wait3A_1710 = arith.constant 0 : i32
      %dma_wait3A_1711 = tpu.memref_slice %arg4[%dma_wait3A_1709, %dma_wait3A_1710] : memref<8192x768xf32, #tpu.memory_space<hbm>> -> memref<1x768xf32, #tpu.memory_space<hbm>>
      tpu.wait_dma2 semaphore(%arg15 : memref<!tpu.dma_semaphore, #tpu.memory_space<semaphore_mem>>) src(%dma_wait3A_1711 : memref<1x768xf32, #tpu.memory_space<hbm>>) dst(%dma_wait3A_1708 : memref<1x768xf32, #tpu.memory_space<vmem>>)
      %dma_wait3A_1712 = arith.constant 92 : i32
      %dma_wait3A_1713 = arith.constant 0 : i32
      %dma_wait3A_1714 = tpu.memref_slice %arg13[%dma_wait3A_1712, %dma_wait3A_1713] : memref<128x768xf32, #tpu.memory_space<vmem>> -> memref<1x768xf32, #tpu.memory_space<vmem>>
      %dma_wait3A_1715 = arith.constant 0 : i32
      %dma_wait3A_1716 = arith.constant 0 : i32
      %dma_wait3A_1717 = tpu.memref_slice %arg4[%dma_wait3A_1715, %dma_wait3A_1716] : memref<8192x768xf32, #tpu.memory_space<hbm>> -> memref<1x768xf32, #tpu.memory_space<hbm>>
      tpu.wait_dma2 semaphore(%arg15 : memref<!tpu.dma_semaphore, #tpu.memory_space<semaphore_mem>>) src(%dma_wait3A_1717 : memref<1x768xf32, #tpu.memory_space<hbm>>) dst(%dma_wait3A_1714 : memref<1x768xf32, #tpu.memory_space<vmem>>)
      %dma_wait3A_1718 = arith.constant 93 : i32
      %dma_wait3A_1719 = arith.constant 0 : i32
      %dma_wait3A_1720 = tpu.memref_slice %arg13[%dma_wait3A_1718, %dma_wait3A_1719] : memref<128x768xf32, #tpu.memory_space<vmem>> -> memref<1x768xf32, #tpu.memory_space<vmem>>
      %dma_wait3A_1721 = arith.constant 0 : i32
      %dma_wait3A_1722 = arith.constant 0 : i32
      %dma_wait3A_1723 = tpu.memref_slice %arg4[%dma_wait3A_1721, %dma_wait3A_1722] : memref<8192x768xf32, #tpu.memory_space<hbm>> -> memref<1x768xf32, #tpu.memory_space<hbm>>
      tpu.wait_dma2 semaphore(%arg15 : memref<!tpu.dma_semaphore, #tpu.memory_space<semaphore_mem>>) src(%dma_wait3A_1723 : memref<1x768xf32, #tpu.memory_space<hbm>>) dst(%dma_wait3A_1720 : memref<1x768xf32, #tpu.memory_space<vmem>>)
      %dma_wait3A_1724 = arith.constant 94 : i32
      %dma_wait3A_1725 = arith.constant 0 : i32
      %dma_wait3A_1726 = tpu.memref_slice %arg13[%dma_wait3A_1724, %dma_wait3A_1725] : memref<128x768xf32, #tpu.memory_space<vmem>> -> memref<1x768xf32, #tpu.memory_space<vmem>>
      %dma_wait3A_1727 = arith.constant 0 : i32
      %dma_wait3A_1728 = arith.constant 0 : i32
      %dma_wait3A_1729 = tpu.memref_slice %arg4[%dma_wait3A_1727, %dma_wait3A_1728] : memref<8192x768xf32, #tpu.memory_space<hbm>> -> memref<1x768xf32, #tpu.memory_space<hbm>>
      tpu.wait_dma2 semaphore(%arg15 : memref<!tpu.dma_semaphore, #tpu.memory_space<semaphore_mem>>) src(%dma_wait3A_1729 : memref<1x768xf32, #tpu.memory_space<hbm>>) dst(%dma_wait3A_1726 : memref<1x768xf32, #tpu.memory_space<vmem>>)
      %dma_wait3A_1730 = arith.constant 95 : i32
      %dma_wait3A_1731 = arith.constant 0 : i32
      %dma_wait3A_1732 = tpu.memref_slice %arg13[%dma_wait3A_1730, %dma_wait3A_1731] : memref<128x768xf32, #tpu.memory_space<vmem>> -> memref<1x768xf32, #tpu.memory_space<vmem>>
      %dma_wait3A_1733 = arith.constant 0 : i32
      %dma_wait3A_1734 = arith.constant 0 : i32
      %dma_wait3A_1735 = tpu.memref_slice %arg4[%dma_wait3A_1733, %dma_wait3A_1734] : memref<8192x768xf32, #tpu.memory_space<hbm>> -> memref<1x768xf32, #tpu.memory_space<hbm>>
      tpu.wait_dma2 semaphore(%arg15 : memref<!tpu.dma_semaphore, #tpu.memory_space<semaphore_mem>>) src(%dma_wait3A_1735 : memref<1x768xf32, #tpu.memory_space<hbm>>) dst(%dma_wait3A_1732 : memref<1x768xf32, #tpu.memory_space<vmem>>)
      %dma_wait3A_1736 = arith.constant 96 : i32
      %dma_wait3A_1737 = arith.constant 0 : i32
      %dma_wait3A_1738 = tpu.memref_slice %arg13[%dma_wait3A_1736, %dma_wait3A_1737] : memref<128x768xf32, #tpu.memory_space<vmem>> -> memref<1x768xf32, #tpu.memory_space<vmem>>
      %dma_wait3A_1739 = arith.constant 0 : i32
      %dma_wait3A_1740 = arith.constant 0 : i32
      %dma_wait3A_1741 = tpu.memref_slice %arg4[%dma_wait3A_1739, %dma_wait3A_1740] : memref<8192x768xf32, #tpu.memory_space<hbm>> -> memref<1x768xf32, #tpu.memory_space<hbm>>
      tpu.wait_dma2 semaphore(%arg15 : memref<!tpu.dma_semaphore, #tpu.memory_space<semaphore_mem>>) src(%dma_wait3A_1741 : memref<1x768xf32, #tpu.memory_space<hbm>>) dst(%dma_wait3A_1738 : memref<1x768xf32, #tpu.memory_space<vmem>>)
      %dma_wait3A_1742 = arith.constant 97 : i32
      %dma_wait3A_1743 = arith.constant 0 : i32
      %dma_wait3A_1744 = tpu.memref_slice %arg13[%dma_wait3A_1742, %dma_wait3A_1743] : memref<128x768xf32, #tpu.memory_space<vmem>> -> memref<1x768xf32, #tpu.memory_space<vmem>>
      %dma_wait3A_1745 = arith.constant 0 : i32
      %dma_wait3A_1746 = arith.constant 0 : i32
      %dma_wait3A_1747 = tpu.memref_slice %arg4[%dma_wait3A_1745, %dma_wait3A_1746] : memref<8192x768xf32, #tpu.memory_space<hbm>> -> memref<1x768xf32, #tpu.memory_space<hbm>>
      tpu.wait_dma2 semaphore(%arg15 : memref<!tpu.dma_semaphore, #tpu.memory_space<semaphore_mem>>) src(%dma_wait3A_1747 : memref<1x768xf32, #tpu.memory_space<hbm>>) dst(%dma_wait3A_1744 : memref<1x768xf32, #tpu.memory_space<vmem>>)
      %dma_wait3A_1748 = arith.constant 98 : i32
      %dma_wait3A_1749 = arith.constant 0 : i32
      %dma_wait3A_1750 = tpu.memref_slice %arg13[%dma_wait3A_1748, %dma_wait3A_1749] : memref<128x768xf32, #tpu.memory_space<vmem>> -> memref<1x768xf32, #tpu.memory_space<vmem>>
      %dma_wait3A_1751 = arith.constant 0 : i32
      %dma_wait3A_1752 = arith.constant 0 : i32
      %dma_wait3A_1753 = tpu.memref_slice %arg4[%dma_wait3A_1751, %dma_wait3A_1752] : memref<8192x768xf32, #tpu.memory_space<hbm>> -> memref<1x768xf32, #tpu.memory_space<hbm>>
      tpu.wait_dma2 semaphore(%arg15 : memref<!tpu.dma_semaphore, #tpu.memory_space<semaphore_mem>>) src(%dma_wait3A_1753 : memref<1x768xf32, #tpu.memory_space<hbm>>) dst(%dma_wait3A_1750 : memref<1x768xf32, #tpu.memory_space<vmem>>)
      %dma_wait3A_1754 = arith.constant 99 : i32
      %dma_wait3A_1755 = arith.constant 0 : i32
      %dma_wait3A_1756 = tpu.memref_slice %arg13[%dma_wait3A_1754, %dma_wait3A_1755] : memref<128x768xf32, #tpu.memory_space<vmem>> -> memref<1x768xf32, #tpu.memory_space<vmem>>
      %dma_wait3A_1757 = arith.constant 0 : i32
      %dma_wait3A_1758 = arith.constant 0 : i32
      %dma_wait3A_1759 = tpu.memref_slice %arg4[%dma_wait3A_1757, %dma_wait3A_1758] : memref<8192x768xf32, #tpu.memory_space<hbm>> -> memref<1x768xf32, #tpu.memory_space<hbm>>
      tpu.wait_dma2 semaphore(%arg15 : memref<!tpu.dma_semaphore, #tpu.memory_space<semaphore_mem>>) src(%dma_wait3A_1759 : memref<1x768xf32, #tpu.memory_space<hbm>>) dst(%dma_wait3A_1756 : memref<1x768xf32, #tpu.memory_space<vmem>>)
      %dma_wait3A_1760 = arith.constant 100 : i32
      %dma_wait3A_1761 = arith.constant 0 : i32
      %dma_wait3A_1762 = tpu.memref_slice %arg13[%dma_wait3A_1760, %dma_wait3A_1761] : memref<128x768xf32, #tpu.memory_space<vmem>> -> memref<1x768xf32, #tpu.memory_space<vmem>>
      %dma_wait3A_1763 = arith.constant 0 : i32
      %dma_wait3A_1764 = arith.constant 0 : i32
      %dma_wait3A_1765 = tpu.memref_slice %arg4[%dma_wait3A_1763, %dma_wait3A_1764] : memref<8192x768xf32, #tpu.memory_space<hbm>> -> memref<1x768xf32, #tpu.memory_space<hbm>>
      tpu.wait_dma2 semaphore(%arg15 : memref<!tpu.dma_semaphore, #tpu.memory_space<semaphore_mem>>) src(%dma_wait3A_1765 : memref<1x768xf32, #tpu.memory_space<hbm>>) dst(%dma_wait3A_1762 : memref<1x768xf32, #tpu.memory_space<vmem>>)
      %dma_wait3A_1766 = arith.constant 101 : i32
      %dma_wait3A_1767 = arith.constant 0 : i32
      %dma_wait3A_1768 = tpu.memref_slice %arg13[%dma_wait3A_1766, %dma_wait3A_1767] : memref<128x768xf32, #tpu.memory_space<vmem>> -> memref<1x768xf32, #tpu.memory_space<vmem>>
      %dma_wait3A_1769 = arith.constant 0 : i32
      %dma_wait3A_1770 = arith.constant 0 : i32
      %dma_wait3A_1771 = tpu.memref_slice %arg4[%dma_wait3A_1769, %dma_wait3A_1770] : memref<8192x768xf32, #tpu.memory_space<hbm>> -> memref<1x768xf32, #tpu.memory_space<hbm>>
      tpu.wait_dma2 semaphore(%arg15 : memref<!tpu.dma_semaphore, #tpu.memory_space<semaphore_mem>>) src(%dma_wait3A_1771 : memref<1x768xf32, #tpu.memory_space<hbm>>) dst(%dma_wait3A_1768 : memref<1x768xf32, #tpu.memory_space<vmem>>)
      %dma_wait3A_1772 = arith.constant 102 : i32
      %dma_wait3A_1773 = arith.constant 0 : i32
      %dma_wait3A_1774 = tpu.memref_slice %arg13[%dma_wait3A_1772, %dma_wait3A_1773] : memref<128x768xf32, #tpu.memory_space<vmem>> -> memref<1x768xf32, #tpu.memory_space<vmem>>
      %dma_wait3A_1775 = arith.constant 0 : i32
      %dma_wait3A_1776 = arith.constant 0 : i32
      %dma_wait3A_1777 = tpu.memref_slice %arg4[%dma_wait3A_1775, %dma_wait3A_1776] : memref<8192x768xf32, #tpu.memory_space<hbm>> -> memref<1x768xf32, #tpu.memory_space<hbm>>
      tpu.wait_dma2 semaphore(%arg15 : memref<!tpu.dma_semaphore, #tpu.memory_space<semaphore_mem>>) src(%dma_wait3A_1777 : memref<1x768xf32, #tpu.memory_space<hbm>>) dst(%dma_wait3A_1774 : memref<1x768xf32, #tpu.memory_space<vmem>>)
      %dma_wait3A_1778 = arith.constant 103 : i32
      %dma_wait3A_1779 = arith.constant 0 : i32
      %dma_wait3A_1780 = tpu.memref_slice %arg13[%dma_wait3A_1778, %dma_wait3A_1779] : memref<128x768xf32, #tpu.memory_space<vmem>> -> memref<1x768xf32, #tpu.memory_space<vmem>>
      %dma_wait3A_1781 = arith.constant 0 : i32
      %dma_wait3A_1782 = arith.constant 0 : i32
      %dma_wait3A_1783 = tpu.memref_slice %arg4[%dma_wait3A_1781, %dma_wait3A_1782] : memref<8192x768xf32, #tpu.memory_space<hbm>> -> memref<1x768xf32, #tpu.memory_space<hbm>>
      tpu.wait_dma2 semaphore(%arg15 : memref<!tpu.dma_semaphore, #tpu.memory_space<semaphore_mem>>) src(%dma_wait3A_1783 : memref<1x768xf32, #tpu.memory_space<hbm>>) dst(%dma_wait3A_1780 : memref<1x768xf32, #tpu.memory_space<vmem>>)
      %dma_wait3A_1784 = arith.constant 104 : i32
      %dma_wait3A_1785 = arith.constant 0 : i32
      %dma_wait3A_1786 = tpu.memref_slice %arg13[%dma_wait3A_1784, %dma_wait3A_1785] : memref<128x768xf32, #tpu.memory_space<vmem>> -> memref<1x768xf32, #tpu.memory_space<vmem>>
      %dma_wait3A_1787 = arith.constant 0 : i32
      %dma_wait3A_1788 = arith.constant 0 : i32
      %dma_wait3A_1789 = tpu.memref_slice %arg4[%dma_wait3A_1787, %dma_wait3A_1788] : memref<8192x768xf32, #tpu.memory_space<hbm>> -> memref<1x768xf32, #tpu.memory_space<hbm>>
      tpu.wait_dma2 semaphore(%arg15 : memref<!tpu.dma_semaphore, #tpu.memory_space<semaphore_mem>>) src(%dma_wait3A_1789 : memref<1x768xf32, #tpu.memory_space<hbm>>) dst(%dma_wait3A_1786 : memref<1x768xf32, #tpu.memory_space<vmem>>)
      %dma_wait3A_1790 = arith.constant 105 : i32
      %dma_wait3A_1791 = arith.constant 0 : i32
      %dma_wait3A_1792 = tpu.memref_slice %arg13[%dma_wait3A_1790, %dma_wait3A_1791] : memref<128x768xf32, #tpu.memory_space<vmem>> -> memref<1x768xf32, #tpu.memory_space<vmem>>
      %dma_wait3A_1793 = arith.constant 0 : i32
      %dma_wait3A_1794 = arith.constant 0 : i32
      %dma_wait3A_1795 = tpu.memref_slice %arg4[%dma_wait3A_1793, %dma_wait3A_1794] : memref<8192x768xf32, #tpu.memory_space<hbm>> -> memref<1x768xf32, #tpu.memory_space<hbm>>
      tpu.wait_dma2 semaphore(%arg15 : memref<!tpu.dma_semaphore, #tpu.memory_space<semaphore_mem>>) src(%dma_wait3A_1795 : memref<1x768xf32, #tpu.memory_space<hbm>>) dst(%dma_wait3A_1792 : memref<1x768xf32, #tpu.memory_space<vmem>>)
      %dma_wait3A_1796 = arith.constant 106 : i32
      %dma_wait3A_1797 = arith.constant 0 : i32
      %dma_wait3A_1798 = tpu.memref_slice %arg13[%dma_wait3A_1796, %dma_wait3A_1797] : memref<128x768xf32, #tpu.memory_space<vmem>> -> memref<1x768xf32, #tpu.memory_space<vmem>>
      %dma_wait3A_1799 = arith.constant 0 : i32
      %dma_wait3A_1800 = arith.constant 0 : i32
      %dma_wait3A_1801 = tpu.memref_slice %arg4[%dma_wait3A_1799, %dma_wait3A_1800] : memref<8192x768xf32, #tpu.memory_space<hbm>> -> memref<1x768xf32, #tpu.memory_space<hbm>>
      tpu.wait_dma2 semaphore(%arg15 : memref<!tpu.dma_semaphore, #tpu.memory_space<semaphore_mem>>) src(%dma_wait3A_1801 : memref<1x768xf32, #tpu.memory_space<hbm>>) dst(%dma_wait3A_1798 : memref<1x768xf32, #tpu.memory_space<vmem>>)
      %dma_wait3A_1802 = arith.constant 107 : i32
      %dma_wait3A_1803 = arith.constant 0 : i32
      %dma_wait3A_1804 = tpu.memref_slice %arg13[%dma_wait3A_1802, %dma_wait3A_1803] : memref<128x768xf32, #tpu.memory_space<vmem>> -> memref<1x768xf32, #tpu.memory_space<vmem>>
      %dma_wait3A_1805 = arith.constant 0 : i32
      %dma_wait3A_1806 = arith.constant 0 : i32
      %dma_wait3A_1807 = tpu.memref_slice %arg4[%dma_wait3A_1805, %dma_wait3A_1806] : memref<8192x768xf32, #tpu.memory_space<hbm>> -> memref<1x768xf32, #tpu.memory_space<hbm>>
      tpu.wait_dma2 semaphore(%arg15 : memref<!tpu.dma_semaphore, #tpu.memory_space<semaphore_mem>>) src(%dma_wait3A_1807 : memref<1x768xf32, #tpu.memory_space<hbm>>) dst(%dma_wait3A_1804 : memref<1x768xf32, #tpu.memory_space<vmem>>)
      %dma_wait3A_1808 = arith.constant 108 : i32
      %dma_wait3A_1809 = arith.constant 0 : i32
      %dma_wait3A_1810 = tpu.memref_slice %arg13[%dma_wait3A_1808, %dma_wait3A_1809] : memref<128x768xf32, #tpu.memory_space<vmem>> -> memref<1x768xf32, #tpu.memory_space<vmem>>
      %dma_wait3A_1811 = arith.constant 0 : i32
      %dma_wait3A_1812 = arith.constant 0 : i32
      %dma_wait3A_1813 = tpu.memref_slice %arg4[%dma_wait3A_1811, %dma_wait3A_1812] : memref<8192x768xf32, #tpu.memory_space<hbm>> -> memref<1x768xf32, #tpu.memory_space<hbm>>
      tpu.wait_dma2 semaphore(%arg15 : memref<!tpu.dma_semaphore, #tpu.memory_space<semaphore_mem>>) src(%dma_wait3A_1813 : memref<1x768xf32, #tpu.memory_space<hbm>>) dst(%dma_wait3A_1810 : memref<1x768xf32, #tpu.memory_space<vmem>>)
      %dma_wait3A_1814 = arith.constant 109 : i32
      %dma_wait3A_1815 = arith.constant 0 : i32
      %dma_wait3A_1816 = tpu.memref_slice %arg13[%dma_wait3A_1814, %dma_wait3A_1815] : memref<128x768xf32, #tpu.memory_space<vmem>> -> memref<1x768xf32, #tpu.memory_space<vmem>>
      %dma_wait3A_1817 = arith.constant 0 : i32
      %dma_wait3A_1818 = arith.constant 0 : i32
      %dma_wait3A_1819 = tpu.memref_slice %arg4[%dma_wait3A_1817, %dma_wait3A_1818] : memref<8192x768xf32, #tpu.memory_space<hbm>> -> memref<1x768xf32, #tpu.memory_space<hbm>>
      tpu.wait_dma2 semaphore(%arg15 : memref<!tpu.dma_semaphore, #tpu.memory_space<semaphore_mem>>) src(%dma_wait3A_1819 : memref<1x768xf32, #tpu.memory_space<hbm>>) dst(%dma_wait3A_1816 : memref<1x768xf32, #tpu.memory_space<vmem>>)
      %dma_wait3A_1820 = arith.constant 110 : i32
      %dma_wait3A_1821 = arith.constant 0 : i32
      %dma_wait3A_1822 = tpu.memref_slice %arg13[%dma_wait3A_1820, %dma_wait3A_1821] : memref<128x768xf32, #tpu.memory_space<vmem>> -> memref<1x768xf32, #tpu.memory_space<vmem>>
      %dma_wait3A_1823 = arith.constant 0 : i32
      %dma_wait3A_1824 = arith.constant 0 : i32
      %dma_wait3A_1825 = tpu.memref_slice %arg4[%dma_wait3A_1823, %dma_wait3A_1824] : memref<8192x768xf32, #tpu.memory_space<hbm>> -> memref<1x768xf32, #tpu.memory_space<hbm>>
      tpu.wait_dma2 semaphore(%arg15 : memref<!tpu.dma_semaphore, #tpu.memory_space<semaphore_mem>>) src(%dma_wait3A_1825 : memref<1x768xf32, #tpu.memory_space<hbm>>) dst(%dma_wait3A_1822 : memref<1x768xf32, #tpu.memory_space<vmem>>)
      %dma_wait3A_1826 = arith.constant 111 : i32
      %dma_wait3A_1827 = arith.constant 0 : i32
      %dma_wait3A_1828 = tpu.memref_slice %arg13[%dma_wait3A_1826, %dma_wait3A_1827] : memref<128x768xf32, #tpu.memory_space<vmem>> -> memref<1x768xf32, #tpu.memory_space<vmem>>
      %dma_wait3A_1829 = arith.constant 0 : i32
      %dma_wait3A_1830 = arith.constant 0 : i32
      %dma_wait3A_1831 = tpu.memref_slice %arg4[%dma_wait3A_1829, %dma_wait3A_1830] : memref<8192x768xf32, #tpu.memory_space<hbm>> -> memref<1x768xf32, #tpu.memory_space<hbm>>
      tpu.wait_dma2 semaphore(%arg15 : memref<!tpu.dma_semaphore, #tpu.memory_space<semaphore_mem>>) src(%dma_wait3A_1831 : memref<1x768xf32, #tpu.memory_space<hbm>>) dst(%dma_wait3A_1828 : memref<1x768xf32, #tpu.memory_space<vmem>>)
      %dma_wait3A_1832 = arith.constant 112 : i32
      %dma_wait3A_1833 = arith.constant 0 : i32
      %dma_wait3A_1834 = tpu.memref_slice %arg13[%dma_wait3A_1832, %dma_wait3A_1833] : memref<128x768xf32, #tpu.memory_space<vmem>> -> memref<1x768xf32, #tpu.memory_space<vmem>>
      %dma_wait3A_1835 = arith.constant 0 : i32
      %dma_wait3A_1836 = arith.constant 0 : i32
      %dma_wait3A_1837 = tpu.memref_slice %arg4[%dma_wait3A_1835, %dma_wait3A_1836] : memref<8192x768xf32, #tpu.memory_space<hbm>> -> memref<1x768xf32, #tpu.memory_space<hbm>>
      tpu.wait_dma2 semaphore(%arg15 : memref<!tpu.dma_semaphore, #tpu.memory_space<semaphore_mem>>) src(%dma_wait3A_1837 : memref<1x768xf32, #tpu.memory_space<hbm>>) dst(%dma_wait3A_1834 : memref<1x768xf32, #tpu.memory_space<vmem>>)
      %dma_wait3A_1838 = arith.constant 113 : i32
      %dma_wait3A_1839 = arith.constant 0 : i32
      %dma_wait3A_1840 = tpu.memref_slice %arg13[%dma_wait3A_1838, %dma_wait3A_1839] : memref<128x768xf32, #tpu.memory_space<vmem>> -> memref<1x768xf32, #tpu.memory_space<vmem>>
      %dma_wait3A_1841 = arith.constant 0 : i32
      %dma_wait3A_1842 = arith.constant 0 : i32
      %dma_wait3A_1843 = tpu.memref_slice %arg4[%dma_wait3A_1841, %dma_wait3A_1842] : memref<8192x768xf32, #tpu.memory_space<hbm>> -> memref<1x768xf32, #tpu.memory_space<hbm>>
      tpu.wait_dma2 semaphore(%arg15 : memref<!tpu.dma_semaphore, #tpu.memory_space<semaphore_mem>>) src(%dma_wait3A_1843 : memref<1x768xf32, #tpu.memory_space<hbm>>) dst(%dma_wait3A_1840 : memref<1x768xf32, #tpu.memory_space<vmem>>)
      %dma_wait3A_1844 = arith.constant 114 : i32
      %dma_wait3A_1845 = arith.constant 0 : i32
      %dma_wait3A_1846 = tpu.memref_slice %arg13[%dma_wait3A_1844, %dma_wait3A_1845] : memref<128x768xf32, #tpu.memory_space<vmem>> -> memref<1x768xf32, #tpu.memory_space<vmem>>
      %dma_wait3A_1847 = arith.constant 0 : i32
      %dma_wait3A_1848 = arith.constant 0 : i32
      %dma_wait3A_1849 = tpu.memref_slice %arg4[%dma_wait3A_1847, %dma_wait3A_1848] : memref<8192x768xf32, #tpu.memory_space<hbm>> -> memref<1x768xf32, #tpu.memory_space<hbm>>
      tpu.wait_dma2 semaphore(%arg15 : memref<!tpu.dma_semaphore, #tpu.memory_space<semaphore_mem>>) src(%dma_wait3A_1849 : memref<1x768xf32, #tpu.memory_space<hbm>>) dst(%dma_wait3A_1846 : memref<1x768xf32, #tpu.memory_space<vmem>>)
      %dma_wait3A_1850 = arith.constant 115 : i32
      %dma_wait3A_1851 = arith.constant 0 : i32
      %dma_wait3A_1852 = tpu.memref_slice %arg13[%dma_wait3A_1850, %dma_wait3A_1851] : memref<128x768xf32, #tpu.memory_space<vmem>> -> memref<1x768xf32, #tpu.memory_space<vmem>>
      %dma_wait3A_1853 = arith.constant 0 : i32
      %dma_wait3A_1854 = arith.constant 0 : i32
      %dma_wait3A_1855 = tpu.memref_slice %arg4[%dma_wait3A_1853, %dma_wait3A_1854] : memref<8192x768xf32, #tpu.memory_space<hbm>> -> memref<1x768xf32, #tpu.memory_space<hbm>>
      tpu.wait_dma2 semaphore(%arg15 : memref<!tpu.dma_semaphore, #tpu.memory_space<semaphore_mem>>) src(%dma_wait3A_1855 : memref<1x768xf32, #tpu.memory_space<hbm>>) dst(%dma_wait3A_1852 : memref<1x768xf32, #tpu.memory_space<vmem>>)
      %dma_wait3A_1856 = arith.constant 116 : i32
      %dma_wait3A_1857 = arith.constant 0 : i32
      %dma_wait3A_1858 = tpu.memref_slice %arg13[%dma_wait3A_1856, %dma_wait3A_1857] : memref<128x768xf32, #tpu.memory_space<vmem>> -> memref<1x768xf32, #tpu.memory_space<vmem>>
      %dma_wait3A_1859 = arith.constant 0 : i32
      %dma_wait3A_1860 = arith.constant 0 : i32
      %dma_wait3A_1861 = tpu.memref_slice %arg4[%dma_wait3A_1859, %dma_wait3A_1860] : memref<8192x768xf32, #tpu.memory_space<hbm>> -> memref<1x768xf32, #tpu.memory_space<hbm>>
      tpu.wait_dma2 semaphore(%arg15 : memref<!tpu.dma_semaphore, #tpu.memory_space<semaphore_mem>>) src(%dma_wait3A_1861 : memref<1x768xf32, #tpu.memory_space<hbm>>) dst(%dma_wait3A_1858 : memref<1x768xf32, #tpu.memory_space<vmem>>)
      %dma_wait3A_1862 = arith.constant 117 : i32
      %dma_wait3A_1863 = arith.constant 0 : i32
      %dma_wait3A_1864 = tpu.memref_slice %arg13[%dma_wait3A_1862, %dma_wait3A_1863] : memref<128x768xf32, #tpu.memory_space<vmem>> -> memref<1x768xf32, #tpu.memory_space<vmem>>
      %dma_wait3A_1865 = arith.constant 0 : i32
      %dma_wait3A_1866 = arith.constant 0 : i32
      %dma_wait3A_1867 = tpu.memref_slice %arg4[%dma_wait3A_1865, %dma_wait3A_1866] : memref<8192x768xf32, #tpu.memory_space<hbm>> -> memref<1x768xf32, #tpu.memory_space<hbm>>
      tpu.wait_dma2 semaphore(%arg15 : memref<!tpu.dma_semaphore, #tpu.memory_space<semaphore_mem>>) src(%dma_wait3A_1867 : memref<1x768xf32, #tpu.memory_space<hbm>>) dst(%dma_wait3A_1864 : memref<1x768xf32, #tpu.memory_space<vmem>>)
      %dma_wait3A_1868 = arith.constant 118 : i32
      %dma_wait3A_1869 = arith.constant 0 : i32
      %dma_wait3A_1870 = tpu.memref_slice %arg13[%dma_wait3A_1868, %dma_wait3A_1869] : memref<128x768xf32, #tpu.memory_space<vmem>> -> memref<1x768xf32, #tpu.memory_space<vmem>>
      %dma_wait3A_1871 = arith.constant 0 : i32
      %dma_wait3A_1872 = arith.constant 0 : i32
      %dma_wait3A_1873 = tpu.memref_slice %arg4[%dma_wait3A_1871, %dma_wait3A_1872] : memref<8192x768xf32, #tpu.memory_space<hbm>> -> memref<1x768xf32, #tpu.memory_space<hbm>>
      tpu.wait_dma2 semaphore(%arg15 : memref<!tpu.dma_semaphore, #tpu.memory_space<semaphore_mem>>) src(%dma_wait3A_1873 : memref<1x768xf32, #tpu.memory_space<hbm>>) dst(%dma_wait3A_1870 : memref<1x768xf32, #tpu.memory_space<vmem>>)
      %dma_wait3A_1874 = arith.constant 119 : i32
      %dma_wait3A_1875 = arith.constant 0 : i32
      %dma_wait3A_1876 = tpu.memref_slice %arg13[%dma_wait3A_1874, %dma_wait3A_1875] : memref<128x768xf32, #tpu.memory_space<vmem>> -> memref<1x768xf32, #tpu.memory_space<vmem>>
      %dma_wait3A_1877 = arith.constant 0 : i32
      %dma_wait3A_1878 = arith.constant 0 : i32
      %dma_wait3A_1879 = tpu.memref_slice %arg4[%dma_wait3A_1877, %dma_wait3A_1878] : memref<8192x768xf32, #tpu.memory_space<hbm>> -> memref<1x768xf32, #tpu.memory_space<hbm>>
      tpu.wait_dma2 semaphore(%arg15 : memref<!tpu.dma_semaphore, #tpu.memory_space<semaphore_mem>>) src(%dma_wait3A_1879 : memref<1x768xf32, #tpu.memory_space<hbm>>) dst(%dma_wait3A_1876 : memref<1x768xf32, #tpu.memory_space<vmem>>)
      %dma_wait3A_1880 = arith.constant 120 : i32
      %dma_wait3A_1881 = arith.constant 0 : i32
      %dma_wait3A_1882 = tpu.memref_slice %arg13[%dma_wait3A_1880, %dma_wait3A_1881] : memref<128x768xf32, #tpu.memory_space<vmem>> -> memref<1x768xf32, #tpu.memory_space<vmem>>
      %dma_wait3A_1883 = arith.constant 0 : i32
      %dma_wait3A_1884 = arith.constant 0 : i32
      %dma_wait3A_1885 = tpu.memref_slice %arg4[%dma_wait3A_1883, %dma_wait3A_1884] : memref<8192x768xf32, #tpu.memory_space<hbm>> -> memref<1x768xf32, #tpu.memory_space<hbm>>
      tpu.wait_dma2 semaphore(%arg15 : memref<!tpu.dma_semaphore, #tpu.memory_space<semaphore_mem>>) src(%dma_wait3A_1885 : memref<1x768xf32, #tpu.memory_space<hbm>>) dst(%dma_wait3A_1882 : memref<1x768xf32, #tpu.memory_space<vmem>>)
      %dma_wait3A_1886 = arith.constant 121 : i32
      %dma_wait3A_1887 = arith.constant 0 : i32
      %dma_wait3A_1888 = tpu.memref_slice %arg13[%dma_wait3A_1886, %dma_wait3A_1887] : memref<128x768xf32, #tpu.memory_space<vmem>> -> memref<1x768xf32, #tpu.memory_space<vmem>>
      %dma_wait3A_1889 = arith.constant 0 : i32
      %dma_wait3A_1890 = arith.constant 0 : i32
      %dma_wait3A_1891 = tpu.memref_slice %arg4[%dma_wait3A_1889, %dma_wait3A_1890] : memref<8192x768xf32, #tpu.memory_space<hbm>> -> memref<1x768xf32, #tpu.memory_space<hbm>>
      tpu.wait_dma2 semaphore(%arg15 : memref<!tpu.dma_semaphore, #tpu.memory_space<semaphore_mem>>) src(%dma_wait3A_1891 : memref<1x768xf32, #tpu.memory_space<hbm>>) dst(%dma_wait3A_1888 : memref<1x768xf32, #tpu.memory_space<vmem>>)
      %dma_wait3A_1892 = arith.constant 122 : i32
      %dma_wait3A_1893 = arith.constant 0 : i32
      %dma_wait3A_1894 = tpu.memref_slice %arg13[%dma_wait3A_1892, %dma_wait3A_1893] : memref<128x768xf32, #tpu.memory_space<vmem>> -> memref<1x768xf32, #tpu.memory_space<vmem>>
      %dma_wait3A_1895 = arith.constant 0 : i32
      %dma_wait3A_1896 = arith.constant 0 : i32
      %dma_wait3A_1897 = tpu.memref_slice %arg4[%dma_wait3A_1895, %dma_wait3A_1896] : memref<8192x768xf32, #tpu.memory_space<hbm>> -> memref<1x768xf32, #tpu.memory_space<hbm>>
      tpu.wait_dma2 semaphore(%arg15 : memref<!tpu.dma_semaphore, #tpu.memory_space<semaphore_mem>>) src(%dma_wait3A_1897 : memref<1x768xf32, #tpu.memory_space<hbm>>) dst(%dma_wait3A_1894 : memref<1x768xf32, #tpu.memory_space<vmem>>)
      %dma_wait3A_1898 = arith.constant 123 : i32
      %dma_wait3A_1899 = arith.constant 0 : i32
      %dma_wait3A_1900 = tpu.memref_slice %arg13[%dma_wait3A_1898, %dma_wait3A_1899] : memref<128x768xf32, #tpu.memory_space<vmem>> -> memref<1x768xf32, #tpu.memory_space<vmem>>
      %dma_wait3A_1901 = arith.constant 0 : i32
      %dma_wait3A_1902 = arith.constant 0 : i32
      %dma_wait3A_1903 = tpu.memref_slice %arg4[%dma_wait3A_1901, %dma_wait3A_1902] : memref<8192x768xf32, #tpu.memory_space<hbm>> -> memref<1x768xf32, #tpu.memory_space<hbm>>
      tpu.wait_dma2 semaphore(%arg15 : memref<!tpu.dma_semaphore, #tpu.memory_space<semaphore_mem>>) src(%dma_wait3A_1903 : memref<1x768xf32, #tpu.memory_space<hbm>>) dst(%dma_wait3A_1900 : memref<1x768xf32, #tpu.memory_space<vmem>>)
      %dma_wait3A_1904 = arith.constant 124 : i32
      %dma_wait3A_1905 = arith.constant 0 : i32
      %dma_wait3A_1906 = tpu.memref_slice %arg13[%dma_wait3A_1904, %dma_wait3A_1905] : memref<128x768xf32, #tpu.memory_space<vmem>> -> memref<1x768xf32, #tpu.memory_space<vmem>>
      %dma_wait3A_1907 = arith.constant 0 : i32
      %dma_wait3A_1908 = arith.constant 0 : i32
      %dma_wait3A_1909 = tpu.memref_slice %arg4[%dma_wait3A_1907, %dma_wait3A_1908] : memref<8192x768xf32, #tpu.memory_space<hbm>> -> memref<1x768xf32, #tpu.memory_space<hbm>>
      tpu.wait_dma2 semaphore(%arg15 : memref<!tpu.dma_semaphore, #tpu.memory_space<semaphore_mem>>) src(%dma_wait3A_1909 : memref<1x768xf32, #tpu.memory_space<hbm>>) dst(%dma_wait3A_1906 : memref<1x768xf32, #tpu.memory_space<vmem>>)
      %dma_wait3A_1910 = arith.constant 125 : i32
      %dma_wait3A_1911 = arith.constant 0 : i32
      %dma_wait3A_1912 = tpu.memref_slice %arg13[%dma_wait3A_1910, %dma_wait3A_1911] : memref<128x768xf32, #tpu.memory_space<vmem>> -> memref<1x768xf32, #tpu.memory_space<vmem>>
      %dma_wait3A_1913 = arith.constant 0 : i32
      %dma_wait3A_1914 = arith.constant 0 : i32
      %dma_wait3A_1915 = tpu.memref_slice %arg4[%dma_wait3A_1913, %dma_wait3A_1914] : memref<8192x768xf32, #tpu.memory_space<hbm>> -> memref<1x768xf32, #tpu.memory_space<hbm>>
      tpu.wait_dma2 semaphore(%arg15 : memref<!tpu.dma_semaphore, #tpu.memory_space<semaphore_mem>>) src(%dma_wait3A_1915 : memref<1x768xf32, #tpu.memory_space<hbm>>) dst(%dma_wait3A_1912 : memref<1x768xf32, #tpu.memory_space<vmem>>)
      %dma_wait3A_1916 = arith.constant 126 : i32
      %dma_wait3A_1917 = arith.constant 0 : i32
      %dma_wait3A_1918 = tpu.memref_slice %arg13[%dma_wait3A_1916, %dma_wait3A_1917] : memref<128x768xf32, #tpu.memory_space<vmem>> -> memref<1x768xf32, #tpu.memory_space<vmem>>
      %dma_wait3A_1919 = arith.constant 0 : i32
      %dma_wait3A_1920 = arith.constant 0 : i32
      %dma_wait3A_1921 = tpu.memref_slice %arg4[%dma_wait3A_1919, %dma_wait3A_1920] : memref<8192x768xf32, #tpu.memory_space<hbm>> -> memref<1x768xf32, #tpu.memory_space<hbm>>
      tpu.wait_dma2 semaphore(%arg15 : memref<!tpu.dma_semaphore, #tpu.memory_space<semaphore_mem>>) src(%dma_wait3A_1921 : memref<1x768xf32, #tpu.memory_space<hbm>>) dst(%dma_wait3A_1918 : memref<1x768xf32, #tpu.memory_space<vmem>>)
      %dma_wait3A_1922 = arith.constant 127 : i32
      %dma_wait3A_1923 = arith.constant 0 : i32
      %dma_wait3A_1924 = tpu.memref_slice %arg13[%dma_wait3A_1922, %dma_wait3A_1923] : memref<128x768xf32, #tpu.memory_space<vmem>> -> memref<1x768xf32, #tpu.memory_space<vmem>>
      %dma_wait3A_1925 = arith.constant 0 : i32
      %dma_wait3A_1926 = arith.constant 0 : i32
      %dma_wait3A_1927 = tpu.memref_slice %arg4[%dma_wait3A_1925, %dma_wait3A_1926] : memref<8192x768xf32, #tpu.memory_space<hbm>> -> memref<1x768xf32, #tpu.memory_space<hbm>>
      tpu.wait_dma2 semaphore(%arg15 : memref<!tpu.dma_semaphore, #tpu.memory_space<semaphore_mem>>) src(%dma_wait3A_1927 : memref<1x768xf32, #tpu.memory_space<hbm>>) dst(%dma_wait3A_1924 : memref<1x768xf32, #tpu.memory_space<vmem>>)
      %get3A_1928 = arith.constant 0 : index
      %get3A_1929 = arith.constant 0 : index
      %get3A_1930 = vector.load %arg13[%get3A_1928, %get3A_1929] : memref<128x768xf32, #tpu.memory_space<vmem>>, vector<128x768xf32>
      %convert_element_type3A_1931 = arith.truncf %get3A_1930 : vector<128x768xf32> to vector<128x768xbf16>
      %get3A_1932 = arith.index_cast %get3A_6 : i32 to index
      %get3A_1933 = arith.constant 0 : index
      %get3A_1934 = arith.constant 0 : index
      %get3A_1935 = vector.load %arg5[%get3A_1932, %get3A_1933, %get3A_1934] : memref<8x768x768xbf16, #tpu.memory_space<vmem>>, vector<1x768x768xbf16>
      %get3A_1936 = vector.shape_cast %get3A_1935 : vector<1x768x768xbf16> to vector<768x768xbf16>
      %dot_general3A = arith.constant dense<0.000000e+00> : vector<128x768xf32>
      %dot_general3A_1937 = tpu.matmul %convert_element_type3A_1931, %get3A_1936, %dot_general3A {dimension_numbers = #tpu.dot_dimension_numbers<[1], [1], [0], [0], [0, 0, 1, 0], [], []>, transpose_lhs_hint = false} : vector<128x768xbf16>, vector<768x768xbf16>, vector<128x768xf32> -> vector<128x768xf32>
      %get3A_1938 = arith.index_cast %get3A_6 : i32 to index
      %get3A_1939 = arith.constant 0 : index
      %get3A_1940 = vector.load %arg7[%get3A_1938, %get3A_1939] : memref<8x768xf32, #tpu.memory_space<vmem>>, vector<1x768xf32>
      %add3A_1941 = vector.broadcast %get3A_1940 : vector<1x768xf32> to vector<128x768xf32>
      %add3A_1942 = arith.addf %dot_general3A_1937, %add3A_1941 : vector<128x768xf32>
      %mul3A_1943 = arith.constant 5.000000e-01 : f32
      %mul3A_1944 = vector.broadcast %mul3A_1943 : f32 to vector<128x768xf32>
      %mul3A_1945 = arith.mulf %mul3A_1944, %add3A_1942 : vector<128x768xf32>
      %mul3A_1946 = arith.constant 0.707106769 : f32
      %mul3A_1947 = vector.broadcast %mul3A_1946 : f32 to vector<128x768xf32>
      %mul3A_1948 = arith.mulf %add3A_1942, %mul3A_1947 : vector<128x768xf32>
      %erf3A = math.erf %mul3A_1948 : vector<128x768xf32>
      %add3A_1949 = arith.constant 1.000000e+00 : f32
      %add3A_1950 = vector.broadcast %add3A_1949 : f32 to vector<128x768xf32>
      %add3A_1951 = arith.addf %add3A_1950, %erf3A : vector<128x768xf32>
      %mul3A_1952 = arith.mulf %mul3A_1945, %add3A_1951 : vector<128x768xf32>
      %get3A_1953 = arith.index_cast %get3A_9 : i32 to index
      %get3A_1954 = arith.constant 0 : index
      %get3A_1955 = arith.constant 0 : index
      %get3A_1956 = vector.load %arg5[%get3A_1953, %get3A_1954, %get3A_1955] : memref<8x768x768xbf16, #tpu.memory_space<vmem>>, vector<1x768x768xbf16>
      %get3A_1957 = vector.shape_cast %get3A_1956 : vector<1x768x768xbf16> to vector<768x768xbf16>
      %dot_general3A_1958 = arith.constant dense<0.000000e+00> : vector<128x768xf32>
      %dot_general3A_1959 = tpu.matmul %convert_element_type3A_1931, %get3A_1957, %dot_general3A_1958 {dimension_numbers = #tpu.dot_dimension_numbers<[1], [1], [0], [0], [0, 0, 1, 0], [], []>, transpose_lhs_hint = false} : vector<128x768xbf16>, vector<768x768xbf16>, vector<128x768xf32> -> vector<128x768xf32>
      %get3A_1960 = arith.index_cast %get3A_9 : i32 to index
      %get3A_1961 = arith.constant 0 : index
      %get3A_1962 = vector.load %arg7[%get3A_1960, %get3A_1961] : memref<8x768xf32, #tpu.memory_space<vmem>>, vector<1x768xf32>
      %add3A_1963 = vector.broadcast %get3A_1962 : vector<1x768xf32> to vector<128x768xf32>
      %add3A_1964 = arith.addf %dot_general3A_1959, %add3A_1963 : vector<128x768xf32>
      %mul3A_1965 = arith.constant 5.000000e-01 : f32
      %mul3A_1966 = vector.broadcast %mul3A_1965 : f32 to vector<128x768xf32>
      %mul3A_1967 = arith.mulf %mul3A_1966, %add3A_1964 : vector<128x768xf32>
      %mul3A_1968 = arith.constant 0.707106769 : f32
      %mul3A_1969 = vector.broadcast %mul3A_1968 : f32 to vector<128x768xf32>
      %mul3A_1970 = arith.mulf %add3A_1964, %mul3A_1969 : vector<128x768xf32>
      %erf3A_1971 = math.erf %mul3A_1970 : vector<128x768xf32>
      %add3A_1972 = arith.constant 1.000000e+00 : f32
      %add3A_1973 = vector.broadcast %add3A_1972 : f32 to vector<128x768xf32>
      %add3A_1974 = arith.addf %add3A_1973, %erf3A_1971 : vector<128x768xf32>
      %mul3A_1975 = arith.mulf %mul3A_1967, %add3A_1974 : vector<128x768xf32>
      %get3A_1976 = arith.constant 0 : index
      %get3A_1977 = arith.constant 0 : index
      %get3A_1978 = vector.load %arg6[%get3A_1976, %get3A_1977] : memref<768x768xbf16, #tpu.memory_space<vmem>>, vector<768x768xbf16>
      %dot_general3A_1979 = arith.constant dense<0.000000e+00> : vector<128x768xf32>
      %dot_general3A_1980 = tpu.matmul %convert_element_type3A_1931, %get3A_1978, %dot_general3A_1979 {dimension_numbers = #tpu.dot_dimension_numbers<[1], [1], [0], [0], [0, 0, 1, 0], [], []>, transpose_lhs_hint = false} : vector<128x768xbf16>, vector<768x768xbf16>, vector<128x768xf32> -> vector<128x768xf32>
      %get3A_1981 = arith.constant 0 : index
      %get3A_1982 = arith.constant 0 : index
      %get3A_1983 = vector.load %arg8[%get3A_1981, %get3A_1982] : memref<1x768xf32, #tpu.memory_space<vmem>>, vector<1x768xf32>
      %add3A_1984 = vector.broadcast %get3A_1983 : vector<1x768xf32> to vector<128x768xf32>
      %add3A_1985 = arith.addf %dot_general3A_1980, %add3A_1984 : vector<128x768xf32>
      %mul3A_1986 = arith.constant 5.000000e-01 : f32
      %mul3A_1987 = vector.broadcast %mul3A_1986 : f32 to vector<128x768xf32>
      %mul3A_1988 = arith.mulf %mul3A_1987, %add3A_1985 : vector<128x768xf32>
      %mul3A_1989 = arith.constant 0.707106769 : f32
      %mul3A_1990 = vector.broadcast %mul3A_1989 : f32 to vector<128x768xf32>
      %mul3A_1991 = arith.mulf %add3A_1985, %mul3A_1990 : vector<128x768xf32>
      %erf3A_1992 = math.erf %mul3A_1991 : vector<128x768xf32>
      %add3A_1993 = arith.constant 1.000000e+00 : f32
      %add3A_1994 = vector.broadcast %add3A_1993 : f32 to vector<128x768xf32>
      %add3A_1995 = arith.addf %add3A_1994, %erf3A_1992 : vector<128x768xf32>
      %mul3A_1996 = arith.mulf %mul3A_1988, %add3A_1995 : vector<128x768xf32>
      %get3A_1997 = arith.constant 0 : index
      %get3A_1998 = arith.constant 0 : index
      %get3A_1999 = arith.constant 0 : index
      %get3A_2000 = vector.load %arg9[%get3A_1997, %get3A_1998, %get3A_1999] : memref<1x128x1xf32, #tpu.memory_space<vmem>>, vector<1x128x1xf32>
      %get3A_2001 = vector.shape_cast %get3A_2000 : vector<1x128x1xf32> to vector<128x1xf32>
      %mul3A_2002 = vector.broadcast %get3A_2001 : vector<128x1xf32> to vector<128x768xf32>
      %mul3A_2003 = arith.mulf %mul3A_2002, %mul3A_1952 : vector<128x768xf32>
      %get3A_2004 = arith.constant 0 : index
      %get3A_2005 = arith.constant 0 : index
      %get3A_2006 = arith.constant 0 : index
      %get3A_2007 = vector.load %arg10[%get3A_2004, %get3A_2005, %get3A_2006] : memref<1x128x1xf32, #tpu.memory_space<vmem>>, vector<1x128x1xf32>
      %get3A_2008 = vector.shape_cast %get3A_2007 : vector<1x128x1xf32> to vector<128x1xf32>
      %mul3A_2009 = vector.broadcast %get3A_2008 : vector<128x1xf32> to vector<128x768xf32>
      %mul3A_2010 = arith.mulf %mul3A_2009, %mul3A_1975 : vector<128x768xf32>
      %add3A_2011 = arith.addf %mul3A_2003, %mul3A_2010 : vector<128x768xf32>
      %get3A_2012 = arith.constant 0 : index
      %get3A_2013 = arith.constant 0 : index
      %get3A_2014 = arith.constant 0 : index
      %get3A_2015 = vector.load %arg11[%get3A_2012, %get3A_2013, %get3A_2014] : memref<1x128x1xf32, #tpu.memory_space<vmem>>, vector<1x128x1xf32>
      %get3A_2016 = vector.shape_cast %get3A_2015 : vector<1x128x1xf32> to vector<128x1xf32>
      %mul3A_2017 = vector.broadcast %get3A_2016 : vector<128x1xf32> to vector<128x768xf32>
      %mul3A_2018 = arith.mulf %mul3A_2017, %mul3A_1996 : vector<128x768xf32>
      %add3A_2019 = arith.addf %add3A_2011, %mul3A_2018 : vector<128x768xf32>
      %swap3A = arith.constant 0 : index
      %swap3A_2020 = arith.constant 0 : index
      %swap3A_2021 = vector.load %arg14[%swap3A, %swap3A_2020] : memref<128x768xf32, #tpu.memory_space<vmem>>, vector<128x768xf32>
      tpu.vector_store %arg14[%swap3A, %swap3A_2020], %add3A_2019 {strides = array<i32>} : memref<128x768xf32, #tpu.memory_space<vmem>>, vector<128x768xf32>,
      %add3A_2022 = arith.constant 0 : i32
      %add3A_2023 = arith.addi %mul3A_10, %add3A_2022 : i32
      %get3A_2024 = arith.index_cast %add3A_2023 : i32 to index
      %get3A_2025 = memref.load %arg2[%get3A_2024] : memref<11776xi32, #tpu.memory_space<smem>>
      %dma_start3A_2026 = arith.constant 0 : i32
      %dma_start3A_2027 = tpu.memref_slice %arg12[%get3A_2025, %dma_start3A_2026] : memref<8200x768xf32, #tpu.memory_space<hbm>> -> memref<1x768xf32, #tpu.memory_space<hbm>>
      %dma_start3A_2028 = arith.constant 0 : i32
      %dma_start3A_2029 = arith.constant 0 : i32
      %dma_start3A_2030 = tpu.memref_slice %arg14[%dma_start3A_2028, %dma_start3A_2029] : memref<128x768xf32, #tpu.memory_space<vmem>> -> memref<1x768xf32, #tpu.memory_space<vmem>>
      tpu.enqueue_dma source(%dma_start3A_2030 : memref<1x768xf32, #tpu.memory_space<vmem>>) target(%dma_start3A_2027 : memref<1x768xf32, #tpu.memory_space<hbm>>) target_semaphore(%arg16 : memref<!tpu.dma_semaphore, #tpu.memory_space<semaphore_mem>>)
      %add3A_2031 = arith.constant 1 : i32
      %add3A_2032 = arith.addi %mul3A_10, %add3A_2031 : i32
      %get3A_2033 = arith.index_cast %add3A_2032 : i32 to index
      %get3A_2034 = memref.load %arg2[%get3A_2033] : memref<11776xi32, #tpu.memory_space<smem>>
      %dma_start3A_2035 = arith.constant 0 : i32
      %dma_start3A_2036 = tpu.memref_slice %arg12[%get3A_2034, %dma_start3A_2035] : memref<8200x768xf32, #tpu.memory_space<hbm>> -> memref<1x768xf32, #tpu.memory_space<hbm>>
      %dma_start3A_2037 = arith.constant 1 : i32
      %dma_start3A_2038 = arith.constant 0 : i32
      %dma_start3A_2039 = tpu.memref_slice %arg14[%dma_start3A_2037, %dma_start3A_2038] : memref<128x768xf32, #tpu.memory_space<vmem>> -> memref<1x768xf32, #tpu.memory_space<vmem>>
      tpu.enqueue_dma source(%dma_start3A_2039 : memref<1x768xf32, #tpu.memory_space<vmem>>) target(%dma_start3A_2036 : memref<1x768xf32, #tpu.memory_space<hbm>>) target_semaphore(%arg16 : memref<!tpu.dma_semaphore, #tpu.memory_space<semaphore_mem>>)
      %add3A_2040 = arith.constant 2 : i32
      %add3A_2041 = arith.addi %mul3A_10, %add3A_2040 : i32
      %get3A_2042 = arith.index_cast %add3A_2041 : i32 to index
      %get3A_2043 = memref.load %arg2[%get3A_2042] : memref<11776xi32, #tpu.memory_space<smem>>
      %dma_start3A_2044 = arith.constant 0 : i32
      %dma_start3A_2045 = tpu.memref_slice %arg12[%get3A_2043, %dma_start3A_2044] : memref<8200x768xf32, #tpu.memory_space<hbm>> -> memref<1x768xf32, #tpu.memory_space<hbm>>
      %dma_start3A_2046 = arith.constant 2 : i32
      %dma_start3A_2047 = arith.constant 0 : i32
      %dma_start3A_2048 = tpu.memref_slice %arg14[%dma_start3A_2046, %dma_start3A_2047] : memref<128x768xf32, #tpu.memory_space<vmem>> -> memref<1x768xf32, #tpu.memory_space<vmem>>
      tpu.enqueue_dma source(%dma_start3A_2048 : memref<1x768xf32, #tpu.memory_space<vmem>>) target(%dma_start3A_2045 : memref<1x768xf32, #tpu.memory_space<hbm>>) target_semaphore(%arg16 : memref<!tpu.dma_semaphore, #tpu.memory_space<semaphore_mem>>)
      %add3A_2049 = arith.constant 3 : i32
      %add3A_2050 = arith.addi %mul3A_10, %add3A_2049 : i32
      %get3A_2051 = arith.index_cast %add3A_2050 : i32 to index
      %get3A_2052 = memref.load %arg2[%get3A_2051] : memref<11776xi32, #tpu.memory_space<smem>>
      %dma_start3A_2053 = arith.constant 0 : i32
      %dma_start3A_2054 = tpu.memref_slice %arg12[%get3A_2052, %dma_start3A_2053] : memref<8200x768xf32, #tpu.memory_space<hbm>> -> memref<1x768xf32, #tpu.memory_space<hbm>>
      %dma_start3A_2055 = arith.constant 3 : i32
      %dma_start3A_2056 = arith.constant 0 : i32
      %dma_start3A_2057 = tpu.memref_slice %arg14[%dma_start3A_2055, %dma_start3A_2056] : memref<128x768xf32, #tpu.memory_space<vmem>> -> memref<1x768xf32, #tpu.memory_space<vmem>>
      tpu.enqueue_dma source(%dma_start3A_2057 : memref<1x768xf32, #tpu.memory_space<vmem>>) target(%dma_start3A_2054 : memref<1x768xf32, #tpu.memory_space<hbm>>) target_semaphore(%arg16 : memref<!tpu.dma_semaphore, #tpu.memory_space<semaphore_mem>>)
      %add3A_2058 = arith.constant 4 : i32
      %add3A_2059 = arith.addi %mul3A_10, %add3A_2058 : i32
      %get3A_2060 = arith.index_cast %add3A_2059 : i32 to index
      %get3A_2061 = memref.load %arg2[%get3A_2060] : memref<11776xi32, #tpu.memory_space<smem>>
      %dma_start3A_2062 = arith.constant 0 : i32
      %dma_start3A_2063 = tpu.memref_slice %arg12[%get3A_2061, %dma_start3A_2062] : memref<8200x768xf32, #tpu.memory_space<hbm>> -> memref<1x768xf32, #tpu.memory_space<hbm>>
      %dma_start3A_2064 = arith.constant 4 : i32
      %dma_start3A_2065 = arith.constant 0 : i32
      %dma_start3A_2066 = tpu.memref_slice %arg14[%dma_start3A_2064, %dma_start3A_2065] : memref<128x768xf32, #tpu.memory_space<vmem>> -> memref<1x768xf32, #tpu.memory_space<vmem>>
      tpu.enqueue_dma source(%dma_start3A_2066 : memref<1x768xf32, #tpu.memory_space<vmem>>) target(%dma_start3A_2063 : memref<1x768xf32, #tpu.memory_space<hbm>>) target_semaphore(%arg16 : memref<!tpu.dma_semaphore, #tpu.memory_space<semaphore_mem>>)
      %add3A_2067 = arith.constant 5 : i32
      %add3A_2068 = arith.addi %mul3A_10, %add3A_2067 : i32
      %get3A_2069 = arith.index_cast %add3A_2068 : i32 to index
      %get3A_2070 = memref.load %arg2[%get3A_2069] : memref<11776xi32, #tpu.memory_space<smem>>
      %dma_start3A_2071 = arith.constant 0 : i32
      %dma_start3A_2072 = tpu.memref_slice %arg12[%get3A_2070, %dma_start3A_2071] : memref<8200x768xf32, #tpu.memory_space<hbm>> -> memref<1x768xf32, #tpu.memory_space<hbm>>
      %dma_start3A_2073 = arith.constant 5 : i32
      %dma_start3A_2074 = arith.constant 0 : i32
      %dma_start3A_2075 = tpu.memref_slice %arg14[%dma_start3A_2073, %dma_start3A_2074] : memref<128x768xf32, #tpu.memory_space<vmem>> -> memref<1x768xf32, #tpu.memory_space<vmem>>
      tpu.enqueue_dma source(%dma_start3A_2075 : memref<1x768xf32, #tpu.memory_space<vmem>>) target(%dma_start3A_2072 : memref<1x768xf32, #tpu.memory_space<hbm>>) target_semaphore(%arg16 : memref<!tpu.dma_semaphore, #tpu.memory_space<semaphore_mem>>)
      %add3A_2076 = arith.constant 6 : i32
      %add3A_2077 = arith.addi %mul3A_10, %add3A_2076 : i32
      %get3A_2078 = arith.index_cast %add3A_2077 : i32 to index
      %get3A_2079 = memref.load %arg2[%get3A_2078] : memref<11776xi32, #tpu.memory_space<smem>>
      %dma_start3A_2080 = arith.constant 0 : i32
      %dma_start3A_2081 = tpu.memref_slice %arg12[%get3A_2079, %dma_start3A_2080] : memref<8200x768xf32, #tpu.memory_space<hbm>> -> memref<1x768xf32, #tpu.memory_space<hbm>>
      %dma_start3A_2082 = arith.constant 6 : i32
      %dma_start3A_2083 = arith.constant 0 : i32
      %dma_start3A_2084 = tpu.memref_slice %arg14[%dma_start3A_2082, %dma_start3A_2083] : memref<128x768xf32, #tpu.memory_space<vmem>> -> memref<1x768xf32, #tpu.memory_space<vmem>>
      tpu.enqueue_dma source(%dma_start3A_2084 : memref<1x768xf32, #tpu.memory_space<vmem>>) target(%dma_start3A_2081 : memref<1x768xf32, #tpu.memory_space<hbm>>) target_semaphore(%arg16 : memref<!tpu.dma_semaphore, #tpu.memory_space<semaphore_mem>>)
      %add3A_2085 = arith.constant 7 : i32
      %add3A_2086 = arith.addi %mul3A_10, %add3A_2085 : i32
      %get3A_2087 = arith.index_cast %add3A_2086 : i32 to index
      %get3A_2088 = memref.load %arg2[%get3A_2087] : memref<11776xi32, #tpu.memory_space<smem>>
      %dma_start3A_2089 = arith.constant 0 : i32
      %dma_start3A_2090 = tpu.memref_slice %arg12[%get3A_2088, %dma_start3A_2089] : memref<8200x768xf32, #tpu.memory_space<hbm>> -> memref<1x768xf32, #tpu.memory_space<hbm>>
      %dma_start3A_2091 = arith.constant 7 : i32
      %dma_start3A_2092 = arith.constant 0 : i32
      %dma_start3A_2093 = tpu.memref_slice %arg14[%dma_start3A_2091, %dma_start3A_2092] : memref<128x768xf32, #tpu.memory_space<vmem>> -> memref<1x768xf32, #tpu.memory_space<vmem>>
      tpu.enqueue_dma source(%dma_start3A_2093 : memref<1x768xf32, #tpu.memory_space<vmem>>) target(%dma_start3A_2090 : memref<1x768xf32, #tpu.memory_space<hbm>>) target_semaphore(%arg16 : memref<!tpu.dma_semaphore, #tpu.memory_space<semaphore_mem>>)
      %add3A_2094 = arith.constant 8 : i32
      %add3A_2095 = arith.addi %mul3A_10, %add3A_2094 : i32
      %get3A_2096 = arith.index_cast %add3A_2095 : i32 to index
      %get3A_2097 = memref.load %arg2[%get3A_2096] : memref<11776xi32, #tpu.memory_space<smem>>
      %dma_start3A_2098 = arith.constant 0 : i32
      %dma_start3A_2099 = tpu.memref_slice %arg12[%get3A_2097, %dma_start3A_2098] : memref<8200x768xf32, #tpu.memory_space<hbm>> -> memref<1x768xf32, #tpu.memory_space<hbm>>
      %dma_start3A_2100 = arith.constant 8 : i32
      %dma_start3A_2101 = arith.constant 0 : i32
      %dma_start3A_2102 = tpu.memref_slice %arg14[%dma_start3A_2100, %dma_start3A_2101] : memref<128x768xf32, #tpu.memory_space<vmem>> -> memref<1x768xf32, #tpu.memory_space<vmem>>
      tpu.enqueue_dma source(%dma_start3A_2102 : memref<1x768xf32, #tpu.memory_space<vmem>>) target(%dma_start3A_2099 : memref<1x768xf32, #tpu.memory_space<hbm>>) target_semaphore(%arg16 : memref<!tpu.dma_semaphore, #tpu.memory_space<semaphore_mem>>)
      %add3A_2103 = arith.constant 9 : i32
      %add3A_2104 = arith.addi %mul3A_10, %add3A_2103 : i32
      %get3A_2105 = arith.index_cast %add3A_2104 : i32 to index
      %get3A_2106 = memref.load %arg2[%get3A_2105] : memref<11776xi32, #tpu.memory_space<smem>>
      %dma_start3A_2107 = arith.constant 0 : i32
      %dma_start3A_2108 = tpu.memref_slice %arg12[%get3A_2106, %dma_start3A_2107] : memref<8200x768xf32, #tpu.memory_space<hbm>> -> memref<1x768xf32, #tpu.memory_space<hbm>>
      %dma_start3A_2109 = arith.constant 9 : i32
      %dma_start3A_2110 = arith.constant 0 : i32
      %dma_start3A_2111 = tpu.memref_slice %arg14[%dma_start3A_2109, %dma_start3A_2110] : memref<128x768xf32, #tpu.memory_space<vmem>> -> memref<1x768xf32, #tpu.memory_space<vmem>>
      tpu.enqueue_dma source(%dma_start3A_2111 : memref<1x768xf32, #tpu.memory_space<vmem>>) target(%dma_start3A_2108 : memref<1x768xf32, #tpu.memory_space<hbm>>) target_semaphore(%arg16 : memref<!tpu.dma_semaphore, #tpu.memory_space<semaphore_mem>>)
      %add3A_2112 = arith.constant 10 : i32
      %add3A_2113 = arith.addi %mul3A_10, %add3A_2112 : i32
      %get3A_2114 = arith.index_cast %add3A_2113 : i32 to index
      %get3A_2115 = memref.load %arg2[%get3A_2114] : memref<11776xi32, #tpu.memory_space<smem>>
      %dma_start3A_2116 = arith.constant 0 : i32
      %dma_start3A_2117 = tpu.memref_slice %arg12[%get3A_2115, %dma_start3A_2116] : memref<8200x768xf32, #tpu.memory_space<hbm>> -> memref<1x768xf32, #tpu.memory_space<hbm>>
      %dma_start3A_2118 = arith.constant 10 : i32
      %dma_start3A_2119 = arith.constant 0 : i32
      %dma_start3A_2120 = tpu.memref_slice %arg14[%dma_start3A_2118, %dma_start3A_2119] : memref<128x768xf32, #tpu.memory_space<vmem>> -> memref<1x768xf32, #tpu.memory_space<vmem>>
      tpu.enqueue_dma source(%dma_start3A_2120 : memref<1x768xf32, #tpu.memory_space<vmem>>) target(%dma_start3A_2117 : memref<1x768xf32, #tpu.memory_space<hbm>>) target_semaphore(%arg16 : memref<!tpu.dma_semaphore, #tpu.memory_space<semaphore_mem>>)
      %add3A_2121 = arith.constant 11 : i32
      %add3A_2122 = arith.addi %mul3A_10, %add3A_2121 : i32
      %get3A_2123 = arith.index_cast %add3A_2122 : i32 to index
      %get3A_2124 = memref.load %arg2[%get3A_2123] : memref<11776xi32, #tpu.memory_space<smem>>
      %dma_start3A_2125 = arith.constant 0 : i32
      %dma_start3A_2126 = tpu.memref_slice %arg12[%get3A_2124, %dma_start3A_2125] : memref<8200x768xf32, #tpu.memory_space<hbm>> -> memref<1x768xf32, #tpu.memory_space<hbm>>
      %dma_start3A_2127 = arith.constant 11 : i32
      %dma_start3A_2128 = arith.constant 0 : i32
      %dma_start3A_2129 = tpu.memref_slice %arg14[%dma_start3A_2127, %dma_start3A_2128] : memref<128x768xf32, #tpu.memory_space<vmem>> -> memref<1x768xf32, #tpu.memory_space<vmem>>
      tpu.enqueue_dma source(%dma_start3A_2129 : memref<1x768xf32, #tpu.memory_space<vmem>>) target(%dma_start3A_2126 : memref<1x768xf32, #tpu.memory_space<hbm>>) target_semaphore(%arg16 : memref<!tpu.dma_semaphore, #tpu.memory_space<semaphore_mem>>)
      %add3A_2130 = arith.constant 12 : i32
      %add3A_2131 = arith.addi %mul3A_10, %add3A_2130 : i32
      %get3A_2132 = arith.index_cast %add3A_2131 : i32 to index
      %get3A_2133 = memref.load %arg2[%get3A_2132] : memref<11776xi32, #tpu.memory_space<smem>>
      %dma_start3A_2134 = arith.constant 0 : i32
      %dma_start3A_2135 = tpu.memref_slice %arg12[%get3A_2133, %dma_start3A_2134] : memref<8200x768xf32, #tpu.memory_space<hbm>> -> memref<1x768xf32, #tpu.memory_space<hbm>>
      %dma_start3A_2136 = arith.constant 12 : i32
      %dma_start3A_2137 = arith.constant 0 : i32
      %dma_start3A_2138 = tpu.memref_slice %arg14[%dma_start3A_2136, %dma_start3A_2137] : memref<128x768xf32, #tpu.memory_space<vmem>> -> memref<1x768xf32, #tpu.memory_space<vmem>>
      tpu.enqueue_dma source(%dma_start3A_2138 : memref<1x768xf32, #tpu.memory_space<vmem>>) target(%dma_start3A_2135 : memref<1x768xf32, #tpu.memory_space<hbm>>) target_semaphore(%arg16 : memref<!tpu.dma_semaphore, #tpu.memory_space<semaphore_mem>>)
      %add3A_2139 = arith.constant 13 : i32
      %add3A_2140 = arith.addi %mul3A_10, %add3A_2139 : i32
      %get3A_2141 = arith.index_cast %add3A_2140 : i32 to index
      %get3A_2142 = memref.load %arg2[%get3A_2141] : memref<11776xi32, #tpu.memory_space<smem>>
      %dma_start3A_2143 = arith.constant 0 : i32
      %dma_start3A_2144 = tpu.memref_slice %arg12[%get3A_2142, %dma_start3A_2143] : memref<8200x768xf32, #tpu.memory_space<hbm>> -> memref<1x768xf32, #tpu.memory_space<hbm>>
      %dma_start3A_2145 = arith.constant 13 : i32
      %dma_start3A_2146 = arith.constant 0 : i32
      %dma_start3A_2147 = tpu.memref_slice %arg14[%dma_start3A_2145, %dma_start3A_2146] : memref<128x768xf32, #tpu.memory_space<vmem>> -> memref<1x768xf32, #tpu.memory_space<vmem>>
      tpu.enqueue_dma source(%dma_start3A_2147 : memref<1x768xf32, #tpu.memory_space<vmem>>) target(%dma_start3A_2144 : memref<1x768xf32, #tpu.memory_space<hbm>>) target_semaphore(%arg16 : memref<!tpu.dma_semaphore, #tpu.memory_space<semaphore_mem>>)
      %add3A_2148 = arith.constant 14 : i32
      %add3A_2149 = arith.addi %mul3A_10, %add3A_2148 : i32
      %get3A_2150 = arith.index_cast %add3A_2149 : i32 to index
      %get3A_2151 = memref.load %arg2[%get3A_2150] : memref<11776xi32, #tpu.memory_space<smem>>
      %dma_start3A_2152 = arith.constant 0 : i32
      %dma_start3A_2153 = tpu.memref_slice %arg12[%get3A_2151, %dma_start3A_2152] : memref<8200x768xf32, #tpu.memory_space<hbm>> -> memref<1x768xf32, #tpu.memory_space<hbm>>
      %dma_start3A_2154 = arith.constant 14 : i32
      %dma_start3A_2155 = arith.constant 0 : i32
      %dma_start3A_2156 = tpu.memref_slice %arg14[%dma_start3A_2154, %dma_start3A_2155] : memref<128x768xf32, #tpu.memory_space<vmem>> -> memref<1x768xf32, #tpu.memory_space<vmem>>
      tpu.enqueue_dma source(%dma_start3A_2156 : memref<1x768xf32, #tpu.memory_space<vmem>>) target(%dma_start3A_2153 : memref<1x768xf32, #tpu.memory_space<hbm>>) target_semaphore(%arg16 : memref<!tpu.dma_semaphore, #tpu.memory_space<semaphore_mem>>)
      %add3A_2157 = arith.constant 15 : i32
      %add3A_2158 = arith.addi %mul3A_10, %add3A_2157 : i32
      %get3A_2159 = arith.index_cast %add3A_2158 : i32 to index
      %get3A_2160 = memref.load %arg2[%get3A_2159] : memref<11776xi32, #tpu.memory_space<smem>>
      %dma_start3A_2161 = arith.constant 0 : i32
      %dma_start3A_2162 = tpu.memref_slice %arg12[%get3A_2160, %dma_start3A_2161] : memref<8200x768xf32, #tpu.memory_space<hbm>> -> memref<1x768xf32, #tpu.memory_space<hbm>>
      %dma_start3A_2163 = arith.constant 15 : i32
      %dma_start3A_2164 = arith.constant 0 : i32
      %dma_start3A_2165 = tpu.memref_slice %arg14[%dma_start3A_2163, %dma_start3A_2164] : memref<128x768xf32, #tpu.memory_space<vmem>> -> memref<1x768xf32, #tpu.memory_space<vmem>>
      tpu.enqueue_dma source(%dma_start3A_2165 : memref<1x768xf32, #tpu.memory_space<vmem>>) target(%dma_start3A_2162 : memref<1x768xf32, #tpu.memory_space<hbm>>) target_semaphore(%arg16 : memref<!tpu.dma_semaphore, #tpu.memory_space<semaphore_mem>>)
      %add3A_2166 = arith.constant 16 : i32
      %add3A_2167 = arith.addi %mul3A_10, %add3A_2166 : i32
      %get3A_2168 = arith.index_cast %add3A_2167 : i32 to index
      %get3A_2169 = memref.load %arg2[%get3A_2168] : memref<11776xi32, #tpu.memory_space<smem>>
      %dma_start3A_2170 = arith.constant 0 : i32
      %dma_start3A_2171 = tpu.memref_slice %arg12[%get3A_2169, %dma_start3A_2170] : memref<8200x768xf32, #tpu.memory_space<hbm>> -> memref<1x768xf32, #tpu.memory_space<hbm>>
      %dma_start3A_2172 = arith.constant 16 : i32
      %dma_start3A_2173 = arith.constant 0 : i32
      %dma_start3A_2174 = tpu.memref_slice %arg14[%dma_start3A_2172, %dma_start3A_2173] : memref<128x768xf32, #tpu.memory_space<vmem>> -> memref<1x768xf32, #tpu.memory_space<vmem>>
      tpu.enqueue_dma source(%dma_start3A_2174 : memref<1x768xf32, #tpu.memory_space<vmem>>) target(%dma_start3A_2171 : memref<1x768xf32, #tpu.memory_space<hbm>>) target_semaphore(%arg16 : memref<!tpu.dma_semaphore, #tpu.memory_space<semaphore_mem>>)
      %add3A_2175 = arith.constant 17 : i32
      %add3A_2176 = arith.addi %mul3A_10, %add3A_2175 : i32
      %get3A_2177 = arith.index_cast %add3A_2176 : i32 to index
      %get3A_2178 = memref.load %arg2[%get3A_2177] : memref<11776xi32, #tpu.memory_space<smem>>
      %dma_start3A_2179 = arith.constant 0 : i32
      %dma_start3A_2180 = tpu.memref_slice %arg12[%get3A_2178, %dma_start3A_2179] : memref<8200x768xf32, #tpu.memory_space<hbm>> -> memref<1x768xf32, #tpu.memory_space<hbm>>
      %dma_start3A_2181 = arith.constant 17 : i32
      %dma_start3A_2182 = arith.constant 0 : i32
      %dma_start3A_2183 = tpu.memref_slice %arg14[%dma_start3A_2181, %dma_start3A_2182] : memref<128x768xf32, #tpu.memory_space<vmem>> -> memref<1x768xf32, #tpu.memory_space<vmem>>
      tpu.enqueue_dma source(%dma_start3A_2183 : memref<1x768xf32, #tpu.memory_space<vmem>>) target(%dma_start3A_2180 : memref<1x768xf32, #tpu.memory_space<hbm>>) target_semaphore(%arg16 : memref<!tpu.dma_semaphore, #tpu.memory_space<semaphore_mem>>)
      %add3A_2184 = arith.constant 18 : i32
      %add3A_2185 = arith.addi %mul3A_10, %add3A_2184 : i32
      %get3A_2186 = arith.index_cast %add3A_2185 : i32 to index
      %get3A_2187 = memref.load %arg2[%get3A_2186] : memref<11776xi32, #tpu.memory_space<smem>>
      %dma_start3A_2188 = arith.constant 0 : i32
      %dma_start3A_2189 = tpu.memref_slice %arg12[%get3A_2187, %dma_start3A_2188] : memref<8200x768xf32, #tpu.memory_space<hbm>> -> memref<1x768xf32, #tpu.memory_space<hbm>>
      %dma_start3A_2190 = arith.constant 18 : i32
      %dma_start3A_2191 = arith.constant 0 : i32
      %dma_start3A_2192 = tpu.memref_slice %arg14[%dma_start3A_2190, %dma_start3A_2191] : memref<128x768xf32, #tpu.memory_space<vmem>> -> memref<1x768xf32, #tpu.memory_space<vmem>>
      tpu.enqueue_dma source(%dma_start3A_2192 : memref<1x768xf32, #tpu.memory_space<vmem>>) target(%dma_start3A_2189 : memref<1x768xf32, #tpu.memory_space<hbm>>) target_semaphore(%arg16 : memref<!tpu.dma_semaphore, #tpu.memory_space<semaphore_mem>>)
      %add3A_2193 = arith.constant 19 : i32
      %add3A_2194 = arith.addi %mul3A_10, %add3A_2193 : i32
      %get3A_2195 = arith.index_cast %add3A_2194 : i32 to index
      %get3A_2196 = memref.load %arg2[%get3A_2195] : memref<11776xi32, #tpu.memory_space<smem>>
      %dma_start3A_2197 = arith.constant 0 : i32
      %dma_start3A_2198 = tpu.memref_slice %arg12[%get3A_2196, %dma_start3A_2197] : memref<8200x768xf32, #tpu.memory_space<hbm>> -> memref<1x768xf32, #tpu.memory_space<hbm>>
      %dma_start3A_2199 = arith.constant 19 : i32
      %dma_start3A_2200 = arith.constant 0 : i32
      %dma_start3A_2201 = tpu.memref_slice %arg14[%dma_start3A_2199, %dma_start3A_2200] : memref<128x768xf32, #tpu.memory_space<vmem>> -> memref<1x768xf32, #tpu.memory_space<vmem>>
      tpu.enqueue_dma source(%dma_start3A_2201 : memref<1x768xf32, #tpu.memory_space<vmem>>) target(%dma_start3A_2198 : memref<1x768xf32, #tpu.memory_space<hbm>>) target_semaphore(%arg16 : memref<!tpu.dma_semaphore, #tpu.memory_space<semaphore_mem>>)
      %add3A_2202 = arith.constant 20 : i32
      %add3A_2203 = arith.addi %mul3A_10, %add3A_2202 : i32
      %get3A_2204 = arith.index_cast %add3A_2203 : i32 to index
      %get3A_2205 = memref.load %arg2[%get3A_2204] : memref<11776xi32, #tpu.memory_space<smem>>
      %dma_start3A_2206 = arith.constant 0 : i32
      %dma_start3A_2207 = tpu.memref_slice %arg12[%get3A_2205, %dma_start3A_2206] : memref<8200x768xf32, #tpu.memory_space<hbm>> -> memref<1x768xf32, #tpu.memory_space<hbm>>
      %dma_start3A_2208 = arith.constant 20 : i32
      %dma_start3A_2209 = arith.constant 0 : i32
      %dma_start3A_2210 = tpu.memref_slice %arg14[%dma_start3A_2208, %dma_start3A_2209] : memref<128x768xf32, #tpu.memory_space<vmem>> -> memref<1x768xf32, #tpu.memory_space<vmem>>
      tpu.enqueue_dma source(%dma_start3A_2210 : memref<1x768xf32, #tpu.memory_space<vmem>>) target(%dma_start3A_2207 : memref<1x768xf32, #tpu.memory_space<hbm>>) target_semaphore(%arg16 : memref<!tpu.dma_semaphore, #tpu.memory_space<semaphore_mem>>)
      %add3A_2211 = arith.constant 21 : i32
      %add3A_2212 = arith.addi %mul3A_10, %add3A_2211 : i32
      %get3A_2213 = arith.index_cast %add3A_2212 : i32 to index
      %get3A_2214 = memref.load %arg2[%get3A_2213] : memref<11776xi32, #tpu.memory_space<smem>>
      %dma_start3A_2215 = arith.constant 0 : i32
      %dma_start3A_2216 = tpu.memref_slice %arg12[%get3A_2214, %dma_start3A_2215] : memref<8200x768xf32, #tpu.memory_space<hbm>> -> memref<1x768xf32, #tpu.memory_space<hbm>>
      %dma_start3A_2217 = arith.constant 21 : i32
      %dma_start3A_2218 = arith.constant 0 : i32
      %dma_start3A_2219 = tpu.memref_slice %arg14[%dma_start3A_2217, %dma_start3A_2218] : memref<128x768xf32, #tpu.memory_space<vmem>> -> memref<1x768xf32, #tpu.memory_space<vmem>>
      tpu.enqueue_dma source(%dma_start3A_2219 : memref<1x768xf32, #tpu.memory_space<vmem>>) target(%dma_start3A_2216 : memref<1x768xf32, #tpu.memory_space<hbm>>) target_semaphore(%arg16 : memref<!tpu.dma_semaphore, #tpu.memory_space<semaphore_mem>>)
      %add3A_2220 = arith.constant 22 : i32
      %add3A_2221 = arith.addi %mul3A_10, %add3A_2220 : i32
      %get3A_2222 = arith.index_cast %add3A_2221 : i32 to index
      %get3A_2223 = memref.load %arg2[%get3A_2222] : memref<11776xi32, #tpu.memory_space<smem>>
      %dma_start3A_2224 = arith.constant 0 : i32
      %dma_start3A_2225 = tpu.memref_slice %arg12[%get3A_2223, %dma_start3A_2224] : memref<8200x768xf32, #tpu.memory_space<hbm>> -> memref<1x768xf32, #tpu.memory_space<hbm>>
      %dma_start3A_2226 = arith.constant 22 : i32
      %dma_start3A_2227 = arith.constant 0 : i32
      %dma_start3A_2228 = tpu.memref_slice %arg14[%dma_start3A_2226, %dma_start3A_2227] : memref<128x768xf32, #tpu.memory_space<vmem>> -> memref<1x768xf32, #tpu.memory_space<vmem>>
      tpu.enqueue_dma source(%dma_start3A_2228 : memref<1x768xf32, #tpu.memory_space<vmem>>) target(%dma_start3A_2225 : memref<1x768xf32, #tpu.memory_space<hbm>>) target_semaphore(%arg16 : memref<!tpu.dma_semaphore, #tpu.memory_space<semaphore_mem>>)
      %add3A_2229 = arith.constant 23 : i32
      %add3A_2230 = arith.addi %mul3A_10, %add3A_2229 : i32
      %get3A_2231 = arith.index_cast %add3A_2230 : i32 to index
      %get3A_2232 = memref.load %arg2[%get3A_2231] : memref<11776xi32, #tpu.memory_space<smem>>
      %dma_start3A_2233 = arith.constant 0 : i32
      %dma_start3A_2234 = tpu.memref_slice %arg12[%get3A_2232, %dma_start3A_2233] : memref<8200x768xf32, #tpu.memory_space<hbm>> -> memref<1x768xf32, #tpu.memory_space<hbm>>
      %dma_start3A_2235 = arith.constant 23 : i32
      %dma_start3A_2236 = arith.constant 0 : i32
      %dma_start3A_2237 = tpu.memref_slice %arg14[%dma_start3A_2235, %dma_start3A_2236] : memref<128x768xf32, #tpu.memory_space<vmem>> -> memref<1x768xf32, #tpu.memory_space<vmem>>
      tpu.enqueue_dma source(%dma_start3A_2237 : memref<1x768xf32, #tpu.memory_space<vmem>>) target(%dma_start3A_2234 : memref<1x768xf32, #tpu.memory_space<hbm>>) target_semaphore(%arg16 : memref<!tpu.dma_semaphore, #tpu.memory_space<semaphore_mem>>)
      %add3A_2238 = arith.constant 24 : i32
      %add3A_2239 = arith.addi %mul3A_10, %add3A_2238 : i32
      %get3A_2240 = arith.index_cast %add3A_2239 : i32 to index
      %get3A_2241 = memref.load %arg2[%get3A_2240] : memref<11776xi32, #tpu.memory_space<smem>>
      %dma_start3A_2242 = arith.constant 0 : i32
      %dma_start3A_2243 = tpu.memref_slice %arg12[%get3A_2241, %dma_start3A_2242] : memref<8200x768xf32, #tpu.memory_space<hbm>> -> memref<1x768xf32, #tpu.memory_space<hbm>>
      %dma_start3A_2244 = arith.constant 24 : i32
      %dma_start3A_2245 = arith.constant 0 : i32
      %dma_start3A_2246 = tpu.memref_slice %arg14[%dma_start3A_2244, %dma_start3A_2245] : memref<128x768xf32, #tpu.memory_space<vmem>> -> memref<1x768xf32, #tpu.memory_space<vmem>>
      tpu.enqueue_dma source(%dma_start3A_2246 : memref<1x768xf32, #tpu.memory_space<vmem>>) target(%dma_start3A_2243 : memref<1x768xf32, #tpu.memory_space<hbm>>) target_semaphore(%arg16 : memref<!tpu.dma_semaphore, #tpu.memory_space<semaphore_mem>>)
      %add3A_2247 = arith.constant 25 : i32
      %add3A_2248 = arith.addi %mul3A_10, %add3A_2247 : i32
      %get3A_2249 = arith.index_cast %add3A_2248 : i32 to index
      %get3A_2250 = memref.load %arg2[%get3A_2249] : memref<11776xi32, #tpu.memory_space<smem>>
      %dma_start3A_2251 = arith.constant 0 : i32
      %dma_start3A_2252 = tpu.memref_slice %arg12[%get3A_2250, %dma_start3A_2251] : memref<8200x768xf32, #tpu.memory_space<hbm>> -> memref<1x768xf32, #tpu.memory_space<hbm>>
      %dma_start3A_2253 = arith.constant 25 : i32
      %dma_start3A_2254 = arith.constant 0 : i32
      %dma_start3A_2255 = tpu.memref_slice %arg14[%dma_start3A_2253, %dma_start3A_2254] : memref<128x768xf32, #tpu.memory_space<vmem>> -> memref<1x768xf32, #tpu.memory_space<vmem>>
      tpu.enqueue_dma source(%dma_start3A_2255 : memref<1x768xf32, #tpu.memory_space<vmem>>) target(%dma_start3A_2252 : memref<1x768xf32, #tpu.memory_space<hbm>>) target_semaphore(%arg16 : memref<!tpu.dma_semaphore, #tpu.memory_space<semaphore_mem>>)
      %add3A_2256 = arith.constant 26 : i32
      %add3A_2257 = arith.addi %mul3A_10, %add3A_2256 : i32
      %get3A_2258 = arith.index_cast %add3A_2257 : i32 to index
      %get3A_2259 = memref.load %arg2[%get3A_2258] : memref<11776xi32, #tpu.memory_space<smem>>
      %dma_start3A_2260 = arith.constant 0 : i32
      %dma_start3A_2261 = tpu.memref_slice %arg12[%get3A_2259, %dma_start3A_2260] : memref<8200x768xf32, #tpu.memory_space<hbm>> -> memref<1x768xf32, #tpu.memory_space<hbm>>
      %dma_start3A_2262 = arith.constant 26 : i32
      %dma_start3A_2263 = arith.constant 0 : i32
      %dma_start3A_2264 = tpu.memref_slice %arg14[%dma_start3A_2262, %dma_start3A_2263] : memref<128x768xf32, #tpu.memory_space<vmem>> -> memref<1x768xf32, #tpu.memory_space<vmem>>
      tpu.enqueue_dma source(%dma_start3A_2264 : memref<1x768xf32, #tpu.memory_space<vmem>>) target(%dma_start3A_2261 : memref<1x768xf32, #tpu.memory_space<hbm>>) target_semaphore(%arg16 : memref<!tpu.dma_semaphore, #tpu.memory_space<semaphore_mem>>)
      %add3A_2265 = arith.constant 27 : i32
      %add3A_2266 = arith.addi %mul3A_10, %add3A_2265 : i32
      %get3A_2267 = arith.index_cast %add3A_2266 : i32 to index
      %get3A_2268 = memref.load %arg2[%get3A_2267] : memref<11776xi32, #tpu.memory_space<smem>>
      %dma_start3A_2269 = arith.constant 0 : i32
      %dma_start3A_2270 = tpu.memref_slice %arg12[%get3A_2268, %dma_start3A_2269] : memref<8200x768xf32, #tpu.memory_space<hbm>> -> memref<1x768xf32, #tpu.memory_space<hbm>>
      %dma_start3A_2271 = arith.constant 27 : i32
      %dma_start3A_2272 = arith.constant 0 : i32
      %dma_start3A_2273 = tpu.memref_slice %arg14[%dma_start3A_2271, %dma_start3A_2272] : memref<128x768xf32, #tpu.memory_space<vmem>> -> memref<1x768xf32, #tpu.memory_space<vmem>>
      tpu.enqueue_dma source(%dma_start3A_2273 : memref<1x768xf32, #tpu.memory_space<vmem>>) target(%dma_start3A_2270 : memref<1x768xf32, #tpu.memory_space<hbm>>) target_semaphore(%arg16 : memref<!tpu.dma_semaphore, #tpu.memory_space<semaphore_mem>>)
      %add3A_2274 = arith.constant 28 : i32
      %add3A_2275 = arith.addi %mul3A_10, %add3A_2274 : i32
      %get3A_2276 = arith.index_cast %add3A_2275 : i32 to index
      %get3A_2277 = memref.load %arg2[%get3A_2276] : memref<11776xi32, #tpu.memory_space<smem>>
      %dma_start3A_2278 = arith.constant 0 : i32
      %dma_start3A_2279 = tpu.memref_slice %arg12[%get3A_2277, %dma_start3A_2278] : memref<8200x768xf32, #tpu.memory_space<hbm>> -> memref<1x768xf32, #tpu.memory_space<hbm>>
      %dma_start3A_2280 = arith.constant 28 : i32
      %dma_start3A_2281 = arith.constant 0 : i32
      %dma_start3A_2282 = tpu.memref_slice %arg14[%dma_start3A_2280, %dma_start3A_2281] : memref<128x768xf32, #tpu.memory_space<vmem>> -> memref<1x768xf32, #tpu.memory_space<vmem>>
      tpu.enqueue_dma source(%dma_start3A_2282 : memref<1x768xf32, #tpu.memory_space<vmem>>) target(%dma_start3A_2279 : memref<1x768xf32, #tpu.memory_space<hbm>>) target_semaphore(%arg16 : memref<!tpu.dma_semaphore, #tpu.memory_space<semaphore_mem>>)
      %add3A_2283 = arith.constant 29 : i32
      %add3A_2284 = arith.addi %mul3A_10, %add3A_2283 : i32
      %get3A_2285 = arith.index_cast %add3A_2284 : i32 to index
      %get3A_2286 = memref.load %arg2[%get3A_2285] : memref<11776xi32, #tpu.memory_space<smem>>
      %dma_start3A_2287 = arith.constant 0 : i32
      %dma_start3A_2288 = tpu.memref_slice %arg12[%get3A_2286, %dma_start3A_2287] : memref<8200x768xf32, #tpu.memory_space<hbm>> -> memref<1x768xf32, #tpu.memory_space<hbm>>
      %dma_start3A_2289 = arith.constant 29 : i32
      %dma_start3A_2290 = arith.constant 0 : i32
      %dma_start3A_2291 = tpu.memref_slice %arg14[%dma_start3A_2289, %dma_start3A_2290] : memref<128x768xf32, #tpu.memory_space<vmem>> -> memref<1x768xf32, #tpu.memory_space<vmem>>
      tpu.enqueue_dma source(%dma_start3A_2291 : memref<1x768xf32, #tpu.memory_space<vmem>>) target(%dma_start3A_2288 : memref<1x768xf32, #tpu.memory_space<hbm>>) target_semaphore(%arg16 : memref<!tpu.dma_semaphore, #tpu.memory_space<semaphore_mem>>)
      %add3A_2292 = arith.constant 30 : i32
      %add3A_2293 = arith.addi %mul3A_10, %add3A_2292 : i32
      %get3A_2294 = arith.index_cast %add3A_2293 : i32 to index
      %get3A_2295 = memref.load %arg2[%get3A_2294] : memref<11776xi32, #tpu.memory_space<smem>>
      %dma_start3A_2296 = arith.constant 0 : i32
      %dma_start3A_2297 = tpu.memref_slice %arg12[%get3A_2295, %dma_start3A_2296] : memref<8200x768xf32, #tpu.memory_space<hbm>> -> memref<1x768xf32, #tpu.memory_space<hbm>>
      %dma_start3A_2298 = arith.constant 30 : i32
      %dma_start3A_2299 = arith.constant 0 : i32
      %dma_start3A_2300 = tpu.memref_slice %arg14[%dma_start3A_2298, %dma_start3A_2299] : memref<128x768xf32, #tpu.memory_space<vmem>> -> memref<1x768xf32, #tpu.memory_space<vmem>>
      tpu.enqueue_dma source(%dma_start3A_2300 : memref<1x768xf32, #tpu.memory_space<vmem>>) target(%dma_start3A_2297 : memref<1x768xf32, #tpu.memory_space<hbm>>) target_semaphore(%arg16 : memref<!tpu.dma_semaphore, #tpu.memory_space<semaphore_mem>>)
      %add3A_2301 = arith.constant 31 : i32
      %add3A_2302 = arith.addi %mul3A_10, %add3A_2301 : i32
      %get3A_2303 = arith.index_cast %add3A_2302 : i32 to index
      %get3A_2304 = memref.load %arg2[%get3A_2303] : memref<11776xi32, #tpu.memory_space<smem>>
      %dma_start3A_2305 = arith.constant 0 : i32
      %dma_start3A_2306 = tpu.memref_slice %arg12[%get3A_2304, %dma_start3A_2305] : memref<8200x768xf32, #tpu.memory_space<hbm>> -> memref<1x768xf32, #tpu.memory_space<hbm>>
      %dma_start3A_2307 = arith.constant 31 : i32
      %dma_start3A_2308 = arith.constant 0 : i32
      %dma_start3A_2309 = tpu.memref_slice %arg14[%dma_start3A_2307, %dma_start3A_2308] : memref<128x768xf32, #tpu.memory_space<vmem>> -> memref<1x768xf32, #tpu.memory_space<vmem>>
      tpu.enqueue_dma source(%dma_start3A_2309 : memref<1x768xf32, #tpu.memory_space<vmem>>) target(%dma_start3A_2306 : memref<1x768xf32, #tpu.memory_space<hbm>>) target_semaphore(%arg16 : memref<!tpu.dma_semaphore, #tpu.memory_space<semaphore_mem>>)
      %add3A_2310 = arith.constant 32 : i32
      %add3A_2311 = arith.addi %mul3A_10, %add3A_2310 : i32
      %get3A_2312 = arith.index_cast %add3A_2311 : i32 to index
      %get3A_2313 = memref.load %arg2[%get3A_2312] : memref<11776xi32, #tpu.memory_space<smem>>
      %dma_start3A_2314 = arith.constant 0 : i32
      %dma_start3A_2315 = tpu.memref_slice %arg12[%get3A_2313, %dma_start3A_2314] : memref<8200x768xf32, #tpu.memory_space<hbm>> -> memref<1x768xf32, #tpu.memory_space<hbm>>
      %dma_start3A_2316 = arith.constant 32 : i32
      %dma_start3A_2317 = arith.constant 0 : i32
      %dma_start3A_2318 = tpu.memref_slice %arg14[%dma_start3A_2316, %dma_start3A_2317] : memref<128x768xf32, #tpu.memory_space<vmem>> -> memref<1x768xf32, #tpu.memory_space<vmem>>
      tpu.enqueue_dma source(%dma_start3A_2318 : memref<1x768xf32, #tpu.memory_space<vmem>>) target(%dma_start3A_2315 : memref<1x768xf32, #tpu.memory_space<hbm>>) target_semaphore(%arg16 : memref<!tpu.dma_semaphore, #tpu.memory_space<semaphore_mem>>)
      %add3A_2319 = arith.constant 33 : i32
      %add3A_2320 = arith.addi %mul3A_10, %add3A_2319 : i32
      %get3A_2321 = arith.index_cast %add3A_2320 : i32 to index
      %get3A_2322 = memref.load %arg2[%get3A_2321] : memref<11776xi32, #tpu.memory_space<smem>>
      %dma_start3A_2323 = arith.constant 0 : i32
      %dma_start3A_2324 = tpu.memref_slice %arg12[%get3A_2322, %dma_start3A_2323] : memref<8200x768xf32, #tpu.memory_space<hbm>> -> memref<1x768xf32, #tpu.memory_space<hbm>>
      %dma_start3A_2325 = arith.constant 33 : i32
      %dma_start3A_2326 = arith.constant 0 : i32
      %dma_start3A_2327 = tpu.memref_slice %arg14[%dma_start3A_2325, %dma_start3A_2326] : memref<128x768xf32, #tpu.memory_space<vmem>> -> memref<1x768xf32, #tpu.memory_space<vmem>>
      tpu.enqueue_dma source(%dma_start3A_2327 : memref<1x768xf32, #tpu.memory_space<vmem>>) target(%dma_start3A_2324 : memref<1x768xf32, #tpu.memory_space<hbm>>) target_semaphore(%arg16 : memref<!tpu.dma_semaphore, #tpu.memory_space<semaphore_mem>>)
      %add3A_2328 = arith.constant 34 : i32
      %add3A_2329 = arith.addi %mul3A_10, %add3A_2328 : i32
      %get3A_2330 = arith.index_cast %add3A_2329 : i32 to index
      %get3A_2331 = memref.load %arg2[%get3A_2330] : memref<11776xi32, #tpu.memory_space<smem>>
      %dma_start3A_2332 = arith.constant 0 : i32
      %dma_start3A_2333 = tpu.memref_slice %arg12[%get3A_2331, %dma_start3A_2332] : memref<8200x768xf32, #tpu.memory_space<hbm>> -> memref<1x768xf32, #tpu.memory_space<hbm>>
      %dma_start3A_2334 = arith.constant 34 : i32
      %dma_start3A_2335 = arith.constant 0 : i32
      %dma_start3A_2336 = tpu.memref_slice %arg14[%dma_start3A_2334, %dma_start3A_2335] : memref<128x768xf32, #tpu.memory_space<vmem>> -> memref<1x768xf32, #tpu.memory_space<vmem>>
      tpu.enqueue_dma source(%dma_start3A_2336 : memref<1x768xf32, #tpu.memory_space<vmem>>) target(%dma_start3A_2333 : memref<1x768xf32, #tpu.memory_space<hbm>>) target_semaphore(%arg16 : memref<!tpu.dma_semaphore, #tpu.memory_space<semaphore_mem>>)
      %add3A_2337 = arith.constant 35 : i32
      %add3A_2338 = arith.addi %mul3A_10, %add3A_2337 : i32
      %get3A_2339 = arith.index_cast %add3A_2338 : i32 to index
      %get3A_2340 = memref.load %arg2[%get3A_2339] : memref<11776xi32, #tpu.memory_space<smem>>
      %dma_start3A_2341 = arith.constant 0 : i32
      %dma_start3A_2342 = tpu.memref_slice %arg12[%get3A_2340, %dma_start3A_2341] : memref<8200x768xf32, #tpu.memory_space<hbm>> -> memref<1x768xf32, #tpu.memory_space<hbm>>
      %dma_start3A_2343 = arith.constant 35 : i32
      %dma_start3A_2344 = arith.constant 0 : i32
      %dma_start3A_2345 = tpu.memref_slice %arg14[%dma_start3A_2343, %dma_start3A_2344] : memref<128x768xf32, #tpu.memory_space<vmem>> -> memref<1x768xf32, #tpu.memory_space<vmem>>
      tpu.enqueue_dma source(%dma_start3A_2345 : memref<1x768xf32, #tpu.memory_space<vmem>>) target(%dma_start3A_2342 : memref<1x768xf32, #tpu.memory_space<hbm>>) target_semaphore(%arg16 : memref<!tpu.dma_semaphore, #tpu.memory_space<semaphore_mem>>)
      %add3A_2346 = arith.constant 36 : i32
      %add3A_2347 = arith.addi %mul3A_10, %add3A_2346 : i32
      %get3A_2348 = arith.index_cast %add3A_2347 : i32 to index
      %get3A_2349 = memref.load %arg2[%get3A_2348] : memref<11776xi32, #tpu.memory_space<smem>>
      %dma_start3A_2350 = arith.constant 0 : i32
      %dma_start3A_2351 = tpu.memref_slice %arg12[%get3A_2349, %dma_start3A_2350] : memref<8200x768xf32, #tpu.memory_space<hbm>> -> memref<1x768xf32, #tpu.memory_space<hbm>>
      %dma_start3A_2352 = arith.constant 36 : i32
      %dma_start3A_2353 = arith.constant 0 : i32
      %dma_start3A_2354 = tpu.memref_slice %arg14[%dma_start3A_2352, %dma_start3A_2353] : memref<128x768xf32, #tpu.memory_space<vmem>> -> memref<1x768xf32, #tpu.memory_space<vmem>>
      tpu.enqueue_dma source(%dma_start3A_2354 : memref<1x768xf32, #tpu.memory_space<vmem>>) target(%dma_start3A_2351 : memref<1x768xf32, #tpu.memory_space<hbm>>) target_semaphore(%arg16 : memref<!tpu.dma_semaphore, #tpu.memory_space<semaphore_mem>>)
      %add3A_2355 = arith.constant 37 : i32
      %add3A_2356 = arith.addi %mul3A_10, %add3A_2355 : i32
      %get3A_2357 = arith.index_cast %add3A_2356 : i32 to index
      %get3A_2358 = memref.load %arg2[%get3A_2357] : memref<11776xi32, #tpu.memory_space<smem>>
      %dma_start3A_2359 = arith.constant 0 : i32
      %dma_start3A_2360 = tpu.memref_slice %arg12[%get3A_2358, %dma_start3A_2359] : memref<8200x768xf32, #tpu.memory_space<hbm>> -> memref<1x768xf32, #tpu.memory_space<hbm>>
      %dma_start3A_2361 = arith.constant 37 : i32
      %dma_start3A_2362 = arith.constant 0 : i32
      %dma_start3A_2363 = tpu.memref_slice %arg14[%dma_start3A_2361, %dma_start3A_2362] : memref<128x768xf32, #tpu.memory_space<vmem>> -> memref<1x768xf32, #tpu.memory_space<vmem>>
      tpu.enqueue_dma source(%dma_start3A_2363 : memref<1x768xf32, #tpu.memory_space<vmem>>) target(%dma_start3A_2360 : memref<1x768xf32, #tpu.memory_space<hbm>>) target_semaphore(%arg16 : memref<!tpu.dma_semaphore, #tpu.memory_space<semaphore_mem>>)
      %add3A_2364 = arith.constant 38 : i32
      %add3A_2365 = arith.addi %mul3A_10, %add3A_2364 : i32
      %get3A_2366 = arith.index_cast %add3A_2365 : i32 to index
      %get3A_2367 = memref.load %arg2[%get3A_2366] : memref<11776xi32, #tpu.memory_space<smem>>
      %dma_start3A_2368 = arith.constant 0 : i32
      %dma_start3A_2369 = tpu.memref_slice %arg12[%get3A_2367, %dma_start3A_2368] : memref<8200x768xf32, #tpu.memory_space<hbm>> -> memref<1x768xf32, #tpu.memory_space<hbm>>
      %dma_start3A_2370 = arith.constant 38 : i32
      %dma_start3A_2371 = arith.constant 0 : i32
      %dma_start3A_2372 = tpu.memref_slice %arg14[%dma_start3A_2370, %dma_start3A_2371] : memref<128x768xf32, #tpu.memory_space<vmem>> -> memref<1x768xf32, #tpu.memory_space<vmem>>
      tpu.enqueue_dma source(%dma_start3A_2372 : memref<1x768xf32, #tpu.memory_space<vmem>>) target(%dma_start3A_2369 : memref<1x768xf32, #tpu.memory_space<hbm>>) target_semaphore(%arg16 : memref<!tpu.dma_semaphore, #tpu.memory_space<semaphore_mem>>)
      %add3A_2373 = arith.constant 39 : i32
      %add3A_2374 = arith.addi %mul3A_10, %add3A_2373 : i32
      %get3A_2375 = arith.index_cast %add3A_2374 : i32 to index
      %get3A_2376 = memref.load %arg2[%get3A_2375] : memref<11776xi32, #tpu.memory_space<smem>>
      %dma_start3A_2377 = arith.constant 0 : i32
      %dma_start3A_2378 = tpu.memref_slice %arg12[%get3A_2376, %dma_start3A_2377] : memref<8200x768xf32, #tpu.memory_space<hbm>> -> memref<1x768xf32, #tpu.memory_space<hbm>>
      %dma_start3A_2379 = arith.constant 39 : i32
      %dma_start3A_2380 = arith.constant 0 : i32
      %dma_start3A_2381 = tpu.memref_slice %arg14[%dma_start3A_2379, %dma_start3A_2380] : memref<128x768xf32, #tpu.memory_space<vmem>> -> memref<1x768xf32, #tpu.memory_space<vmem>>
      tpu.enqueue_dma source(%dma_start3A_2381 : memref<1x768xf32, #tpu.memory_space<vmem>>) target(%dma_start3A_2378 : memref<1x768xf32, #tpu.memory_space<hbm>>) target_semaphore(%arg16 : memref<!tpu.dma_semaphore, #tpu.memory_space<semaphore_mem>>)
      %add3A_2382 = arith.constant 40 : i32
      %add3A_2383 = arith.addi %mul3A_10, %add3A_2382 : i32
      %get3A_2384 = arith.index_cast %add3A_2383 : i32 to index
      %get3A_2385 = memref.load %arg2[%get3A_2384] : memref<11776xi32, #tpu.memory_space<smem>>
      %dma_start3A_2386 = arith.constant 0 : i32
      %dma_start3A_2387 = tpu.memref_slice %arg12[%get3A_2385, %dma_start3A_2386] : memref<8200x768xf32, #tpu.memory_space<hbm>> -> memref<1x768xf32, #tpu.memory_space<hbm>>
      %dma_start3A_2388 = arith.constant 40 : i32
      %dma_start3A_2389 = arith.constant 0 : i32
      %dma_start3A_2390 = tpu.memref_slice %arg14[%dma_start3A_2388, %dma_start3A_2389] : memref<128x768xf32, #tpu.memory_space<vmem>> -> memref<1x768xf32, #tpu.memory_space<vmem>>
      tpu.enqueue_dma source(%dma_start3A_2390 : memref<1x768xf32, #tpu.memory_space<vmem>>) target(%dma_start3A_2387 : memref<1x768xf32, #tpu.memory_space<hbm>>) target_semaphore(%arg16 : memref<!tpu.dma_semaphore, #tpu.memory_space<semaphore_mem>>)
      %add3A_2391 = arith.constant 41 : i32
      %add3A_2392 = arith.addi %mul3A_10, %add3A_2391 : i32
      %get3A_2393 = arith.index_cast %add3A_2392 : i32 to index
      %get3A_2394 = memref.load %arg2[%get3A_2393] : memref<11776xi32, #tpu.memory_space<smem>>
      %dma_start3A_2395 = arith.constant 0 : i32
      %dma_start3A_2396 = tpu.memref_slice %arg12[%get3A_2394, %dma_start3A_2395] : memref<8200x768xf32, #tpu.memory_space<hbm>> -> memref<1x768xf32, #tpu.memory_space<hbm>>
      %dma_start3A_2397 = arith.constant 41 : i32
      %dma_start3A_2398 = arith.constant 0 : i32
      %dma_start3A_2399 = tpu.memref_slice %arg14[%dma_start3A_2397, %dma_start3A_2398] : memref<128x768xf32, #tpu.memory_space<vmem>> -> memref<1x768xf32, #tpu.memory_space<vmem>>
      tpu.enqueue_dma source(%dma_start3A_2399 : memref<1x768xf32, #tpu.memory_space<vmem>>) target(%dma_start3A_2396 : memref<1x768xf32, #tpu.memory_space<hbm>>) target_semaphore(%arg16 : memref<!tpu.dma_semaphore, #tpu.memory_space<semaphore_mem>>)
      %add3A_2400 = arith.constant 42 : i32
      %add3A_2401 = arith.addi %mul3A_10, %add3A_2400 : i32
      %get3A_2402 = arith.index_cast %add3A_2401 : i32 to index
      %get3A_2403 = memref.load %arg2[%get3A_2402] : memref<11776xi32, #tpu.memory_space<smem>>
      %dma_start3A_2404 = arith.constant 0 : i32
      %dma_start3A_2405 = tpu.memref_slice %arg12[%get3A_2403, %dma_start3A_2404] : memref<8200x768xf32, #tpu.memory_space<hbm>> -> memref<1x768xf32, #tpu.memory_space<hbm>>
      %dma_start3A_2406 = arith.constant 42 : i32
      %dma_start3A_2407 = arith.constant 0 : i32
      %dma_start3A_2408 = tpu.memref_slice %arg14[%dma_start3A_2406, %dma_start3A_2407] : memref<128x768xf32, #tpu.memory_space<vmem>> -> memref<1x768xf32, #tpu.memory_space<vmem>>
      tpu.enqueue_dma source(%dma_start3A_2408 : memref<1x768xf32, #tpu.memory_space<vmem>>) target(%dma_start3A_2405 : memref<1x768xf32, #tpu.memory_space<hbm>>) target_semaphore(%arg16 : memref<!tpu.dma_semaphore, #tpu.memory_space<semaphore_mem>>)
      %add3A_2409 = arith.constant 43 : i32
      %add3A_2410 = arith.addi %mul3A_10, %add3A_2409 : i32
      %get3A_2411 = arith.index_cast %add3A_2410 : i32 to index
      %get3A_2412 = memref.load %arg2[%get3A_2411] : memref<11776xi32, #tpu.memory_space<smem>>
      %dma_start3A_2413 = arith.constant 0 : i32
      %dma_start3A_2414 = tpu.memref_slice %arg12[%get3A_2412, %dma_start3A_2413] : memref<8200x768xf32, #tpu.memory_space<hbm>> -> memref<1x768xf32, #tpu.memory_space<hbm>>
      %dma_start3A_2415 = arith.constant 43 : i32
      %dma_start3A_2416 = arith.constant 0 : i32
      %dma_start3A_2417 = tpu.memref_slice %arg14[%dma_start3A_2415, %dma_start3A_2416] : memref<128x768xf32, #tpu.memory_space<vmem>> -> memref<1x768xf32, #tpu.memory_space<vmem>>
      tpu.enqueue_dma source(%dma_start3A_2417 : memref<1x768xf32, #tpu.memory_space<vmem>>) target(%dma_start3A_2414 : memref<1x768xf32, #tpu.memory_space<hbm>>) target_semaphore(%arg16 : memref<!tpu.dma_semaphore, #tpu.memory_space<semaphore_mem>>)
      %add3A_2418 = arith.constant 44 : i32
      %add3A_2419 = arith.addi %mul3A_10, %add3A_2418 : i32
      %get3A_2420 = arith.index_cast %add3A_2419 : i32 to index
      %get3A_2421 = memref.load %arg2[%get3A_2420] : memref<11776xi32, #tpu.memory_space<smem>>
      %dma_start3A_2422 = arith.constant 0 : i32
      %dma_start3A_2423 = tpu.memref_slice %arg12[%get3A_2421, %dma_start3A_2422] : memref<8200x768xf32, #tpu.memory_space<hbm>> -> memref<1x768xf32, #tpu.memory_space<hbm>>
      %dma_start3A_2424 = arith.constant 44 : i32
      %dma_start3A_2425 = arith.constant 0 : i32
      %dma_start3A_2426 = tpu.memref_slice %arg14[%dma_start3A_2424, %dma_start3A_2425] : memref<128x768xf32, #tpu.memory_space<vmem>> -> memref<1x768xf32, #tpu.memory_space<vmem>>
      tpu.enqueue_dma source(%dma_start3A_2426 : memref<1x768xf32, #tpu.memory_space<vmem>>) target(%dma_start3A_2423 : memref<1x768xf32, #tpu.memory_space<hbm>>) target_semaphore(%arg16 : memref<!tpu.dma_semaphore, #tpu.memory_space<semaphore_mem>>)
      %add3A_2427 = arith.constant 45 : i32
      %add3A_2428 = arith.addi %mul3A_10, %add3A_2427 : i32
      %get3A_2429 = arith.index_cast %add3A_2428 : i32 to index
      %get3A_2430 = memref.load %arg2[%get3A_2429] : memref<11776xi32, #tpu.memory_space<smem>>
      %dma_start3A_2431 = arith.constant 0 : i32
      %dma_start3A_2432 = tpu.memref_slice %arg12[%get3A_2430, %dma_start3A_2431] : memref<8200x768xf32, #tpu.memory_space<hbm>> -> memref<1x768xf32, #tpu.memory_space<hbm>>
      %dma_start3A_2433 = arith.constant 45 : i32
      %dma_start3A_2434 = arith.constant 0 : i32
      %dma_start3A_2435 = tpu.memref_slice %arg14[%dma_start3A_2433, %dma_start3A_2434] : memref<128x768xf32, #tpu.memory_space<vmem>> -> memref<1x768xf32, #tpu.memory_space<vmem>>
      tpu.enqueue_dma source(%dma_start3A_2435 : memref<1x768xf32, #tpu.memory_space<vmem>>) target(%dma_start3A_2432 : memref<1x768xf32, #tpu.memory_space<hbm>>) target_semaphore(%arg16 : memref<!tpu.dma_semaphore, #tpu.memory_space<semaphore_mem>>)
      %add3A_2436 = arith.constant 46 : i32
      %add3A_2437 = arith.addi %mul3A_10, %add3A_2436 : i32
      %get3A_2438 = arith.index_cast %add3A_2437 : i32 to index
      %get3A_2439 = memref.load %arg2[%get3A_2438] : memref<11776xi32, #tpu.memory_space<smem>>
      %dma_start3A_2440 = arith.constant 0 : i32
      %dma_start3A_2441 = tpu.memref_slice %arg12[%get3A_2439, %dma_start3A_2440] : memref<8200x768xf32, #tpu.memory_space<hbm>> -> memref<1x768xf32, #tpu.memory_space<hbm>>
      %dma_start3A_2442 = arith.constant 46 : i32
      %dma_start3A_2443 = arith.constant 0 : i32
      %dma_start3A_2444 = tpu.memref_slice %arg14[%dma_start3A_2442, %dma_start3A_2443] : memref<128x768xf32, #tpu.memory_space<vmem>> -> memref<1x768xf32, #tpu.memory_space<vmem>>
      tpu.enqueue_dma source(%dma_start3A_2444 : memref<1x768xf32, #tpu.memory_space<vmem>>) target(%dma_start3A_2441 : memref<1x768xf32, #tpu.memory_space<hbm>>) target_semaphore(%arg16 : memref<!tpu.dma_semaphore, #tpu.memory_space<semaphore_mem>>)
      %add3A_2445 = arith.constant 47 : i32
      %add3A_2446 = arith.addi %mul3A_10, %add3A_2445 : i32
      %get3A_2447 = arith.index_cast %add3A_2446 : i32 to index
      %get3A_2448 = memref.load %arg2[%get3A_2447] : memref<11776xi32, #tpu.memory_space<smem>>
      %dma_start3A_2449 = arith.constant 0 : i32
      %dma_start3A_2450 = tpu.memref_slice %arg12[%get3A_2448, %dma_start3A_2449] : memref<8200x768xf32, #tpu.memory_space<hbm>> -> memref<1x768xf32, #tpu.memory_space<hbm>>
      %dma_start3A_2451 = arith.constant 47 : i32
      %dma_start3A_2452 = arith.constant 0 : i32
      %dma_start3A_2453 = tpu.memref_slice %arg14[%dma_start3A_2451, %dma_start3A_2452] : memref<128x768xf32, #tpu.memory_space<vmem>> -> memref<1x768xf32, #tpu.memory_space<vmem>>
      tpu.enqueue_dma source(%dma_start3A_2453 : memref<1x768xf32, #tpu.memory_space<vmem>>) target(%dma_start3A_2450 : memref<1x768xf32, #tpu.memory_space<hbm>>) target_semaphore(%arg16 : memref<!tpu.dma_semaphore, #tpu.memory_space<semaphore_mem>>)
      %add3A_2454 = arith.constant 48 : i32
      %add3A_2455 = arith.addi %mul3A_10, %add3A_2454 : i32
      %get3A_2456 = arith.index_cast %add3A_2455 : i32 to index
      %get3A_2457 = memref.load %arg2[%get3A_2456] : memref<11776xi32, #tpu.memory_space<smem>>
      %dma_start3A_2458 = arith.constant 0 : i32
      %dma_start3A_2459 = tpu.memref_slice %arg12[%get3A_2457, %dma_start3A_2458] : memref<8200x768xf32, #tpu.memory_space<hbm>> -> memref<1x768xf32, #tpu.memory_space<hbm>>
      %dma_start3A_2460 = arith.constant 48 : i32
      %dma_start3A_2461 = arith.constant 0 : i32
      %dma_start3A_2462 = tpu.memref_slice %arg14[%dma_start3A_2460, %dma_start3A_2461] : memref<128x768xf32, #tpu.memory_space<vmem>> -> memref<1x768xf32, #tpu.memory_space<vmem>>
      tpu.enqueue_dma source(%dma_start3A_2462 : memref<1x768xf32, #tpu.memory_space<vmem>>) target(%dma_start3A_2459 : memref<1x768xf32, #tpu.memory_space<hbm>>) target_semaphore(%arg16 : memref<!tpu.dma_semaphore, #tpu.memory_space<semaphore_mem>>)
      %add3A_2463 = arith.constant 49 : i32
      %add3A_2464 = arith.addi %mul3A_10, %add3A_2463 : i32
      %get3A_2465 = arith.index_cast %add3A_2464 : i32 to index
      %get3A_2466 = memref.load %arg2[%get3A_2465] : memref<11776xi32, #tpu.memory_space<smem>>
      %dma_start3A_2467 = arith.constant 0 : i32
      %dma_start3A_2468 = tpu.memref_slice %arg12[%get3A_2466, %dma_start3A_2467] : memref<8200x768xf32, #tpu.memory_space<hbm>> -> memref<1x768xf32, #tpu.memory_space<hbm>>
      %dma_start3A_2469 = arith.constant 49 : i32
      %dma_start3A_2470 = arith.constant 0 : i32
      %dma_start3A_2471 = tpu.memref_slice %arg14[%dma_start3A_2469, %dma_start3A_2470] : memref<128x768xf32, #tpu.memory_space<vmem>> -> memref<1x768xf32, #tpu.memory_space<vmem>>
      tpu.enqueue_dma source(%dma_start3A_2471 : memref<1x768xf32, #tpu.memory_space<vmem>>) target(%dma_start3A_2468 : memref<1x768xf32, #tpu.memory_space<hbm>>) target_semaphore(%arg16 : memref<!tpu.dma_semaphore, #tpu.memory_space<semaphore_mem>>)
      %add3A_2472 = arith.constant 50 : i32
      %add3A_2473 = arith.addi %mul3A_10, %add3A_2472 : i32
      %get3A_2474 = arith.index_cast %add3A_2473 : i32 to index
      %get3A_2475 = memref.load %arg2[%get3A_2474] : memref<11776xi32, #tpu.memory_space<smem>>
      %dma_start3A_2476 = arith.constant 0 : i32
      %dma_start3A_2477 = tpu.memref_slice %arg12[%get3A_2475, %dma_start3A_2476] : memref<8200x768xf32, #tpu.memory_space<hbm>> -> memref<1x768xf32, #tpu.memory_space<hbm>>
      %dma_start3A_2478 = arith.constant 50 : i32
      %dma_start3A_2479 = arith.constant 0 : i32
      %dma_start3A_2480 = tpu.memref_slice %arg14[%dma_start3A_2478, %dma_start3A_2479] : memref<128x768xf32, #tpu.memory_space<vmem>> -> memref<1x768xf32, #tpu.memory_space<vmem>>
      tpu.enqueue_dma source(%dma_start3A_2480 : memref<1x768xf32, #tpu.memory_space<vmem>>) target(%dma_start3A_2477 : memref<1x768xf32, #tpu.memory_space<hbm>>) target_semaphore(%arg16 : memref<!tpu.dma_semaphore, #tpu.memory_space<semaphore_mem>>)
      %add3A_2481 = arith.constant 51 : i32
      %add3A_2482 = arith.addi %mul3A_10, %add3A_2481 : i32
      %get3A_2483 = arith.index_cast %add3A_2482 : i32 to index
      %get3A_2484 = memref.load %arg2[%get3A_2483] : memref<11776xi32, #tpu.memory_space<smem>>
      %dma_start3A_2485 = arith.constant 0 : i32
      %dma_start3A_2486 = tpu.memref_slice %arg12[%get3A_2484, %dma_start3A_2485] : memref<8200x768xf32, #tpu.memory_space<hbm>> -> memref<1x768xf32, #tpu.memory_space<hbm>>
      %dma_start3A_2487 = arith.constant 51 : i32
      %dma_start3A_2488 = arith.constant 0 : i32
      %dma_start3A_2489 = tpu.memref_slice %arg14[%dma_start3A_2487, %dma_start3A_2488] : memref<128x768xf32, #tpu.memory_space<vmem>> -> memref<1x768xf32, #tpu.memory_space<vmem>>
      tpu.enqueue_dma source(%dma_start3A_2489 : memref<1x768xf32, #tpu.memory_space<vmem>>) target(%dma_start3A_2486 : memref<1x768xf32, #tpu.memory_space<hbm>>) target_semaphore(%arg16 : memref<!tpu.dma_semaphore, #tpu.memory_space<semaphore_mem>>)
      %add3A_2490 = arith.constant 52 : i32
      %add3A_2491 = arith.addi %mul3A_10, %add3A_2490 : i32
      %get3A_2492 = arith.index_cast %add3A_2491 : i32 to index
      %get3A_2493 = memref.load %arg2[%get3A_2492] : memref<11776xi32, #tpu.memory_space<smem>>
      %dma_start3A_2494 = arith.constant 0 : i32
      %dma_start3A_2495 = tpu.memref_slice %arg12[%get3A_2493, %dma_start3A_2494] : memref<8200x768xf32, #tpu.memory_space<hbm>> -> memref<1x768xf32, #tpu.memory_space<hbm>>
      %dma_start3A_2496 = arith.constant 52 : i32
      %dma_start3A_2497 = arith.constant 0 : i32
      %dma_start3A_2498 = tpu.memref_slice %arg14[%dma_start3A_2496, %dma_start3A_2497] : memref<128x768xf32, #tpu.memory_space<vmem>> -> memref<1x768xf32, #tpu.memory_space<vmem>>
      tpu.enqueue_dma source(%dma_start3A_2498 : memref<1x768xf32, #tpu.memory_space<vmem>>) target(%dma_start3A_2495 : memref<1x768xf32, #tpu.memory_space<hbm>>) target_semaphore(%arg16 : memref<!tpu.dma_semaphore, #tpu.memory_space<semaphore_mem>>)
      %add3A_2499 = arith.constant 53 : i32
      %add3A_2500 = arith.addi %mul3A_10, %add3A_2499 : i32
      %get3A_2501 = arith.index_cast %add3A_2500 : i32 to index
      %get3A_2502 = memref.load %arg2[%get3A_2501] : memref<11776xi32, #tpu.memory_space<smem>>
      %dma_start3A_2503 = arith.constant 0 : i32
      %dma_start3A_2504 = tpu.memref_slice %arg12[%get3A_2502, %dma_start3A_2503] : memref<8200x768xf32, #tpu.memory_space<hbm>> -> memref<1x768xf32, #tpu.memory_space<hbm>>
      %dma_start3A_2505 = arith.constant 53 : i32
      %dma_start3A_2506 = arith.constant 0 : i32
      %dma_start3A_2507 = tpu.memref_slice %arg14[%dma_start3A_2505, %dma_start3A_2506] : memref<128x768xf32, #tpu.memory_space<vmem>> -> memref<1x768xf32, #tpu.memory_space<vmem>>
      tpu.enqueue_dma source(%dma_start3A_2507 : memref<1x768xf32, #tpu.memory_space<vmem>>) target(%dma_start3A_2504 : memref<1x768xf32, #tpu.memory_space<hbm>>) target_semaphore(%arg16 : memref<!tpu.dma_semaphore, #tpu.memory_space<semaphore_mem>>)
      %add3A_2508 = arith.constant 54 : i32
      %add3A_2509 = arith.addi %mul3A_10, %add3A_2508 : i32
      %get3A_2510 = arith.index_cast %add3A_2509 : i32 to index
      %get3A_2511 = memref.load %arg2[%get3A_2510] : memref<11776xi32, #tpu.memory_space<smem>>
      %dma_start3A_2512 = arith.constant 0 : i32
      %dma_start3A_2513 = tpu.memref_slice %arg12[%get3A_2511, %dma_start3A_2512] : memref<8200x768xf32, #tpu.memory_space<hbm>> -> memref<1x768xf32, #tpu.memory_space<hbm>>
      %dma_start3A_2514 = arith.constant 54 : i32
      %dma_start3A_2515 = arith.constant 0 : i32
      %dma_start3A_2516 = tpu.memref_slice %arg14[%dma_start3A_2514, %dma_start3A_2515] : memref<128x768xf32, #tpu.memory_space<vmem>> -> memref<1x768xf32, #tpu.memory_space<vmem>>
      tpu.enqueue_dma source(%dma_start3A_2516 : memref<1x768xf32, #tpu.memory_space<vmem>>) target(%dma_start3A_2513 : memref<1x768xf32, #tpu.memory_space<hbm>>) target_semaphore(%arg16 : memref<!tpu.dma_semaphore, #tpu.memory_space<semaphore_mem>>)
      %add3A_2517 = arith.constant 55 : i32
      %add3A_2518 = arith.addi %mul3A_10, %add3A_2517 : i32
      %get3A_2519 = arith.index_cast %add3A_2518 : i32 to index
      %get3A_2520 = memref.load %arg2[%get3A_2519] : memref<11776xi32, #tpu.memory_space<smem>>
      %dma_start3A_2521 = arith.constant 0 : i32
      %dma_start3A_2522 = tpu.memref_slice %arg12[%get3A_2520, %dma_start3A_2521] : memref<8200x768xf32, #tpu.memory_space<hbm>> -> memref<1x768xf32, #tpu.memory_space<hbm>>
      %dma_start3A_2523 = arith.constant 55 : i32
      %dma_start3A_2524 = arith.constant 0 : i32
      %dma_start3A_2525 = tpu.memref_slice %arg14[%dma_start3A_2523, %dma_start3A_2524] : memref<128x768xf32, #tpu.memory_space<vmem>> -> memref<1x768xf32, #tpu.memory_space<vmem>>
      tpu.enqueue_dma source(%dma_start3A_2525 : memref<1x768xf32, #tpu.memory_space<vmem>>) target(%dma_start3A_2522 : memref<1x768xf32, #tpu.memory_space<hbm>>) target_semaphore(%arg16 : memref<!tpu.dma_semaphore, #tpu.memory_space<semaphore_mem>>)
      %add3A_2526 = arith.constant 56 : i32
      %add3A_2527 = arith.addi %mul3A_10, %add3A_2526 : i32
      %get3A_2528 = arith.index_cast %add3A_2527 : i32 to index
      %get3A_2529 = memref.load %arg2[%get3A_2528] : memref<11776xi32, #tpu.memory_space<smem>>
      %dma_start3A_2530 = arith.constant 0 : i32
      %dma_start3A_2531 = tpu.memref_slice %arg12[%get3A_2529, %dma_start3A_2530] : memref<8200x768xf32, #tpu.memory_space<hbm>> -> memref<1x768xf32, #tpu.memory_space<hbm>>
      %dma_start3A_2532 = arith.constant 56 : i32
      %dma_start3A_2533 = arith.constant 0 : i32
      %dma_start3A_2534 = tpu.memref_slice %arg14[%dma_start3A_2532, %dma_start3A_2533] : memref<128x768xf32, #tpu.memory_space<vmem>> -> memref<1x768xf32, #tpu.memory_space<vmem>>
      tpu.enqueue_dma source(%dma_start3A_2534 : memref<1x768xf32, #tpu.memory_space<vmem>>) target(%dma_start3A_2531 : memref<1x768xf32, #tpu.memory_space<hbm>>) target_semaphore(%arg16 : memref<!tpu.dma_semaphore, #tpu.memory_space<semaphore_mem>>)
      %add3A_2535 = arith.constant 57 : i32
      %add3A_2536 = arith.addi %mul3A_10, %add3A_2535 : i32
      %get3A_2537 = arith.index_cast %add3A_2536 : i32 to index
      %get3A_2538 = memref.load %arg2[%get3A_2537] : memref<11776xi32, #tpu.memory_space<smem>>
      %dma_start3A_2539 = arith.constant 0 : i32
      %dma_start3A_2540 = tpu.memref_slice %arg12[%get3A_2538, %dma_start3A_2539] : memref<8200x768xf32, #tpu.memory_space<hbm>> -> memref<1x768xf32, #tpu.memory_space<hbm>>
      %dma_start3A_2541 = arith.constant 57 : i32
      %dma_start3A_2542 = arith.constant 0 : i32
      %dma_start3A_2543 = tpu.memref_slice %arg14[%dma_start3A_2541, %dma_start3A_2542] : memref<128x768xf32, #tpu.memory_space<vmem>> -> memref<1x768xf32, #tpu.memory_space<vmem>>
      tpu.enqueue_dma source(%dma_start3A_2543 : memref<1x768xf32, #tpu.memory_space<vmem>>) target(%dma_start3A_2540 : memref<1x768xf32, #tpu.memory_space<hbm>>) target_semaphore(%arg16 : memref<!tpu.dma_semaphore, #tpu.memory_space<semaphore_mem>>)
      %add3A_2544 = arith.constant 58 : i32
      %add3A_2545 = arith.addi %mul3A_10, %add3A_2544 : i32
      %get3A_2546 = arith.index_cast %add3A_2545 : i32 to index
      %get3A_2547 = memref.load %arg2[%get3A_2546] : memref<11776xi32, #tpu.memory_space<smem>>
      %dma_start3A_2548 = arith.constant 0 : i32
      %dma_start3A_2549 = tpu.memref_slice %arg12[%get3A_2547, %dma_start3A_2548] : memref<8200x768xf32, #tpu.memory_space<hbm>> -> memref<1x768xf32, #tpu.memory_space<hbm>>
      %dma_start3A_2550 = arith.constant 58 : i32
      %dma_start3A_2551 = arith.constant 0 : i32
      %dma_start3A_2552 = tpu.memref_slice %arg14[%dma_start3A_2550, %dma_start3A_2551] : memref<128x768xf32, #tpu.memory_space<vmem>> -> memref<1x768xf32, #tpu.memory_space<vmem>>
      tpu.enqueue_dma source(%dma_start3A_2552 : memref<1x768xf32, #tpu.memory_space<vmem>>) target(%dma_start3A_2549 : memref<1x768xf32, #tpu.memory_space<hbm>>) target_semaphore(%arg16 : memref<!tpu.dma_semaphore, #tpu.memory_space<semaphore_mem>>)
      %add3A_2553 = arith.constant 59 : i32
      %add3A_2554 = arith.addi %mul3A_10, %add3A_2553 : i32
      %get3A_2555 = arith.index_cast %add3A_2554 : i32 to index
      %get3A_2556 = memref.load %arg2[%get3A_2555] : memref<11776xi32, #tpu.memory_space<smem>>
      %dma_start3A_2557 = arith.constant 0 : i32
      %dma_start3A_2558 = tpu.memref_slice %arg12[%get3A_2556, %dma_start3A_2557] : memref<8200x768xf32, #tpu.memory_space<hbm>> -> memref<1x768xf32, #tpu.memory_space<hbm>>
      %dma_start3A_2559 = arith.constant 59 : i32
      %dma_start3A_2560 = arith.constant 0 : i32
      %dma_start3A_2561 = tpu.memref_slice %arg14[%dma_start3A_2559, %dma_start3A_2560] : memref<128x768xf32, #tpu.memory_space<vmem>> -> memref<1x768xf32, #tpu.memory_space<vmem>>
      tpu.enqueue_dma source(%dma_start3A_2561 : memref<1x768xf32, #tpu.memory_space<vmem>>) target(%dma_start3A_2558 : memref<1x768xf32, #tpu.memory_space<hbm>>) target_semaphore(%arg16 : memref<!tpu.dma_semaphore, #tpu.memory_space<semaphore_mem>>)
      %add3A_2562 = arith.constant 60 : i32
      %add3A_2563 = arith.addi %mul3A_10, %add3A_2562 : i32
      %get3A_2564 = arith.index_cast %add3A_2563 : i32 to index
      %get3A_2565 = memref.load %arg2[%get3A_2564] : memref<11776xi32, #tpu.memory_space<smem>>
      %dma_start3A_2566 = arith.constant 0 : i32
      %dma_start3A_2567 = tpu.memref_slice %arg12[%get3A_2565, %dma_start3A_2566] : memref<8200x768xf32, #tpu.memory_space<hbm>> -> memref<1x768xf32, #tpu.memory_space<hbm>>
      %dma_start3A_2568 = arith.constant 60 : i32
      %dma_start3A_2569 = arith.constant 0 : i32
      %dma_start3A_2570 = tpu.memref_slice %arg14[%dma_start3A_2568, %dma_start3A_2569] : memref<128x768xf32, #tpu.memory_space<vmem>> -> memref<1x768xf32, #tpu.memory_space<vmem>>
      tpu.enqueue_dma source(%dma_start3A_2570 : memref<1x768xf32, #tpu.memory_space<vmem>>) target(%dma_start3A_2567 : memref<1x768xf32, #tpu.memory_space<hbm>>) target_semaphore(%arg16 : memref<!tpu.dma_semaphore, #tpu.memory_space<semaphore_mem>>)
      %add3A_2571 = arith.constant 61 : i32
      %add3A_2572 = arith.addi %mul3A_10, %add3A_2571 : i32
      %get3A_2573 = arith.index_cast %add3A_2572 : i32 to index
      %get3A_2574 = memref.load %arg2[%get3A_2573] : memref<11776xi32, #tpu.memory_space<smem>>
      %dma_start3A_2575 = arith.constant 0 : i32
      %dma_start3A_2576 = tpu.memref_slice %arg12[%get3A_2574, %dma_start3A_2575] : memref<8200x768xf32, #tpu.memory_space<hbm>> -> memref<1x768xf32, #tpu.memory_space<hbm>>
      %dma_start3A_2577 = arith.constant 61 : i32
      %dma_start3A_2578 = arith.constant 0 : i32
      %dma_start3A_2579 = tpu.memref_slice %arg14[%dma_start3A_2577, %dma_start3A_2578] : memref<128x768xf32, #tpu.memory_space<vmem>> -> memref<1x768xf32, #tpu.memory_space<vmem>>
      tpu.enqueue_dma source(%dma_start3A_2579 : memref<1x768xf32, #tpu.memory_space<vmem>>) target(%dma_start3A_2576 : memref<1x768xf32, #tpu.memory_space<hbm>>) target_semaphore(%arg16 : memref<!tpu.dma_semaphore, #tpu.memory_space<semaphore_mem>>)
      %add3A_2580 = arith.constant 62 : i32
      %add3A_2581 = arith.addi %mul3A_10, %add3A_2580 : i32
      %get3A_2582 = arith.index_cast %add3A_2581 : i32 to index
      %get3A_2583 = memref.load %arg2[%get3A_2582] : memref<11776xi32, #tpu.memory_space<smem>>
      %dma_start3A_2584 = arith.constant 0 : i32
      %dma_start3A_2585 = tpu.memref_slice %arg12[%get3A_2583, %dma_start3A_2584] : memref<8200x768xf32, #tpu.memory_space<hbm>> -> memref<1x768xf32, #tpu.memory_space<hbm>>
      %dma_start3A_2586 = arith.constant 62 : i32
      %dma_start3A_2587 = arith.constant 0 : i32
      %dma_start3A_2588 = tpu.memref_slice %arg14[%dma_start3A_2586, %dma_start3A_2587] : memref<128x768xf32, #tpu.memory_space<vmem>> -> memref<1x768xf32, #tpu.memory_space<vmem>>
      tpu.enqueue_dma source(%dma_start3A_2588 : memref<1x768xf32, #tpu.memory_space<vmem>>) target(%dma_start3A_2585 : memref<1x768xf32, #tpu.memory_space<hbm>>) target_semaphore(%arg16 : memref<!tpu.dma_semaphore, #tpu.memory_space<semaphore_mem>>)
      %add3A_2589 = arith.constant 63 : i32
      %add3A_2590 = arith.addi %mul3A_10, %add3A_2589 : i32
      %get3A_2591 = arith.index_cast %add3A_2590 : i32 to index
      %get3A_2592 = memref.load %arg2[%get3A_2591] : memref<11776xi32, #tpu.memory_space<smem>>
      %dma_start3A_2593 = arith.constant 0 : i32
      %dma_start3A_2594 = tpu.memref_slice %arg12[%get3A_2592, %dma_start3A_2593] : memref<8200x768xf32, #tpu.memory_space<hbm>> -> memref<1x768xf32, #tpu.memory_space<hbm>>
      %dma_start3A_2595 = arith.constant 63 : i32
      %dma_start3A_2596 = arith.constant 0 : i32
      %dma_start3A_2597 = tpu.memref_slice %arg14[%dma_start3A_2595, %dma_start3A_2596] : memref<128x768xf32, #tpu.memory_space<vmem>> -> memref<1x768xf32, #tpu.memory_space<vmem>>
      tpu.enqueue_dma source(%dma_start3A_2597 : memref<1x768xf32, #tpu.memory_space<vmem>>) target(%dma_start3A_2594 : memref<1x768xf32, #tpu.memory_space<hbm>>) target_semaphore(%arg16 : memref<!tpu.dma_semaphore, #tpu.memory_space<semaphore_mem>>)
      %add3A_2598 = arith.constant 64 : i32
      %add3A_2599 = arith.addi %mul3A_10, %add3A_2598 : i32
      %get3A_2600 = arith.index_cast %add3A_2599 : i32 to index
      %get3A_2601 = memref.load %arg2[%get3A_2600] : memref<11776xi32, #tpu.memory_space<smem>>
      %dma_start3A_2602 = arith.constant 0 : i32
      %dma_start3A_2603 = tpu.memref_slice %arg12[%get3A_2601, %dma_start3A_2602] : memref<8200x768xf32, #tpu.memory_space<hbm>> -> memref<1x768xf32, #tpu.memory_space<hbm>>
      %dma_start3A_2604 = arith.constant 64 : i32
      %dma_start3A_2605 = arith.constant 0 : i32
      %dma_start3A_2606 = tpu.memref_slice %arg14[%dma_start3A_2604, %dma_start3A_2605] : memref<128x768xf32, #tpu.memory_space<vmem>> -> memref<1x768xf32, #tpu.memory_space<vmem>>
      tpu.enqueue_dma source(%dma_start3A_2606 : memref<1x768xf32, #tpu.memory_space<vmem>>) target(%dma_start3A_2603 : memref<1x768xf32, #tpu.memory_space<hbm>>) target_semaphore(%arg16 : memref<!tpu.dma_semaphore, #tpu.memory_space<semaphore_mem>>)
      %add3A_2607 = arith.constant 65 : i32
      %add3A_2608 = arith.addi %mul3A_10, %add3A_2607 : i32
      %get3A_2609 = arith.index_cast %add3A_2608 : i32 to index
      %get3A_2610 = memref.load %arg2[%get3A_2609] : memref<11776xi32, #tpu.memory_space<smem>>
      %dma_start3A_2611 = arith.constant 0 : i32
      %dma_start3A_2612 = tpu.memref_slice %arg12[%get3A_2610, %dma_start3A_2611] : memref<8200x768xf32, #tpu.memory_space<hbm>> -> memref<1x768xf32, #tpu.memory_space<hbm>>
      %dma_start3A_2613 = arith.constant 65 : i32
      %dma_start3A_2614 = arith.constant 0 : i32
      %dma_start3A_2615 = tpu.memref_slice %arg14[%dma_start3A_2613, %dma_start3A_2614] : memref<128x768xf32, #tpu.memory_space<vmem>> -> memref<1x768xf32, #tpu.memory_space<vmem>>
      tpu.enqueue_dma source(%dma_start3A_2615 : memref<1x768xf32, #tpu.memory_space<vmem>>) target(%dma_start3A_2612 : memref<1x768xf32, #tpu.memory_space<hbm>>) target_semaphore(%arg16 : memref<!tpu.dma_semaphore, #tpu.memory_space<semaphore_mem>>)
      %add3A_2616 = arith.constant 66 : i32
      %add3A_2617 = arith.addi %mul3A_10, %add3A_2616 : i32
      %get3A_2618 = arith.index_cast %add3A_2617 : i32 to index
      %get3A_2619 = memref.load %arg2[%get3A_2618] : memref<11776xi32, #tpu.memory_space<smem>>
      %dma_start3A_2620 = arith.constant 0 : i32
      %dma_start3A_2621 = tpu.memref_slice %arg12[%get3A_2619, %dma_start3A_2620] : memref<8200x768xf32, #tpu.memory_space<hbm>> -> memref<1x768xf32, #tpu.memory_space<hbm>>
      %dma_start3A_2622 = arith.constant 66 : i32
      %dma_start3A_2623 = arith.constant 0 : i32
      %dma_start3A_2624 = tpu.memref_slice %arg14[%dma_start3A_2622, %dma_start3A_2623] : memref<128x768xf32, #tpu.memory_space<vmem>> -> memref<1x768xf32, #tpu.memory_space<vmem>>
      tpu.enqueue_dma source(%dma_start3A_2624 : memref<1x768xf32, #tpu.memory_space<vmem>>) target(%dma_start3A_2621 : memref<1x768xf32, #tpu.memory_space<hbm>>) target_semaphore(%arg16 : memref<!tpu.dma_semaphore, #tpu.memory_space<semaphore_mem>>)
      %add3A_2625 = arith.constant 67 : i32
      %add3A_2626 = arith.addi %mul3A_10, %add3A_2625 : i32
      %get3A_2627 = arith.index_cast %add3A_2626 : i32 to index
      %get3A_2628 = memref.load %arg2[%get3A_2627] : memref<11776xi32, #tpu.memory_space<smem>>
      %dma_start3A_2629 = arith.constant 0 : i32
      %dma_start3A_2630 = tpu.memref_slice %arg12[%get3A_2628, %dma_start3A_2629] : memref<8200x768xf32, #tpu.memory_space<hbm>> -> memref<1x768xf32, #tpu.memory_space<hbm>>
      %dma_start3A_2631 = arith.constant 67 : i32
      %dma_start3A_2632 = arith.constant 0 : i32
      %dma_start3A_2633 = tpu.memref_slice %arg14[%dma_start3A_2631, %dma_start3A_2632] : memref<128x768xf32, #tpu.memory_space<vmem>> -> memref<1x768xf32, #tpu.memory_space<vmem>>
      tpu.enqueue_dma source(%dma_start3A_2633 : memref<1x768xf32, #tpu.memory_space<vmem>>) target(%dma_start3A_2630 : memref<1x768xf32, #tpu.memory_space<hbm>>) target_semaphore(%arg16 : memref<!tpu.dma_semaphore, #tpu.memory_space<semaphore_mem>>)
      %add3A_2634 = arith.constant 68 : i32
      %add3A_2635 = arith.addi %mul3A_10, %add3A_2634 : i32
      %get3A_2636 = arith.index_cast %add3A_2635 : i32 to index
      %get3A_2637 = memref.load %arg2[%get3A_2636] : memref<11776xi32, #tpu.memory_space<smem>>
      %dma_start3A_2638 = arith.constant 0 : i32
      %dma_start3A_2639 = tpu.memref_slice %arg12[%get3A_2637, %dma_start3A_2638] : memref<8200x768xf32, #tpu.memory_space<hbm>> -> memref<1x768xf32, #tpu.memory_space<hbm>>
      %dma_start3A_2640 = arith.constant 68 : i32
      %dma_start3A_2641 = arith.constant 0 : i32
      %dma_start3A_2642 = tpu.memref_slice %arg14[%dma_start3A_2640, %dma_start3A_2641] : memref<128x768xf32, #tpu.memory_space<vmem>> -> memref<1x768xf32, #tpu.memory_space<vmem>>
      tpu.enqueue_dma source(%dma_start3A_2642 : memref<1x768xf32, #tpu.memory_space<vmem>>) target(%dma_start3A_2639 : memref<1x768xf32, #tpu.memory_space<hbm>>) target_semaphore(%arg16 : memref<!tpu.dma_semaphore, #tpu.memory_space<semaphore_mem>>)
      %add3A_2643 = arith.constant 69 : i32
      %add3A_2644 = arith.addi %mul3A_10, %add3A_2643 : i32
      %get3A_2645 = arith.index_cast %add3A_2644 : i32 to index
      %get3A_2646 = memref.load %arg2[%get3A_2645] : memref<11776xi32, #tpu.memory_space<smem>>
      %dma_start3A_2647 = arith.constant 0 : i32
      %dma_start3A_2648 = tpu.memref_slice %arg12[%get3A_2646, %dma_start3A_2647] : memref<8200x768xf32, #tpu.memory_space<hbm>> -> memref<1x768xf32, #tpu.memory_space<hbm>>
      %dma_start3A_2649 = arith.constant 69 : i32
      %dma_start3A_2650 = arith.constant 0 : i32
      %dma_start3A_2651 = tpu.memref_slice %arg14[%dma_start3A_2649, %dma_start3A_2650] : memref<128x768xf32, #tpu.memory_space<vmem>> -> memref<1x768xf32, #tpu.memory_space<vmem>>
      tpu.enqueue_dma source(%dma_start3A_2651 : memref<1x768xf32, #tpu.memory_space<vmem>>) target(%dma_start3A_2648 : memref<1x768xf32, #tpu.memory_space<hbm>>) target_semaphore(%arg16 : memref<!tpu.dma_semaphore, #tpu.memory_space<semaphore_mem>>)
      %add3A_2652 = arith.constant 70 : i32
      %add3A_2653 = arith.addi %mul3A_10, %add3A_2652 : i32
      %get3A_2654 = arith.index_cast %add3A_2653 : i32 to index
      %get3A_2655 = memref.load %arg2[%get3A_2654] : memref<11776xi32, #tpu.memory_space<smem>>
      %dma_start3A_2656 = arith.constant 0 : i32
      %dma_start3A_2657 = tpu.memref_slice %arg12[%get3A_2655, %dma_start3A_2656] : memref<8200x768xf32, #tpu.memory_space<hbm>> -> memref<1x768xf32, #tpu.memory_space<hbm>>
      %dma_start3A_2658 = arith.constant 70 : i32
      %dma_start3A_2659 = arith.constant 0 : i32
      %dma_start3A_2660 = tpu.memref_slice %arg14[%dma_start3A_2658, %dma_start3A_2659] : memref<128x768xf32, #tpu.memory_space<vmem>> -> memref<1x768xf32, #tpu.memory_space<vmem>>
      tpu.enqueue_dma source(%dma_start3A_2660 : memref<1x768xf32, #tpu.memory_space<vmem>>) target(%dma_start3A_2657 : memref<1x768xf32, #tpu.memory_space<hbm>>) target_semaphore(%arg16 : memref<!tpu.dma_semaphore, #tpu.memory_space<semaphore_mem>>)
      %add3A_2661 = arith.constant 71 : i32
      %add3A_2662 = arith.addi %mul3A_10, %add3A_2661 : i32
      %get3A_2663 = arith.index_cast %add3A_2662 : i32 to index
      %get3A_2664 = memref.load %arg2[%get3A_2663] : memref<11776xi32, #tpu.memory_space<smem>>
      %dma_start3A_2665 = arith.constant 0 : i32
      %dma_start3A_2666 = tpu.memref_slice %arg12[%get3A_2664, %dma_start3A_2665] : memref<8200x768xf32, #tpu.memory_space<hbm>> -> memref<1x768xf32, #tpu.memory_space<hbm>>
      %dma_start3A_2667 = arith.constant 71 : i32
      %dma_start3A_2668 = arith.constant 0 : i32
      %dma_start3A_2669 = tpu.memref_slice %arg14[%dma_start3A_2667, %dma_start3A_2668] : memref<128x768xf32, #tpu.memory_space<vmem>> -> memref<1x768xf32, #tpu.memory_space<vmem>>
      tpu.enqueue_dma source(%dma_start3A_2669 : memref<1x768xf32, #tpu.memory_space<vmem>>) target(%dma_start3A_2666 : memref<1x768xf32, #tpu.memory_space<hbm>>) target_semaphore(%arg16 : memref<!tpu.dma_semaphore, #tpu.memory_space<semaphore_mem>>)
      %add3A_2670 = arith.constant 72 : i32
      %add3A_2671 = arith.addi %mul3A_10, %add3A_2670 : i32
      %get3A_2672 = arith.index_cast %add3A_2671 : i32 to index
      %get3A_2673 = memref.load %arg2[%get3A_2672] : memref<11776xi32, #tpu.memory_space<smem>>
      %dma_start3A_2674 = arith.constant 0 : i32
      %dma_start3A_2675 = tpu.memref_slice %arg12[%get3A_2673, %dma_start3A_2674] : memref<8200x768xf32, #tpu.memory_space<hbm>> -> memref<1x768xf32, #tpu.memory_space<hbm>>
      %dma_start3A_2676 = arith.constant 72 : i32
      %dma_start3A_2677 = arith.constant 0 : i32
      %dma_start3A_2678 = tpu.memref_slice %arg14[%dma_start3A_2676, %dma_start3A_2677] : memref<128x768xf32, #tpu.memory_space<vmem>> -> memref<1x768xf32, #tpu.memory_space<vmem>>
      tpu.enqueue_dma source(%dma_start3A_2678 : memref<1x768xf32, #tpu.memory_space<vmem>>) target(%dma_start3A_2675 : memref<1x768xf32, #tpu.memory_space<hbm>>) target_semaphore(%arg16 : memref<!tpu.dma_semaphore, #tpu.memory_space<semaphore_mem>>)
      %add3A_2679 = arith.constant 73 : i32
      %add3A_2680 = arith.addi %mul3A_10, %add3A_2679 : i32
      %get3A_2681 = arith.index_cast %add3A_2680 : i32 to index
      %get3A_2682 = memref.load %arg2[%get3A_2681] : memref<11776xi32, #tpu.memory_space<smem>>
      %dma_start3A_2683 = arith.constant 0 : i32
      %dma_start3A_2684 = tpu.memref_slice %arg12[%get3A_2682, %dma_start3A_2683] : memref<8200x768xf32, #tpu.memory_space<hbm>> -> memref<1x768xf32, #tpu.memory_space<hbm>>
      %dma_start3A_2685 = arith.constant 73 : i32
      %dma_start3A_2686 = arith.constant 0 : i32
      %dma_start3A_2687 = tpu.memref_slice %arg14[%dma_start3A_2685, %dma_start3A_2686] : memref<128x768xf32, #tpu.memory_space<vmem>> -> memref<1x768xf32, #tpu.memory_space<vmem>>
      tpu.enqueue_dma source(%dma_start3A_2687 : memref<1x768xf32, #tpu.memory_space<vmem>>) target(%dma_start3A_2684 : memref<1x768xf32, #tpu.memory_space<hbm>>) target_semaphore(%arg16 : memref<!tpu.dma_semaphore, #tpu.memory_space<semaphore_mem>>)
      %add3A_2688 = arith.constant 74 : i32
      %add3A_2689 = arith.addi %mul3A_10, %add3A_2688 : i32
      %get3A_2690 = arith.index_cast %add3A_2689 : i32 to index
      %get3A_2691 = memref.load %arg2[%get3A_2690] : memref<11776xi32, #tpu.memory_space<smem>>
      %dma_start3A_2692 = arith.constant 0 : i32
      %dma_start3A_2693 = tpu.memref_slice %arg12[%get3A_2691, %dma_start3A_2692] : memref<8200x768xf32, #tpu.memory_space<hbm>> -> memref<1x768xf32, #tpu.memory_space<hbm>>
      %dma_start3A_2694 = arith.constant 74 : i32
      %dma_start3A_2695 = arith.constant 0 : i32
      %dma_start3A_2696 = tpu.memref_slice %arg14[%dma_start3A_2694, %dma_start3A_2695] : memref<128x768xf32, #tpu.memory_space<vmem>> -> memref<1x768xf32, #tpu.memory_space<vmem>>
      tpu.enqueue_dma source(%dma_start3A_2696 : memref<1x768xf32, #tpu.memory_space<vmem>>) target(%dma_start3A_2693 : memref<1x768xf32, #tpu.memory_space<hbm>>) target_semaphore(%arg16 : memref<!tpu.dma_semaphore, #tpu.memory_space<semaphore_mem>>)
      %add3A_2697 = arith.constant 75 : i32
      %add3A_2698 = arith.addi %mul3A_10, %add3A_2697 : i32
      %get3A_2699 = arith.index_cast %add3A_2698 : i32 to index
      %get3A_2700 = memref.load %arg2[%get3A_2699] : memref<11776xi32, #tpu.memory_space<smem>>
      %dma_start3A_2701 = arith.constant 0 : i32
      %dma_start3A_2702 = tpu.memref_slice %arg12[%get3A_2700, %dma_start3A_2701] : memref<8200x768xf32, #tpu.memory_space<hbm>> -> memref<1x768xf32, #tpu.memory_space<hbm>>
      %dma_start3A_2703 = arith.constant 75 : i32
      %dma_start3A_2704 = arith.constant 0 : i32
      %dma_start3A_2705 = tpu.memref_slice %arg14[%dma_start3A_2703, %dma_start3A_2704] : memref<128x768xf32, #tpu.memory_space<vmem>> -> memref<1x768xf32, #tpu.memory_space<vmem>>
      tpu.enqueue_dma source(%dma_start3A_2705 : memref<1x768xf32, #tpu.memory_space<vmem>>) target(%dma_start3A_2702 : memref<1x768xf32, #tpu.memory_space<hbm>>) target_semaphore(%arg16 : memref<!tpu.dma_semaphore, #tpu.memory_space<semaphore_mem>>)
      %add3A_2706 = arith.constant 76 : i32
      %add3A_2707 = arith.addi %mul3A_10, %add3A_2706 : i32
      %get3A_2708 = arith.index_cast %add3A_2707 : i32 to index
      %get3A_2709 = memref.load %arg2[%get3A_2708] : memref<11776xi32, #tpu.memory_space<smem>>
      %dma_start3A_2710 = arith.constant 0 : i32
      %dma_start3A_2711 = tpu.memref_slice %arg12[%get3A_2709, %dma_start3A_2710] : memref<8200x768xf32, #tpu.memory_space<hbm>> -> memref<1x768xf32, #tpu.memory_space<hbm>>
      %dma_start3A_2712 = arith.constant 76 : i32
      %dma_start3A_2713 = arith.constant 0 : i32
      %dma_start3A_2714 = tpu.memref_slice %arg14[%dma_start3A_2712, %dma_start3A_2713] : memref<128x768xf32, #tpu.memory_space<vmem>> -> memref<1x768xf32, #tpu.memory_space<vmem>>
      tpu.enqueue_dma source(%dma_start3A_2714 : memref<1x768xf32, #tpu.memory_space<vmem>>) target(%dma_start3A_2711 : memref<1x768xf32, #tpu.memory_space<hbm>>) target_semaphore(%arg16 : memref<!tpu.dma_semaphore, #tpu.memory_space<semaphore_mem>>)
      %add3A_2715 = arith.constant 77 : i32
      %add3A_2716 = arith.addi %mul3A_10, %add3A_2715 : i32
      %get3A_2717 = arith.index_cast %add3A_2716 : i32 to index
      %get3A_2718 = memref.load %arg2[%get3A_2717] : memref<11776xi32, #tpu.memory_space<smem>>
      %dma_start3A_2719 = arith.constant 0 : i32
      %dma_start3A_2720 = tpu.memref_slice %arg12[%get3A_2718, %dma_start3A_2719] : memref<8200x768xf32, #tpu.memory_space<hbm>> -> memref<1x768xf32, #tpu.memory_space<hbm>>
      %dma_start3A_2721 = arith.constant 77 : i32
      %dma_start3A_2722 = arith.constant 0 : i32
      %dma_start3A_2723 = tpu.memref_slice %arg14[%dma_start3A_2721, %dma_start3A_2722] : memref<128x768xf32, #tpu.memory_space<vmem>> -> memref<1x768xf32, #tpu.memory_space<vmem>>
      tpu.enqueue_dma source(%dma_start3A_2723 : memref<1x768xf32, #tpu.memory_space<vmem>>) target(%dma_start3A_2720 : memref<1x768xf32, #tpu.memory_space<hbm>>) target_semaphore(%arg16 : memref<!tpu.dma_semaphore, #tpu.memory_space<semaphore_mem>>)
      %add3A_2724 = arith.constant 78 : i32
      %add3A_2725 = arith.addi %mul3A_10, %add3A_2724 : i32
      %get3A_2726 = arith.index_cast %add3A_2725 : i32 to index
      %get3A_2727 = memref.load %arg2[%get3A_2726] : memref<11776xi32, #tpu.memory_space<smem>>
      %dma_start3A_2728 = arith.constant 0 : i32
      %dma_start3A_2729 = tpu.memref_slice %arg12[%get3A_2727, %dma_start3A_2728] : memref<8200x768xf32, #tpu.memory_space<hbm>> -> memref<1x768xf32, #tpu.memory_space<hbm>>
      %dma_start3A_2730 = arith.constant 78 : i32
      %dma_start3A_2731 = arith.constant 0 : i32
      %dma_start3A_2732 = tpu.memref_slice %arg14[%dma_start3A_2730, %dma_start3A_2731] : memref<128x768xf32, #tpu.memory_space<vmem>> -> memref<1x768xf32, #tpu.memory_space<vmem>>
      tpu.enqueue_dma source(%dma_start3A_2732 : memref<1x768xf32, #tpu.memory_space<vmem>>) target(%dma_start3A_2729 : memref<1x768xf32, #tpu.memory_space<hbm>>) target_semaphore(%arg16 : memref<!tpu.dma_semaphore, #tpu.memory_space<semaphore_mem>>)
      %add3A_2733 = arith.constant 79 : i32
      %add3A_2734 = arith.addi %mul3A_10, %add3A_2733 : i32
      %get3A_2735 = arith.index_cast %add3A_2734 : i32 to index
      %get3A_2736 = memref.load %arg2[%get3A_2735] : memref<11776xi32, #tpu.memory_space<smem>>
      %dma_start3A_2737 = arith.constant 0 : i32
      %dma_start3A_2738 = tpu.memref_slice %arg12[%get3A_2736, %dma_start3A_2737] : memref<8200x768xf32, #tpu.memory_space<hbm>> -> memref<1x768xf32, #tpu.memory_space<hbm>>
      %dma_start3A_2739 = arith.constant 79 : i32
      %dma_start3A_2740 = arith.constant 0 : i32
      %dma_start3A_2741 = tpu.memref_slice %arg14[%dma_start3A_2739, %dma_start3A_2740] : memref<128x768xf32, #tpu.memory_space<vmem>> -> memref<1x768xf32, #tpu.memory_space<vmem>>
      tpu.enqueue_dma source(%dma_start3A_2741 : memref<1x768xf32, #tpu.memory_space<vmem>>) target(%dma_start3A_2738 : memref<1x768xf32, #tpu.memory_space<hbm>>) target_semaphore(%arg16 : memref<!tpu.dma_semaphore, #tpu.memory_space<semaphore_mem>>)
      %add3A_2742 = arith.constant 80 : i32
      %add3A_2743 = arith.addi %mul3A_10, %add3A_2742 : i32
      %get3A_2744 = arith.index_cast %add3A_2743 : i32 to index
      %get3A_2745 = memref.load %arg2[%get3A_2744] : memref<11776xi32, #tpu.memory_space<smem>>
      %dma_start3A_2746 = arith.constant 0 : i32
      %dma_start3A_2747 = tpu.memref_slice %arg12[%get3A_2745, %dma_start3A_2746] : memref<8200x768xf32, #tpu.memory_space<hbm>> -> memref<1x768xf32, #tpu.memory_space<hbm>>
      %dma_start3A_2748 = arith.constant 80 : i32
      %dma_start3A_2749 = arith.constant 0 : i32
      %dma_start3A_2750 = tpu.memref_slice %arg14[%dma_start3A_2748, %dma_start3A_2749] : memref<128x768xf32, #tpu.memory_space<vmem>> -> memref<1x768xf32, #tpu.memory_space<vmem>>
      tpu.enqueue_dma source(%dma_start3A_2750 : memref<1x768xf32, #tpu.memory_space<vmem>>) target(%dma_start3A_2747 : memref<1x768xf32, #tpu.memory_space<hbm>>) target_semaphore(%arg16 : memref<!tpu.dma_semaphore, #tpu.memory_space<semaphore_mem>>)
      %add3A_2751 = arith.constant 81 : i32
      %add3A_2752 = arith.addi %mul3A_10, %add3A_2751 : i32
      %get3A_2753 = arith.index_cast %add3A_2752 : i32 to index
      %get3A_2754 = memref.load %arg2[%get3A_2753] : memref<11776xi32, #tpu.memory_space<smem>>
      %dma_start3A_2755 = arith.constant 0 : i32
      %dma_start3A_2756 = tpu.memref_slice %arg12[%get3A_2754, %dma_start3A_2755] : memref<8200x768xf32, #tpu.memory_space<hbm>> -> memref<1x768xf32, #tpu.memory_space<hbm>>
      %dma_start3A_2757 = arith.constant 81 : i32
      %dma_start3A_2758 = arith.constant 0 : i32
      %dma_start3A_2759 = tpu.memref_slice %arg14[%dma_start3A_2757, %dma_start3A_2758] : memref<128x768xf32, #tpu.memory_space<vmem>> -> memref<1x768xf32, #tpu.memory_space<vmem>>
      tpu.enqueue_dma source(%dma_start3A_2759 : memref<1x768xf32, #tpu.memory_space<vmem>>) target(%dma_start3A_2756 : memref<1x768xf32, #tpu.memory_space<hbm>>) target_semaphore(%arg16 : memref<!tpu.dma_semaphore, #tpu.memory_space<semaphore_mem>>)
      %add3A_2760 = arith.constant 82 : i32
      %add3A_2761 = arith.addi %mul3A_10, %add3A_2760 : i32
      %get3A_2762 = arith.index_cast %add3A_2761 : i32 to index
      %get3A_2763 = memref.load %arg2[%get3A_2762] : memref<11776xi32, #tpu.memory_space<smem>>
      %dma_start3A_2764 = arith.constant 0 : i32
      %dma_start3A_2765 = tpu.memref_slice %arg12[%get3A_2763, %dma_start3A_2764] : memref<8200x768xf32, #tpu.memory_space<hbm>> -> memref<1x768xf32, #tpu.memory_space<hbm>>
      %dma_start3A_2766 = arith.constant 82 : i32
      %dma_start3A_2767 = arith.constant 0 : i32
      %dma_start3A_2768 = tpu.memref_slice %arg14[%dma_start3A_2766, %dma_start3A_2767] : memref<128x768xf32, #tpu.memory_space<vmem>> -> memref<1x768xf32, #tpu.memory_space<vmem>>
      tpu.enqueue_dma source(%dma_start3A_2768 : memref<1x768xf32, #tpu.memory_space<vmem>>) target(%dma_start3A_2765 : memref<1x768xf32, #tpu.memory_space<hbm>>) target_semaphore(%arg16 : memref<!tpu.dma_semaphore, #tpu.memory_space<semaphore_mem>>)
      %add3A_2769 = arith.constant 83 : i32
      %add3A_2770 = arith.addi %mul3A_10, %add3A_2769 : i32
      %get3A_2771 = arith.index_cast %add3A_2770 : i32 to index
      %get3A_2772 = memref.load %arg2[%get3A_2771] : memref<11776xi32, #tpu.memory_space<smem>>
      %dma_start3A_2773 = arith.constant 0 : i32
      %dma_start3A_2774 = tpu.memref_slice %arg12[%get3A_2772, %dma_start3A_2773] : memref<8200x768xf32, #tpu.memory_space<hbm>> -> memref<1x768xf32, #tpu.memory_space<hbm>>
      %dma_start3A_2775 = arith.constant 83 : i32
      %dma_start3A_2776 = arith.constant 0 : i32
      %dma_start3A_2777 = tpu.memref_slice %arg14[%dma_start3A_2775, %dma_start3A_2776] : memref<128x768xf32, #tpu.memory_space<vmem>> -> memref<1x768xf32, #tpu.memory_space<vmem>>
      tpu.enqueue_dma source(%dma_start3A_2777 : memref<1x768xf32, #tpu.memory_space<vmem>>) target(%dma_start3A_2774 : memref<1x768xf32, #tpu.memory_space<hbm>>) target_semaphore(%arg16 : memref<!tpu.dma_semaphore, #tpu.memory_space<semaphore_mem>>)
      %add3A_2778 = arith.constant 84 : i32
      %add3A_2779 = arith.addi %mul3A_10, %add3A_2778 : i32
      %get3A_2780 = arith.index_cast %add3A_2779 : i32 to index
      %get3A_2781 = memref.load %arg2[%get3A_2780] : memref<11776xi32, #tpu.memory_space<smem>>
      %dma_start3A_2782 = arith.constant 0 : i32
      %dma_start3A_2783 = tpu.memref_slice %arg12[%get3A_2781, %dma_start3A_2782] : memref<8200x768xf32, #tpu.memory_space<hbm>> -> memref<1x768xf32, #tpu.memory_space<hbm>>
      %dma_start3A_2784 = arith.constant 84 : i32
      %dma_start3A_2785 = arith.constant 0 : i32
      %dma_start3A_2786 = tpu.memref_slice %arg14[%dma_start3A_2784, %dma_start3A_2785] : memref<128x768xf32, #tpu.memory_space<vmem>> -> memref<1x768xf32, #tpu.memory_space<vmem>>
      tpu.enqueue_dma source(%dma_start3A_2786 : memref<1x768xf32, #tpu.memory_space<vmem>>) target(%dma_start3A_2783 : memref<1x768xf32, #tpu.memory_space<hbm>>) target_semaphore(%arg16 : memref<!tpu.dma_semaphore, #tpu.memory_space<semaphore_mem>>)
      %add3A_2787 = arith.constant 85 : i32
      %add3A_2788 = arith.addi %mul3A_10, %add3A_2787 : i32
      %get3A_2789 = arith.index_cast %add3A_2788 : i32 to index
      %get3A_2790 = memref.load %arg2[%get3A_2789] : memref<11776xi32, #tpu.memory_space<smem>>
      %dma_start3A_2791 = arith.constant 0 : i32
      %dma_start3A_2792 = tpu.memref_slice %arg12[%get3A_2790, %dma_start3A_2791] : memref<8200x768xf32, #tpu.memory_space<hbm>> -> memref<1x768xf32, #tpu.memory_space<hbm>>
      %dma_start3A_2793 = arith.constant 85 : i32
      %dma_start3A_2794 = arith.constant 0 : i32
      %dma_start3A_2795 = tpu.memref_slice %arg14[%dma_start3A_2793, %dma_start3A_2794] : memref<128x768xf32, #tpu.memory_space<vmem>> -> memref<1x768xf32, #tpu.memory_space<vmem>>
      tpu.enqueue_dma source(%dma_start3A_2795 : memref<1x768xf32, #tpu.memory_space<vmem>>) target(%dma_start3A_2792 : memref<1x768xf32, #tpu.memory_space<hbm>>) target_semaphore(%arg16 : memref<!tpu.dma_semaphore, #tpu.memory_space<semaphore_mem>>)
      %add3A_2796 = arith.constant 86 : i32
      %add3A_2797 = arith.addi %mul3A_10, %add3A_2796 : i32
      %get3A_2798 = arith.index_cast %add3A_2797 : i32 to index
      %get3A_2799 = memref.load %arg2[%get3A_2798] : memref<11776xi32, #tpu.memory_space<smem>>
      %dma_start3A_2800 = arith.constant 0 : i32
      %dma_start3A_2801 = tpu.memref_slice %arg12[%get3A_2799, %dma_start3A_2800] : memref<8200x768xf32, #tpu.memory_space<hbm>> -> memref<1x768xf32, #tpu.memory_space<hbm>>
      %dma_start3A_2802 = arith.constant 86 : i32
      %dma_start3A_2803 = arith.constant 0 : i32
      %dma_start3A_2804 = tpu.memref_slice %arg14[%dma_start3A_2802, %dma_start3A_2803] : memref<128x768xf32, #tpu.memory_space<vmem>> -> memref<1x768xf32, #tpu.memory_space<vmem>>
      tpu.enqueue_dma source(%dma_start3A_2804 : memref<1x768xf32, #tpu.memory_space<vmem>>) target(%dma_start3A_2801 : memref<1x768xf32, #tpu.memory_space<hbm>>) target_semaphore(%arg16 : memref<!tpu.dma_semaphore, #tpu.memory_space<semaphore_mem>>)
      %add3A_2805 = arith.constant 87 : i32
      %add3A_2806 = arith.addi %mul3A_10, %add3A_2805 : i32
      %get3A_2807 = arith.index_cast %add3A_2806 : i32 to index
      %get3A_2808 = memref.load %arg2[%get3A_2807] : memref<11776xi32, #tpu.memory_space<smem>>
      %dma_start3A_2809 = arith.constant 0 : i32
      %dma_start3A_2810 = tpu.memref_slice %arg12[%get3A_2808, %dma_start3A_2809] : memref<8200x768xf32, #tpu.memory_space<hbm>> -> memref<1x768xf32, #tpu.memory_space<hbm>>
      %dma_start3A_2811 = arith.constant 87 : i32
      %dma_start3A_2812 = arith.constant 0 : i32
      %dma_start3A_2813 = tpu.memref_slice %arg14[%dma_start3A_2811, %dma_start3A_2812] : memref<128x768xf32, #tpu.memory_space<vmem>> -> memref<1x768xf32, #tpu.memory_space<vmem>>
      tpu.enqueue_dma source(%dma_start3A_2813 : memref<1x768xf32, #tpu.memory_space<vmem>>) target(%dma_start3A_2810 : memref<1x768xf32, #tpu.memory_space<hbm>>) target_semaphore(%arg16 : memref<!tpu.dma_semaphore, #tpu.memory_space<semaphore_mem>>)
      %add3A_2814 = arith.constant 88 : i32
      %add3A_2815 = arith.addi %mul3A_10, %add3A_2814 : i32
      %get3A_2816 = arith.index_cast %add3A_2815 : i32 to index
      %get3A_2817 = memref.load %arg2[%get3A_2816] : memref<11776xi32, #tpu.memory_space<smem>>
      %dma_start3A_2818 = arith.constant 0 : i32
      %dma_start3A_2819 = tpu.memref_slice %arg12[%get3A_2817, %dma_start3A_2818] : memref<8200x768xf32, #tpu.memory_space<hbm>> -> memref<1x768xf32, #tpu.memory_space<hbm>>
      %dma_start3A_2820 = arith.constant 88 : i32
      %dma_start3A_2821 = arith.constant 0 : i32
      %dma_start3A_2822 = tpu.memref_slice %arg14[%dma_start3A_2820, %dma_start3A_2821] : memref<128x768xf32, #tpu.memory_space<vmem>> -> memref<1x768xf32, #tpu.memory_space<vmem>>
      tpu.enqueue_dma source(%dma_start3A_2822 : memref<1x768xf32, #tpu.memory_space<vmem>>) target(%dma_start3A_2819 : memref<1x768xf32, #tpu.memory_space<hbm>>) target_semaphore(%arg16 : memref<!tpu.dma_semaphore, #tpu.memory_space<semaphore_mem>>)
      %add3A_2823 = arith.constant 89 : i32
      %add3A_2824 = arith.addi %mul3A_10, %add3A_2823 : i32
      %get3A_2825 = arith.index_cast %add3A_2824 : i32 to index
      %get3A_2826 = memref.load %arg2[%get3A_2825] : memref<11776xi32, #tpu.memory_space<smem>>
      %dma_start3A_2827 = arith.constant 0 : i32
      %dma_start3A_2828 = tpu.memref_slice %arg12[%get3A_2826, %dma_start3A_2827] : memref<8200x768xf32, #tpu.memory_space<hbm>> -> memref<1x768xf32, #tpu.memory_space<hbm>>
      %dma_start3A_2829 = arith.constant 89 : i32
      %dma_start3A_2830 = arith.constant 0 : i32
      %dma_start3A_2831 = tpu.memref_slice %arg14[%dma_start3A_2829, %dma_start3A_2830] : memref<128x768xf32, #tpu.memory_space<vmem>> -> memref<1x768xf32, #tpu.memory_space<vmem>>
      tpu.enqueue_dma source(%dma_start3A_2831 : memref<1x768xf32, #tpu.memory_space<vmem>>) target(%dma_start3A_2828 : memref<1x768xf32, #tpu.memory_space<hbm>>) target_semaphore(%arg16 : memref<!tpu.dma_semaphore, #tpu.memory_space<semaphore_mem>>)
      %add3A_2832 = arith.constant 90 : i32
      %add3A_2833 = arith.addi %mul3A_10, %add3A_2832 : i32
      %get3A_2834 = arith.index_cast %add3A_2833 : i32 to index
      %get3A_2835 = memref.load %arg2[%get3A_2834] : memref<11776xi32, #tpu.memory_space<smem>>
      %dma_start3A_2836 = arith.constant 0 : i32
      %dma_start3A_2837 = tpu.memref_slice %arg12[%get3A_2835, %dma_start3A_2836] : memref<8200x768xf32, #tpu.memory_space<hbm>> -> memref<1x768xf32, #tpu.memory_space<hbm>>
      %dma_start3A_2838 = arith.constant 90 : i32
      %dma_start3A_2839 = arith.constant 0 : i32
      %dma_start3A_2840 = tpu.memref_slice %arg14[%dma_start3A_2838, %dma_start3A_2839] : memref<128x768xf32, #tpu.memory_space<vmem>> -> memref<1x768xf32, #tpu.memory_space<vmem>>
      tpu.enqueue_dma source(%dma_start3A_2840 : memref<1x768xf32, #tpu.memory_space<vmem>>) target(%dma_start3A_2837 : memref<1x768xf32, #tpu.memory_space<hbm>>) target_semaphore(%arg16 : memref<!tpu.dma_semaphore, #tpu.memory_space<semaphore_mem>>)
      %add3A_2841 = arith.constant 91 : i32
      %add3A_2842 = arith.addi %mul3A_10, %add3A_2841 : i32
      %get3A_2843 = arith.index_cast %add3A_2842 : i32 to index
      %get3A_2844 = memref.load %arg2[%get3A_2843] : memref<11776xi32, #tpu.memory_space<smem>>
      %dma_start3A_2845 = arith.constant 0 : i32
      %dma_start3A_2846 = tpu.memref_slice %arg12[%get3A_2844, %dma_start3A_2845] : memref<8200x768xf32, #tpu.memory_space<hbm>> -> memref<1x768xf32, #tpu.memory_space<hbm>>
      %dma_start3A_2847 = arith.constant 91 : i32
      %dma_start3A_2848 = arith.constant 0 : i32
      %dma_start3A_2849 = tpu.memref_slice %arg14[%dma_start3A_2847, %dma_start3A_2848] : memref<128x768xf32, #tpu.memory_space<vmem>> -> memref<1x768xf32, #tpu.memory_space<vmem>>
      tpu.enqueue_dma source(%dma_start3A_2849 : memref<1x768xf32, #tpu.memory_space<vmem>>) target(%dma_start3A_2846 : memref<1x768xf32, #tpu.memory_space<hbm>>) target_semaphore(%arg16 : memref<!tpu.dma_semaphore, #tpu.memory_space<semaphore_mem>>)
      %add3A_2850 = arith.constant 92 : i32
      %add3A_2851 = arith.addi %mul3A_10, %add3A_2850 : i32
      %get3A_2852 = arith.index_cast %add3A_2851 : i32 to index
      %get3A_2853 = memref.load %arg2[%get3A_2852] : memref<11776xi32, #tpu.memory_space<smem>>
      %dma_start3A_2854 = arith.constant 0 : i32
      %dma_start3A_2855 = tpu.memref_slice %arg12[%get3A_2853, %dma_start3A_2854] : memref<8200x768xf32, #tpu.memory_space<hbm>> -> memref<1x768xf32, #tpu.memory_space<hbm>>
      %dma_start3A_2856 = arith.constant 92 : i32
      %dma_start3A_2857 = arith.constant 0 : i32
      %dma_start3A_2858 = tpu.memref_slice %arg14[%dma_start3A_2856, %dma_start3A_2857] : memref<128x768xf32, #tpu.memory_space<vmem>> -> memref<1x768xf32, #tpu.memory_space<vmem>>
      tpu.enqueue_dma source(%dma_start3A_2858 : memref<1x768xf32, #tpu.memory_space<vmem>>) target(%dma_start3A_2855 : memref<1x768xf32, #tpu.memory_space<hbm>>) target_semaphore(%arg16 : memref<!tpu.dma_semaphore, #tpu.memory_space<semaphore_mem>>)
      %add3A_2859 = arith.constant 93 : i32
      %add3A_2860 = arith.addi %mul3A_10, %add3A_2859 : i32
      %get3A_2861 = arith.index_cast %add3A_2860 : i32 to index
      %get3A_2862 = memref.load %arg2[%get3A_2861] : memref<11776xi32, #tpu.memory_space<smem>>
      %dma_start3A_2863 = arith.constant 0 : i32
      %dma_start3A_2864 = tpu.memref_slice %arg12[%get3A_2862, %dma_start3A_2863] : memref<8200x768xf32, #tpu.memory_space<hbm>> -> memref<1x768xf32, #tpu.memory_space<hbm>>
      %dma_start3A_2865 = arith.constant 93 : i32
      %dma_start3A_2866 = arith.constant 0 : i32
      %dma_start3A_2867 = tpu.memref_slice %arg14[%dma_start3A_2865, %dma_start3A_2866] : memref<128x768xf32, #tpu.memory_space<vmem>> -> memref<1x768xf32, #tpu.memory_space<vmem>>
      tpu.enqueue_dma source(%dma_start3A_2867 : memref<1x768xf32, #tpu.memory_space<vmem>>) target(%dma_start3A_2864 : memref<1x768xf32, #tpu.memory_space<hbm>>) target_semaphore(%arg16 : memref<!tpu.dma_semaphore, #tpu.memory_space<semaphore_mem>>)
      %add3A_2868 = arith.constant 94 : i32
      %add3A_2869 = arith.addi %mul3A_10, %add3A_2868 : i32
      %get3A_2870 = arith.index_cast %add3A_2869 : i32 to index
      %get3A_2871 = memref.load %arg2[%get3A_2870] : memref<11776xi32, #tpu.memory_space<smem>>
      %dma_start3A_2872 = arith.constant 0 : i32
      %dma_start3A_2873 = tpu.memref_slice %arg12[%get3A_2871, %dma_start3A_2872] : memref<8200x768xf32, #tpu.memory_space<hbm>> -> memref<1x768xf32, #tpu.memory_space<hbm>>
      %dma_start3A_2874 = arith.constant 94 : i32
      %dma_start3A_2875 = arith.constant 0 : i32
      %dma_start3A_2876 = tpu.memref_slice %arg14[%dma_start3A_2874, %dma_start3A_2875] : memref<128x768xf32, #tpu.memory_space<vmem>> -> memref<1x768xf32, #tpu.memory_space<vmem>>
      tpu.enqueue_dma source(%dma_start3A_2876 : memref<1x768xf32, #tpu.memory_space<vmem>>) target(%dma_start3A_2873 : memref<1x768xf32, #tpu.memory_space<hbm>>) target_semaphore(%arg16 : memref<!tpu.dma_semaphore, #tpu.memory_space<semaphore_mem>>)
      %add3A_2877 = arith.constant 95 : i32
      %add3A_2878 = arith.addi %mul3A_10, %add3A_2877 : i32
      %get3A_2879 = arith.index_cast %add3A_2878 : i32 to index
      %get3A_2880 = memref.load %arg2[%get3A_2879] : memref<11776xi32, #tpu.memory_space<smem>>
      %dma_start3A_2881 = arith.constant 0 : i32
      %dma_start3A_2882 = tpu.memref_slice %arg12[%get3A_2880, %dma_start3A_2881] : memref<8200x768xf32, #tpu.memory_space<hbm>> -> memref<1x768xf32, #tpu.memory_space<hbm>>
      %dma_start3A_2883 = arith.constant 95 : i32
      %dma_start3A_2884 = arith.constant 0 : i32
      %dma_start3A_2885 = tpu.memref_slice %arg14[%dma_start3A_2883, %dma_start3A_2884] : memref<128x768xf32, #tpu.memory_space<vmem>> -> memref<1x768xf32, #tpu.memory_space<vmem>>
      tpu.enqueue_dma source(%dma_start3A_2885 : memref<1x768xf32, #tpu.memory_space<vmem>>) target(%dma_start3A_2882 : memref<1x768xf32, #tpu.memory_space<hbm>>) target_semaphore(%arg16 : memref<!tpu.dma_semaphore, #tpu.memory_space<semaphore_mem>>)
      %add3A_2886 = arith.constant 96 : i32
      %add3A_2887 = arith.addi %mul3A_10, %add3A_2886 : i32
      %get3A_2888 = arith.index_cast %add3A_2887 : i32 to index
      %get3A_2889 = memref.load %arg2[%get3A_2888] : memref<11776xi32, #tpu.memory_space<smem>>
      %dma_start3A_2890 = arith.constant 0 : i32
      %dma_start3A_2891 = tpu.memref_slice %arg12[%get3A_2889, %dma_start3A_2890] : memref<8200x768xf32, #tpu.memory_space<hbm>> -> memref<1x768xf32, #tpu.memory_space<hbm>>
      %dma_start3A_2892 = arith.constant 96 : i32
      %dma_start3A_2893 = arith.constant 0 : i32
      %dma_start3A_2894 = tpu.memref_slice %arg14[%dma_start3A_2892, %dma_start3A_2893] : memref<128x768xf32, #tpu.memory_space<vmem>> -> memref<1x768xf32, #tpu.memory_space<vmem>>
      tpu.enqueue_dma source(%dma_start3A_2894 : memref<1x768xf32, #tpu.memory_space<vmem>>) target(%dma_start3A_2891 : memref<1x768xf32, #tpu.memory_space<hbm>>) target_semaphore(%arg16 : memref<!tpu.dma_semaphore, #tpu.memory_space<semaphore_mem>>)
      %add3A_2895 = arith.constant 97 : i32
      %add3A_2896 = arith.addi %mul3A_10, %add3A_2895 : i32
      %get3A_2897 = arith.index_cast %add3A_2896 : i32 to index
      %get3A_2898 = memref.load %arg2[%get3A_2897] : memref<11776xi32, #tpu.memory_space<smem>>
      %dma_start3A_2899 = arith.constant 0 : i32
      %dma_start3A_2900 = tpu.memref_slice %arg12[%get3A_2898, %dma_start3A_2899] : memref<8200x768xf32, #tpu.memory_space<hbm>> -> memref<1x768xf32, #tpu.memory_space<hbm>>
      %dma_start3A_2901 = arith.constant 97 : i32
      %dma_start3A_2902 = arith.constant 0 : i32
      %dma_start3A_2903 = tpu.memref_slice %arg14[%dma_start3A_2901, %dma_start3A_2902] : memref<128x768xf32, #tpu.memory_space<vmem>> -> memref<1x768xf32, #tpu.memory_space<vmem>>
      tpu.enqueue_dma source(%dma_start3A_2903 : memref<1x768xf32, #tpu.memory_space<vmem>>) target(%dma_start3A_2900 : memref<1x768xf32, #tpu.memory_space<hbm>>) target_semaphore(%arg16 : memref<!tpu.dma_semaphore, #tpu.memory_space<semaphore_mem>>)
      %add3A_2904 = arith.constant 98 : i32
      %add3A_2905 = arith.addi %mul3A_10, %add3A_2904 : i32
      %get3A_2906 = arith.index_cast %add3A_2905 : i32 to index
      %get3A_2907 = memref.load %arg2[%get3A_2906] : memref<11776xi32, #tpu.memory_space<smem>>
      %dma_start3A_2908 = arith.constant 0 : i32
      %dma_start3A_2909 = tpu.memref_slice %arg12[%get3A_2907, %dma_start3A_2908] : memref<8200x768xf32, #tpu.memory_space<hbm>> -> memref<1x768xf32, #tpu.memory_space<hbm>>
      %dma_start3A_2910 = arith.constant 98 : i32
      %dma_start3A_2911 = arith.constant 0 : i32
      %dma_start3A_2912 = tpu.memref_slice %arg14[%dma_start3A_2910, %dma_start3A_2911] : memref<128x768xf32, #tpu.memory_space<vmem>> -> memref<1x768xf32, #tpu.memory_space<vmem>>
      tpu.enqueue_dma source(%dma_start3A_2912 : memref<1x768xf32, #tpu.memory_space<vmem>>) target(%dma_start3A_2909 : memref<1x768xf32, #tpu.memory_space<hbm>>) target_semaphore(%arg16 : memref<!tpu.dma_semaphore, #tpu.memory_space<semaphore_mem>>)
      %add3A_2913 = arith.constant 99 : i32
      %add3A_2914 = arith.addi %mul3A_10, %add3A_2913 : i32
      %get3A_2915 = arith.index_cast %add3A_2914 : i32 to index
      %get3A_2916 = memref.load %arg2[%get3A_2915] : memref<11776xi32, #tpu.memory_space<smem>>
      %dma_start3A_2917 = arith.constant 0 : i32
      %dma_start3A_2918 = tpu.memref_slice %arg12[%get3A_2916, %dma_start3A_2917] : memref<8200x768xf32, #tpu.memory_space<hbm>> -> memref<1x768xf32, #tpu.memory_space<hbm>>
      %dma_start3A_2919 = arith.constant 99 : i32
      %dma_start3A_2920 = arith.constant 0 : i32
      %dma_start3A_2921 = tpu.memref_slice %arg14[%dma_start3A_2919, %dma_start3A_2920] : memref<128x768xf32, #tpu.memory_space<vmem>> -> memref<1x768xf32, #tpu.memory_space<vmem>>
      tpu.enqueue_dma source(%dma_start3A_2921 : memref<1x768xf32, #tpu.memory_space<vmem>>) target(%dma_start3A_2918 : memref<1x768xf32, #tpu.memory_space<hbm>>) target_semaphore(%arg16 : memref<!tpu.dma_semaphore, #tpu.memory_space<semaphore_mem>>)
      %add3A_2922 = arith.constant 100 : i32
      %add3A_2923 = arith.addi %mul3A_10, %add3A_2922 : i32
      %get3A_2924 = arith.index_cast %add3A_2923 : i32 to index
      %get3A_2925 = memref.load %arg2[%get3A_2924] : memref<11776xi32, #tpu.memory_space<smem>>
      %dma_start3A_2926 = arith.constant 0 : i32
      %dma_start3A_2927 = tpu.memref_slice %arg12[%get3A_2925, %dma_start3A_2926] : memref<8200x768xf32, #tpu.memory_space<hbm>> -> memref<1x768xf32, #tpu.memory_space<hbm>>
      %dma_start3A_2928 = arith.constant 100 : i32
      %dma_start3A_2929 = arith.constant 0 : i32
      %dma_start3A_2930 = tpu.memref_slice %arg14[%dma_start3A_2928, %dma_start3A_2929] : memref<128x768xf32, #tpu.memory_space<vmem>> -> memref<1x768xf32, #tpu.memory_space<vmem>>
      tpu.enqueue_dma source(%dma_start3A_2930 : memref<1x768xf32, #tpu.memory_space<vmem>>) target(%dma_start3A_2927 : memref<1x768xf32, #tpu.memory_space<hbm>>) target_semaphore(%arg16 : memref<!tpu.dma_semaphore, #tpu.memory_space<semaphore_mem>>)
      %add3A_2931 = arith.constant 101 : i32
      %add3A_2932 = arith.addi %mul3A_10, %add3A_2931 : i32
      %get3A_2933 = arith.index_cast %add3A_2932 : i32 to index
      %get3A_2934 = memref.load %arg2[%get3A_2933] : memref<11776xi32, #tpu.memory_space<smem>>
      %dma_start3A_2935 = arith.constant 0 : i32
      %dma_start3A_2936 = tpu.memref_slice %arg12[%get3A_2934, %dma_start3A_2935] : memref<8200x768xf32, #tpu.memory_space<hbm>> -> memref<1x768xf32, #tpu.memory_space<hbm>>
      %dma_start3A_2937 = arith.constant 101 : i32
      %dma_start3A_2938 = arith.constant 0 : i32
      %dma_start3A_2939 = tpu.memref_slice %arg14[%dma_start3A_2937, %dma_start3A_2938] : memref<128x768xf32, #tpu.memory_space<vmem>> -> memref<1x768xf32, #tpu.memory_space<vmem>>
      tpu.enqueue_dma source(%dma_start3A_2939 : memref<1x768xf32, #tpu.memory_space<vmem>>) target(%dma_start3A_2936 : memref<1x768xf32, #tpu.memory_space<hbm>>) target_semaphore(%arg16 : memref<!tpu.dma_semaphore, #tpu.memory_space<semaphore_mem>>)
      %add3A_2940 = arith.constant 102 : i32
      %add3A_2941 = arith.addi %mul3A_10, %add3A_2940 : i32
      %get3A_2942 = arith.index_cast %add3A_2941 : i32 to index
      %get3A_2943 = memref.load %arg2[%get3A_2942] : memref<11776xi32, #tpu.memory_space<smem>>
      %dma_start3A_2944 = arith.constant 0 : i32
      %dma_start3A_2945 = tpu.memref_slice %arg12[%get3A_2943, %dma_start3A_2944] : memref<8200x768xf32, #tpu.memory_space<hbm>> -> memref<1x768xf32, #tpu.memory_space<hbm>>
      %dma_start3A_2946 = arith.constant 102 : i32
      %dma_start3A_2947 = arith.constant 0 : i32
      %dma_start3A_2948 = tpu.memref_slice %arg14[%dma_start3A_2946, %dma_start3A_2947] : memref<128x768xf32, #tpu.memory_space<vmem>> -> memref<1x768xf32, #tpu.memory_space<vmem>>
      tpu.enqueue_dma source(%dma_start3A_2948 : memref<1x768xf32, #tpu.memory_space<vmem>>) target(%dma_start3A_2945 : memref<1x768xf32, #tpu.memory_space<hbm>>) target_semaphore(%arg16 : memref<!tpu.dma_semaphore, #tpu.memory_space<semaphore_mem>>)
      %add3A_2949 = arith.constant 103 : i32
      %add3A_2950 = arith.addi %mul3A_10, %add3A_2949 : i32
      %get3A_2951 = arith.index_cast %add3A_2950 : i32 to index
      %get3A_2952 = memref.load %arg2[%get3A_2951] : memref<11776xi32, #tpu.memory_space<smem>>
      %dma_start3A_2953 = arith.constant 0 : i32
      %dma_start3A_2954 = tpu.memref_slice %arg12[%get3A_2952, %dma_start3A_2953] : memref<8200x768xf32, #tpu.memory_space<hbm>> -> memref<1x768xf32, #tpu.memory_space<hbm>>
      %dma_start3A_2955 = arith.constant 103 : i32
      %dma_start3A_2956 = arith.constant 0 : i32
      %dma_start3A_2957 = tpu.memref_slice %arg14[%dma_start3A_2955, %dma_start3A_2956] : memref<128x768xf32, #tpu.memory_space<vmem>> -> memref<1x768xf32, #tpu.memory_space<vmem>>
      tpu.enqueue_dma source(%dma_start3A_2957 : memref<1x768xf32, #tpu.memory_space<vmem>>) target(%dma_start3A_2954 : memref<1x768xf32, #tpu.memory_space<hbm>>) target_semaphore(%arg16 : memref<!tpu.dma_semaphore, #tpu.memory_space<semaphore_mem>>)
      %add3A_2958 = arith.constant 104 : i32
      %add3A_2959 = arith.addi %mul3A_10, %add3A_2958 : i32
      %get3A_2960 = arith.index_cast %add3A_2959 : i32 to index
      %get3A_2961 = memref.load %arg2[%get3A_2960] : memref<11776xi32, #tpu.memory_space<smem>>
      %dma_start3A_2962 = arith.constant 0 : i32
      %dma_start3A_2963 = tpu.memref_slice %arg12[%get3A_2961, %dma_start3A_2962] : memref<8200x768xf32, #tpu.memory_space<hbm>> -> memref<1x768xf32, #tpu.memory_space<hbm>>
      %dma_start3A_2964 = arith.constant 104 : i32
      %dma_start3A_2965 = arith.constant 0 : i32
      %dma_start3A_2966 = tpu.memref_slice %arg14[%dma_start3A_2964, %dma_start3A_2965] : memref<128x768xf32, #tpu.memory_space<vmem>> -> memref<1x768xf32, #tpu.memory_space<vmem>>
      tpu.enqueue_dma source(%dma_start3A_2966 : memref<1x768xf32, #tpu.memory_space<vmem>>) target(%dma_start3A_2963 : memref<1x768xf32, #tpu.memory_space<hbm>>) target_semaphore(%arg16 : memref<!tpu.dma_semaphore, #tpu.memory_space<semaphore_mem>>)
      %add3A_2967 = arith.constant 105 : i32
      %add3A_2968 = arith.addi %mul3A_10, %add3A_2967 : i32
      %get3A_2969 = arith.index_cast %add3A_2968 : i32 to index
      %get3A_2970 = memref.load %arg2[%get3A_2969] : memref<11776xi32, #tpu.memory_space<smem>>
      %dma_start3A_2971 = arith.constant 0 : i32
      %dma_start3A_2972 = tpu.memref_slice %arg12[%get3A_2970, %dma_start3A_2971] : memref<8200x768xf32, #tpu.memory_space<hbm>> -> memref<1x768xf32, #tpu.memory_space<hbm>>
      %dma_start3A_2973 = arith.constant 105 : i32
      %dma_start3A_2974 = arith.constant 0 : i32
      %dma_start3A_2975 = tpu.memref_slice %arg14[%dma_start3A_2973, %dma_start3A_2974] : memref<128x768xf32, #tpu.memory_space<vmem>> -> memref<1x768xf32, #tpu.memory_space<vmem>>
      tpu.enqueue_dma source(%dma_start3A_2975 : memref<1x768xf32, #tpu.memory_space<vmem>>) target(%dma_start3A_2972 : memref<1x768xf32, #tpu.memory_space<hbm>>) target_semaphore(%arg16 : memref<!tpu.dma_semaphore, #tpu.memory_space<semaphore_mem>>)
      %add3A_2976 = arith.constant 106 : i32
      %add3A_2977 = arith.addi %mul3A_10, %add3A_2976 : i32
      %get3A_2978 = arith.index_cast %add3A_2977 : i32 to index
      %get3A_2979 = memref.load %arg2[%get3A_2978] : memref<11776xi32, #tpu.memory_space<smem>>
      %dma_start3A_2980 = arith.constant 0 : i32
      %dma_start3A_2981 = tpu.memref_slice %arg12[%get3A_2979, %dma_start3A_2980] : memref<8200x768xf32, #tpu.memory_space<hbm>> -> memref<1x768xf32, #tpu.memory_space<hbm>>
      %dma_start3A_2982 = arith.constant 106 : i32
      %dma_start3A_2983 = arith.constant 0 : i32
      %dma_start3A_2984 = tpu.memref_slice %arg14[%dma_start3A_2982, %dma_start3A_2983] : memref<128x768xf32, #tpu.memory_space<vmem>> -> memref<1x768xf32, #tpu.memory_space<vmem>>
      tpu.enqueue_dma source(%dma_start3A_2984 : memref<1x768xf32, #tpu.memory_space<vmem>>) target(%dma_start3A_2981 : memref<1x768xf32, #tpu.memory_space<hbm>>) target_semaphore(%arg16 : memref<!tpu.dma_semaphore, #tpu.memory_space<semaphore_mem>>)
      %add3A_2985 = arith.constant 107 : i32
      %add3A_2986 = arith.addi %mul3A_10, %add3A_2985 : i32
      %get3A_2987 = arith.index_cast %add3A_2986 : i32 to index
      %get3A_2988 = memref.load %arg2[%get3A_2987] : memref<11776xi32, #tpu.memory_space<smem>>
      %dma_start3A_2989 = arith.constant 0 : i32
      %dma_start3A_2990 = tpu.memref_slice %arg12[%get3A_2988, %dma_start3A_2989] : memref<8200x768xf32, #tpu.memory_space<hbm>> -> memref<1x768xf32, #tpu.memory_space<hbm>>
      %dma_start3A_2991 = arith.constant 107 : i32
      %dma_start3A_2992 = arith.constant 0 : i32
      %dma_start3A_2993 = tpu.memref_slice %arg14[%dma_start3A_2991, %dma_start3A_2992] : memref<128x768xf32, #tpu.memory_space<vmem>> -> memref<1x768xf32, #tpu.memory_space<vmem>>
      tpu.enqueue_dma source(%dma_start3A_2993 : memref<1x768xf32, #tpu.memory_space<vmem>>) target(%dma_start3A_2990 : memref<1x768xf32, #tpu.memory_space<hbm>>) target_semaphore(%arg16 : memref<!tpu.dma_semaphore, #tpu.memory_space<semaphore_mem>>)
      %add3A_2994 = arith.constant 108 : i32
      %add3A_2995 = arith.addi %mul3A_10, %add3A_2994 : i32
      %get3A_2996 = arith.index_cast %add3A_2995 : i32 to index
      %get3A_2997 = memref.load %arg2[%get3A_2996] : memref<11776xi32, #tpu.memory_space<smem>>
      %dma_start3A_2998 = arith.constant 0 : i32
      %dma_start3A_2999 = tpu.memref_slice %arg12[%get3A_2997, %dma_start3A_2998] : memref<8200x768xf32, #tpu.memory_space<hbm>> -> memref<1x768xf32, #tpu.memory_space<hbm>>
      %dma_start3A_3000 = arith.constant 108 : i32
      %dma_start3A_3001 = arith.constant 0 : i32
      %dma_start3A_3002 = tpu.memref_slice %arg14[%dma_start3A_3000, %dma_start3A_3001] : memref<128x768xf32, #tpu.memory_space<vmem>> -> memref<1x768xf32, #tpu.memory_space<vmem>>
      tpu.enqueue_dma source(%dma_start3A_3002 : memref<1x768xf32, #tpu.memory_space<vmem>>) target(%dma_start3A_2999 : memref<1x768xf32, #tpu.memory_space<hbm>>) target_semaphore(%arg16 : memref<!tpu.dma_semaphore, #tpu.memory_space<semaphore_mem>>)
      %add3A_3003 = arith.constant 109 : i32
      %add3A_3004 = arith.addi %mul3A_10, %add3A_3003 : i32
      %get3A_3005 = arith.index_cast %add3A_3004 : i32 to index
      %get3A_3006 = memref.load %arg2[%get3A_3005] : memref<11776xi32, #tpu.memory_space<smem>>
      %dma_start3A_3007 = arith.constant 0 : i32
      %dma_start3A_3008 = tpu.memref_slice %arg12[%get3A_3006, %dma_start3A_3007] : memref<8200x768xf32, #tpu.memory_space<hbm>> -> memref<1x768xf32, #tpu.memory_space<hbm>>
      %dma_start3A_3009 = arith.constant 109 : i32
      %dma_start3A_3010 = arith.constant 0 : i32
      %dma_start3A_3011 = tpu.memref_slice %arg14[%dma_start3A_3009, %dma_start3A_3010] : memref<128x768xf32, #tpu.memory_space<vmem>> -> memref<1x768xf32, #tpu.memory_space<vmem>>
      tpu.enqueue_dma source(%dma_start3A_3011 : memref<1x768xf32, #tpu.memory_space<vmem>>) target(%dma_start3A_3008 : memref<1x768xf32, #tpu.memory_space<hbm>>) target_semaphore(%arg16 : memref<!tpu.dma_semaphore, #tpu.memory_space<semaphore_mem>>)
      %add3A_3012 = arith.constant 110 : i32
      %add3A_3013 = arith.addi %mul3A_10, %add3A_3012 : i32
      %get3A_3014 = arith.index_cast %add3A_3013 : i32 to index
      %get3A_3015 = memref.load %arg2[%get3A_3014] : memref<11776xi32, #tpu.memory_space<smem>>
      %dma_start3A_3016 = arith.constant 0 : i32
      %dma_start3A_3017 = tpu.memref_slice %arg12[%get3A_3015, %dma_start3A_3016] : memref<8200x768xf32, #tpu.memory_space<hbm>> -> memref<1x768xf32, #tpu.memory_space<hbm>>
      %dma_start3A_3018 = arith.constant 110 : i32
      %dma_start3A_3019 = arith.constant 0 : i32
      %dma_start3A_3020 = tpu.memref_slice %arg14[%dma_start3A_3018, %dma_start3A_3019] : memref<128x768xf32, #tpu.memory_space<vmem>> -> memref<1x768xf32, #tpu.memory_space<vmem>>
      tpu.enqueue_dma source(%dma_start3A_3020 : memref<1x768xf32, #tpu.memory_space<vmem>>) target(%dma_start3A_3017 : memref<1x768xf32, #tpu.memory_space<hbm>>) target_semaphore(%arg16 : memref<!tpu.dma_semaphore, #tpu.memory_space<semaphore_mem>>)
      %add3A_3021 = arith.constant 111 : i32
      %add3A_3022 = arith.addi %mul3A_10, %add3A_3021 : i32
      %get3A_3023 = arith.index_cast %add3A_3022 : i32 to index
      %get3A_3024 = memref.load %arg2[%get3A_3023] : memref<11776xi32, #tpu.memory_space<smem>>
      %dma_start3A_3025 = arith.constant 0 : i32
      %dma_start3A_3026 = tpu.memref_slice %arg12[%get3A_3024, %dma_start3A_3025] : memref<8200x768xf32, #tpu.memory_space<hbm>> -> memref<1x768xf32, #tpu.memory_space<hbm>>
      %dma_start3A_3027 = arith.constant 111 : i32
      %dma_start3A_3028 = arith.constant 0 : i32
      %dma_start3A_3029 = tpu.memref_slice %arg14[%dma_start3A_3027, %dma_start3A_3028] : memref<128x768xf32, #tpu.memory_space<vmem>> -> memref<1x768xf32, #tpu.memory_space<vmem>>
      tpu.enqueue_dma source(%dma_start3A_3029 : memref<1x768xf32, #tpu.memory_space<vmem>>) target(%dma_start3A_3026 : memref<1x768xf32, #tpu.memory_space<hbm>>) target_semaphore(%arg16 : memref<!tpu.dma_semaphore, #tpu.memory_space<semaphore_mem>>)
      %add3A_3030 = arith.constant 112 : i32
      %add3A_3031 = arith.addi %mul3A_10, %add3A_3030 : i32
      %get3A_3032 = arith.index_cast %add3A_3031 : i32 to index
      %get3A_3033 = memref.load %arg2[%get3A_3032] : memref<11776xi32, #tpu.memory_space<smem>>
      %dma_start3A_3034 = arith.constant 0 : i32
      %dma_start3A_3035 = tpu.memref_slice %arg12[%get3A_3033, %dma_start3A_3034] : memref<8200x768xf32, #tpu.memory_space<hbm>> -> memref<1x768xf32, #tpu.memory_space<hbm>>
      %dma_start3A_3036 = arith.constant 112 : i32
      %dma_start3A_3037 = arith.constant 0 : i32
      %dma_start3A_3038 = tpu.memref_slice %arg14[%dma_start3A_3036, %dma_start3A_3037] : memref<128x768xf32, #tpu.memory_space<vmem>> -> memref<1x768xf32, #tpu.memory_space<vmem>>
      tpu.enqueue_dma source(%dma_start3A_3038 : memref<1x768xf32, #tpu.memory_space<vmem>>) target(%dma_start3A_3035 : memref<1x768xf32, #tpu.memory_space<hbm>>) target_semaphore(%arg16 : memref<!tpu.dma_semaphore, #tpu.memory_space<semaphore_mem>>)
      %add3A_3039 = arith.constant 113 : i32
      %add3A_3040 = arith.addi %mul3A_10, %add3A_3039 : i32
      %get3A_3041 = arith.index_cast %add3A_3040 : i32 to index
      %get3A_3042 = memref.load %arg2[%get3A_3041] : memref<11776xi32, #tpu.memory_space<smem>>
      %dma_start3A_3043 = arith.constant 0 : i32
      %dma_start3A_3044 = tpu.memref_slice %arg12[%get3A_3042, %dma_start3A_3043] : memref<8200x768xf32, #tpu.memory_space<hbm>> -> memref<1x768xf32, #tpu.memory_space<hbm>>
      %dma_start3A_3045 = arith.constant 113 : i32
      %dma_start3A_3046 = arith.constant 0 : i32
      %dma_start3A_3047 = tpu.memref_slice %arg14[%dma_start3A_3045, %dma_start3A_3046] : memref<128x768xf32, #tpu.memory_space<vmem>> -> memref<1x768xf32, #tpu.memory_space<vmem>>
      tpu.enqueue_dma source(%dma_start3A_3047 : memref<1x768xf32, #tpu.memory_space<vmem>>) target(%dma_start3A_3044 : memref<1x768xf32, #tpu.memory_space<hbm>>) target_semaphore(%arg16 : memref<!tpu.dma_semaphore, #tpu.memory_space<semaphore_mem>>)
      %add3A_3048 = arith.constant 114 : i32
      %add3A_3049 = arith.addi %mul3A_10, %add3A_3048 : i32
      %get3A_3050 = arith.index_cast %add3A_3049 : i32 to index
      %get3A_3051 = memref.load %arg2[%get3A_3050] : memref<11776xi32, #tpu.memory_space<smem>>
      %dma_start3A_3052 = arith.constant 0 : i32
      %dma_start3A_3053 = tpu.memref_slice %arg12[%get3A_3051, %dma_start3A_3052] : memref<8200x768xf32, #tpu.memory_space<hbm>> -> memref<1x768xf32, #tpu.memory_space<hbm>>
      %dma_start3A_3054 = arith.constant 114 : i32
      %dma_start3A_3055 = arith.constant 0 : i32
      %dma_start3A_3056 = tpu.memref_slice %arg14[%dma_start3A_3054, %dma_start3A_3055] : memref<128x768xf32, #tpu.memory_space<vmem>> -> memref<1x768xf32, #tpu.memory_space<vmem>>
      tpu.enqueue_dma source(%dma_start3A_3056 : memref<1x768xf32, #tpu.memory_space<vmem>>) target(%dma_start3A_3053 : memref<1x768xf32, #tpu.memory_space<hbm>>) target_semaphore(%arg16 : memref<!tpu.dma_semaphore, #tpu.memory_space<semaphore_mem>>)
      %add3A_3057 = arith.constant 115 : i32
      %add3A_3058 = arith.addi %mul3A_10, %add3A_3057 : i32
      %get3A_3059 = arith.index_cast %add3A_3058 : i32 to index
      %get3A_3060 = memref.load %arg2[%get3A_3059] : memref<11776xi32, #tpu.memory_space<smem>>
      %dma_start3A_3061 = arith.constant 0 : i32
      %dma_start3A_3062 = tpu.memref_slice %arg12[%get3A_3060, %dma_start3A_3061] : memref<8200x768xf32, #tpu.memory_space<hbm>> -> memref<1x768xf32, #tpu.memory_space<hbm>>
      %dma_start3A_3063 = arith.constant 115 : i32
      %dma_start3A_3064 = arith.constant 0 : i32
      %dma_start3A_3065 = tpu.memref_slice %arg14[%dma_start3A_3063, %dma_start3A_3064] : memref<128x768xf32, #tpu.memory_space<vmem>> -> memref<1x768xf32, #tpu.memory_space<vmem>>
      tpu.enqueue_dma source(%dma_start3A_3065 : memref<1x768xf32, #tpu.memory_space<vmem>>) target(%dma_start3A_3062 : memref<1x768xf32, #tpu.memory_space<hbm>>) target_semaphore(%arg16 : memref<!tpu.dma_semaphore, #tpu.memory_space<semaphore_mem>>)
      %add3A_3066 = arith.constant 116 : i32
      %add3A_3067 = arith.addi %mul3A_10, %add3A_3066 : i32
      %get3A_3068 = arith.index_cast %add3A_3067 : i32 to index
      %get3A_3069 = memref.load %arg2[%get3A_3068] : memref<11776xi32, #tpu.memory_space<smem>>
      %dma_start3A_3070 = arith.constant 0 : i32
      %dma_start3A_3071 = tpu.memref_slice %arg12[%get3A_3069, %dma_start3A_3070] : memref<8200x768xf32, #tpu.memory_space<hbm>> -> memref<1x768xf32, #tpu.memory_space<hbm>>
      %dma_start3A_3072 = arith.constant 116 : i32
      %dma_start3A_3073 = arith.constant 0 : i32
      %dma_start3A_3074 = tpu.memref_slice %arg14[%dma_start3A_3072, %dma_start3A_3073] : memref<128x768xf32, #tpu.memory_space<vmem>> -> memref<1x768xf32, #tpu.memory_space<vmem>>
      tpu.enqueue_dma source(%dma_start3A_3074 : memref<1x768xf32, #tpu.memory_space<vmem>>) target(%dma_start3A_3071 : memref<1x768xf32, #tpu.memory_space<hbm>>) target_semaphore(%arg16 : memref<!tpu.dma_semaphore, #tpu.memory_space<semaphore_mem>>)
      %add3A_3075 = arith.constant 117 : i32
      %add3A_3076 = arith.addi %mul3A_10, %add3A_3075 : i32
      %get3A_3077 = arith.index_cast %add3A_3076 : i32 to index
      %get3A_3078 = memref.load %arg2[%get3A_3077] : memref<11776xi32, #tpu.memory_space<smem>>
      %dma_start3A_3079 = arith.constant 0 : i32
      %dma_start3A_3080 = tpu.memref_slice %arg12[%get3A_3078, %dma_start3A_3079] : memref<8200x768xf32, #tpu.memory_space<hbm>> -> memref<1x768xf32, #tpu.memory_space<hbm>>
      %dma_start3A_3081 = arith.constant 117 : i32
      %dma_start3A_3082 = arith.constant 0 : i32
      %dma_start3A_3083 = tpu.memref_slice %arg14[%dma_start3A_3081, %dma_start3A_3082] : memref<128x768xf32, #tpu.memory_space<vmem>> -> memref<1x768xf32, #tpu.memory_space<vmem>>
      tpu.enqueue_dma source(%dma_start3A_3083 : memref<1x768xf32, #tpu.memory_space<vmem>>) target(%dma_start3A_3080 : memref<1x768xf32, #tpu.memory_space<hbm>>) target_semaphore(%arg16 : memref<!tpu.dma_semaphore, #tpu.memory_space<semaphore_mem>>)
      %add3A_3084 = arith.constant 118 : i32
      %add3A_3085 = arith.addi %mul3A_10, %add3A_3084 : i32
      %get3A_3086 = arith.index_cast %add3A_3085 : i32 to index
      %get3A_3087 = memref.load %arg2[%get3A_3086] : memref<11776xi32, #tpu.memory_space<smem>>
      %dma_start3A_3088 = arith.constant 0 : i32
      %dma_start3A_3089 = tpu.memref_slice %arg12[%get3A_3087, %dma_start3A_3088] : memref<8200x768xf32, #tpu.memory_space<hbm>> -> memref<1x768xf32, #tpu.memory_space<hbm>>
      %dma_start3A_3090 = arith.constant 118 : i32
      %dma_start3A_3091 = arith.constant 0 : i32
      %dma_start3A_3092 = tpu.memref_slice %arg14[%dma_start3A_3090, %dma_start3A_3091] : memref<128x768xf32, #tpu.memory_space<vmem>> -> memref<1x768xf32, #tpu.memory_space<vmem>>
      tpu.enqueue_dma source(%dma_start3A_3092 : memref<1x768xf32, #tpu.memory_space<vmem>>) target(%dma_start3A_3089 : memref<1x768xf32, #tpu.memory_space<hbm>>) target_semaphore(%arg16 : memref<!tpu.dma_semaphore, #tpu.memory_space<semaphore_mem>>)
      %add3A_3093 = arith.constant 119 : i32
      %add3A_3094 = arith.addi %mul3A_10, %add3A_3093 : i32
      %get3A_3095 = arith.index_cast %add3A_3094 : i32 to index
      %get3A_3096 = memref.load %arg2[%get3A_3095] : memref<11776xi32, #tpu.memory_space<smem>>
      %dma_start3A_3097 = arith.constant 0 : i32
      %dma_start3A_3098 = tpu.memref_slice %arg12[%get3A_3096, %dma_start3A_3097] : memref<8200x768xf32, #tpu.memory_space<hbm>> -> memref<1x768xf32, #tpu.memory_space<hbm>>
      %dma_start3A_3099 = arith.constant 119 : i32
      %dma_start3A_3100 = arith.constant 0 : i32
      %dma_start3A_3101 = tpu.memref_slice %arg14[%dma_start3A_3099, %dma_start3A_3100] : memref<128x768xf32, #tpu.memory_space<vmem>> -> memref<1x768xf32, #tpu.memory_space<vmem>>
      tpu.enqueue_dma source(%dma_start3A_3101 : memref<1x768xf32, #tpu.memory_space<vmem>>) target(%dma_start3A_3098 : memref<1x768xf32, #tpu.memory_space<hbm>>) target_semaphore(%arg16 : memref<!tpu.dma_semaphore, #tpu.memory_space<semaphore_mem>>)
      %add3A_3102 = arith.constant 120 : i32
      %add3A_3103 = arith.addi %mul3A_10, %add3A_3102 : i32
      %get3A_3104 = arith.index_cast %add3A_3103 : i32 to index
      %get3A_3105 = memref.load %arg2[%get3A_3104] : memref<11776xi32, #tpu.memory_space<smem>>
      %dma_start3A_3106 = arith.constant 0 : i32
      %dma_start3A_3107 = tpu.memref_slice %arg12[%get3A_3105, %dma_start3A_3106] : memref<8200x768xf32, #tpu.memory_space<hbm>> -> memref<1x768xf32, #tpu.memory_space<hbm>>
      %dma_start3A_3108 = arith.constant 120 : i32
      %dma_start3A_3109 = arith.constant 0 : i32
      %dma_start3A_3110 = tpu.memref_slice %arg14[%dma_start3A_3108, %dma_start3A_3109] : memref<128x768xf32, #tpu.memory_space<vmem>> -> memref<1x768xf32, #tpu.memory_space<vmem>>
      tpu.enqueue_dma source(%dma_start3A_3110 : memref<1x768xf32, #tpu.memory_space<vmem>>) target(%dma_start3A_3107 : memref<1x768xf32, #tpu.memory_space<hbm>>) target_semaphore(%arg16 : memref<!tpu.dma_semaphore, #tpu.memory_space<semaphore_mem>>)
      %add3A_3111 = arith.constant 121 : i32
      %add3A_3112 = arith.addi %mul3A_10, %add3A_3111 : i32
      %get3A_3113 = arith.index_cast %add3A_3112 : i32 to index
      %get3A_3114 = memref.load %arg2[%get3A_3113] : memref<11776xi32, #tpu.memory_space<smem>>
      %dma_start3A_3115 = arith.constant 0 : i32
      %dma_start3A_3116 = tpu.memref_slice %arg12[%get3A_3114, %dma_start3A_3115] : memref<8200x768xf32, #tpu.memory_space<hbm>> -> memref<1x768xf32, #tpu.memory_space<hbm>>
      %dma_start3A_3117 = arith.constant 121 : i32
      %dma_start3A_3118 = arith.constant 0 : i32
      %dma_start3A_3119 = tpu.memref_slice %arg14[%dma_start3A_3117, %dma_start3A_3118] : memref<128x768xf32, #tpu.memory_space<vmem>> -> memref<1x768xf32, #tpu.memory_space<vmem>>
      tpu.enqueue_dma source(%dma_start3A_3119 : memref<1x768xf32, #tpu.memory_space<vmem>>) target(%dma_start3A_3116 : memref<1x768xf32, #tpu.memory_space<hbm>>) target_semaphore(%arg16 : memref<!tpu.dma_semaphore, #tpu.memory_space<semaphore_mem>>)
      %add3A_3120 = arith.constant 122 : i32
      %add3A_3121 = arith.addi %mul3A_10, %add3A_3120 : i32
      %get3A_3122 = arith.index_cast %add3A_3121 : i32 to index
      %get3A_3123 = memref.load %arg2[%get3A_3122] : memref<11776xi32, #tpu.memory_space<smem>>
      %dma_start3A_3124 = arith.constant 0 : i32
      %dma_start3A_3125 = tpu.memref_slice %arg12[%get3A_3123, %dma_start3A_3124] : memref<8200x768xf32, #tpu.memory_space<hbm>> -> memref<1x768xf32, #tpu.memory_space<hbm>>
      %dma_start3A_3126 = arith.constant 122 : i32
      %dma_start3A_3127 = arith.constant 0 : i32
      %dma_start3A_3128 = tpu.memref_slice %arg14[%dma_start3A_3126, %dma_start3A_3127] : memref<128x768xf32, #tpu.memory_space<vmem>> -> memref<1x768xf32, #tpu.memory_space<vmem>>
      tpu.enqueue_dma source(%dma_start3A_3128 : memref<1x768xf32, #tpu.memory_space<vmem>>) target(%dma_start3A_3125 : memref<1x768xf32, #tpu.memory_space<hbm>>) target_semaphore(%arg16 : memref<!tpu.dma_semaphore, #tpu.memory_space<semaphore_mem>>)
      %add3A_3129 = arith.constant 123 : i32
      %add3A_3130 = arith.addi %mul3A_10, %add3A_3129 : i32
      %get3A_3131 = arith.index_cast %add3A_3130 : i32 to index
      %get3A_3132 = memref.load %arg2[%get3A_3131] : memref<11776xi32, #tpu.memory_space<smem>>
      %dma_start3A_3133 = arith.constant 0 : i32
      %dma_start3A_3134 = tpu.memref_slice %arg12[%get3A_3132, %dma_start3A_3133] : memref<8200x768xf32, #tpu.memory_space<hbm>> -> memref<1x768xf32, #tpu.memory_space<hbm>>
      %dma_start3A_3135 = arith.constant 123 : i32
      %dma_start3A_3136 = arith.constant 0 : i32
      %dma_start3A_3137 = tpu.memref_slice %arg14[%dma_start3A_3135, %dma_start3A_3136] : memref<128x768xf32, #tpu.memory_space<vmem>> -> memref<1x768xf32, #tpu.memory_space<vmem>>
      tpu.enqueue_dma source(%dma_start3A_3137 : memref<1x768xf32, #tpu.memory_space<vmem>>) target(%dma_start3A_3134 : memref<1x768xf32, #tpu.memory_space<hbm>>) target_semaphore(%arg16 : memref<!tpu.dma_semaphore, #tpu.memory_space<semaphore_mem>>)
      %add3A_3138 = arith.constant 124 : i32
      %add3A_3139 = arith.addi %mul3A_10, %add3A_3138 : i32
      %get3A_3140 = arith.index_cast %add3A_3139 : i32 to index
      %get3A_3141 = memref.load %arg2[%get3A_3140] : memref<11776xi32, #tpu.memory_space<smem>>
      %dma_start3A_3142 = arith.constant 0 : i32
      %dma_start3A_3143 = tpu.memref_slice %arg12[%get3A_3141, %dma_start3A_3142] : memref<8200x768xf32, #tpu.memory_space<hbm>> -> memref<1x768xf32, #tpu.memory_space<hbm>>
      %dma_start3A_3144 = arith.constant 124 : i32
      %dma_start3A_3145 = arith.constant 0 : i32
      %dma_start3A_3146 = tpu.memref_slice %arg14[%dma_start3A_3144, %dma_start3A_3145] : memref<128x768xf32, #tpu.memory_space<vmem>> -> memref<1x768xf32, #tpu.memory_space<vmem>>
      tpu.enqueue_dma source(%dma_start3A_3146 : memref<1x768xf32, #tpu.memory_space<vmem>>) target(%dma_start3A_3143 : memref<1x768xf32, #tpu.memory_space<hbm>>) target_semaphore(%arg16 : memref<!tpu.dma_semaphore, #tpu.memory_space<semaphore_mem>>)
      %add3A_3147 = arith.constant 125 : i32
      %add3A_3148 = arith.addi %mul3A_10, %add3A_3147 : i32
      %get3A_3149 = arith.index_cast %add3A_3148 : i32 to index
      %get3A_3150 = memref.load %arg2[%get3A_3149] : memref<11776xi32, #tpu.memory_space<smem>>
      %dma_start3A_3151 = arith.constant 0 : i32
      %dma_start3A_3152 = tpu.memref_slice %arg12[%get3A_3150, %dma_start3A_3151] : memref<8200x768xf32, #tpu.memory_space<hbm>> -> memref<1x768xf32, #tpu.memory_space<hbm>>
      %dma_start3A_3153 = arith.constant 125 : i32
      %dma_start3A_3154 = arith.constant 0 : i32
      %dma_start3A_3155 = tpu.memref_slice %arg14[%dma_start3A_3153, %dma_start3A_3154] : memref<128x768xf32, #tpu.memory_space<vmem>> -> memref<1x768xf32, #tpu.memory_space<vmem>>
      tpu.enqueue_dma source(%dma_start3A_3155 : memref<1x768xf32, #tpu.memory_space<vmem>>) target(%dma_start3A_3152 : memref<1x768xf32, #tpu.memory_space<hbm>>) target_semaphore(%arg16 : memref<!tpu.dma_semaphore, #tpu.memory_space<semaphore_mem>>)
      %add3A_3156 = arith.constant 126 : i32
      %add3A_3157 = arith.addi %mul3A_10, %add3A_3156 : i32
      %get3A_3158 = arith.index_cast %add3A_3157 : i32 to index
      %get3A_3159 = memref.load %arg2[%get3A_3158] : memref<11776xi32, #tpu.memory_space<smem>>
      %dma_start3A_3160 = arith.constant 0 : i32
      %dma_start3A_3161 = tpu.memref_slice %arg12[%get3A_3159, %dma_start3A_3160] : memref<8200x768xf32, #tpu.memory_space<hbm>> -> memref<1x768xf32, #tpu.memory_space<hbm>>
      %dma_start3A_3162 = arith.constant 126 : i32
      %dma_start3A_3163 = arith.constant 0 : i32
      %dma_start3A_3164 = tpu.memref_slice %arg14[%dma_start3A_3162, %dma_start3A_3163] : memref<128x768xf32, #tpu.memory_space<vmem>> -> memref<1x768xf32, #tpu.memory_space<vmem>>
      tpu.enqueue_dma source(%dma_start3A_3164 : memref<1x768xf32, #tpu.memory_space<vmem>>) target(%dma_start3A_3161 : memref<1x768xf32, #tpu.memory_space<hbm>>) target_semaphore(%arg16 : memref<!tpu.dma_semaphore, #tpu.memory_space<semaphore_mem>>)
      %add3A_3165 = arith.constant 127 : i32
      %add3A_3166 = arith.addi %mul3A_10, %add3A_3165 : i32
      %get3A_3167 = arith.index_cast %add3A_3166 : i32 to index
      %get3A_3168 = memref.load %arg2[%get3A_3167] : memref<11776xi32, #tpu.memory_space<smem>>
      %dma_start3A_3169 = arith.constant 0 : i32
      %dma_start3A_3170 = tpu.memref_slice %arg12[%get3A_3168, %dma_start3A_3169] : memref<8200x768xf32, #tpu.memory_space<hbm>> -> memref<1x768xf32, #tpu.memory_space<hbm>>
      %dma_start3A_3171 = arith.constant 127 : i32
      %dma_start3A_3172 = arith.constant 0 : i32
      %dma_start3A_3173 = tpu.memref_slice %arg14[%dma_start3A_3171, %dma_start3A_3172] : memref<128x768xf32, #tpu.memory_space<vmem>> -> memref<1x768xf32, #tpu.memory_space<vmem>>
      tpu.enqueue_dma source(%dma_start3A_3173 : memref<1x768xf32, #tpu.memory_space<vmem>>) target(%dma_start3A_3170 : memref<1x768xf32, #tpu.memory_space<hbm>>) target_semaphore(%arg16 : memref<!tpu.dma_semaphore, #tpu.memory_space<semaphore_mem>>)
      %dma_wait3A_3174 = arith.constant 0 : i32
      %dma_wait3A_3175 = arith.constant 0 : i32
      %dma_wait3A_3176 = tpu.memref_slice %arg12[%dma_wait3A_3174, %dma_wait3A_3175] : memref<8200x768xf32, #tpu.memory_space<hbm>> -> memref<1x768xf32, #tpu.memory_space<hbm>>
      %dma_wait3A_3177 = arith.constant 0 : i32
      %dma_wait3A_3178 = arith.constant 0 : i32
      %dma_wait3A_3179 = tpu.memref_slice %arg14[%dma_wait3A_3177, %dma_wait3A_3178] : memref<128x768xf32, #tpu.memory_space<vmem>> -> memref<1x768xf32, #tpu.memory_space<vmem>>
      tpu.wait_dma2 semaphore(%arg16 : memref<!tpu.dma_semaphore, #tpu.memory_space<semaphore_mem>>) src(%dma_wait3A_3179 : memref<1x768xf32, #tpu.memory_space<vmem>>) dst(%dma_wait3A_3176 : memref<1x768xf32, #tpu.memory_space<hbm>>)
      %dma_wait3A_3180 = arith.constant 0 : i32
      %dma_wait3A_3181 = arith.constant 0 : i32
      %dma_wait3A_3182 = tpu.memref_slice %arg12[%dma_wait3A_3180, %dma_wait3A_3181] : memref<8200x768xf32, #tpu.memory_space<hbm>> -> memref<1x768xf32, #tpu.memory_space<hbm>>
      %dma_wait3A_3183 = arith.constant 1 : i32
      %dma_wait3A_3184 = arith.constant 0 : i32
      %dma_wait3A_3185 = tpu.memref_slice %arg14[%dma_wait3A_3183, %dma_wait3A_3184] : memref<128x768xf32, #tpu.memory_space<vmem>> -> memref<1x768xf32, #tpu.memory_space<vmem>>
      tpu.wait_dma2 semaphore(%arg16 : memref<!tpu.dma_semaphore, #tpu.memory_space<semaphore_mem>>) src(%dma_wait3A_3185 : memref<1x768xf32, #tpu.memory_space<vmem>>) dst(%dma_wait3A_3182 : memref<1x768xf32, #tpu.memory_space<hbm>>)
      %dma_wait3A_3186 = arith.constant 0 : i32
      %dma_wait3A_3187 = arith.constant 0 : i32
      %dma_wait3A_3188 = tpu.memref_slice %arg12[%dma_wait3A_3186, %dma_wait3A_3187] : memref<8200x768xf32, #tpu.memory_space<hbm>> -> memref<1x768xf32, #tpu.memory_space<hbm>>
      %dma_wait3A_3189 = arith.constant 2 : i32
      %dma_wait3A_3190 = arith.constant 0 : i32
      %dma_wait3A_3191 = tpu.memref_slice %arg14[%dma_wait3A_3189, %dma_wait3A_3190] : memref<128x768xf32, #tpu.memory_space<vmem>> -> memref<1x768xf32, #tpu.memory_space<vmem>>
      tpu.wait_dma2 semaphore(%arg16 : memref<!tpu.dma_semaphore, #tpu.memory_space<semaphore_mem>>) src(%dma_wait3A_3191 : memref<1x768xf32, #tpu.memory_space<vmem>>) dst(%dma_wait3A_3188 : memref<1x768xf32, #tpu.memory_space<hbm>>)
      %dma_wait3A_3192 = arith.constant 0 : i32
      %dma_wait3A_3193 = arith.constant 0 : i32
      %dma_wait3A_3194 = tpu.memref_slice %arg12[%dma_wait3A_3192, %dma_wait3A_3193] : memref<8200x768xf32, #tpu.memory_space<hbm>> -> memref<1x768xf32, #tpu.memory_space<hbm>>
      %dma_wait3A_3195 = arith.constant 3 : i32
      %dma_wait3A_3196 = arith.constant 0 : i32
      %dma_wait3A_3197 = tpu.memref_slice %arg14[%dma_wait3A_3195, %dma_wait3A_3196] : memref<128x768xf32, #tpu.memory_space<vmem>> -> memref<1x768xf32, #tpu.memory_space<vmem>>
      tpu.wait_dma2 semaphore(%arg16 : memref<!tpu.dma_semaphore, #tpu.memory_space<semaphore_mem>>) src(%dma_wait3A_3197 : memref<1x768xf32, #tpu.memory_space<vmem>>) dst(%dma_wait3A_3194 : memref<1x768xf32, #tpu.memory_space<hbm>>)
      %dma_wait3A_3198 = arith.constant 0 : i32
      %dma_wait3A_3199 = arith.constant 0 : i32
      %dma_wait3A_3200 = tpu.memref_slice %arg12[%dma_wait3A_3198, %dma_wait3A_3199] : memref<8200x768xf32, #tpu.memory_space<hbm>> -> memref<1x768xf32, #tpu.memory_space<hbm>>
      %dma_wait3A_3201 = arith.constant 4 : i32
      %dma_wait3A_3202 = arith.constant 0 : i32
      %dma_wait3A_3203 = tpu.memref_slice %arg14[%dma_wait3A_3201, %dma_wait3A_3202] : memref<128x768xf32, #tpu.memory_space<vmem>> -> memref<1x768xf32, #tpu.memory_space<vmem>>
      tpu.wait_dma2 semaphore(%arg16 : memref<!tpu.dma_semaphore, #tpu.memory_space<semaphore_mem>>) src(%dma_wait3A_3203 : memref<1x768xf32, #tpu.memory_space<vmem>>) dst(%dma_wait3A_3200 : memref<1x768xf32, #tpu.memory_space<hbm>>)
      %dma_wait3A_3204 = arith.constant 0 : i32
      %dma_wait3A_3205 = arith.constant 0 : i32
      %dma_wait3A_3206 = tpu.memref_slice %arg12[%dma_wait3A_3204, %dma_wait3A_3205] : memref<8200x768xf32, #tpu.memory_space<hbm>> -> memref<1x768xf32, #tpu.memory_space<hbm>>
      %dma_wait3A_3207 = arith.constant 5 : i32
      %dma_wait3A_3208 = arith.constant 0 : i32
      %dma_wait3A_3209 = tpu.memref_slice %arg14[%dma_wait3A_3207, %dma_wait3A_3208] : memref<128x768xf32, #tpu.memory_space<vmem>> -> memref<1x768xf32, #tpu.memory_space<vmem>>
      tpu.wait_dma2 semaphore(%arg16 : memref<!tpu.dma_semaphore, #tpu.memory_space<semaphore_mem>>) src(%dma_wait3A_3209 : memref<1x768xf32, #tpu.memory_space<vmem>>) dst(%dma_wait3A_3206 : memref<1x768xf32, #tpu.memory_space<hbm>>)
      %dma_wait3A_3210 = arith.constant 0 : i32
      %dma_wait3A_3211 = arith.constant 0 : i32
      %dma_wait3A_3212 = tpu.memref_slice %arg12[%dma_wait3A_3210, %dma_wait3A_3211] : memref<8200x768xf32, #tpu.memory_space<hbm>> -> memref<1x768xf32, #tpu.memory_space<hbm>>
      %dma_wait3A_3213 = arith.constant 6 : i32
      %dma_wait3A_3214 = arith.constant 0 : i32
      %dma_wait3A_3215 = tpu.memref_slice %arg14[%dma_wait3A_3213, %dma_wait3A_3214] : memref<128x768xf32, #tpu.memory_space<vmem>> -> memref<1x768xf32, #tpu.memory_space<vmem>>
      tpu.wait_dma2 semaphore(%arg16 : memref<!tpu.dma_semaphore, #tpu.memory_space<semaphore_mem>>) src(%dma_wait3A_3215 : memref<1x768xf32, #tpu.memory_space<vmem>>) dst(%dma_wait3A_3212 : memref<1x768xf32, #tpu.memory_space<hbm>>)
      %dma_wait3A_3216 = arith.constant 0 : i32
      %dma_wait3A_3217 = arith.constant 0 : i32
      %dma_wait3A_3218 = tpu.memref_slice %arg12[%dma_wait3A_3216, %dma_wait3A_3217] : memref<8200x768xf32, #tpu.memory_space<hbm>> -> memref<1x768xf32, #tpu.memory_space<hbm>>
      %dma_wait3A_3219 = arith.constant 7 : i32
      %dma_wait3A_3220 = arith.constant 0 : i32
      %dma_wait3A_3221 = tpu.memref_slice %arg14[%dma_wait3A_3219, %dma_wait3A_3220] : memref<128x768xf32, #tpu.memory_space<vmem>> -> memref<1x768xf32, #tpu.memory_space<vmem>>
      tpu.wait_dma2 semaphore(%arg16 : memref<!tpu.dma_semaphore, #tpu.memory_space<semaphore_mem>>) src(%dma_wait3A_3221 : memref<1x768xf32, #tpu.memory_space<vmem>>) dst(%dma_wait3A_3218 : memref<1x768xf32, #tpu.memory_space<hbm>>)
      %dma_wait3A_3222 = arith.constant 0 : i32
      %dma_wait3A_3223 = arith.constant 0 : i32
      %dma_wait3A_3224 = tpu.memref_slice %arg12[%dma_wait3A_3222, %dma_wait3A_3223] : memref<8200x768xf32, #tpu.memory_space<hbm>> -> memref<1x768xf32, #tpu.memory_space<hbm>>
      %dma_wait3A_3225 = arith.constant 8 : i32
      %dma_wait3A_3226 = arith.constant 0 : i32
      %dma_wait3A_3227 = tpu.memref_slice %arg14[%dma_wait3A_3225, %dma_wait3A_3226] : memref<128x768xf32, #tpu.memory_space<vmem>> -> memref<1x768xf32, #tpu.memory_space<vmem>>
      tpu.wait_dma2 semaphore(%arg16 : memref<!tpu.dma_semaphore, #tpu.memory_space<semaphore_mem>>) src(%dma_wait3A_3227 : memref<1x768xf32, #tpu.memory_space<vmem>>) dst(%dma_wait3A_3224 : memref<1x768xf32, #tpu.memory_space<hbm>>)
      %dma_wait3A_3228 = arith.constant 0 : i32
      %dma_wait3A_3229 = arith.constant 0 : i32
      %dma_wait3A_3230 = tpu.memref_slice %arg12[%dma_wait3A_3228, %dma_wait3A_3229] : memref<8200x768xf32, #tpu.memory_space<hbm>> -> memref<1x768xf32, #tpu.memory_space<hbm>>
      %dma_wait3A_3231 = arith.constant 9 : i32
      %dma_wait3A_3232 = arith.constant 0 : i32
      %dma_wait3A_3233 = tpu.memref_slice %arg14[%dma_wait3A_3231, %dma_wait3A_3232] : memref<128x768xf32, #tpu.memory_space<vmem>> -> memref<1x768xf32, #tpu.memory_space<vmem>>
      tpu.wait_dma2 semaphore(%arg16 : memref<!tpu.dma_semaphore, #tpu.memory_space<semaphore_mem>>) src(%dma_wait3A_3233 : memref<1x768xf32, #tpu.memory_space<vmem>>) dst(%dma_wait3A_3230 : memref<1x768xf32, #tpu.memory_space<hbm>>)
      %dma_wait3A_3234 = arith.constant 0 : i32
      %dma_wait3A_3235 = arith.constant 0 : i32
      %dma_wait3A_3236 = tpu.memref_slice %arg12[%dma_wait3A_3234, %dma_wait3A_3235] : memref<8200x768xf32, #tpu.memory_space<hbm>> -> memref<1x768xf32, #tpu.memory_space<hbm>>
      %dma_wait3A_3237 = arith.constant 10 : i32
      %dma_wait3A_3238 = arith.constant 0 : i32
      %dma_wait3A_3239 = tpu.memref_slice %arg14[%dma_wait3A_3237, %dma_wait3A_3238] : memref<128x768xf32, #tpu.memory_space<vmem>> -> memref<1x768xf32, #tpu.memory_space<vmem>>
      tpu.wait_dma2 semaphore(%arg16 : memref<!tpu.dma_semaphore, #tpu.memory_space<semaphore_mem>>) src(%dma_wait3A_3239 : memref<1x768xf32, #tpu.memory_space<vmem>>) dst(%dma_wait3A_3236 : memref<1x768xf32, #tpu.memory_space<hbm>>)
      %dma_wait3A_3240 = arith.constant 0 : i32
      %dma_wait3A_3241 = arith.constant 0 : i32
      %dma_wait3A_3242 = tpu.memref_slice %arg12[%dma_wait3A_3240, %dma_wait3A_3241] : memref<8200x768xf32, #tpu.memory_space<hbm>> -> memref<1x768xf32, #tpu.memory_space<hbm>>
      %dma_wait3A_3243 = arith.constant 11 : i32
      %dma_wait3A_3244 = arith.constant 0 : i32
      %dma_wait3A_3245 = tpu.memref_slice %arg14[%dma_wait3A_3243, %dma_wait3A_3244] : memref<128x768xf32, #tpu.memory_space<vmem>> -> memref<1x768xf32, #tpu.memory_space<vmem>>
      tpu.wait_dma2 semaphore(%arg16 : memref<!tpu.dma_semaphore, #tpu.memory_space<semaphore_mem>>) src(%dma_wait3A_3245 : memref<1x768xf32, #tpu.memory_space<vmem>>) dst(%dma_wait3A_3242 : memref<1x768xf32, #tpu.memory_space<hbm>>)
      %dma_wait3A_3246 = arith.constant 0 : i32
      %dma_wait3A_3247 = arith.constant 0 : i32
      %dma_wait3A_3248 = tpu.memref_slice %arg12[%dma_wait3A_3246, %dma_wait3A_3247] : memref<8200x768xf32, #tpu.memory_space<hbm>> -> memref<1x768xf32, #tpu.memory_space<hbm>>
      %dma_wait3A_3249 = arith.constant 12 : i32
      %dma_wait3A_3250 = arith.constant 0 : i32
      %dma_wait3A_3251 = tpu.memref_slice %arg14[%dma_wait3A_3249, %dma_wait3A_3250] : memref<128x768xf32, #tpu.memory_space<vmem>> -> memref<1x768xf32, #tpu.memory_space<vmem>>
      tpu.wait_dma2 semaphore(%arg16 : memref<!tpu.dma_semaphore, #tpu.memory_space<semaphore_mem>>) src(%dma_wait3A_3251 : memref<1x768xf32, #tpu.memory_space<vmem>>) dst(%dma_wait3A_3248 : memref<1x768xf32, #tpu.memory_space<hbm>>)
      %dma_wait3A_3252 = arith.constant 0 : i32
      %dma_wait3A_3253 = arith.constant 0 : i32
      %dma_wait3A_3254 = tpu.memref_slice %arg12[%dma_wait3A_3252, %dma_wait3A_3253] : memref<8200x768xf32, #tpu.memory_space<hbm>> -> memref<1x768xf32, #tpu.memory_space<hbm>>
      %dma_wait3A_3255 = arith.constant 13 : i32
      %dma_wait3A_3256 = arith.constant 0 : i32
      %dma_wait3A_3257 = tpu.memref_slice %arg14[%dma_wait3A_3255, %dma_wait3A_3256] : memref<128x768xf32, #tpu.memory_space<vmem>> -> memref<1x768xf32, #tpu.memory_space<vmem>>
      tpu.wait_dma2 semaphore(%arg16 : memref<!tpu.dma_semaphore, #tpu.memory_space<semaphore_mem>>) src(%dma_wait3A_3257 : memref<1x768xf32, #tpu.memory_space<vmem>>) dst(%dma_wait3A_3254 : memref<1x768xf32, #tpu.memory_space<hbm>>)
      %dma_wait3A_3258 = arith.constant 0 : i32
      %dma_wait3A_3259 = arith.constant 0 : i32
      %dma_wait3A_3260 = tpu.memref_slice %arg12[%dma_wait3A_3258, %dma_wait3A_3259] : memref<8200x768xf32, #tpu.memory_space<hbm>> -> memref<1x768xf32, #tpu.memory_space<hbm>>
      %dma_wait3A_3261 = arith.constant 14 : i32
      %dma_wait3A_3262 = arith.constant 0 : i32
      %dma_wait3A_3263 = tpu.memref_slice %arg14[%dma_wait3A_3261, %dma_wait3A_3262] : memref<128x768xf32, #tpu.memory_space<vmem>> -> memref<1x768xf32, #tpu.memory_space<vmem>>
      tpu.wait_dma2 semaphore(%arg16 : memref<!tpu.dma_semaphore, #tpu.memory_space<semaphore_mem>>) src(%dma_wait3A_3263 : memref<1x768xf32, #tpu.memory_space<vmem>>) dst(%dma_wait3A_3260 : memref<1x768xf32, #tpu.memory_space<hbm>>)
      %dma_wait3A_3264 = arith.constant 0 : i32
      %dma_wait3A_3265 = arith.constant 0 : i32
      %dma_wait3A_3266 = tpu.memref_slice %arg12[%dma_wait3A_3264, %dma_wait3A_3265] : memref<8200x768xf32, #tpu.memory_space<hbm>> -> memref<1x768xf32, #tpu.memory_space<hbm>>
      %dma_wait3A_3267 = arith.constant 15 : i32
      %dma_wait3A_3268 = arith.constant 0 : i32
      %dma_wait3A_3269 = tpu.memref_slice %arg14[%dma_wait3A_3267, %dma_wait3A_3268] : memref<128x768xf32, #tpu.memory_space<vmem>> -> memref<1x768xf32, #tpu.memory_space<vmem>>
      tpu.wait_dma2 semaphore(%arg16 : memref<!tpu.dma_semaphore, #tpu.memory_space<semaphore_mem>>) src(%dma_wait3A_3269 : memref<1x768xf32, #tpu.memory_space<vmem>>) dst(%dma_wait3A_3266 : memref<1x768xf32, #tpu.memory_space<hbm>>)
      %dma_wait3A_3270 = arith.constant 0 : i32
      %dma_wait3A_3271 = arith.constant 0 : i32
      %dma_wait3A_3272 = tpu.memref_slice %arg12[%dma_wait3A_3270, %dma_wait3A_3271] : memref<8200x768xf32, #tpu.memory_space<hbm>> -> memref<1x768xf32, #tpu.memory_space<hbm>>
      %dma_wait3A_3273 = arith.constant 16 : i32
      %dma_wait3A_3274 = arith.constant 0 : i32
      %dma_wait3A_3275 = tpu.memref_slice %arg14[%dma_wait3A_3273, %dma_wait3A_3274] : memref<128x768xf32, #tpu.memory_space<vmem>> -> memref<1x768xf32, #tpu.memory_space<vmem>>
      tpu.wait_dma2 semaphore(%arg16 : memref<!tpu.dma_semaphore, #tpu.memory_space<semaphore_mem>>) src(%dma_wait3A_3275 : memref<1x768xf32, #tpu.memory_space<vmem>>) dst(%dma_wait3A_3272 : memref<1x768xf32, #tpu.memory_space<hbm>>)
      %dma_wait3A_3276 = arith.constant 0 : i32
      %dma_wait3A_3277 = arith.constant 0 : i32
      %dma_wait3A_3278 = tpu.memref_slice %arg12[%dma_wait3A_3276, %dma_wait3A_3277] : memref<8200x768xf32, #tpu.memory_space<hbm>> -> memref<1x768xf32, #tpu.memory_space<hbm>>
      %dma_wait3A_3279 = arith.constant 17 : i32
      %dma_wait3A_3280 = arith.constant 0 : i32
      %dma_wait3A_3281 = tpu.memref_slice %arg14[%dma_wait3A_3279, %dma_wait3A_3280] : memref<128x768xf32, #tpu.memory_space<vmem>> -> memref<1x768xf32, #tpu.memory_space<vmem>>
      tpu.wait_dma2 semaphore(%arg16 : memref<!tpu.dma_semaphore, #tpu.memory_space<semaphore_mem>>) src(%dma_wait3A_3281 : memref<1x768xf32, #tpu.memory_space<vmem>>) dst(%dma_wait3A_3278 : memref<1x768xf32, #tpu.memory_space<hbm>>)
      %dma_wait3A_3282 = arith.constant 0 : i32
      %dma_wait3A_3283 = arith.constant 0 : i32
      %dma_wait3A_3284 = tpu.memref_slice %arg12[%dma_wait3A_3282, %dma_wait3A_3283] : memref<8200x768xf32, #tpu.memory_space<hbm>> -> memref<1x768xf32, #tpu.memory_space<hbm>>
      %dma_wait3A_3285 = arith.constant 18 : i32
      %dma_wait3A_3286 = arith.constant 0 : i32
      %dma_wait3A_3287 = tpu.memref_slice %arg14[%dma_wait3A_3285, %dma_wait3A_3286] : memref<128x768xf32, #tpu.memory_space<vmem>> -> memref<1x768xf32, #tpu.memory_space<vmem>>
      tpu.wait_dma2 semaphore(%arg16 : memref<!tpu.dma_semaphore, #tpu.memory_space<semaphore_mem>>) src(%dma_wait3A_3287 : memref<1x768xf32, #tpu.memory_space<vmem>>) dst(%dma_wait3A_3284 : memref<1x768xf32, #tpu.memory_space<hbm>>)
      %dma_wait3A_3288 = arith.constant 0 : i32
      %dma_wait3A_3289 = arith.constant 0 : i32
      %dma_wait3A_3290 = tpu.memref_slice %arg12[%dma_wait3A_3288, %dma_wait3A_3289] : memref<8200x768xf32, #tpu.memory_space<hbm>> -> memref<1x768xf32, #tpu.memory_space<hbm>>
      %dma_wait3A_3291 = arith.constant 19 : i32
      %dma_wait3A_3292 = arith.constant 0 : i32
      %dma_wait3A_3293 = tpu.memref_slice %arg14[%dma_wait3A_3291, %dma_wait3A_3292] : memref<128x768xf32, #tpu.memory_space<vmem>> -> memref<1x768xf32, #tpu.memory_space<vmem>>
      tpu.wait_dma2 semaphore(%arg16 : memref<!tpu.dma_semaphore, #tpu.memory_space<semaphore_mem>>) src(%dma_wait3A_3293 : memref<1x768xf32, #tpu.memory_space<vmem>>) dst(%dma_wait3A_3290 : memref<1x768xf32, #tpu.memory_space<hbm>>)
      %dma_wait3A_3294 = arith.constant 0 : i32
      %dma_wait3A_3295 = arith.constant 0 : i32
      %dma_wait3A_3296 = tpu.memref_slice %arg12[%dma_wait3A_3294, %dma_wait3A_3295] : memref<8200x768xf32, #tpu.memory_space<hbm>> -> memref<1x768xf32, #tpu.memory_space<hbm>>
      %dma_wait3A_3297 = arith.constant 20 : i32
      %dma_wait3A_3298 = arith.constant 0 : i32
      %dma_wait3A_3299 = tpu.memref_slice %arg14[%dma_wait3A_3297, %dma_wait3A_3298] : memref<128x768xf32, #tpu.memory_space<vmem>> -> memref<1x768xf32, #tpu.memory_space<vmem>>
      tpu.wait_dma2 semaphore(%arg16 : memref<!tpu.dma_semaphore, #tpu.memory_space<semaphore_mem>>) src(%dma_wait3A_3299 : memref<1x768xf32, #tpu.memory_space<vmem>>) dst(%dma_wait3A_3296 : memref<1x768xf32, #tpu.memory_space<hbm>>)
      %dma_wait3A_3300 = arith.constant 0 : i32
      %dma_wait3A_3301 = arith.constant 0 : i32
      %dma_wait3A_3302 = tpu.memref_slice %arg12[%dma_wait3A_3300, %dma_wait3A_3301] : memref<8200x768xf32, #tpu.memory_space<hbm>> -> memref<1x768xf32, #tpu.memory_space<hbm>>
      %dma_wait3A_3303 = arith.constant 21 : i32
      %dma_wait3A_3304 = arith.constant 0 : i32
      %dma_wait3A_3305 = tpu.memref_slice %arg14[%dma_wait3A_3303, %dma_wait3A_3304] : memref<128x768xf32, #tpu.memory_space<vmem>> -> memref<1x768xf32, #tpu.memory_space<vmem>>
      tpu.wait_dma2 semaphore(%arg16 : memref<!tpu.dma_semaphore, #tpu.memory_space<semaphore_mem>>) src(%dma_wait3A_3305 : memref<1x768xf32, #tpu.memory_space<vmem>>) dst(%dma_wait3A_3302 : memref<1x768xf32, #tpu.memory_space<hbm>>)
      %dma_wait3A_3306 = arith.constant 0 : i32
      %dma_wait3A_3307 = arith.constant 0 : i32
      %dma_wait3A_3308 = tpu.memref_slice %arg12[%dma_wait3A_3306, %dma_wait3A_3307] : memref<8200x768xf32, #tpu.memory_space<hbm>> -> memref<1x768xf32, #tpu.memory_space<hbm>>
      %dma_wait3A_3309 = arith.constant 22 : i32
      %dma_wait3A_3310 = arith.constant 0 : i32
      %dma_wait3A_3311 = tpu.memref_slice %arg14[%dma_wait3A_3309, %dma_wait3A_3310] : memref<128x768xf32, #tpu.memory_space<vmem>> -> memref<1x768xf32, #tpu.memory_space<vmem>>
      tpu.wait_dma2 semaphore(%arg16 : memref<!tpu.dma_semaphore, #tpu.memory_space<semaphore_mem>>) src(%dma_wait3A_3311 : memref<1x768xf32, #tpu.memory_space<vmem>>) dst(%dma_wait3A_3308 : memref<1x768xf32, #tpu.memory_space<hbm>>)
      %dma_wait3A_3312 = arith.constant 0 : i32
      %dma_wait3A_3313 = arith.constant 0 : i32
      %dma_wait3A_3314 = tpu.memref_slice %arg12[%dma_wait3A_3312, %dma_wait3A_3313] : memref<8200x768xf32, #tpu.memory_space<hbm>> -> memref<1x768xf32, #tpu.memory_space<hbm>>
      %dma_wait3A_3315 = arith.constant 23 : i32
      %dma_wait3A_3316 = arith.constant 0 : i32
      %dma_wait3A_3317 = tpu.memref_slice %arg14[%dma_wait3A_3315, %dma_wait3A_3316] : memref<128x768xf32, #tpu.memory_space<vmem>> -> memref<1x768xf32, #tpu.memory_space<vmem>>
      tpu.wait_dma2 semaphore(%arg16 : memref<!tpu.dma_semaphore, #tpu.memory_space<semaphore_mem>>) src(%dma_wait3A_3317 : memref<1x768xf32, #tpu.memory_space<vmem>>) dst(%dma_wait3A_3314 : memref<1x768xf32, #tpu.memory_space<hbm>>)
      %dma_wait3A_3318 = arith.constant 0 : i32
      %dma_wait3A_3319 = arith.constant 0 : i32
      %dma_wait3A_3320 = tpu.memref_slice %arg12[%dma_wait3A_3318, %dma_wait3A_3319] : memref<8200x768xf32, #tpu.memory_space<hbm>> -> memref<1x768xf32, #tpu.memory_space<hbm>>
      %dma_wait3A_3321 = arith.constant 24 : i32
      %dma_wait3A_3322 = arith.constant 0 : i32
      %dma_wait3A_3323 = tpu.memref_slice %arg14[%dma_wait3A_3321, %dma_wait3A_3322] : memref<128x768xf32, #tpu.memory_space<vmem>> -> memref<1x768xf32, #tpu.memory_space<vmem>>
      tpu.wait_dma2 semaphore(%arg16 : memref<!tpu.dma_semaphore, #tpu.memory_space<semaphore_mem>>) src(%dma_wait3A_3323 : memref<1x768xf32, #tpu.memory_space<vmem>>) dst(%dma_wait3A_3320 : memref<1x768xf32, #tpu.memory_space<hbm>>)
      %dma_wait3A_3324 = arith.constant 0 : i32
      %dma_wait3A_3325 = arith.constant 0 : i32
      %dma_wait3A_3326 = tpu.memref_slice %arg12[%dma_wait3A_3324, %dma_wait3A_3325] : memref<8200x768xf32, #tpu.memory_space<hbm>> -> memref<1x768xf32, #tpu.memory_space<hbm>>
      %dma_wait3A_3327 = arith.constant 25 : i32
      %dma_wait3A_3328 = arith.constant 0 : i32
      %dma_wait3A_3329 = tpu.memref_slice %arg14[%dma_wait3A_3327, %dma_wait3A_3328] : memref<128x768xf32, #tpu.memory_space<vmem>> -> memref<1x768xf32, #tpu.memory_space<vmem>>
      tpu.wait_dma2 semaphore(%arg16 : memref<!tpu.dma_semaphore, #tpu.memory_space<semaphore_mem>>) src(%dma_wait3A_3329 : memref<1x768xf32, #tpu.memory_space<vmem>>) dst(%dma_wait3A_3326 : memref<1x768xf32, #tpu.memory_space<hbm>>)
      %dma_wait3A_3330 = arith.constant 0 : i32
      %dma_wait3A_3331 = arith.constant 0 : i32
      %dma_wait3A_3332 = tpu.memref_slice %arg12[%dma_wait3A_3330, %dma_wait3A_3331] : memref<8200x768xf32, #tpu.memory_space<hbm>> -> memref<1x768xf32, #tpu.memory_space<hbm>>
      %dma_wait3A_3333 = arith.constant 26 : i32
      %dma_wait3A_3334 = arith.constant 0 : i32
      %dma_wait3A_3335 = tpu.memref_slice %arg14[%dma_wait3A_3333, %dma_wait3A_3334] : memref<128x768xf32, #tpu.memory_space<vmem>> -> memref<1x768xf32, #tpu.memory_space<vmem>>
      tpu.wait_dma2 semaphore(%arg16 : memref<!tpu.dma_semaphore, #tpu.memory_space<semaphore_mem>>) src(%dma_wait3A_3335 : memref<1x768xf32, #tpu.memory_space<vmem>>) dst(%dma_wait3A_3332 : memref<1x768xf32, #tpu.memory_space<hbm>>)
      %dma_wait3A_3336 = arith.constant 0 : i32
      %dma_wait3A_3337 = arith.constant 0 : i32
      %dma_wait3A_3338 = tpu.memref_slice %arg12[%dma_wait3A_3336, %dma_wait3A_3337] : memref<8200x768xf32, #tpu.memory_space<hbm>> -> memref<1x768xf32, #tpu.memory_space<hbm>>
      %dma_wait3A_3339 = arith.constant 27 : i32
      %dma_wait3A_3340 = arith.constant 0 : i32
      %dma_wait3A_3341 = tpu.memref_slice %arg14[%dma_wait3A_3339, %dma_wait3A_3340] : memref<128x768xf32, #tpu.memory_space<vmem>> -> memref<1x768xf32, #tpu.memory_space<vmem>>
      tpu.wait_dma2 semaphore(%arg16 : memref<!tpu.dma_semaphore, #tpu.memory_space<semaphore_mem>>) src(%dma_wait3A_3341 : memref<1x768xf32, #tpu.memory_space<vmem>>) dst(%dma_wait3A_3338 : memref<1x768xf32, #tpu.memory_space<hbm>>)
      %dma_wait3A_3342 = arith.constant 0 : i32
      %dma_wait3A_3343 = arith.constant 0 : i32
      %dma_wait3A_3344 = tpu.memref_slice %arg12[%dma_wait3A_3342, %dma_wait3A_3343] : memref<8200x768xf32, #tpu.memory_space<hbm>> -> memref<1x768xf32, #tpu.memory_space<hbm>>
      %dma_wait3A_3345 = arith.constant 28 : i32
      %dma_wait3A_3346 = arith.constant 0 : i32
      %dma_wait3A_3347 = tpu.memref_slice %arg14[%dma_wait3A_3345, %dma_wait3A_3346] : memref<128x768xf32, #tpu.memory_space<vmem>> -> memref<1x768xf32, #tpu.memory_space<vmem>>
      tpu.wait_dma2 semaphore(%arg16 : memref<!tpu.dma_semaphore, #tpu.memory_space<semaphore_mem>>) src(%dma_wait3A_3347 : memref<1x768xf32, #tpu.memory_space<vmem>>) dst(%dma_wait3A_3344 : memref<1x768xf32, #tpu.memory_space<hbm>>)
      %dma_wait3A_3348 = arith.constant 0 : i32
      %dma_wait3A_3349 = arith.constant 0 : i32
      %dma_wait3A_3350 = tpu.memref_slice %arg12[%dma_wait3A_3348, %dma_wait3A_3349] : memref<8200x768xf32, #tpu.memory_space<hbm>> -> memref<1x768xf32, #tpu.memory_space<hbm>>
      %dma_wait3A_3351 = arith.constant 29 : i32
      %dma_wait3A_3352 = arith.constant 0 : i32
      %dma_wait3A_3353 = tpu.memref_slice %arg14[%dma_wait3A_3351, %dma_wait3A_3352] : memref<128x768xf32, #tpu.memory_space<vmem>> -> memref<1x768xf32, #tpu.memory_space<vmem>>
      tpu.wait_dma2 semaphore(%arg16 : memref<!tpu.dma_semaphore, #tpu.memory_space<semaphore_mem>>) src(%dma_wait3A_3353 : memref<1x768xf32, #tpu.memory_space<vmem>>) dst(%dma_wait3A_3350 : memref<1x768xf32, #tpu.memory_space<hbm>>)
      %dma_wait3A_3354 = arith.constant 0 : i32
      %dma_wait3A_3355 = arith.constant 0 : i32
      %dma_wait3A_3356 = tpu.memref_slice %arg12[%dma_wait3A_3354, %dma_wait3A_3355] : memref<8200x768xf32, #tpu.memory_space<hbm>> -> memref<1x768xf32, #tpu.memory_space<hbm>>
      %dma_wait3A_3357 = arith.constant 30 : i32
      %dma_wait3A_3358 = arith.constant 0 : i32
      %dma_wait3A_3359 = tpu.memref_slice %arg14[%dma_wait3A_3357, %dma_wait3A_3358] : memref<128x768xf32, #tpu.memory_space<vmem>> -> memref<1x768xf32, #tpu.memory_space<vmem>>
      tpu.wait_dma2 semaphore(%arg16 : memref<!tpu.dma_semaphore, #tpu.memory_space<semaphore_mem>>) src(%dma_wait3A_3359 : memref<1x768xf32, #tpu.memory_space<vmem>>) dst(%dma_wait3A_3356 : memref<1x768xf32, #tpu.memory_space<hbm>>)
      %dma_wait3A_3360 = arith.constant 0 : i32
      %dma_wait3A_3361 = arith.constant 0 : i32
      %dma_wait3A_3362 = tpu.memref_slice %arg12[%dma_wait3A_3360, %dma_wait3A_3361] : memref<8200x768xf32, #tpu.memory_space<hbm>> -> memref<1x768xf32, #tpu.memory_space<hbm>>
      %dma_wait3A_3363 = arith.constant 31 : i32
      %dma_wait3A_3364 = arith.constant 0 : i32
      %dma_wait3A_3365 = tpu.memref_slice %arg14[%dma_wait3A_3363, %dma_wait3A_3364] : memref<128x768xf32, #tpu.memory_space<vmem>> -> memref<1x768xf32, #tpu.memory_space<vmem>>
      tpu.wait_dma2 semaphore(%arg16 : memref<!tpu.dma_semaphore, #tpu.memory_space<semaphore_mem>>) src(%dma_wait3A_3365 : memref<1x768xf32, #tpu.memory_space<vmem>>) dst(%dma_wait3A_3362 : memref<1x768xf32, #tpu.memory_space<hbm>>)
      %dma_wait3A_3366 = arith.constant 0 : i32
      %dma_wait3A_3367 = arith.constant 0 : i32
      %dma_wait3A_3368 = tpu.memref_slice %arg12[%dma_wait3A_3366, %dma_wait3A_3367] : memref<8200x768xf32, #tpu.memory_space<hbm>> -> memref<1x768xf32, #tpu.memory_space<hbm>>
      %dma_wait3A_3369 = arith.constant 32 : i32
      %dma_wait3A_3370 = arith.constant 0 : i32
      %dma_wait3A_3371 = tpu.memref_slice %arg14[%dma_wait3A_3369, %dma_wait3A_3370] : memref<128x768xf32, #tpu.memory_space<vmem>> -> memref<1x768xf32, #tpu.memory_space<vmem>>
      tpu.wait_dma2 semaphore(%arg16 : memref<!tpu.dma_semaphore, #tpu.memory_space<semaphore_mem>>) src(%dma_wait3A_3371 : memref<1x768xf32, #tpu.memory_space<vmem>>) dst(%dma_wait3A_3368 : memref<1x768xf32, #tpu.memory_space<hbm>>)
      %dma_wait3A_3372 = arith.constant 0 : i32
      %dma_wait3A_3373 = arith.constant 0 : i32
      %dma_wait3A_3374 = tpu.memref_slice %arg12[%dma_wait3A_3372, %dma_wait3A_3373] : memref<8200x768xf32, #tpu.memory_space<hbm>> -> memref<1x768xf32, #tpu.memory_space<hbm>>
      %dma_wait3A_3375 = arith.constant 33 : i32
      %dma_wait3A_3376 = arith.constant 0 : i32
      %dma_wait3A_3377 = tpu.memref_slice %arg14[%dma_wait3A_3375, %dma_wait3A_3376] : memref<128x768xf32, #tpu.memory_space<vmem>> -> memref<1x768xf32, #tpu.memory_space<vmem>>
      tpu.wait_dma2 semaphore(%arg16 : memref<!tpu.dma_semaphore, #tpu.memory_space<semaphore_mem>>) src(%dma_wait3A_3377 : memref<1x768xf32, #tpu.memory_space<vmem>>) dst(%dma_wait3A_3374 : memref<1x768xf32, #tpu.memory_space<hbm>>)
      %dma_wait3A_3378 = arith.constant 0 : i32
      %dma_wait3A_3379 = arith.constant 0 : i32
      %dma_wait3A_3380 = tpu.memref_slice %arg12[%dma_wait3A_3378, %dma_wait3A_3379] : memref<8200x768xf32, #tpu.memory_space<hbm>> -> memref<1x768xf32, #tpu.memory_space<hbm>>
      %dma_wait3A_3381 = arith.constant 34 : i32
      %dma_wait3A_3382 = arith.constant 0 : i32
      %dma_wait3A_3383 = tpu.memref_slice %arg14[%dma_wait3A_3381, %dma_wait3A_3382] : memref<128x768xf32, #tpu.memory_space<vmem>> -> memref<1x768xf32, #tpu.memory_space<vmem>>
      tpu.wait_dma2 semaphore(%arg16 : memref<!tpu.dma_semaphore, #tpu.memory_space<semaphore_mem>>) src(%dma_wait3A_3383 : memref<1x768xf32, #tpu.memory_space<vmem>>) dst(%dma_wait3A_3380 : memref<1x768xf32, #tpu.memory_space<hbm>>)
      %dma_wait3A_3384 = arith.constant 0 : i32
      %dma_wait3A_3385 = arith.constant 0 : i32
      %dma_wait3A_3386 = tpu.memref_slice %arg12[%dma_wait3A_3384, %dma_wait3A_3385] : memref<8200x768xf32, #tpu.memory_space<hbm>> -> memref<1x768xf32, #tpu.memory_space<hbm>>
      %dma_wait3A_3387 = arith.constant 35 : i32
      %dma_wait3A_3388 = arith.constant 0 : i32
      %dma_wait3A_3389 = tpu.memref_slice %arg14[%dma_wait3A_3387, %dma_wait3A_3388] : memref<128x768xf32, #tpu.memory_space<vmem>> -> memref<1x768xf32, #tpu.memory_space<vmem>>
      tpu.wait_dma2 semaphore(%arg16 : memref<!tpu.dma_semaphore, #tpu.memory_space<semaphore_mem>>) src(%dma_wait3A_3389 : memref<1x768xf32, #tpu.memory_space<vmem>>) dst(%dma_wait3A_3386 : memref<1x768xf32, #tpu.memory_space<hbm>>)
      %dma_wait3A_3390 = arith.constant 0 : i32
      %dma_wait3A_3391 = arith.constant 0 : i32
      %dma_wait3A_3392 = tpu.memref_slice %arg12[%dma_wait3A_3390, %dma_wait3A_3391] : memref<8200x768xf32, #tpu.memory_space<hbm>> -> memref<1x768xf32, #tpu.memory_space<hbm>>
      %dma_wait3A_3393 = arith.constant 36 : i32
      %dma_wait3A_3394 = arith.constant 0 : i32
      %dma_wait3A_3395 = tpu.memref_slice %arg14[%dma_wait3A_3393, %dma_wait3A_3394] : memref<128x768xf32, #tpu.memory_space<vmem>> -> memref<1x768xf32, #tpu.memory_space<vmem>>
      tpu.wait_dma2 semaphore(%arg16 : memref<!tpu.dma_semaphore, #tpu.memory_space<semaphore_mem>>) src(%dma_wait3A_3395 : memref<1x768xf32, #tpu.memory_space<vmem>>) dst(%dma_wait3A_3392 : memref<1x768xf32, #tpu.memory_space<hbm>>)
      %dma_wait3A_3396 = arith.constant 0 : i32
      %dma_wait3A_3397 = arith.constant 0 : i32
      %dma_wait3A_3398 = tpu.memref_slice %arg12[%dma_wait3A_3396, %dma_wait3A_3397] : memref<8200x768xf32, #tpu.memory_space<hbm>> -> memref<1x768xf32, #tpu.memory_space<hbm>>
      %dma_wait3A_3399 = arith.constant 37 : i32
      %dma_wait3A_3400 = arith.constant 0 : i32
      %dma_wait3A_3401 = tpu.memref_slice %arg14[%dma_wait3A_3399, %dma_wait3A_3400] : memref<128x768xf32, #tpu.memory_space<vmem>> -> memref<1x768xf32, #tpu.memory_space<vmem>>
      tpu.wait_dma2 semaphore(%arg16 : memref<!tpu.dma_semaphore, #tpu.memory_space<semaphore_mem>>) src(%dma_wait3A_3401 : memref<1x768xf32, #tpu.memory_space<vmem>>) dst(%dma_wait3A_3398 : memref<1x768xf32, #tpu.memory_space<hbm>>)
      %dma_wait3A_3402 = arith.constant 0 : i32
      %dma_wait3A_3403 = arith.constant 0 : i32
      %dma_wait3A_3404 = tpu.memref_slice %arg12[%dma_wait3A_3402, %dma_wait3A_3403] : memref<8200x768xf32, #tpu.memory_space<hbm>> -> memref<1x768xf32, #tpu.memory_space<hbm>>
      %dma_wait3A_3405 = arith.constant 38 : i32
      %dma_wait3A_3406 = arith.constant 0 : i32
      %dma_wait3A_3407 = tpu.memref_slice %arg14[%dma_wait3A_3405, %dma_wait3A_3406] : memref<128x768xf32, #tpu.memory_space<vmem>> -> memref<1x768xf32, #tpu.memory_space<vmem>>
      tpu.wait_dma2 semaphore(%arg16 : memref<!tpu.dma_semaphore, #tpu.memory_space<semaphore_mem>>) src(%dma_wait3A_3407 : memref<1x768xf32, #tpu.memory_space<vmem>>) dst(%dma_wait3A_3404 : memref<1x768xf32, #tpu.memory_space<hbm>>)
      %dma_wait3A_3408 = arith.constant 0 : i32
      %dma_wait3A_3409 = arith.constant 0 : i32
      %dma_wait3A_3410 = tpu.memref_slice %arg12[%dma_wait3A_3408, %dma_wait3A_3409] : memref<8200x768xf32, #tpu.memory_space<hbm>> -> memref<1x768xf32, #tpu.memory_space<hbm>>
      %dma_wait3A_3411 = arith.constant 39 : i32
      %dma_wait3A_3412 = arith.constant 0 : i32
      %dma_wait3A_3413 = tpu.memref_slice %arg14[%dma_wait3A_3411, %dma_wait3A_3412] : memref<128x768xf32, #tpu.memory_space<vmem>> -> memref<1x768xf32, #tpu.memory_space<vmem>>
      tpu.wait_dma2 semaphore(%arg16 : memref<!tpu.dma_semaphore, #tpu.memory_space<semaphore_mem>>) src(%dma_wait3A_3413 : memref<1x768xf32, #tpu.memory_space<vmem>>) dst(%dma_wait3A_3410 : memref<1x768xf32, #tpu.memory_space<hbm>>)
      %dma_wait3A_3414 = arith.constant 0 : i32
      %dma_wait3A_3415 = arith.constant 0 : i32
      %dma_wait3A_3416 = tpu.memref_slice %arg12[%dma_wait3A_3414, %dma_wait3A_3415] : memref<8200x768xf32, #tpu.memory_space<hbm>> -> memref<1x768xf32, #tpu.memory_space<hbm>>
      %dma_wait3A_3417 = arith.constant 40 : i32
      %dma_wait3A_3418 = arith.constant 0 : i32
      %dma_wait3A_3419 = tpu.memref_slice %arg14[%dma_wait3A_3417, %dma_wait3A_3418] : memref<128x768xf32, #tpu.memory_space<vmem>> -> memref<1x768xf32, #tpu.memory_space<vmem>>
      tpu.wait_dma2 semaphore(%arg16 : memref<!tpu.dma_semaphore, #tpu.memory_space<semaphore_mem>>) src(%dma_wait3A_3419 : memref<1x768xf32, #tpu.memory_space<vmem>>) dst(%dma_wait3A_3416 : memref<1x768xf32, #tpu.memory_space<hbm>>)
      %dma_wait3A_3420 = arith.constant 0 : i32
      %dma_wait3A_3421 = arith.constant 0 : i32
      %dma_wait3A_3422 = tpu.memref_slice %arg12[%dma_wait3A_3420, %dma_wait3A_3421] : memref<8200x768xf32, #tpu.memory_space<hbm>> -> memref<1x768xf32, #tpu.memory_space<hbm>>
      %dma_wait3A_3423 = arith.constant 41 : i32
      %dma_wait3A_3424 = arith.constant 0 : i32
      %dma_wait3A_3425 = tpu.memref_slice %arg14[%dma_wait3A_3423, %dma_wait3A_3424] : memref<128x768xf32, #tpu.memory_space<vmem>> -> memref<1x768xf32, #tpu.memory_space<vmem>>
      tpu.wait_dma2 semaphore(%arg16 : memref<!tpu.dma_semaphore, #tpu.memory_space<semaphore_mem>>) src(%dma_wait3A_3425 : memref<1x768xf32, #tpu.memory_space<vmem>>) dst(%dma_wait3A_3422 : memref<1x768xf32, #tpu.memory_space<hbm>>)
      %dma_wait3A_3426 = arith.constant 0 : i32
      %dma_wait3A_3427 = arith.constant 0 : i32
      %dma_wait3A_3428 = tpu.memref_slice %arg12[%dma_wait3A_3426, %dma_wait3A_3427] : memref<8200x768xf32, #tpu.memory_space<hbm>> -> memref<1x768xf32, #tpu.memory_space<hbm>>
      %dma_wait3A_3429 = arith.constant 42 : i32
      %dma_wait3A_3430 = arith.constant 0 : i32
      %dma_wait3A_3431 = tpu.memref_slice %arg14[%dma_wait3A_3429, %dma_wait3A_3430] : memref<128x768xf32, #tpu.memory_space<vmem>> -> memref<1x768xf32, #tpu.memory_space<vmem>>
      tpu.wait_dma2 semaphore(%arg16 : memref<!tpu.dma_semaphore, #tpu.memory_space<semaphore_mem>>) src(%dma_wait3A_3431 : memref<1x768xf32, #tpu.memory_space<vmem>>) dst(%dma_wait3A_3428 : memref<1x768xf32, #tpu.memory_space<hbm>>)
      %dma_wait3A_3432 = arith.constant 0 : i32
      %dma_wait3A_3433 = arith.constant 0 : i32
      %dma_wait3A_3434 = tpu.memref_slice %arg12[%dma_wait3A_3432, %dma_wait3A_3433] : memref<8200x768xf32, #tpu.memory_space<hbm>> -> memref<1x768xf32, #tpu.memory_space<hbm>>
      %dma_wait3A_3435 = arith.constant 43 : i32
      %dma_wait3A_3436 = arith.constant 0 : i32
      %dma_wait3A_3437 = tpu.memref_slice %arg14[%dma_wait3A_3435, %dma_wait3A_3436] : memref<128x768xf32, #tpu.memory_space<vmem>> -> memref<1x768xf32, #tpu.memory_space<vmem>>
      tpu.wait_dma2 semaphore(%arg16 : memref<!tpu.dma_semaphore, #tpu.memory_space<semaphore_mem>>) src(%dma_wait3A_3437 : memref<1x768xf32, #tpu.memory_space<vmem>>) dst(%dma_wait3A_3434 : memref<1x768xf32, #tpu.memory_space<hbm>>)
      %dma_wait3A_3438 = arith.constant 0 : i32
      %dma_wait3A_3439 = arith.constant 0 : i32
      %dma_wait3A_3440 = tpu.memref_slice %arg12[%dma_wait3A_3438, %dma_wait3A_3439] : memref<8200x768xf32, #tpu.memory_space<hbm>> -> memref<1x768xf32, #tpu.memory_space<hbm>>
      %dma_wait3A_3441 = arith.constant 44 : i32
      %dma_wait3A_3442 = arith.constant 0 : i32
      %dma_wait3A_3443 = tpu.memref_slice %arg14[%dma_wait3A_3441, %dma_wait3A_3442] : memref<128x768xf32, #tpu.memory_space<vmem>> -> memref<1x768xf32, #tpu.memory_space<vmem>>
      tpu.wait_dma2 semaphore(%arg16 : memref<!tpu.dma_semaphore, #tpu.memory_space<semaphore_mem>>) src(%dma_wait3A_3443 : memref<1x768xf32, #tpu.memory_space<vmem>>) dst(%dma_wait3A_3440 : memref<1x768xf32, #tpu.memory_space<hbm>>)
      %dma_wait3A_3444 = arith.constant 0 : i32
      %dma_wait3A_3445 = arith.constant 0 : i32
      %dma_wait3A_3446 = tpu.memref_slice %arg12[%dma_wait3A_3444, %dma_wait3A_3445] : memref<8200x768xf32, #tpu.memory_space<hbm>> -> memref<1x768xf32, #tpu.memory_space<hbm>>
      %dma_wait3A_3447 = arith.constant 45 : i32
      %dma_wait3A_3448 = arith.constant 0 : i32
      %dma_wait3A_3449 = tpu.memref_slice %arg14[%dma_wait3A_3447, %dma_wait3A_3448] : memref<128x768xf32, #tpu.memory_space<vmem>> -> memref<1x768xf32, #tpu.memory_space<vmem>>
      tpu.wait_dma2 semaphore(%arg16 : memref<!tpu.dma_semaphore, #tpu.memory_space<semaphore_mem>>) src(%dma_wait3A_3449 : memref<1x768xf32, #tpu.memory_space<vmem>>) dst(%dma_wait3A_3446 : memref<1x768xf32, #tpu.memory_space<hbm>>)
      %dma_wait3A_3450 = arith.constant 0 : i32
      %dma_wait3A_3451 = arith.constant 0 : i32
      %dma_wait3A_3452 = tpu.memref_slice %arg12[%dma_wait3A_3450, %dma_wait3A_3451] : memref<8200x768xf32, #tpu.memory_space<hbm>> -> memref<1x768xf32, #tpu.memory_space<hbm>>
      %dma_wait3A_3453 = arith.constant 46 : i32
      %dma_wait3A_3454 = arith.constant 0 : i32
      %dma_wait3A_3455 = tpu.memref_slice %arg14[%dma_wait3A_3453, %dma_wait3A_3454] : memref<128x768xf32, #tpu.memory_space<vmem>> -> memref<1x768xf32, #tpu.memory_space<vmem>>
      tpu.wait_dma2 semaphore(%arg16 : memref<!tpu.dma_semaphore, #tpu.memory_space<semaphore_mem>>) src(%dma_wait3A_3455 : memref<1x768xf32, #tpu.memory_space<vmem>>) dst(%dma_wait3A_3452 : memref<1x768xf32, #tpu.memory_space<hbm>>)
      %dma_wait3A_3456 = arith.constant 0 : i32
      %dma_wait3A_3457 = arith.constant 0 : i32
      %dma_wait3A_3458 = tpu.memref_slice %arg12[%dma_wait3A_3456, %dma_wait3A_3457] : memref<8200x768xf32, #tpu.memory_space<hbm>> -> memref<1x768xf32, #tpu.memory_space<hbm>>
      %dma_wait3A_3459 = arith.constant 47 : i32
      %dma_wait3A_3460 = arith.constant 0 : i32
      %dma_wait3A_3461 = tpu.memref_slice %arg14[%dma_wait3A_3459, %dma_wait3A_3460] : memref<128x768xf32, #tpu.memory_space<vmem>> -> memref<1x768xf32, #tpu.memory_space<vmem>>
      tpu.wait_dma2 semaphore(%arg16 : memref<!tpu.dma_semaphore, #tpu.memory_space<semaphore_mem>>) src(%dma_wait3A_3461 : memref<1x768xf32, #tpu.memory_space<vmem>>) dst(%dma_wait3A_3458 : memref<1x768xf32, #tpu.memory_space<hbm>>)
      %dma_wait3A_3462 = arith.constant 0 : i32
      %dma_wait3A_3463 = arith.constant 0 : i32
      %dma_wait3A_3464 = tpu.memref_slice %arg12[%dma_wait3A_3462, %dma_wait3A_3463] : memref<8200x768xf32, #tpu.memory_space<hbm>> -> memref<1x768xf32, #tpu.memory_space<hbm>>
      %dma_wait3A_3465 = arith.constant 48 : i32
      %dma_wait3A_3466 = arith.constant 0 : i32
      %dma_wait3A_3467 = tpu.memref_slice %arg14[%dma_wait3A_3465, %dma_wait3A_3466] : memref<128x768xf32, #tpu.memory_space<vmem>> -> memref<1x768xf32, #tpu.memory_space<vmem>>
      tpu.wait_dma2 semaphore(%arg16 : memref<!tpu.dma_semaphore, #tpu.memory_space<semaphore_mem>>) src(%dma_wait3A_3467 : memref<1x768xf32, #tpu.memory_space<vmem>>) dst(%dma_wait3A_3464 : memref<1x768xf32, #tpu.memory_space<hbm>>)
      %dma_wait3A_3468 = arith.constant 0 : i32
      %dma_wait3A_3469 = arith.constant 0 : i32
      %dma_wait3A_3470 = tpu.memref_slice %arg12[%dma_wait3A_3468, %dma_wait3A_3469] : memref<8200x768xf32, #tpu.memory_space<hbm>> -> memref<1x768xf32, #tpu.memory_space<hbm>>
      %dma_wait3A_3471 = arith.constant 49 : i32
      %dma_wait3A_3472 = arith.constant 0 : i32
      %dma_wait3A_3473 = tpu.memref_slice %arg14[%dma_wait3A_3471, %dma_wait3A_3472] : memref<128x768xf32, #tpu.memory_space<vmem>> -> memref<1x768xf32, #tpu.memory_space<vmem>>
      tpu.wait_dma2 semaphore(%arg16 : memref<!tpu.dma_semaphore, #tpu.memory_space<semaphore_mem>>) src(%dma_wait3A_3473 : memref<1x768xf32, #tpu.memory_space<vmem>>) dst(%dma_wait3A_3470 : memref<1x768xf32, #tpu.memory_space<hbm>>)
      %dma_wait3A_3474 = arith.constant 0 : i32
      %dma_wait3A_3475 = arith.constant 0 : i32
      %dma_wait3A_3476 = tpu.memref_slice %arg12[%dma_wait3A_3474, %dma_wait3A_3475] : memref<8200x768xf32, #tpu.memory_space<hbm>> -> memref<1x768xf32, #tpu.memory_space<hbm>>
      %dma_wait3A_3477 = arith.constant 50 : i32
      %dma_wait3A_3478 = arith.constant 0 : i32
      %dma_wait3A_3479 = tpu.memref_slice %arg14[%dma_wait3A_3477, %dma_wait3A_3478] : memref<128x768xf32, #tpu.memory_space<vmem>> -> memref<1x768xf32, #tpu.memory_space<vmem>>
      tpu.wait_dma2 semaphore(%arg16 : memref<!tpu.dma_semaphore, #tpu.memory_space<semaphore_mem>>) src(%dma_wait3A_3479 : memref<1x768xf32, #tpu.memory_space<vmem>>) dst(%dma_wait3A_3476 : memref<1x768xf32, #tpu.memory_space<hbm>>)
      %dma_wait3A_3480 = arith.constant 0 : i32
      %dma_wait3A_3481 = arith.constant 0 : i32
      %dma_wait3A_3482 = tpu.memref_slice %arg12[%dma_wait3A_3480, %dma_wait3A_3481] : memref<8200x768xf32, #tpu.memory_space<hbm>> -> memref<1x768xf32, #tpu.memory_space<hbm>>
      %dma_wait3A_3483 = arith.constant 51 : i32
      %dma_wait3A_3484 = arith.constant 0 : i32
      %dma_wait3A_3485 = tpu.memref_slice %arg14[%dma_wait3A_3483, %dma_wait3A_3484] : memref<128x768xf32, #tpu.memory_space<vmem>> -> memref<1x768xf32, #tpu.memory_space<vmem>>
      tpu.wait_dma2 semaphore(%arg16 : memref<!tpu.dma_semaphore, #tpu.memory_space<semaphore_mem>>) src(%dma_wait3A_3485 : memref<1x768xf32, #tpu.memory_space<vmem>>) dst(%dma_wait3A_3482 : memref<1x768xf32, #tpu.memory_space<hbm>>)
      %dma_wait3A_3486 = arith.constant 0 : i32
      %dma_wait3A_3487 = arith.constant 0 : i32
      %dma_wait3A_3488 = tpu.memref_slice %arg12[%dma_wait3A_3486, %dma_wait3A_3487] : memref<8200x768xf32, #tpu.memory_space<hbm>> -> memref<1x768xf32, #tpu.memory_space<hbm>>
      %dma_wait3A_3489 = arith.constant 52 : i32
      %dma_wait3A_3490 = arith.constant 0 : i32
      %dma_wait3A_3491 = tpu.memref_slice %arg14[%dma_wait3A_3489, %dma_wait3A_3490] : memref<128x768xf32, #tpu.memory_space<vmem>> -> memref<1x768xf32, #tpu.memory_space<vmem>>
      tpu.wait_dma2 semaphore(%arg16 : memref<!tpu.dma_semaphore, #tpu.memory_space<semaphore_mem>>) src(%dma_wait3A_3491 : memref<1x768xf32, #tpu.memory_space<vmem>>) dst(%dma_wait3A_3488 : memref<1x768xf32, #tpu.memory_space<hbm>>)
      %dma_wait3A_3492 = arith.constant 0 : i32
      %dma_wait3A_3493 = arith.constant 0 : i32
      %dma_wait3A_3494 = tpu.memref_slice %arg12[%dma_wait3A_3492, %dma_wait3A_3493] : memref<8200x768xf32, #tpu.memory_space<hbm>> -> memref<1x768xf32, #tpu.memory_space<hbm>>
      %dma_wait3A_3495 = arith.constant 53 : i32
      %dma_wait3A_3496 = arith.constant 0 : i32
      %dma_wait3A_3497 = tpu.memref_slice %arg14[%dma_wait3A_3495, %dma_wait3A_3496] : memref<128x768xf32, #tpu.memory_space<vmem>> -> memref<1x768xf32, #tpu.memory_space<vmem>>
      tpu.wait_dma2 semaphore(%arg16 : memref<!tpu.dma_semaphore, #tpu.memory_space<semaphore_mem>>) src(%dma_wait3A_3497 : memref<1x768xf32, #tpu.memory_space<vmem>>) dst(%dma_wait3A_3494 : memref<1x768xf32, #tpu.memory_space<hbm>>)
      %dma_wait3A_3498 = arith.constant 0 : i32
      %dma_wait3A_3499 = arith.constant 0 : i32
      %dma_wait3A_3500 = tpu.memref_slice %arg12[%dma_wait3A_3498, %dma_wait3A_3499] : memref<8200x768xf32, #tpu.memory_space<hbm>> -> memref<1x768xf32, #tpu.memory_space<hbm>>
      %dma_wait3A_3501 = arith.constant 54 : i32
      %dma_wait3A_3502 = arith.constant 0 : i32
      %dma_wait3A_3503 = tpu.memref_slice %arg14[%dma_wait3A_3501, %dma_wait3A_3502] : memref<128x768xf32, #tpu.memory_space<vmem>> -> memref<1x768xf32, #tpu.memory_space<vmem>>
      tpu.wait_dma2 semaphore(%arg16 : memref<!tpu.dma_semaphore, #tpu.memory_space<semaphore_mem>>) src(%dma_wait3A_3503 : memref<1x768xf32, #tpu.memory_space<vmem>>) dst(%dma_wait3A_3500 : memref<1x768xf32, #tpu.memory_space<hbm>>)
      %dma_wait3A_3504 = arith.constant 0 : i32
      %dma_wait3A_3505 = arith.constant 0 : i32
      %dma_wait3A_3506 = tpu.memref_slice %arg12[%dma_wait3A_3504, %dma_wait3A_3505] : memref<8200x768xf32, #tpu.memory_space<hbm>> -> memref<1x768xf32, #tpu.memory_space<hbm>>
      %dma_wait3A_3507 = arith.constant 55 : i32
      %dma_wait3A_3508 = arith.constant 0 : i32
      %dma_wait3A_3509 = tpu.memref_slice %arg14[%dma_wait3A_3507, %dma_wait3A_3508] : memref<128x768xf32, #tpu.memory_space<vmem>> -> memref<1x768xf32, #tpu.memory_space<vmem>>
      tpu.wait_dma2 semaphore(%arg16 : memref<!tpu.dma_semaphore, #tpu.memory_space<semaphore_mem>>) src(%dma_wait3A_3509 : memref<1x768xf32, #tpu.memory_space<vmem>>) dst(%dma_wait3A_3506 : memref<1x768xf32, #tpu.memory_space<hbm>>)
      %dma_wait3A_3510 = arith.constant 0 : i32
      %dma_wait3A_3511 = arith.constant 0 : i32
      %dma_wait3A_3512 = tpu.memref_slice %arg12[%dma_wait3A_3510, %dma_wait3A_3511] : memref<8200x768xf32, #tpu.memory_space<hbm>> -> memref<1x768xf32, #tpu.memory_space<hbm>>
      %dma_wait3A_3513 = arith.constant 56 : i32
      %dma_wait3A_3514 = arith.constant 0 : i32
      %dma_wait3A_3515 = tpu.memref_slice %arg14[%dma_wait3A_3513, %dma_wait3A_3514] : memref<128x768xf32, #tpu.memory_space<vmem>> -> memref<1x768xf32, #tpu.memory_space<vmem>>
      tpu.wait_dma2 semaphore(%arg16 : memref<!tpu.dma_semaphore, #tpu.memory_space<semaphore_mem>>) src(%dma_wait3A_3515 : memref<1x768xf32, #tpu.memory_space<vmem>>) dst(%dma_wait3A_3512 : memref<1x768xf32, #tpu.memory_space<hbm>>)
      %dma_wait3A_3516 = arith.constant 0 : i32
      %dma_wait3A_3517 = arith.constant 0 : i32
      %dma_wait3A_3518 = tpu.memref_slice %arg12[%dma_wait3A_3516, %dma_wait3A_3517] : memref<8200x768xf32, #tpu.memory_space<hbm>> -> memref<1x768xf32, #tpu.memory_space<hbm>>
      %dma_wait3A_3519 = arith.constant 57 : i32
      %dma_wait3A_3520 = arith.constant 0 : i32
      %dma_wait3A_3521 = tpu.memref_slice %arg14[%dma_wait3A_3519, %dma_wait3A_3520] : memref<128x768xf32, #tpu.memory_space<vmem>> -> memref<1x768xf32, #tpu.memory_space<vmem>>
      tpu.wait_dma2 semaphore(%arg16 : memref<!tpu.dma_semaphore, #tpu.memory_space<semaphore_mem>>) src(%dma_wait3A_3521 : memref<1x768xf32, #tpu.memory_space<vmem>>) dst(%dma_wait3A_3518 : memref<1x768xf32, #tpu.memory_space<hbm>>)
      %dma_wait3A_3522 = arith.constant 0 : i32
      %dma_wait3A_3523 = arith.constant 0 : i32
      %dma_wait3A_3524 = tpu.memref_slice %arg12[%dma_wait3A_3522, %dma_wait3A_3523] : memref<8200x768xf32, #tpu.memory_space<hbm>> -> memref<1x768xf32, #tpu.memory_space<hbm>>
      %dma_wait3A_3525 = arith.constant 58 : i32
      %dma_wait3A_3526 = arith.constant 0 : i32
      %dma_wait3A_3527 = tpu.memref_slice %arg14[%dma_wait3A_3525, %dma_wait3A_3526] : memref<128x768xf32, #tpu.memory_space<vmem>> -> memref<1x768xf32, #tpu.memory_space<vmem>>
      tpu.wait_dma2 semaphore(%arg16 : memref<!tpu.dma_semaphore, #tpu.memory_space<semaphore_mem>>) src(%dma_wait3A_3527 : memref<1x768xf32, #tpu.memory_space<vmem>>) dst(%dma_wait3A_3524 : memref<1x768xf32, #tpu.memory_space<hbm>>)
      %dma_wait3A_3528 = arith.constant 0 : i32
      %dma_wait3A_3529 = arith.constant 0 : i32
      %dma_wait3A_3530 = tpu.memref_slice %arg12[%dma_wait3A_3528, %dma_wait3A_3529] : memref<8200x768xf32, #tpu.memory_space<hbm>> -> memref<1x768xf32, #tpu.memory_space<hbm>>
      %dma_wait3A_3531 = arith.constant 59 : i32
      %dma_wait3A_3532 = arith.constant 0 : i32
      %dma_wait3A_3533 = tpu.memref_slice %arg14[%dma_wait3A_3531, %dma_wait3A_3532] : memref<128x768xf32, #tpu.memory_space<vmem>> -> memref<1x768xf32, #tpu.memory_space<vmem>>
      tpu.wait_dma2 semaphore(%arg16 : memref<!tpu.dma_semaphore, #tpu.memory_space<semaphore_mem>>) src(%dma_wait3A_3533 : memref<1x768xf32, #tpu.memory_space<vmem>>) dst(%dma_wait3A_3530 : memref<1x768xf32, #tpu.memory_space<hbm>>)
      %dma_wait3A_3534 = arith.constant 0 : i32
      %dma_wait3A_3535 = arith.constant 0 : i32
      %dma_wait3A_3536 = tpu.memref_slice %arg12[%dma_wait3A_3534, %dma_wait3A_3535] : memref<8200x768xf32, #tpu.memory_space<hbm>> -> memref<1x768xf32, #tpu.memory_space<hbm>>
      %dma_wait3A_3537 = arith.constant 60 : i32
      %dma_wait3A_3538 = arith.constant 0 : i32
      %dma_wait3A_3539 = tpu.memref_slice %arg14[%dma_wait3A_3537, %dma_wait3A_3538] : memref<128x768xf32, #tpu.memory_space<vmem>> -> memref<1x768xf32, #tpu.memory_space<vmem>>
      tpu.wait_dma2 semaphore(%arg16 : memref<!tpu.dma_semaphore, #tpu.memory_space<semaphore_mem>>) src(%dma_wait3A_3539 : memref<1x768xf32, #tpu.memory_space<vmem>>) dst(%dma_wait3A_3536 : memref<1x768xf32, #tpu.memory_space<hbm>>)
      %dma_wait3A_3540 = arith.constant 0 : i32
      %dma_wait3A_3541 = arith.constant 0 : i32
      %dma_wait3A_3542 = tpu.memref_slice %arg12[%dma_wait3A_3540, %dma_wait3A_3541] : memref<8200x768xf32, #tpu.memory_space<hbm>> -> memref<1x768xf32, #tpu.memory_space<hbm>>
      %dma_wait3A_3543 = arith.constant 61 : i32
      %dma_wait3A_3544 = arith.constant 0 : i32
      %dma_wait3A_3545 = tpu.memref_slice %arg14[%dma_wait3A_3543, %dma_wait3A_3544] : memref<128x768xf32, #tpu.memory_space<vmem>> -> memref<1x768xf32, #tpu.memory_space<vmem>>
      tpu.wait_dma2 semaphore(%arg16 : memref<!tpu.dma_semaphore, #tpu.memory_space<semaphore_mem>>) src(%dma_wait3A_3545 : memref<1x768xf32, #tpu.memory_space<vmem>>) dst(%dma_wait3A_3542 : memref<1x768xf32, #tpu.memory_space<hbm>>)
      %dma_wait3A_3546 = arith.constant 0 : i32
      %dma_wait3A_3547 = arith.constant 0 : i32
      %dma_wait3A_3548 = tpu.memref_slice %arg12[%dma_wait3A_3546, %dma_wait3A_3547] : memref<8200x768xf32, #tpu.memory_space<hbm>> -> memref<1x768xf32, #tpu.memory_space<hbm>>
      %dma_wait3A_3549 = arith.constant 62 : i32
      %dma_wait3A_3550 = arith.constant 0 : i32
      %dma_wait3A_3551 = tpu.memref_slice %arg14[%dma_wait3A_3549, %dma_wait3A_3550] : memref<128x768xf32, #tpu.memory_space<vmem>> -> memref<1x768xf32, #tpu.memory_space<vmem>>
      tpu.wait_dma2 semaphore(%arg16 : memref<!tpu.dma_semaphore, #tpu.memory_space<semaphore_mem>>) src(%dma_wait3A_3551 : memref<1x768xf32, #tpu.memory_space<vmem>>) dst(%dma_wait3A_3548 : memref<1x768xf32, #tpu.memory_space<hbm>>)
      %dma_wait3A_3552 = arith.constant 0 : i32
      %dma_wait3A_3553 = arith.constant 0 : i32
      %dma_wait3A_3554 = tpu.memref_slice %arg12[%dma_wait3A_3552, %dma_wait3A_3553] : memref<8200x768xf32, #tpu.memory_space<hbm>> -> memref<1x768xf32, #tpu.memory_space<hbm>>
      %dma_wait3A_3555 = arith.constant 63 : i32
      %dma_wait3A_3556 = arith.constant 0 : i32
      %dma_wait3A_3557 = tpu.memref_slice %arg14[%dma_wait3A_3555, %dma_wait3A_3556] : memref<128x768xf32, #tpu.memory_space<vmem>> -> memref<1x768xf32, #tpu.memory_space<vmem>>
      tpu.wait_dma2 semaphore(%arg16 : memref<!tpu.dma_semaphore, #tpu.memory_space<semaphore_mem>>) src(%dma_wait3A_3557 : memref<1x768xf32, #tpu.memory_space<vmem>>) dst(%dma_wait3A_3554 : memref<1x768xf32, #tpu.memory_space<hbm>>)
      %dma_wait3A_3558 = arith.constant 0 : i32
      %dma_wait3A_3559 = arith.constant 0 : i32
      %dma_wait3A_3560 = tpu.memref_slice %arg12[%dma_wait3A_3558, %dma_wait3A_3559] : memref<8200x768xf32, #tpu.memory_space<hbm>> -> memref<1x768xf32, #tpu.memory_space<hbm>>
      %dma_wait3A_3561 = arith.constant 64 : i32
      %dma_wait3A_3562 = arith.constant 0 : i32
      %dma_wait3A_3563 = tpu.memref_slice %arg14[%dma_wait3A_3561, %dma_wait3A_3562] : memref<128x768xf32, #tpu.memory_space<vmem>> -> memref<1x768xf32, #tpu.memory_space<vmem>>
      tpu.wait_dma2 semaphore(%arg16 : memref<!tpu.dma_semaphore, #tpu.memory_space<semaphore_mem>>) src(%dma_wait3A_3563 : memref<1x768xf32, #tpu.memory_space<vmem>>) dst(%dma_wait3A_3560 : memref<1x768xf32, #tpu.memory_space<hbm>>)
      %dma_wait3A_3564 = arith.constant 0 : i32
      %dma_wait3A_3565 = arith.constant 0 : i32
      %dma_wait3A_3566 = tpu.memref_slice %arg12[%dma_wait3A_3564, %dma_wait3A_3565] : memref<8200x768xf32, #tpu.memory_space<hbm>> -> memref<1x768xf32, #tpu.memory_space<hbm>>
      %dma_wait3A_3567 = arith.constant 65 : i32
      %dma_wait3A_3568 = arith.constant 0 : i32
      %dma_wait3A_3569 = tpu.memref_slice %arg14[%dma_wait3A_3567, %dma_wait3A_3568] : memref<128x768xf32, #tpu.memory_space<vmem>> -> memref<1x768xf32, #tpu.memory_space<vmem>>
      tpu.wait_dma2 semaphore(%arg16 : memref<!tpu.dma_semaphore, #tpu.memory_space<semaphore_mem>>) src(%dma_wait3A_3569 : memref<1x768xf32, #tpu.memory_space<vmem>>) dst(%dma_wait3A_3566 : memref<1x768xf32, #tpu.memory_space<hbm>>)
      %dma_wait3A_3570 = arith.constant 0 : i32
      %dma_wait3A_3571 = arith.constant 0 : i32
      %dma_wait3A_3572 = tpu.memref_slice %arg12[%dma_wait3A_3570, %dma_wait3A_3571] : memref<8200x768xf32, #tpu.memory_space<hbm>> -> memref<1x768xf32, #tpu.memory_space<hbm>>
      %dma_wait3A_3573 = arith.constant 66 : i32
      %dma_wait3A_3574 = arith.constant 0 : i32
      %dma_wait3A_3575 = tpu.memref_slice %arg14[%dma_wait3A_3573, %dma_wait3A_3574] : memref<128x768xf32, #tpu.memory_space<vmem>> -> memref<1x768xf32, #tpu.memory_space<vmem>>
      tpu.wait_dma2 semaphore(%arg16 : memref<!tpu.dma_semaphore, #tpu.memory_space<semaphore_mem>>) src(%dma_wait3A_3575 : memref<1x768xf32, #tpu.memory_space<vmem>>) dst(%dma_wait3A_3572 : memref<1x768xf32, #tpu.memory_space<hbm>>)
      %dma_wait3A_3576 = arith.constant 0 : i32
      %dma_wait3A_3577 = arith.constant 0 : i32
      %dma_wait3A_3578 = tpu.memref_slice %arg12[%dma_wait3A_3576, %dma_wait3A_3577] : memref<8200x768xf32, #tpu.memory_space<hbm>> -> memref<1x768xf32, #tpu.memory_space<hbm>>
      %dma_wait3A_3579 = arith.constant 67 : i32
      %dma_wait3A_3580 = arith.constant 0 : i32
      %dma_wait3A_3581 = tpu.memref_slice %arg14[%dma_wait3A_3579, %dma_wait3A_3580] : memref<128x768xf32, #tpu.memory_space<vmem>> -> memref<1x768xf32, #tpu.memory_space<vmem>>
      tpu.wait_dma2 semaphore(%arg16 : memref<!tpu.dma_semaphore, #tpu.memory_space<semaphore_mem>>) src(%dma_wait3A_3581 : memref<1x768xf32, #tpu.memory_space<vmem>>) dst(%dma_wait3A_3578 : memref<1x768xf32, #tpu.memory_space<hbm>>)
      %dma_wait3A_3582 = arith.constant 0 : i32
      %dma_wait3A_3583 = arith.constant 0 : i32
      %dma_wait3A_3584 = tpu.memref_slice %arg12[%dma_wait3A_3582, %dma_wait3A_3583] : memref<8200x768xf32, #tpu.memory_space<hbm>> -> memref<1x768xf32, #tpu.memory_space<hbm>>
      %dma_wait3A_3585 = arith.constant 68 : i32
      %dma_wait3A_3586 = arith.constant 0 : i32
      %dma_wait3A_3587 = tpu.memref_slice %arg14[%dma_wait3A_3585, %dma_wait3A_3586] : memref<128x768xf32, #tpu.memory_space<vmem>> -> memref<1x768xf32, #tpu.memory_space<vmem>>
      tpu.wait_dma2 semaphore(%arg16 : memref<!tpu.dma_semaphore, #tpu.memory_space<semaphore_mem>>) src(%dma_wait3A_3587 : memref<1x768xf32, #tpu.memory_space<vmem>>) dst(%dma_wait3A_3584 : memref<1x768xf32, #tpu.memory_space<hbm>>)
      %dma_wait3A_3588 = arith.constant 0 : i32
      %dma_wait3A_3589 = arith.constant 0 : i32
      %dma_wait3A_3590 = tpu.memref_slice %arg12[%dma_wait3A_3588, %dma_wait3A_3589] : memref<8200x768xf32, #tpu.memory_space<hbm>> -> memref<1x768xf32, #tpu.memory_space<hbm>>
      %dma_wait3A_3591 = arith.constant 69 : i32
      %dma_wait3A_3592 = arith.constant 0 : i32
      %dma_wait3A_3593 = tpu.memref_slice %arg14[%dma_wait3A_3591, %dma_wait3A_3592] : memref<128x768xf32, #tpu.memory_space<vmem>> -> memref<1x768xf32, #tpu.memory_space<vmem>>
      tpu.wait_dma2 semaphore(%arg16 : memref<!tpu.dma_semaphore, #tpu.memory_space<semaphore_mem>>) src(%dma_wait3A_3593 : memref<1x768xf32, #tpu.memory_space<vmem>>) dst(%dma_wait3A_3590 : memref<1x768xf32, #tpu.memory_space<hbm>>)
      %dma_wait3A_3594 = arith.constant 0 : i32
      %dma_wait3A_3595 = arith.constant 0 : i32
      %dma_wait3A_3596 = tpu.memref_slice %arg12[%dma_wait3A_3594, %dma_wait3A_3595] : memref<8200x768xf32, #tpu.memory_space<hbm>> -> memref<1x768xf32, #tpu.memory_space<hbm>>
      %dma_wait3A_3597 = arith.constant 70 : i32
      %dma_wait3A_3598 = arith.constant 0 : i32
      %dma_wait3A_3599 = tpu.memref_slice %arg14[%dma_wait3A_3597, %dma_wait3A_3598] : memref<128x768xf32, #tpu.memory_space<vmem>> -> memref<1x768xf32, #tpu.memory_space<vmem>>
      tpu.wait_dma2 semaphore(%arg16 : memref<!tpu.dma_semaphore, #tpu.memory_space<semaphore_mem>>) src(%dma_wait3A_3599 : memref<1x768xf32, #tpu.memory_space<vmem>>) dst(%dma_wait3A_3596 : memref<1x768xf32, #tpu.memory_space<hbm>>)
      %dma_wait3A_3600 = arith.constant 0 : i32
      %dma_wait3A_3601 = arith.constant 0 : i32
      %dma_wait3A_3602 = tpu.memref_slice %arg12[%dma_wait3A_3600, %dma_wait3A_3601] : memref<8200x768xf32, #tpu.memory_space<hbm>> -> memref<1x768xf32, #tpu.memory_space<hbm>>
      %dma_wait3A_3603 = arith.constant 71 : i32
      %dma_wait3A_3604 = arith.constant 0 : i32
      %dma_wait3A_3605 = tpu.memref_slice %arg14[%dma_wait3A_3603, %dma_wait3A_3604] : memref<128x768xf32, #tpu.memory_space<vmem>> -> memref<1x768xf32, #tpu.memory_space<vmem>>
      tpu.wait_dma2 semaphore(%arg16 : memref<!tpu.dma_semaphore, #tpu.memory_space<semaphore_mem>>) src(%dma_wait3A_3605 : memref<1x768xf32, #tpu.memory_space<vmem>>) dst(%dma_wait3A_3602 : memref<1x768xf32, #tpu.memory_space<hbm>>)
      %dma_wait3A_3606 = arith.constant 0 : i32
      %dma_wait3A_3607 = arith.constant 0 : i32
      %dma_wait3A_3608 = tpu.memref_slice %arg12[%dma_wait3A_3606, %dma_wait3A_3607] : memref<8200x768xf32, #tpu.memory_space<hbm>> -> memref<1x768xf32, #tpu.memory_space<hbm>>
      %dma_wait3A_3609 = arith.constant 72 : i32
      %dma_wait3A_3610 = arith.constant 0 : i32
      %dma_wait3A_3611 = tpu.memref_slice %arg14[%dma_wait3A_3609, %dma_wait3A_3610] : memref<128x768xf32, #tpu.memory_space<vmem>> -> memref<1x768xf32, #tpu.memory_space<vmem>>
      tpu.wait_dma2 semaphore(%arg16 : memref<!tpu.dma_semaphore, #tpu.memory_space<semaphore_mem>>) src(%dma_wait3A_3611 : memref<1x768xf32, #tpu.memory_space<vmem>>) dst(%dma_wait3A_3608 : memref<1x768xf32, #tpu.memory_space<hbm>>)
      %dma_wait3A_3612 = arith.constant 0 : i32
      %dma_wait3A_3613 = arith.constant 0 : i32
      %dma_wait3A_3614 = tpu.memref_slice %arg12[%dma_wait3A_3612, %dma_wait3A_3613] : memref<8200x768xf32, #tpu.memory_space<hbm>> -> memref<1x768xf32, #tpu.memory_space<hbm>>
      %dma_wait3A_3615 = arith.constant 73 : i32
      %dma_wait3A_3616 = arith.constant 0 : i32
      %dma_wait3A_3617 = tpu.memref_slice %arg14[%dma_wait3A_3615, %dma_wait3A_3616] : memref<128x768xf32, #tpu.memory_space<vmem>> -> memref<1x768xf32, #tpu.memory_space<vmem>>
      tpu.wait_dma2 semaphore(%arg16 : memref<!tpu.dma_semaphore, #tpu.memory_space<semaphore_mem>>) src(%dma_wait3A_3617 : memref<1x768xf32, #tpu.memory_space<vmem>>) dst(%dma_wait3A_3614 : memref<1x768xf32, #tpu.memory_space<hbm>>)
      %dma_wait3A_3618 = arith.constant 0 : i32
      %dma_wait3A_3619 = arith.constant 0 : i32
      %dma_wait3A_3620 = tpu.memref_slice %arg12[%dma_wait3A_3618, %dma_wait3A_3619] : memref<8200x768xf32, #tpu.memory_space<hbm>> -> memref<1x768xf32, #tpu.memory_space<hbm>>
      %dma_wait3A_3621 = arith.constant 74 : i32
      %dma_wait3A_3622 = arith.constant 0 : i32
      %dma_wait3A_3623 = tpu.memref_slice %arg14[%dma_wait3A_3621, %dma_wait3A_3622] : memref<128x768xf32, #tpu.memory_space<vmem>> -> memref<1x768xf32, #tpu.memory_space<vmem>>
      tpu.wait_dma2 semaphore(%arg16 : memref<!tpu.dma_semaphore, #tpu.memory_space<semaphore_mem>>) src(%dma_wait3A_3623 : memref<1x768xf32, #tpu.memory_space<vmem>>) dst(%dma_wait3A_3620 : memref<1x768xf32, #tpu.memory_space<hbm>>)
      %dma_wait3A_3624 = arith.constant 0 : i32
      %dma_wait3A_3625 = arith.constant 0 : i32
      %dma_wait3A_3626 = tpu.memref_slice %arg12[%dma_wait3A_3624, %dma_wait3A_3625] : memref<8200x768xf32, #tpu.memory_space<hbm>> -> memref<1x768xf32, #tpu.memory_space<hbm>>
      %dma_wait3A_3627 = arith.constant 75 : i32
      %dma_wait3A_3628 = arith.constant 0 : i32
      %dma_wait3A_3629 = tpu.memref_slice %arg14[%dma_wait3A_3627, %dma_wait3A_3628] : memref<128x768xf32, #tpu.memory_space<vmem>> -> memref<1x768xf32, #tpu.memory_space<vmem>>
      tpu.wait_dma2 semaphore(%arg16 : memref<!tpu.dma_semaphore, #tpu.memory_space<semaphore_mem>>) src(%dma_wait3A_3629 : memref<1x768xf32, #tpu.memory_space<vmem>>) dst(%dma_wait3A_3626 : memref<1x768xf32, #tpu.memory_space<hbm>>)
      %dma_wait3A_3630 = arith.constant 0 : i32
      %dma_wait3A_3631 = arith.constant 0 : i32
      %dma_wait3A_3632 = tpu.memref_slice %arg12[%dma_wait3A_3630, %dma_wait3A_3631] : memref<8200x768xf32, #tpu.memory_space<hbm>> -> memref<1x768xf32, #tpu.memory_space<hbm>>
      %dma_wait3A_3633 = arith.constant 76 : i32
      %dma_wait3A_3634 = arith.constant 0 : i32
      %dma_wait3A_3635 = tpu.memref_slice %arg14[%dma_wait3A_3633, %dma_wait3A_3634] : memref<128x768xf32, #tpu.memory_space<vmem>> -> memref<1x768xf32, #tpu.memory_space<vmem>>
      tpu.wait_dma2 semaphore(%arg16 : memref<!tpu.dma_semaphore, #tpu.memory_space<semaphore_mem>>) src(%dma_wait3A_3635 : memref<1x768xf32, #tpu.memory_space<vmem>>) dst(%dma_wait3A_3632 : memref<1x768xf32, #tpu.memory_space<hbm>>)
      %dma_wait3A_3636 = arith.constant 0 : i32
      %dma_wait3A_3637 = arith.constant 0 : i32
      %dma_wait3A_3638 = tpu.memref_slice %arg12[%dma_wait3A_3636, %dma_wait3A_3637] : memref<8200x768xf32, #tpu.memory_space<hbm>> -> memref<1x768xf32, #tpu.memory_space<hbm>>
      %dma_wait3A_3639 = arith.constant 77 : i32
      %dma_wait3A_3640 = arith.constant 0 : i32
      %dma_wait3A_3641 = tpu.memref_slice %arg14[%dma_wait3A_3639, %dma_wait3A_3640] : memref<128x768xf32, #tpu.memory_space<vmem>> -> memref<1x768xf32, #tpu.memory_space<vmem>>
      tpu.wait_dma2 semaphore(%arg16 : memref<!tpu.dma_semaphore, #tpu.memory_space<semaphore_mem>>) src(%dma_wait3A_3641 : memref<1x768xf32, #tpu.memory_space<vmem>>) dst(%dma_wait3A_3638 : memref<1x768xf32, #tpu.memory_space<hbm>>)
      %dma_wait3A_3642 = arith.constant 0 : i32
      %dma_wait3A_3643 = arith.constant 0 : i32
      %dma_wait3A_3644 = tpu.memref_slice %arg12[%dma_wait3A_3642, %dma_wait3A_3643] : memref<8200x768xf32, #tpu.memory_space<hbm>> -> memref<1x768xf32, #tpu.memory_space<hbm>>
      %dma_wait3A_3645 = arith.constant 78 : i32
      %dma_wait3A_3646 = arith.constant 0 : i32
      %dma_wait3A_3647 = tpu.memref_slice %arg14[%dma_wait3A_3645, %dma_wait3A_3646] : memref<128x768xf32, #tpu.memory_space<vmem>> -> memref<1x768xf32, #tpu.memory_space<vmem>>
      tpu.wait_dma2 semaphore(%arg16 : memref<!tpu.dma_semaphore, #tpu.memory_space<semaphore_mem>>) src(%dma_wait3A_3647 : memref<1x768xf32, #tpu.memory_space<vmem>>) dst(%dma_wait3A_3644 : memref<1x768xf32, #tpu.memory_space<hbm>>)
      %dma_wait3A_3648 = arith.constant 0 : i32
      %dma_wait3A_3649 = arith.constant 0 : i32
      %dma_wait3A_3650 = tpu.memref_slice %arg12[%dma_wait3A_3648, %dma_wait3A_3649] : memref<8200x768xf32, #tpu.memory_space<hbm>> -> memref<1x768xf32, #tpu.memory_space<hbm>>
      %dma_wait3A_3651 = arith.constant 79 : i32
      %dma_wait3A_3652 = arith.constant 0 : i32
      %dma_wait3A_3653 = tpu.memref_slice %arg14[%dma_wait3A_3651, %dma_wait3A_3652] : memref<128x768xf32, #tpu.memory_space<vmem>> -> memref<1x768xf32, #tpu.memory_space<vmem>>
      tpu.wait_dma2 semaphore(%arg16 : memref<!tpu.dma_semaphore, #tpu.memory_space<semaphore_mem>>) src(%dma_wait3A_3653 : memref<1x768xf32, #tpu.memory_space<vmem>>) dst(%dma_wait3A_3650 : memref<1x768xf32, #tpu.memory_space<hbm>>)
      %dma_wait3A_3654 = arith.constant 0 : i32
      %dma_wait3A_3655 = arith.constant 0 : i32
      %dma_wait3A_3656 = tpu.memref_slice %arg12[%dma_wait3A_3654, %dma_wait3A_3655] : memref<8200x768xf32, #tpu.memory_space<hbm>> -> memref<1x768xf32, #tpu.memory_space<hbm>>
      %dma_wait3A_3657 = arith.constant 80 : i32
      %dma_wait3A_3658 = arith.constant 0 : i32
      %dma_wait3A_3659 = tpu.memref_slice %arg14[%dma_wait3A_3657, %dma_wait3A_3658] : memref<128x768xf32, #tpu.memory_space<vmem>> -> memref<1x768xf32, #tpu.memory_space<vmem>>
      tpu.wait_dma2 semaphore(%arg16 : memref<!tpu.dma_semaphore, #tpu.memory_space<semaphore_mem>>) src(%dma_wait3A_3659 : memref<1x768xf32, #tpu.memory_space<vmem>>) dst(%dma_wait3A_3656 : memref<1x768xf32, #tpu.memory_space<hbm>>)
      %dma_wait3A_3660 = arith.constant 0 : i32
      %dma_wait3A_3661 = arith.constant 0 : i32
      %dma_wait3A_3662 = tpu.memref_slice %arg12[%dma_wait3A_3660, %dma_wait3A_3661] : memref<8200x768xf32, #tpu.memory_space<hbm>> -> memref<1x768xf32, #tpu.memory_space<hbm>>
      %dma_wait3A_3663 = arith.constant 81 : i32
      %dma_wait3A_3664 = arith.constant 0 : i32
      %dma_wait3A_3665 = tpu.memref_slice %arg14[%dma_wait3A_3663, %dma_wait3A_3664] : memref<128x768xf32, #tpu.memory_space<vmem>> -> memref<1x768xf32, #tpu.memory_space<vmem>>
      tpu.wait_dma2 semaphore(%arg16 : memref<!tpu.dma_semaphore, #tpu.memory_space<semaphore_mem>>) src(%dma_wait3A_3665 : memref<1x768xf32, #tpu.memory_space<vmem>>) dst(%dma_wait3A_3662 : memref<1x768xf32, #tpu.memory_space<hbm>>)
      %dma_wait3A_3666 = arith.constant 0 : i32
      %dma_wait3A_3667 = arith.constant 0 : i32
      %dma_wait3A_3668 = tpu.memref_slice %arg12[%dma_wait3A_3666, %dma_wait3A_3667] : memref<8200x768xf32, #tpu.memory_space<hbm>> -> memref<1x768xf32, #tpu.memory_space<hbm>>
      %dma_wait3A_3669 = arith.constant 82 : i32
      %dma_wait3A_3670 = arith.constant 0 : i32
      %dma_wait3A_3671 = tpu.memref_slice %arg14[%dma_wait3A_3669, %dma_wait3A_3670] : memref<128x768xf32, #tpu.memory_space<vmem>> -> memref<1x768xf32, #tpu.memory_space<vmem>>
      tpu.wait_dma2 semaphore(%arg16 : memref<!tpu.dma_semaphore, #tpu.memory_space<semaphore_mem>>) src(%dma_wait3A_3671 : memref<1x768xf32, #tpu.memory_space<vmem>>) dst(%dma_wait3A_3668 : memref<1x768xf32, #tpu.memory_space<hbm>>)
      %dma_wait3A_3672 = arith.constant 0 : i32
      %dma_wait3A_3673 = arith.constant 0 : i32
      %dma_wait3A_3674 = tpu.memref_slice %arg12[%dma_wait3A_3672, %dma_wait3A_3673] : memref<8200x768xf32, #tpu.memory_space<hbm>> -> memref<1x768xf32, #tpu.memory_space<hbm>>
      %dma_wait3A_3675 = arith.constant 83 : i32
      %dma_wait3A_3676 = arith.constant 0 : i32
      %dma_wait3A_3677 = tpu.memref_slice %arg14[%dma_wait3A_3675, %dma_wait3A_3676] : memref<128x768xf32, #tpu.memory_space<vmem>> -> memref<1x768xf32, #tpu.memory_space<vmem>>
      tpu.wait_dma2 semaphore(%arg16 : memref<!tpu.dma_semaphore, #tpu.memory_space<semaphore_mem>>) src(%dma_wait3A_3677 : memref<1x768xf32, #tpu.memory_space<vmem>>) dst(%dma_wait3A_3674 : memref<1x768xf32, #tpu.memory_space<hbm>>)
      %dma_wait3A_3678 = arith.constant 0 : i32
      %dma_wait3A_3679 = arith.constant 0 : i32
      %dma_wait3A_3680 = tpu.memref_slice %arg12[%dma_wait3A_3678, %dma_wait3A_3679] : memref<8200x768xf32, #tpu.memory_space<hbm>> -> memref<1x768xf32, #tpu.memory_space<hbm>>
      %dma_wait3A_3681 = arith.constant 84 : i32
      %dma_wait3A_3682 = arith.constant 0 : i32
      %dma_wait3A_3683 = tpu.memref_slice %arg14[%dma_wait3A_3681, %dma_wait3A_3682] : memref<128x768xf32, #tpu.memory_space<vmem>> -> memref<1x768xf32, #tpu.memory_space<vmem>>
      tpu.wait_dma2 semaphore(%arg16 : memref<!tpu.dma_semaphore, #tpu.memory_space<semaphore_mem>>) src(%dma_wait3A_3683 : memref<1x768xf32, #tpu.memory_space<vmem>>) dst(%dma_wait3A_3680 : memref<1x768xf32, #tpu.memory_space<hbm>>)
      %dma_wait3A_3684 = arith.constant 0 : i32
      %dma_wait3A_3685 = arith.constant 0 : i32
      %dma_wait3A_3686 = tpu.memref_slice %arg12[%dma_wait3A_3684, %dma_wait3A_3685] : memref<8200x768xf32, #tpu.memory_space<hbm>> -> memref<1x768xf32, #tpu.memory_space<hbm>>
      %dma_wait3A_3687 = arith.constant 85 : i32
      %dma_wait3A_3688 = arith.constant 0 : i32
      %dma_wait3A_3689 = tpu.memref_slice %arg14[%dma_wait3A_3687, %dma_wait3A_3688] : memref<128x768xf32, #tpu.memory_space<vmem>> -> memref<1x768xf32, #tpu.memory_space<vmem>>
      tpu.wait_dma2 semaphore(%arg16 : memref<!tpu.dma_semaphore, #tpu.memory_space<semaphore_mem>>) src(%dma_wait3A_3689 : memref<1x768xf32, #tpu.memory_space<vmem>>) dst(%dma_wait3A_3686 : memref<1x768xf32, #tpu.memory_space<hbm>>)
      %dma_wait3A_3690 = arith.constant 0 : i32
      %dma_wait3A_3691 = arith.constant 0 : i32
      %dma_wait3A_3692 = tpu.memref_slice %arg12[%dma_wait3A_3690, %dma_wait3A_3691] : memref<8200x768xf32, #tpu.memory_space<hbm>> -> memref<1x768xf32, #tpu.memory_space<hbm>>
      %dma_wait3A_3693 = arith.constant 86 : i32
      %dma_wait3A_3694 = arith.constant 0 : i32
      %dma_wait3A_3695 = tpu.memref_slice %arg14[%dma_wait3A_3693, %dma_wait3A_3694] : memref<128x768xf32, #tpu.memory_space<vmem>> -> memref<1x768xf32, #tpu.memory_space<vmem>>
      tpu.wait_dma2 semaphore(%arg16 : memref<!tpu.dma_semaphore, #tpu.memory_space<semaphore_mem>>) src(%dma_wait3A_3695 : memref<1x768xf32, #tpu.memory_space<vmem>>) dst(%dma_wait3A_3692 : memref<1x768xf32, #tpu.memory_space<hbm>>)
      %dma_wait3A_3696 = arith.constant 0 : i32
      %dma_wait3A_3697 = arith.constant 0 : i32
      %dma_wait3A_3698 = tpu.memref_slice %arg12[%dma_wait3A_3696, %dma_wait3A_3697] : memref<8200x768xf32, #tpu.memory_space<hbm>> -> memref<1x768xf32, #tpu.memory_space<hbm>>
      %dma_wait3A_3699 = arith.constant 87 : i32
      %dma_wait3A_3700 = arith.constant 0 : i32
      %dma_wait3A_3701 = tpu.memref_slice %arg14[%dma_wait3A_3699, %dma_wait3A_3700] : memref<128x768xf32, #tpu.memory_space<vmem>> -> memref<1x768xf32, #tpu.memory_space<vmem>>
      tpu.wait_dma2 semaphore(%arg16 : memref<!tpu.dma_semaphore, #tpu.memory_space<semaphore_mem>>) src(%dma_wait3A_3701 : memref<1x768xf32, #tpu.memory_space<vmem>>) dst(%dma_wait3A_3698 : memref<1x768xf32, #tpu.memory_space<hbm>>)
      %dma_wait3A_3702 = arith.constant 0 : i32
      %dma_wait3A_3703 = arith.constant 0 : i32
      %dma_wait3A_3704 = tpu.memref_slice %arg12[%dma_wait3A_3702, %dma_wait3A_3703] : memref<8200x768xf32, #tpu.memory_space<hbm>> -> memref<1x768xf32, #tpu.memory_space<hbm>>
      %dma_wait3A_3705 = arith.constant 88 : i32
      %dma_wait3A_3706 = arith.constant 0 : i32
      %dma_wait3A_3707 = tpu.memref_slice %arg14[%dma_wait3A_3705, %dma_wait3A_3706] : memref<128x768xf32, #tpu.memory_space<vmem>> -> memref<1x768xf32, #tpu.memory_space<vmem>>
      tpu.wait_dma2 semaphore(%arg16 : memref<!tpu.dma_semaphore, #tpu.memory_space<semaphore_mem>>) src(%dma_wait3A_3707 : memref<1x768xf32, #tpu.memory_space<vmem>>) dst(%dma_wait3A_3704 : memref<1x768xf32, #tpu.memory_space<hbm>>)
      %dma_wait3A_3708 = arith.constant 0 : i32
      %dma_wait3A_3709 = arith.constant 0 : i32
      %dma_wait3A_3710 = tpu.memref_slice %arg12[%dma_wait3A_3708, %dma_wait3A_3709] : memref<8200x768xf32, #tpu.memory_space<hbm>> -> memref<1x768xf32, #tpu.memory_space<hbm>>
      %dma_wait3A_3711 = arith.constant 89 : i32
      %dma_wait3A_3712 = arith.constant 0 : i32
      %dma_wait3A_3713 = tpu.memref_slice %arg14[%dma_wait3A_3711, %dma_wait3A_3712] : memref<128x768xf32, #tpu.memory_space<vmem>> -> memref<1x768xf32, #tpu.memory_space<vmem>>
      tpu.wait_dma2 semaphore(%arg16 : memref<!tpu.dma_semaphore, #tpu.memory_space<semaphore_mem>>) src(%dma_wait3A_3713 : memref<1x768xf32, #tpu.memory_space<vmem>>) dst(%dma_wait3A_3710 : memref<1x768xf32, #tpu.memory_space<hbm>>)
      %dma_wait3A_3714 = arith.constant 0 : i32
      %dma_wait3A_3715 = arith.constant 0 : i32
      %dma_wait3A_3716 = tpu.memref_slice %arg12[%dma_wait3A_3714, %dma_wait3A_3715] : memref<8200x768xf32, #tpu.memory_space<hbm>> -> memref<1x768xf32, #tpu.memory_space<hbm>>
      %dma_wait3A_3717 = arith.constant 90 : i32
      %dma_wait3A_3718 = arith.constant 0 : i32
      %dma_wait3A_3719 = tpu.memref_slice %arg14[%dma_wait3A_3717, %dma_wait3A_3718] : memref<128x768xf32, #tpu.memory_space<vmem>> -> memref<1x768xf32, #tpu.memory_space<vmem>>
      tpu.wait_dma2 semaphore(%arg16 : memref<!tpu.dma_semaphore, #tpu.memory_space<semaphore_mem>>) src(%dma_wait3A_3719 : memref<1x768xf32, #tpu.memory_space<vmem>>) dst(%dma_wait3A_3716 : memref<1x768xf32, #tpu.memory_space<hbm>>)
      %dma_wait3A_3720 = arith.constant 0 : i32
      %dma_wait3A_3721 = arith.constant 0 : i32
      %dma_wait3A_3722 = tpu.memref_slice %arg12[%dma_wait3A_3720, %dma_wait3A_3721] : memref<8200x768xf32, #tpu.memory_space<hbm>> -> memref<1x768xf32, #tpu.memory_space<hbm>>
      %dma_wait3A_3723 = arith.constant 91 : i32
      %dma_wait3A_3724 = arith.constant 0 : i32
      %dma_wait3A_3725 = tpu.memref_slice %arg14[%dma_wait3A_3723, %dma_wait3A_3724] : memref<128x768xf32, #tpu.memory_space<vmem>> -> memref<1x768xf32, #tpu.memory_space<vmem>>
      tpu.wait_dma2 semaphore(%arg16 : memref<!tpu.dma_semaphore, #tpu.memory_space<semaphore_mem>>) src(%dma_wait3A_3725 : memref<1x768xf32, #tpu.memory_space<vmem>>) dst(%dma_wait3A_3722 : memref<1x768xf32, #tpu.memory_space<hbm>>)
      %dma_wait3A_3726 = arith.constant 0 : i32
      %dma_wait3A_3727 = arith.constant 0 : i32
      %dma_wait3A_3728 = tpu.memref_slice %arg12[%dma_wait3A_3726, %dma_wait3A_3727] : memref<8200x768xf32, #tpu.memory_space<hbm>> -> memref<1x768xf32, #tpu.memory_space<hbm>>
      %dma_wait3A_3729 = arith.constant 92 : i32
      %dma_wait3A_3730 = arith.constant 0 : i32
      %dma_wait3A_3731 = tpu.memref_slice %arg14[%dma_wait3A_3729, %dma_wait3A_3730] : memref<128x768xf32, #tpu.memory_space<vmem>> -> memref<1x768xf32, #tpu.memory_space<vmem>>
      tpu.wait_dma2 semaphore(%arg16 : memref<!tpu.dma_semaphore, #tpu.memory_space<semaphore_mem>>) src(%dma_wait3A_3731 : memref<1x768xf32, #tpu.memory_space<vmem>>) dst(%dma_wait3A_3728 : memref<1x768xf32, #tpu.memory_space<hbm>>)
      %dma_wait3A_3732 = arith.constant 0 : i32
      %dma_wait3A_3733 = arith.constant 0 : i32
      %dma_wait3A_3734 = tpu.memref_slice %arg12[%dma_wait3A_3732, %dma_wait3A_3733] : memref<8200x768xf32, #tpu.memory_space<hbm>> -> memref<1x768xf32, #tpu.memory_space<hbm>>
      %dma_wait3A_3735 = arith.constant 93 : i32
      %dma_wait3A_3736 = arith.constant 0 : i32
      %dma_wait3A_3737 = tpu.memref_slice %arg14[%dma_wait3A_3735, %dma_wait3A_3736] : memref<128x768xf32, #tpu.memory_space<vmem>> -> memref<1x768xf32, #tpu.memory_space<vmem>>
      tpu.wait_dma2 semaphore(%arg16 : memref<!tpu.dma_semaphore, #tpu.memory_space<semaphore_mem>>) src(%dma_wait3A_3737 : memref<1x768xf32, #tpu.memory_space<vmem>>) dst(%dma_wait3A_3734 : memref<1x768xf32, #tpu.memory_space<hbm>>)
      %dma_wait3A_3738 = arith.constant 0 : i32
      %dma_wait3A_3739 = arith.constant 0 : i32
      %dma_wait3A_3740 = tpu.memref_slice %arg12[%dma_wait3A_3738, %dma_wait3A_3739] : memref<8200x768xf32, #tpu.memory_space<hbm>> -> memref<1x768xf32, #tpu.memory_space<hbm>>
      %dma_wait3A_3741 = arith.constant 94 : i32
      %dma_wait3A_3742 = arith.constant 0 : i32
      %dma_wait3A_3743 = tpu.memref_slice %arg14[%dma_wait3A_3741, %dma_wait3A_3742] : memref<128x768xf32, #tpu.memory_space<vmem>> -> memref<1x768xf32, #tpu.memory_space<vmem>>
      tpu.wait_dma2 semaphore(%arg16 : memref<!tpu.dma_semaphore, #tpu.memory_space<semaphore_mem>>) src(%dma_wait3A_3743 : memref<1x768xf32, #tpu.memory_space<vmem>>) dst(%dma_wait3A_3740 : memref<1x768xf32, #tpu.memory_space<hbm>>)
      %dma_wait3A_3744 = arith.constant 0 : i32
      %dma_wait3A_3745 = arith.constant 0 : i32
      %dma_wait3A_3746 = tpu.memref_slice %arg12[%dma_wait3A_3744, %dma_wait3A_3745] : memref<8200x768xf32, #tpu.memory_space<hbm>> -> memref<1x768xf32, #tpu.memory_space<hbm>>
      %dma_wait3A_3747 = arith.constant 95 : i32
      %dma_wait3A_3748 = arith.constant 0 : i32
      %dma_wait3A_3749 = tpu.memref_slice %arg14[%dma_wait3A_3747, %dma_wait3A_3748] : memref<128x768xf32, #tpu.memory_space<vmem>> -> memref<1x768xf32, #tpu.memory_space<vmem>>
      tpu.wait_dma2 semaphore(%arg16 : memref<!tpu.dma_semaphore, #tpu.memory_space<semaphore_mem>>) src(%dma_wait3A_3749 : memref<1x768xf32, #tpu.memory_space<vmem>>) dst(%dma_wait3A_3746 : memref<1x768xf32, #tpu.memory_space<hbm>>)
      %dma_wait3A_3750 = arith.constant 0 : i32
      %dma_wait3A_3751 = arith.constant 0 : i32
      %dma_wait3A_3752 = tpu.memref_slice %arg12[%dma_wait3A_3750, %dma_wait3A_3751] : memref<8200x768xf32, #tpu.memory_space<hbm>> -> memref<1x768xf32, #tpu.memory_space<hbm>>
      %dma_wait3A_3753 = arith.constant 96 : i32
      %dma_wait3A_3754 = arith.constant 0 : i32
      %dma_wait3A_3755 = tpu.memref_slice %arg14[%dma_wait3A_3753, %dma_wait3A_3754] : memref<128x768xf32, #tpu.memory_space<vmem>> -> memref<1x768xf32, #tpu.memory_space<vmem>>
      tpu.wait_dma2 semaphore(%arg16 : memref<!tpu.dma_semaphore, #tpu.memory_space<semaphore_mem>>) src(%dma_wait3A_3755 : memref<1x768xf32, #tpu.memory_space<vmem>>) dst(%dma_wait3A_3752 : memref<1x768xf32, #tpu.memory_space<hbm>>)
      %dma_wait3A_3756 = arith.constant 0 : i32
      %dma_wait3A_3757 = arith.constant 0 : i32
      %dma_wait3A_3758 = tpu.memref_slice %arg12[%dma_wait3A_3756, %dma_wait3A_3757] : memref<8200x768xf32, #tpu.memory_space<hbm>> -> memref<1x768xf32, #tpu.memory_space<hbm>>
      %dma_wait3A_3759 = arith.constant 97 : i32
      %dma_wait3A_3760 = arith.constant 0 : i32
      %dma_wait3A_3761 = tpu.memref_slice %arg14[%dma_wait3A_3759, %dma_wait3A_3760] : memref<128x768xf32, #tpu.memory_space<vmem>> -> memref<1x768xf32, #tpu.memory_space<vmem>>
      tpu.wait_dma2 semaphore(%arg16 : memref<!tpu.dma_semaphore, #tpu.memory_space<semaphore_mem>>) src(%dma_wait3A_3761 : memref<1x768xf32, #tpu.memory_space<vmem>>) dst(%dma_wait3A_3758 : memref<1x768xf32, #tpu.memory_space<hbm>>)
      %dma_wait3A_3762 = arith.constant 0 : i32
      %dma_wait3A_3763 = arith.constant 0 : i32
      %dma_wait3A_3764 = tpu.memref_slice %arg12[%dma_wait3A_3762, %dma_wait3A_3763] : memref<8200x768xf32, #tpu.memory_space<hbm>> -> memref<1x768xf32, #tpu.memory_space<hbm>>
      %dma_wait3A_3765 = arith.constant 98 : i32
      %dma_wait3A_3766 = arith.constant 0 : i32
      %dma_wait3A_3767 = tpu.memref_slice %arg14[%dma_wait3A_3765, %dma_wait3A_3766] : memref<128x768xf32, #tpu.memory_space<vmem>> -> memref<1x768xf32, #tpu.memory_space<vmem>>
      tpu.wait_dma2 semaphore(%arg16 : memref<!tpu.dma_semaphore, #tpu.memory_space<semaphore_mem>>) src(%dma_wait3A_3767 : memref<1x768xf32, #tpu.memory_space<vmem>>) dst(%dma_wait3A_3764 : memref<1x768xf32, #tpu.memory_space<hbm>>)
      %dma_wait3A_3768 = arith.constant 0 : i32
      %dma_wait3A_3769 = arith.constant 0 : i32
      %dma_wait3A_3770 = tpu.memref_slice %arg12[%dma_wait3A_3768, %dma_wait3A_3769] : memref<8200x768xf32, #tpu.memory_space<hbm>> -> memref<1x768xf32, #tpu.memory_space<hbm>>
      %dma_wait3A_3771 = arith.constant 99 : i32
      %dma_wait3A_3772 = arith.constant 0 : i32
      %dma_wait3A_3773 = tpu.memref_slice %arg14[%dma_wait3A_3771, %dma_wait3A_3772] : memref<128x768xf32, #tpu.memory_space<vmem>> -> memref<1x768xf32, #tpu.memory_space<vmem>>
      tpu.wait_dma2 semaphore(%arg16 : memref<!tpu.dma_semaphore, #tpu.memory_space<semaphore_mem>>) src(%dma_wait3A_3773 : memref<1x768xf32, #tpu.memory_space<vmem>>) dst(%dma_wait3A_3770 : memref<1x768xf32, #tpu.memory_space<hbm>>)
      %dma_wait3A_3774 = arith.constant 0 : i32
      %dma_wait3A_3775 = arith.constant 0 : i32
      %dma_wait3A_3776 = tpu.memref_slice %arg12[%dma_wait3A_3774, %dma_wait3A_3775] : memref<8200x768xf32, #tpu.memory_space<hbm>> -> memref<1x768xf32, #tpu.memory_space<hbm>>
      %dma_wait3A_3777 = arith.constant 100 : i32
      %dma_wait3A_3778 = arith.constant 0 : i32
      %dma_wait3A_3779 = tpu.memref_slice %arg14[%dma_wait3A_3777, %dma_wait3A_3778] : memref<128x768xf32, #tpu.memory_space<vmem>> -> memref<1x768xf32, #tpu.memory_space<vmem>>
      tpu.wait_dma2 semaphore(%arg16 : memref<!tpu.dma_semaphore, #tpu.memory_space<semaphore_mem>>) src(%dma_wait3A_3779 : memref<1x768xf32, #tpu.memory_space<vmem>>) dst(%dma_wait3A_3776 : memref<1x768xf32, #tpu.memory_space<hbm>>)
      %dma_wait3A_3780 = arith.constant 0 : i32
      %dma_wait3A_3781 = arith.constant 0 : i32
      %dma_wait3A_3782 = tpu.memref_slice %arg12[%dma_wait3A_3780, %dma_wait3A_3781] : memref<8200x768xf32, #tpu.memory_space<hbm>> -> memref<1x768xf32, #tpu.memory_space<hbm>>
      %dma_wait3A_3783 = arith.constant 101 : i32
      %dma_wait3A_3784 = arith.constant 0 : i32
      %dma_wait3A_3785 = tpu.memref_slice %arg14[%dma_wait3A_3783, %dma_wait3A_3784] : memref<128x768xf32, #tpu.memory_space<vmem>> -> memref<1x768xf32, #tpu.memory_space<vmem>>
      tpu.wait_dma2 semaphore(%arg16 : memref<!tpu.dma_semaphore, #tpu.memory_space<semaphore_mem>>) src(%dma_wait3A_3785 : memref<1x768xf32, #tpu.memory_space<vmem>>) dst(%dma_wait3A_3782 : memref<1x768xf32, #tpu.memory_space<hbm>>)
      %dma_wait3A_3786 = arith.constant 0 : i32
      %dma_wait3A_3787 = arith.constant 0 : i32
      %dma_wait3A_3788 = tpu.memref_slice %arg12[%dma_wait3A_3786, %dma_wait3A_3787] : memref<8200x768xf32, #tpu.memory_space<hbm>> -> memref<1x768xf32, #tpu.memory_space<hbm>>
      %dma_wait3A_3789 = arith.constant 102 : i32
      %dma_wait3A_3790 = arith.constant 0 : i32
      %dma_wait3A_3791 = tpu.memref_slice %arg14[%dma_wait3A_3789, %dma_wait3A_3790] : memref<128x768xf32, #tpu.memory_space<vmem>> -> memref<1x768xf32, #tpu.memory_space<vmem>>
      tpu.wait_dma2 semaphore(%arg16 : memref<!tpu.dma_semaphore, #tpu.memory_space<semaphore_mem>>) src(%dma_wait3A_3791 : memref<1x768xf32, #tpu.memory_space<vmem>>) dst(%dma_wait3A_3788 : memref<1x768xf32, #tpu.memory_space<hbm>>)
      %dma_wait3A_3792 = arith.constant 0 : i32
      %dma_wait3A_3793 = arith.constant 0 : i32
      %dma_wait3A_3794 = tpu.memref_slice %arg12[%dma_wait3A_3792, %dma_wait3A_3793] : memref<8200x768xf32, #tpu.memory_space<hbm>> -> memref<1x768xf32, #tpu.memory_space<hbm>>
      %dma_wait3A_3795 = arith.constant 103 : i32
      %dma_wait3A_3796 = arith.constant 0 : i32
      %dma_wait3A_3797 = tpu.memref_slice %arg14[%dma_wait3A_3795, %dma_wait3A_3796] : memref<128x768xf32, #tpu.memory_space<vmem>> -> memref<1x768xf32, #tpu.memory_space<vmem>>
      tpu.wait_dma2 semaphore(%arg16 : memref<!tpu.dma_semaphore, #tpu.memory_space<semaphore_mem>>) src(%dma_wait3A_3797 : memref<1x768xf32, #tpu.memory_space<vmem>>) dst(%dma_wait3A_3794 : memref<1x768xf32, #tpu.memory_space<hbm>>)
      %dma_wait3A_3798 = arith.constant 0 : i32
      %dma_wait3A_3799 = arith.constant 0 : i32
      %dma_wait3A_3800 = tpu.memref_slice %arg12[%dma_wait3A_3798, %dma_wait3A_3799] : memref<8200x768xf32, #tpu.memory_space<hbm>> -> memref<1x768xf32, #tpu.memory_space<hbm>>
      %dma_wait3A_3801 = arith.constant 104 : i32
      %dma_wait3A_3802 = arith.constant 0 : i32
      %dma_wait3A_3803 = tpu.memref_slice %arg14[%dma_wait3A_3801, %dma_wait3A_3802] : memref<128x768xf32, #tpu.memory_space<vmem>> -> memref<1x768xf32, #tpu.memory_space<vmem>>
      tpu.wait_dma2 semaphore(%arg16 : memref<!tpu.dma_semaphore, #tpu.memory_space<semaphore_mem>>) src(%dma_wait3A_3803 : memref<1x768xf32, #tpu.memory_space<vmem>>) dst(%dma_wait3A_3800 : memref<1x768xf32, #tpu.memory_space<hbm>>)
      %dma_wait3A_3804 = arith.constant 0 : i32
      %dma_wait3A_3805 = arith.constant 0 : i32
      %dma_wait3A_3806 = tpu.memref_slice %arg12[%dma_wait3A_3804, %dma_wait3A_3805] : memref<8200x768xf32, #tpu.memory_space<hbm>> -> memref<1x768xf32, #tpu.memory_space<hbm>>
      %dma_wait3A_3807 = arith.constant 105 : i32
      %dma_wait3A_3808 = arith.constant 0 : i32
      %dma_wait3A_3809 = tpu.memref_slice %arg14[%dma_wait3A_3807, %dma_wait3A_3808] : memref<128x768xf32, #tpu.memory_space<vmem>> -> memref<1x768xf32, #tpu.memory_space<vmem>>
      tpu.wait_dma2 semaphore(%arg16 : memref<!tpu.dma_semaphore, #tpu.memory_space<semaphore_mem>>) src(%dma_wait3A_3809 : memref<1x768xf32, #tpu.memory_space<vmem>>) dst(%dma_wait3A_3806 : memref<1x768xf32, #tpu.memory_space<hbm>>)
      %dma_wait3A_3810 = arith.constant 0 : i32
      %dma_wait3A_3811 = arith.constant 0 : i32
      %dma_wait3A_3812 = tpu.memref_slice %arg12[%dma_wait3A_3810, %dma_wait3A_3811] : memref<8200x768xf32, #tpu.memory_space<hbm>> -> memref<1x768xf32, #tpu.memory_space<hbm>>
      %dma_wait3A_3813 = arith.constant 106 : i32
      %dma_wait3A_3814 = arith.constant 0 : i32
      %dma_wait3A_3815 = tpu.memref_slice %arg14[%dma_wait3A_3813, %dma_wait3A_3814] : memref<128x768xf32, #tpu.memory_space<vmem>> -> memref<1x768xf32, #tpu.memory_space<vmem>>
      tpu.wait_dma2 semaphore(%arg16 : memref<!tpu.dma_semaphore, #tpu.memory_space<semaphore_mem>>) src(%dma_wait3A_3815 : memref<1x768xf32, #tpu.memory_space<vmem>>) dst(%dma_wait3A_3812 : memref<1x768xf32, #tpu.memory_space<hbm>>)
      %dma_wait3A_3816 = arith.constant 0 : i32
      %dma_wait3A_3817 = arith.constant 0 : i32
      %dma_wait3A_3818 = tpu.memref_slice %arg12[%dma_wait3A_3816, %dma_wait3A_3817] : memref<8200x768xf32, #tpu.memory_space<hbm>> -> memref<1x768xf32, #tpu.memory_space<hbm>>
      %dma_wait3A_3819 = arith.constant 107 : i32
      %dma_wait3A_3820 = arith.constant 0 : i32
      %dma_wait3A_3821 = tpu.memref_slice %arg14[%dma_wait3A_3819, %dma_wait3A_3820] : memref<128x768xf32, #tpu.memory_space<vmem>> -> memref<1x768xf32, #tpu.memory_space<vmem>>
      tpu.wait_dma2 semaphore(%arg16 : memref<!tpu.dma_semaphore, #tpu.memory_space<semaphore_mem>>) src(%dma_wait3A_3821 : memref<1x768xf32, #tpu.memory_space<vmem>>) dst(%dma_wait3A_3818 : memref<1x768xf32, #tpu.memory_space<hbm>>)
      %dma_wait3A_3822 = arith.constant 0 : i32
      %dma_wait3A_3823 = arith.constant 0 : i32
      %dma_wait3A_3824 = tpu.memref_slice %arg12[%dma_wait3A_3822, %dma_wait3A_3823] : memref<8200x768xf32, #tpu.memory_space<hbm>> -> memref<1x768xf32, #tpu.memory_space<hbm>>
      %dma_wait3A_3825 = arith.constant 108 : i32
      %dma_wait3A_3826 = arith.constant 0 : i32
      %dma_wait3A_3827 = tpu.memref_slice %arg14[%dma_wait3A_3825, %dma_wait3A_3826] : memref<128x768xf32, #tpu.memory_space<vmem>> -> memref<1x768xf32, #tpu.memory_space<vmem>>
      tpu.wait_dma2 semaphore(%arg16 : memref<!tpu.dma_semaphore, #tpu.memory_space<semaphore_mem>>) src(%dma_wait3A_3827 : memref<1x768xf32, #tpu.memory_space<vmem>>) dst(%dma_wait3A_3824 : memref<1x768xf32, #tpu.memory_space<hbm>>)
      %dma_wait3A_3828 = arith.constant 0 : i32
      %dma_wait3A_3829 = arith.constant 0 : i32
      %dma_wait3A_3830 = tpu.memref_slice %arg12[%dma_wait3A_3828, %dma_wait3A_3829] : memref<8200x768xf32, #tpu.memory_space<hbm>> -> memref<1x768xf32, #tpu.memory_space<hbm>>
      %dma_wait3A_3831 = arith.constant 109 : i32
      %dma_wait3A_3832 = arith.constant 0 : i32
      %dma_wait3A_3833 = tpu.memref_slice %arg14[%dma_wait3A_3831, %dma_wait3A_3832] : memref<128x768xf32, #tpu.memory_space<vmem>> -> memref<1x768xf32, #tpu.memory_space<vmem>>
      tpu.wait_dma2 semaphore(%arg16 : memref<!tpu.dma_semaphore, #tpu.memory_space<semaphore_mem>>) src(%dma_wait3A_3833 : memref<1x768xf32, #tpu.memory_space<vmem>>) dst(%dma_wait3A_3830 : memref<1x768xf32, #tpu.memory_space<hbm>>)
      %dma_wait3A_3834 = arith.constant 0 : i32
      %dma_wait3A_3835 = arith.constant 0 : i32
      %dma_wait3A_3836 = tpu.memref_slice %arg12[%dma_wait3A_3834, %dma_wait3A_3835] : memref<8200x768xf32, #tpu.memory_space<hbm>> -> memref<1x768xf32, #tpu.memory_space<hbm>>
      %dma_wait3A_3837 = arith.constant 110 : i32
      %dma_wait3A_3838 = arith.constant 0 : i32
      %dma_wait3A_3839 = tpu.memref_slice %arg14[%dma_wait3A_3837, %dma_wait3A_3838] : memref<128x768xf32, #tpu.memory_space<vmem>> -> memref<1x768xf32, #tpu.memory_space<vmem>>
      tpu.wait_dma2 semaphore(%arg16 : memref<!tpu.dma_semaphore, #tpu.memory_space<semaphore_mem>>) src(%dma_wait3A_3839 : memref<1x768xf32, #tpu.memory_space<vmem>>) dst(%dma_wait3A_3836 : memref<1x768xf32, #tpu.memory_space<hbm>>)
      %dma_wait3A_3840 = arith.constant 0 : i32
      %dma_wait3A_3841 = arith.constant 0 : i32
      %dma_wait3A_3842 = tpu.memref_slice %arg12[%dma_wait3A_3840, %dma_wait3A_3841] : memref<8200x768xf32, #tpu.memory_space<hbm>> -> memref<1x768xf32, #tpu.memory_space<hbm>>
      %dma_wait3A_3843 = arith.constant 111 : i32
      %dma_wait3A_3844 = arith.constant 0 : i32
      %dma_wait3A_3845 = tpu.memref_slice %arg14[%dma_wait3A_3843, %dma_wait3A_3844] : memref<128x768xf32, #tpu.memory_space<vmem>> -> memref<1x768xf32, #tpu.memory_space<vmem>>
      tpu.wait_dma2 semaphore(%arg16 : memref<!tpu.dma_semaphore, #tpu.memory_space<semaphore_mem>>) src(%dma_wait3A_3845 : memref<1x768xf32, #tpu.memory_space<vmem>>) dst(%dma_wait3A_3842 : memref<1x768xf32, #tpu.memory_space<hbm>>)
      %dma_wait3A_3846 = arith.constant 0 : i32
      %dma_wait3A_3847 = arith.constant 0 : i32
      %dma_wait3A_3848 = tpu.memref_slice %arg12[%dma_wait3A_3846, %dma_wait3A_3847] : memref<8200x768xf32, #tpu.memory_space<hbm>> -> memref<1x768xf32, #tpu.memory_space<hbm>>
      %dma_wait3A_3849 = arith.constant 112 : i32
      %dma_wait3A_3850 = arith.constant 0 : i32
      %dma_wait3A_3851 = tpu.memref_slice %arg14[%dma_wait3A_3849, %dma_wait3A_3850] : memref<128x768xf32, #tpu.memory_space<vmem>> -> memref<1x768xf32, #tpu.memory_space<vmem>>
      tpu.wait_dma2 semaphore(%arg16 : memref<!tpu.dma_semaphore, #tpu.memory_space<semaphore_mem>>) src(%dma_wait3A_3851 : memref<1x768xf32, #tpu.memory_space<vmem>>) dst(%dma_wait3A_3848 : memref<1x768xf32, #tpu.memory_space<hbm>>)
      %dma_wait3A_3852 = arith.constant 0 : i32
      %dma_wait3A_3853 = arith.constant 0 : i32
      %dma_wait3A_3854 = tpu.memref_slice %arg12[%dma_wait3A_3852, %dma_wait3A_3853] : memref<8200x768xf32, #tpu.memory_space<hbm>> -> memref<1x768xf32, #tpu.memory_space<hbm>>
      %dma_wait3A_3855 = arith.constant 113 : i32
      %dma_wait3A_3856 = arith.constant 0 : i32
      %dma_wait3A_3857 = tpu.memref_slice %arg14[%dma_wait3A_3855, %dma_wait3A_3856] : memref<128x768xf32, #tpu.memory_space<vmem>> -> memref<1x768xf32, #tpu.memory_space<vmem>>
      tpu.wait_dma2 semaphore(%arg16 : memref<!tpu.dma_semaphore, #tpu.memory_space<semaphore_mem>>) src(%dma_wait3A_3857 : memref<1x768xf32, #tpu.memory_space<vmem>>) dst(%dma_wait3A_3854 : memref<1x768xf32, #tpu.memory_space<hbm>>)
      %dma_wait3A_3858 = arith.constant 0 : i32
      %dma_wait3A_3859 = arith.constant 0 : i32
      %dma_wait3A_3860 = tpu.memref_slice %arg12[%dma_wait3A_3858, %dma_wait3A_3859] : memref<8200x768xf32, #tpu.memory_space<hbm>> -> memref<1x768xf32, #tpu.memory_space<hbm>>
      %dma_wait3A_3861 = arith.constant 114 : i32
      %dma_wait3A_3862 = arith.constant 0 : i32
      %dma_wait3A_3863 = tpu.memref_slice %arg14[%dma_wait3A_3861, %dma_wait3A_3862] : memref<128x768xf32, #tpu.memory_space<vmem>> -> memref<1x768xf32, #tpu.memory_space<vmem>>
      tpu.wait_dma2 semaphore(%arg16 : memref<!tpu.dma_semaphore, #tpu.memory_space<semaphore_mem>>) src(%dma_wait3A_3863 : memref<1x768xf32, #tpu.memory_space<vmem>>) dst(%dma_wait3A_3860 : memref<1x768xf32, #tpu.memory_space<hbm>>)
      %dma_wait3A_3864 = arith.constant 0 : i32
      %dma_wait3A_3865 = arith.constant 0 : i32
      %dma_wait3A_3866 = tpu.memref_slice %arg12[%dma_wait3A_3864, %dma_wait3A_3865] : memref<8200x768xf32, #tpu.memory_space<hbm>> -> memref<1x768xf32, #tpu.memory_space<hbm>>
      %dma_wait3A_3867 = arith.constant 115 : i32
      %dma_wait3A_3868 = arith.constant 0 : i32
      %dma_wait3A_3869 = tpu.memref_slice %arg14[%dma_wait3A_3867, %dma_wait3A_3868] : memref<128x768xf32, #tpu.memory_space<vmem>> -> memref<1x768xf32, #tpu.memory_space<vmem>>
      tpu.wait_dma2 semaphore(%arg16 : memref<!tpu.dma_semaphore, #tpu.memory_space<semaphore_mem>>) src(%dma_wait3A_3869 : memref<1x768xf32, #tpu.memory_space<vmem>>) dst(%dma_wait3A_3866 : memref<1x768xf32, #tpu.memory_space<hbm>>)
      %dma_wait3A_3870 = arith.constant 0 : i32
      %dma_wait3A_3871 = arith.constant 0 : i32
      %dma_wait3A_3872 = tpu.memref_slice %arg12[%dma_wait3A_3870, %dma_wait3A_3871] : memref<8200x768xf32, #tpu.memory_space<hbm>> -> memref<1x768xf32, #tpu.memory_space<hbm>>
      %dma_wait3A_3873 = arith.constant 116 : i32
      %dma_wait3A_3874 = arith.constant 0 : i32
      %dma_wait3A_3875 = tpu.memref_slice %arg14[%dma_wait3A_3873, %dma_wait3A_3874] : memref<128x768xf32, #tpu.memory_space<vmem>> -> memref<1x768xf32, #tpu.memory_space<vmem>>
      tpu.wait_dma2 semaphore(%arg16 : memref<!tpu.dma_semaphore, #tpu.memory_space<semaphore_mem>>) src(%dma_wait3A_3875 : memref<1x768xf32, #tpu.memory_space<vmem>>) dst(%dma_wait3A_3872 : memref<1x768xf32, #tpu.memory_space<hbm>>)
      %dma_wait3A_3876 = arith.constant 0 : i32
      %dma_wait3A_3877 = arith.constant 0 : i32
      %dma_wait3A_3878 = tpu.memref_slice %arg12[%dma_wait3A_3876, %dma_wait3A_3877] : memref<8200x768xf32, #tpu.memory_space<hbm>> -> memref<1x768xf32, #tpu.memory_space<hbm>>
      %dma_wait3A_3879 = arith.constant 117 : i32
      %dma_wait3A_3880 = arith.constant 0 : i32
      %dma_wait3A_3881 = tpu.memref_slice %arg14[%dma_wait3A_3879, %dma_wait3A_3880] : memref<128x768xf32, #tpu.memory_space<vmem>> -> memref<1x768xf32, #tpu.memory_space<vmem>>
      tpu.wait_dma2 semaphore(%arg16 : memref<!tpu.dma_semaphore, #tpu.memory_space<semaphore_mem>>) src(%dma_wait3A_3881 : memref<1x768xf32, #tpu.memory_space<vmem>>) dst(%dma_wait3A_3878 : memref<1x768xf32, #tpu.memory_space<hbm>>)
      %dma_wait3A_3882 = arith.constant 0 : i32
      %dma_wait3A_3883 = arith.constant 0 : i32
      %dma_wait3A_3884 = tpu.memref_slice %arg12[%dma_wait3A_3882, %dma_wait3A_3883] : memref<8200x768xf32, #tpu.memory_space<hbm>> -> memref<1x768xf32, #tpu.memory_space<hbm>>
      %dma_wait3A_3885 = arith.constant 118 : i32
      %dma_wait3A_3886 = arith.constant 0 : i32
      %dma_wait3A_3887 = tpu.memref_slice %arg14[%dma_wait3A_3885, %dma_wait3A_3886] : memref<128x768xf32, #tpu.memory_space<vmem>> -> memref<1x768xf32, #tpu.memory_space<vmem>>
      tpu.wait_dma2 semaphore(%arg16 : memref<!tpu.dma_semaphore, #tpu.memory_space<semaphore_mem>>) src(%dma_wait3A_3887 : memref<1x768xf32, #tpu.memory_space<vmem>>) dst(%dma_wait3A_3884 : memref<1x768xf32, #tpu.memory_space<hbm>>)
      %dma_wait3A_3888 = arith.constant 0 : i32
      %dma_wait3A_3889 = arith.constant 0 : i32
      %dma_wait3A_3890 = tpu.memref_slice %arg12[%dma_wait3A_3888, %dma_wait3A_3889] : memref<8200x768xf32, #tpu.memory_space<hbm>> -> memref<1x768xf32, #tpu.memory_space<hbm>>
      %dma_wait3A_3891 = arith.constant 119 : i32
      %dma_wait3A_3892 = arith.constant 0 : i32
      %dma_wait3A_3893 = tpu.memref_slice %arg14[%dma_wait3A_3891, %dma_wait3A_3892] : memref<128x768xf32, #tpu.memory_space<vmem>> -> memref<1x768xf32, #tpu.memory_space<vmem>>
      tpu.wait_dma2 semaphore(%arg16 : memref<!tpu.dma_semaphore, #tpu.memory_space<semaphore_mem>>) src(%dma_wait3A_3893 : memref<1x768xf32, #tpu.memory_space<vmem>>) dst(%dma_wait3A_3890 : memref<1x768xf32, #tpu.memory_space<hbm>>)
      %dma_wait3A_3894 = arith.constant 0 : i32
      %dma_wait3A_3895 = arith.constant 0 : i32
      %dma_wait3A_3896 = tpu.memref_slice %arg12[%dma_wait3A_3894, %dma_wait3A_3895] : memref<8200x768xf32, #tpu.memory_space<hbm>> -> memref<1x768xf32, #tpu.memory_space<hbm>>
      %dma_wait3A_3897 = arith.constant 120 : i32
      %dma_wait3A_3898 = arith.constant 0 : i32
      %dma_wait3A_3899 = tpu.memref_slice %arg14[%dma_wait3A_3897, %dma_wait3A_3898] : memref<128x768xf32, #tpu.memory_space<vmem>> -> memref<1x768xf32, #tpu.memory_space<vmem>>
      tpu.wait_dma2 semaphore(%arg16 : memref<!tpu.dma_semaphore, #tpu.memory_space<semaphore_mem>>) src(%dma_wait3A_3899 : memref<1x768xf32, #tpu.memory_space<vmem>>) dst(%dma_wait3A_3896 : memref<1x768xf32, #tpu.memory_space<hbm>>)
      %dma_wait3A_3900 = arith.constant 0 : i32
      %dma_wait3A_3901 = arith.constant 0 : i32
      %dma_wait3A_3902 = tpu.memref_slice %arg12[%dma_wait3A_3900, %dma_wait3A_3901] : memref<8200x768xf32, #tpu.memory_space<hbm>> -> memref<1x768xf32, #tpu.memory_space<hbm>>
      %dma_wait3A_3903 = arith.constant 121 : i32
      %dma_wait3A_3904 = arith.constant 0 : i32
      %dma_wait3A_3905 = tpu.memref_slice %arg14[%dma_wait3A_3903, %dma_wait3A_3904] : memref<128x768xf32, #tpu.memory_space<vmem>> -> memref<1x768xf32, #tpu.memory_space<vmem>>
      tpu.wait_dma2 semaphore(%arg16 : memref<!tpu.dma_semaphore, #tpu.memory_space<semaphore_mem>>) src(%dma_wait3A_3905 : memref<1x768xf32, #tpu.memory_space<vmem>>) dst(%dma_wait3A_3902 : memref<1x768xf32, #tpu.memory_space<hbm>>)
      %dma_wait3A_3906 = arith.constant 0 : i32
      %dma_wait3A_3907 = arith.constant 0 : i32
      %dma_wait3A_3908 = tpu.memref_slice %arg12[%dma_wait3A_3906, %dma_wait3A_3907] : memref<8200x768xf32, #tpu.memory_space<hbm>> -> memref<1x768xf32, #tpu.memory_space<hbm>>
      %dma_wait3A_3909 = arith.constant 122 : i32
      %dma_wait3A_3910 = arith.constant 0 : i32
      %dma_wait3A_3911 = tpu.memref_slice %arg14[%dma_wait3A_3909, %dma_wait3A_3910] : memref<128x768xf32, #tpu.memory_space<vmem>> -> memref<1x768xf32, #tpu.memory_space<vmem>>
      tpu.wait_dma2 semaphore(%arg16 : memref<!tpu.dma_semaphore, #tpu.memory_space<semaphore_mem>>) src(%dma_wait3A_3911 : memref<1x768xf32, #tpu.memory_space<vmem>>) dst(%dma_wait3A_3908 : memref<1x768xf32, #tpu.memory_space<hbm>>)
      %dma_wait3A_3912 = arith.constant 0 : i32
      %dma_wait3A_3913 = arith.constant 0 : i32
      %dma_wait3A_3914 = tpu.memref_slice %arg12[%dma_wait3A_3912, %dma_wait3A_3913] : memref<8200x768xf32, #tpu.memory_space<hbm>> -> memref<1x768xf32, #tpu.memory_space<hbm>>
      %dma_wait3A_3915 = arith.constant 123 : i32
      %dma_wait3A_3916 = arith.constant 0 : i32
      %dma_wait3A_3917 = tpu.memref_slice %arg14[%dma_wait3A_3915, %dma_wait3A_3916] : memref<128x768xf32, #tpu.memory_space<vmem>> -> memref<1x768xf32, #tpu.memory_space<vmem>>
      tpu.wait_dma2 semaphore(%arg16 : memref<!tpu.dma_semaphore, #tpu.memory_space<semaphore_mem>>) src(%dma_wait3A_3917 : memref<1x768xf32, #tpu.memory_space<vmem>>) dst(%dma_wait3A_3914 : memref<1x768xf32, #tpu.memory_space<hbm>>)
      %dma_wait3A_3918 = arith.constant 0 : i32
      %dma_wait3A_3919 = arith.constant 0 : i32
      %dma_wait3A_3920 = tpu.memref_slice %arg12[%dma_wait3A_3918, %dma_wait3A_3919] : memref<8200x768xf32, #tpu.memory_space<hbm>> -> memref<1x768xf32, #tpu.memory_space<hbm>>
      %dma_wait3A_3921 = arith.constant 124 : i32
      %dma_wait3A_3922 = arith.constant 0 : i32
      %dma_wait3A_3923 = tpu.memref_slice %arg14[%dma_wait3A_3921, %dma_wait3A_3922] : memref<128x768xf32, #tpu.memory_space<vmem>> -> memref<1x768xf32, #tpu.memory_space<vmem>>
      tpu.wait_dma2 semaphore(%arg16 : memref<!tpu.dma_semaphore, #tpu.memory_space<semaphore_mem>>) src(%dma_wait3A_3923 : memref<1x768xf32, #tpu.memory_space<vmem>>) dst(%dma_wait3A_3920 : memref<1x768xf32, #tpu.memory_space<hbm>>)
      %dma_wait3A_3924 = arith.constant 0 : i32
      %dma_wait3A_3925 = arith.constant 0 : i32
      %dma_wait3A_3926 = tpu.memref_slice %arg12[%dma_wait3A_3924, %dma_wait3A_3925] : memref<8200x768xf32, #tpu.memory_space<hbm>> -> memref<1x768xf32, #tpu.memory_space<hbm>>
      %dma_wait3A_3927 = arith.constant 125 : i32
      %dma_wait3A_3928 = arith.constant 0 : i32
      %dma_wait3A_3929 = tpu.memref_slice %arg14[%dma_wait3A_3927, %dma_wait3A_3928] : memref<128x768xf32, #tpu.memory_space<vmem>> -> memref<1x768xf32, #tpu.memory_space<vmem>>
      tpu.wait_dma2 semaphore(%arg16 : memref<!tpu.dma_semaphore, #tpu.memory_space<semaphore_mem>>) src(%dma_wait3A_3929 : memref<1x768xf32, #tpu.memory_space<vmem>>) dst(%dma_wait3A_3926 : memref<1x768xf32, #tpu.memory_space<hbm>>)
      %dma_wait3A_3930 = arith.constant 0 : i32
      %dma_wait3A_3931 = arith.constant 0 : i32
      %dma_wait3A_3932 = tpu.memref_slice %arg12[%dma_wait3A_3930, %dma_wait3A_3931] : memref<8200x768xf32, #tpu.memory_space<hbm>> -> memref<1x768xf32, #tpu.memory_space<hbm>>
      %dma_wait3A_3933 = arith.constant 126 : i32
      %dma_wait3A_3934 = arith.constant 0 : i32
      %dma_wait3A_3935 = tpu.memref_slice %arg14[%dma_wait3A_3933, %dma_wait3A_3934] : memref<128x768xf32, #tpu.memory_space<vmem>> -> memref<1x768xf32, #tpu.memory_space<vmem>>
      tpu.wait_dma2 semaphore(%arg16 : memref<!tpu.dma_semaphore, #tpu.memory_space<semaphore_mem>>) src(%dma_wait3A_3935 : memref<1x768xf32, #tpu.memory_space<vmem>>) dst(%dma_wait3A_3932 : memref<1x768xf32, #tpu.memory_space<hbm>>)
      %dma_wait3A_3936 = arith.constant 0 : i32
      %dma_wait3A_3937 = arith.constant 0 : i32
      %dma_wait3A_3938 = tpu.memref_slice %arg12[%dma_wait3A_3936, %dma_wait3A_3937] : memref<8200x768xf32, #tpu.memory_space<hbm>> -> memref<1x768xf32, #tpu.memory_space<hbm>>
      %dma_wait3A_3939 = arith.constant 127 : i32
      %dma_wait3A_3940 = arith.constant 0 : i32
      %dma_wait3A_3941 = tpu.memref_slice %arg14[%dma_wait3A_3939, %dma_wait3A_3940] : memref<128x768xf32, #tpu.memory_space<vmem>> -> memref<1x768xf32, #tpu.memory_space<vmem>>
      tpu.wait_dma2 semaphore(%arg16 : memref<!tpu.dma_semaphore, #tpu.memory_space<semaphore_mem>>) src(%dma_wait3A_3941 : memref<1x768xf32, #tpu.memory_space<vmem>>) dst(%dma_wait3A_3938 : memref<1x768xf32, #tpu.memory_space<hbm>>)
    } else {
    }
    return
  }
  func.func @transform_1(%arg0: i32, %arg1: memref<11776xi32, #tpu.memory_space<smem>>, %arg2: memref<11776xi32, #tpu.memory_space<smem>>, %arg3: memref<3x128xi32, #tpu.memory_space<smem>>) -> (i32, i32, i32) {
    %c0_i32 = arith.constant 0 : i32
    %c0_i32_0 = arith.constant 0 : i32
    %c0_i32_1 = arith.constant 0 : i32
    %c0_i32_2 = arith.constant 0 : i32
    return %c0_i32, %c0_i32_0, %c0_i32_1 : i32, i32, i32
  }
  func.func @transform_2(%arg0: i32, %arg1: memref<11776xi32, #tpu.memory_space<smem>>, %arg2: memref<11776xi32, #tpu.memory_space<smem>>, %arg3: memref<3x128xi32, #tpu.memory_space<smem>>) -> (i32, i32) {
    %c0_i32 = arith.constant 0 : i32
    %c0_i32_0 = arith.constant 0 : i32
    %c0_i32_1 = arith.constant 0 : i32
    return %c0_i32, %c0_i32_0 : i32, i32
  }
  func.func @transform_3(%arg0: i32, %arg1: memref<11776xi32, #tpu.memory_space<smem>>, %arg2: memref<11776xi32, #tpu.memory_space<smem>>, %arg3: memref<3x128xi32, #tpu.memory_space<smem>>) -> (i32, i32) {
    %c0_i32 = arith.constant 0 : i32
    %c0_i32_0 = arith.constant 0 : i32
    %c0_i32_1 = arith.constant 0 : i32
    return %c0_i32, %c0_i32_0 : i32, i32
  }
  func.func @transform_4(%arg0: i32, %arg1: memref<11776xi32, #tpu.memory_space<smem>>, %arg2: memref<11776xi32, #tpu.memory_space<smem>>, %arg3: memref<3x128xi32, #tpu.memory_space<smem>>) -> (i32, i32) {
    %c0_i32 = arith.constant 0 : i32
    %c0_i32_0 = arith.constant 0 : i32
    %c0_i32_1 = arith.constant 0 : i32
    return %c0_i32, %c0_i32_0 : i32, i32
  }
  func.func @transform_5(%arg0: i32, %arg1: memref<11776xi32, #tpu.memory_space<smem>>, %arg2: memref<11776xi32, #tpu.memory_space<smem>>, %arg3: memref<3x128xi32, #tpu.memory_space<smem>>) -> (i32, i32, i32) {
    %c0_i32 = arith.constant 0 : i32
    %c0_i32_0 = arith.constant 0 : i32
    %c0_i32_1 = arith.constant 0 : i32
    return %arg0, %c0_i32, %c0_i32_0 : i32, i32, i32
  }
  func.func @transform_6(%arg0: i32, %arg1: memref<11776xi32, #tpu.memory_space<smem>>, %arg2: memref<11776xi32, #tpu.memory_space<smem>>, %arg3: memref<3x128xi32, #tpu.memory_space<smem>>) -> (i32, i32, i32) {
    %c0_i32 = arith.constant 0 : i32
    %c0_i32_0 = arith.constant 0 : i32
    %c0_i32_1 = arith.constant 0 : i32
    return %arg0, %c0_i32, %c0_i32_0 : i32, i32, i32
  }
  func.func @transform_7(%arg0: i32, %arg1: memref<11776xi32, #tpu.memory_space<smem>>, %arg2: memref<11776xi32, #tpu.memory_space<smem>>, %arg3: memref<3x128xi32, #tpu.memory_space<smem>>) -> (i32, i32, i32) {
    %c0_i32 = arith.constant 0 : i32
    %c0_i32_0 = arith.constant 0 : i32
    %c0_i32_1 = arith.constant 0 : i32
    return %arg0, %c0_i32, %c0_i32_0 : i32, i32, i32
  }
}

</mosaic_0001>

<sc_bundles>
// kernel: kernel.5.cloned.1.call-start
scs
__scs_entry_jumppad:
0x0: {  	(pc) =	sbr.rel $0x88, $3  }
0x1: {  	(tag) =	ssettag $0x0;
	lr =	simm.s32 $0x1  }
0x2: {  	[smem:$0x3F98] =	sst lr;
	_ =	strace $0xD0000000  }
0x3: {  	_ = 	snop  }
0x4: {  	_ = 	snop  }
0x5: {  	_ = 	snop  }
0x6: {  	_ = 	snop  }
0x7: {  	_ = 	snop  }
__scs_overlays_trampoline_lowered:
0x8: {  	[smem:$0x3FA7] =	sst s0  }
0x9: {  	[smem:$0x3FA8] =	sst s1  }
0xa: {  	[smem:$0x3FA9] =	sst s2  }
0xb: {  	[smem:$0x3FAA] =	sst s3  }
0xc: {  	[smem:$0x3FAB] =	sst s4  }
0xd: {  	[smem:$0x3FAC] =	sst s5  }
0xe: {  	[smem:$0x3FAD] =	sst s6  }
0xf: {  	[smem:$0x3FAE] =	sst s7  }
0x10: {  	[smem:$0x3FAF] =	sst s8  }
0x11: {  	[smem:$0x3FB0] =	sst s9;
	s0 =	simm.s32 @!p0 $0x0  }
0x12: {  	s1 =	sld [smem:$0x3F96];
	s0 =	simm.s32 @p0 $0x1  }
0x13: {  	[smem:$0x3FB1] =	sst s0;
	s0 =	simm.s32 @!p1 $0x0  }
0x14: {  	s2 =	sld [smem:$0x3F95];
	s0 =	simm.s32 @p1 $0x1  }
0x15: {  	[smem:$0x3FB2] =	sst s0;
	s0 =	simm.s32 @!p2 $0x0  }
0x16: {  	s3 =	sld [smem:$0x3FDB];
	s0 =	simm.s32 @p2 $0x1  }
0x17: {  	s4 =	simm.s32 $0x1BF5;
	[smem:$0x3FB4] =	sst s0  }
0x18: {  	s0 =	sld [smem:$0x3F97];
	_ =	swait.ge [sflag:s4], $0x0  }
0x19: {  	s7 =	sld [smem:$0x3F98]  }
0x1a: {  	s8 =	sadd.s32 $0xFFFFE003, lr  }
0x1b: {  	s9 =	sadd.s32 $0xFFFFFEF7, lr;
	s5 =	simm.s32 $0xFFFFFFFF;
	p2 =	slt.u32 s8, $0xFFFFF086  }
0x1c: {  	p1 =	slt.u32 s9, $0xF7A;
	s5 =	simm.s32 @!p2 $0x0  }
0x1d: {  	s5 =	simm.s32 @p1 $0x1;
	p0 =	seq.s32 s7, s2  }
0x1e: {  	s7 =	smul.u32 @!p0 $0xF7A, s2;
	p2 =	seq.s32 @!p0 s5, $0x0  }
0x1f: {  	s9 =	smul.u32 $0xF7A, s1;
	s8 =	simm.s32 @!p0 $0x1BF5;
	p2 =	por !p2, p0  }
0x20: {  	[sflag:s8] =	ssyncset.s32 @!p0 $0xFFFFF086;
	s6 =	sadd.s32 @!p0 s3, s7;
	s7 =	simm.s32 @!p0 $0x108  }
0x21: {  	s3 =	sadd.s32 s3, s9;
	s6 =	sadd.s32 @!p0 $0x88, s6;
	s7 =	simm.s32 @p2 $0x1082  }
0x22: {  	[simem:s7], [sflag:s8] =	dma.local @!p0 [hbm:s6], $0xF7A  }
0x23: {  	s9 =	sor.u32 $0xD0000000, s2;
	s6 =	simm.s32 $0x108;
	_ =	swait.ge @!p0 [sflag:s8], $0x0  }
0x24: {  	s3 =	sadd.s32 $0x88, s3;
	s6 =	simm.s32 @!p1 $0x1082;
	[sflag:s4] =	ssyncset.s32 $0xFFFFF086  }
0x25: {  	[simem:s6], [sflag:s4] =	dma.local [hbm:s3], $0xF7A  }
0x26: {  	[smem:$0x3F98] =	sst s1;
	(tag) =	ssettag s2;
	_ =	strace s9  }
0x27: {  	s1 =	sld [smem:$0x3FA8]  }
0x28: {  	s2 =	sld [smem:$0x3FA9]  }
0x29: {  	s4 =	sld [smem:$0x3FAB]  }
0x2a: {  	p0 =	seq.s32 s5, $0x0;
	s5 =	sld [smem:$0x3FAC]  }
0x2b: {  	s6 =	sld [smem:$0x3FAD]  }
0x2c: {  	s7 =	sld [smem:$0x3FAE]  }
0x2d: {  	s3 =	simm.s32 $0x108;
	s8 =	sld [smem:$0x3FAF]  }
0x2e: {  	s3 =	simm.s32 @!p0 $0x1082;
	s9 =	sld [smem:$0x3FB0]  }
0x2f: {  	lr =	sadd.s32 s0, s3;
	s0 =	sld [smem:$0x3FA7]  }
0x30: {  	s3 =	sld [smem:$0x3FAA]  }
0x31: {  	[smem:$0x3FB3] =	sst s10  }
0x32: {  	s10 =	sld [smem:$0x3FB1];
	_ =	sdelay $0x3  }
0x33: {  	p0 =	seq.s32 s10, $0x1;
	s10 =	sld [smem:$0x3FB3];
	_ =	sdelay $0x3  }
0x34: {  	[smem:$0x3FB3] =	sst s10  }
0x35: {  	s10 =	sld [smem:$0x3FB2];
	_ =	sdelay $0x3  }
0x36: {  	p1 =	seq.s32 s10, $0x1;
	s10 =	sld [smem:$0x3FB3];
	_ =	sdelay $0x3  }
0x37: {  	[smem:$0x3FB3] =	sst s10  }
0x38: {  	s10 =	sld [smem:$0x3FB4]  }
0x39: {  	_ = 	snop;
	(pc) =	sbr.ind lr, $3  }
0x3a: {  	_ = 	snop  }
0x3b: {  	_ = 	snop  }
0x3c: {  	p2 =	seq.s32 s10, $0x1;
	s10 =	sld [smem:$0x3FB3]  }
0x3d: {  	_ =	shalt  }
0x3e: {  	_ =	shalt  }
0x3f: {  	_ =	shalt  }
0x40: {  	_ =	shalt  }
0x41: {  	_ =	shalt  }
0x42: {  	_ =	shalt  }
0x43: {  	_ =	shalt  }
0x44: {  	_ =	shalt  }
0x45: {  	_ =	shalt  }
0x46: {  	_ =	shalt  }
0x47: {  	_ =	shalt  }
0x48: {  	_ =	shalt  }
0x49: {  	_ =	shalt  }
0x4a: {  	_ =	shalt  }
0x4b: {  	_ =	shalt  }
0x4c: {  	_ =	shalt  }
0x4d: {  	_ =	shalt  }
0x4e: {  	_ =	shalt  }
0x4f: {  	_ =	shalt  }
0x50: {  	_ =	shalt  }
0x51: {  	_ =	shalt  }
0x52: {  	_ =	shalt  }
0x53: {  	_ =	shalt  }
0x54: {  	_ =	shalt  }
0x55: {  	_ =	shalt  }
0x56: {  	_ =	shalt  }
0x57: {  	_ =	shalt  }
0x58: {  	_ =	shalt  }
0x59: {  	_ =	shalt  }
0x5a: {  	_ =	shalt  }
0x5b: {  	_ =	shalt  }
0x5c: {  	_ =	shalt  }
0x5d: {  	_ =	shalt  }
0x5e: {  	_ =	shalt  }
0x5f: {  	_ =	shalt  }
0x60: {  	_ =	shalt  }
0x61: {  	_ =	shalt  }
0x62: {  	_ =	shalt  }
0x63: {  	_ =	shalt  }
0x64: {  	_ =	shalt  }
0x65: {  	_ =	shalt  }
0x66: {  	_ =	shalt  }
0x67: {  	_ =	shalt  }
0x68: {  	_ =	shalt  }
0x69: {  	_ =	shalt  }
0x6a: {  	_ =	shalt  }
0x6b: {  	_ =	shalt  }
0x6c: {  	_ =	shalt  }
0x6d: {  	_ =	shalt  }
0x6e: {  	_ =	shalt  }
0x6f: {  	_ =	shalt  }
0x70: {  	_ =	shalt  }
0x71: {  	_ =	shalt  }
0x72: {  	_ =	shalt  }
0x73: {  	_ =	shalt  }
0x74: {  	_ =	shalt  }
0x75: {  	_ =	shalt  }
0x76: {  	_ =	shalt  }
0x77: {  	_ =	shalt  }
0x78: {  	_ =	shalt  }
0x79: {  	_ =	shalt  }
0x7a: {  	_ =	shalt  }
0x7b: {  	_ =	shalt  }
0x7c: {  	_ =	shalt  }
0x7d: {  	_ =	shalt  }
0x7e: {  	_ =	shalt  }
0x7f: {  	_ =	shalt  }
0x80: {  	_ =	shalt  }
0x81: {  	_ =	shalt  }
0x82: {  	_ =	shalt  }
0x83: {  	_ =	shalt  }
0x84: {  	_ =	shalt  }
0x85: {  	_ =	shalt  }
0x86: {  	_ =	shalt  }
0x87: {  	_ =	shalt  }
.Lfunc_end0:
.L_simem_size_0:
called_computation_lowered:
.L_overlay_start_0:
0x88: {  	s2 =	sld [smem:$0x3FD9]  }
0x89: {  	s3 =	sld [smem:$0x3FFE];
	_ =	sdelay $0x1  }
0x8a: {  	s1 =	srdreg.scid  }
0x8b: {  	s0 =	sand.u32 $0x1, s1  }
0x8c: {  	s16 =	sshll.u32 s0, $0xA;
	s2 =	sadd.s32 s3, s2  }
0x8d: {  	s2 =	sadd.s32 s2, s16  }
0x8e: {  	[smem:$0x3FBF] =	sst s2  }
0x8f: {  	_ = 	snop  }
0x90: {  	(tm) =	ssettm $0x1  }
0x91: {  	s17 =	sld [smem:$0x3FFB];
	_ =	sdelay $0x3  }
0x92: {  	_ =	strace s17  }
0x93: {  	s2 =	sld [smem:$0x3FFC];
	_ =	sdelay $0x3  }
0x94: {  	_ =	strace s2  }
0x95: {  	s2 =	sld [smem:$0x3FFD];
	_ =	sdelay $0x3  }
0x96: {  	_ =	strace s2  }
0x97: {  	_ =	strace $0x8FFFFFFF  }
0x98: {  	s18 =	sld [smem:$0x3FDB];
	_ =	sdelay $0x1  }
0x99: {  	s19 =	simm.s32 $_scs_section_size  }
0x9a: {  	s4 =	simm.s32 $_size__tile_overlayer_lowered;
	s5 =	simm.s32 $_tile_overlayer_lowered  }
0x9b: {  	s22 =	simm.s32 $0x1BFF;
	s21 =	sshll.u32 s5, $0x1;
	s2 =	sadd.s32 s19, s18  }
0x9c: {  	s6 =	simm.s32 $0x0;
	s20 =	sshll.u32 s4, $0x1;
	s4 =	sadd.s32 s21, s2  }
0x9d: {  	[timem:s6], [sflag:s22] =	dma.local [hbm:s4], s20  }
0x9e: {  	_ =	swait.ge [sflag:s22], s20  }
0x9f: {  	s3 =	ssub.s32 $0x0, s20;
	[sflag:s22] =	ssyncset.done $0x0  }
0xa0: {  	[sflag:s22] =	ssyncadd.s32 s3;
	_ =	sdelay $0x1  }
0xa1: {  	s23 =	simm.s32 $0x1B8B  }
0xa2: {  	_ =	swait.ge [sflag:s23], $0x1  }
0xa3: {  	[sflag:s23] =	ssyncset.done $0x0  }
0xa4: {  	s25 =	simm.s32 $0x1B8E;
	s24 =	sld [smem:$0x3FFE];
	[sflag:s23] =	ssyncadd.s32 $0xFFFFFFFF  }
0xa5: {  	s26 =	simm.s32 $execute0_lowered;
	[smem:$0x3FD2] =	sst s25  }
0xa6: {  	s4 =	sshll.u32 s26, $0x1;
	_ =	strace $0x80000046;
	[dreg:$0x1] =	wrdreg $0xFFFFFFFF  }
0xa7: {  	s28 =	simm.s32 $_size_execute0_lowered;
	s2 =	sadd.s32 s2, s4;
	[dreg:$0x0] =	wrdreg $0x0  }
0xa8: {  	s4 =	sshll.u32 s28, $0x1;
	[dreg:$0x2] =	wrdreg s2  }
0xa9: {  	[dreg:$0x3] =	wrdreg s4  }
0xaa: {  	[dreg:$0x4] =	wrdreg $0xC0  }
0xab: {  	_ =	task [dreg:s6], $0x5FFFF  }
0xac: {  	[dreg:$0x1] =	wrdreg $0xFFFFFFFF  }
0xad: {  	[dreg:$0x0] =	wrdreg $0x60  }
0xae: {  	[dreg:$0x2] =	wrdreg s24  }
0xaf: {  	[dreg:$0x3] =	wrdreg $0x9  }
0xb0: {  	_ =	task.clear_ibuf [dreg:s6], $0x4FFFF;
	_ =	strace $0x90000046  }
0xb1: {  	s29 =	simm.s32 $0x9;
	_ =	strace $0x80000048  }
0xb2: {  	_ =	swait.ge [sflag:s29], $0x1  }
0xb3: {  	[sflag:s29] =	ssyncadd.s32 $0xFFFFFFFF  }
0xb4: {  	_ =	strace $0x90000048  }
0xb5: {  	_ =	sfence  }
0xb6: {  	s30 =	sld [smem:$0x0];
	_ =	sdelay $0x2  }
0xb7: {  	s31 =	sshll.u32 s1, $0xD;
	s1 =	sshrl.u32 s1, $0x2  }
0xb8: {  	s3 =	sand.u32 $0x4000, s31;
	s1 =	sadd.s32 s1, s30  }
0xb9: {  	s0 =	sor.u32 s3, s0;
	s1 =	sshll.u32 s1, $0x11  }
0xba: {  	s0 =	sor.u32 s1, s0  }
0xbb: {  	s0 =	sadd.s32 $0x8F2B, s0  }
0xbc: {  	[sflag:s0] =	ssyncadd.remote.s32 $0x1  }
0xbd: {  	_ =	sfence.sel $0xFFFF  }
0xbe: {  	[dreg:$0x0] =	wrdreg $0xFFFFFFFF;
	(pc) =	sbr.abs _section_cstart, $3  }
0xbf: {  	[dreg:$0x1] =	wrdreg $0xFFFFFFFF  }
0xc0: {  	_ =	task.clear_ibuf [dreg:s6], $0x2FFFF;
	_ =	strace $0x9FFFFFFF  }
0xc1: {  	(tm) =	ssettm $0x7FFFFFFF  }
tec
execute0_lowered:
.L_overlay_start_1:
0x0: {  	(tag) =	ssettag $0x1  }
0x1: {  	s0 =	srdreg.scid  }
0x2: {  	s2 =	stileid.u32;
	s1 =	sand.u32 $0x1, s0  }
0x3: {  	s2 =	sor.u32 s2, s1  }
0x4: {  	p0 =	sne.s32 s2, $0x0  }
.Ltmp0:
0x5: {  	_ = 	snop;
	(pc) =	sbr.rel @p0 .LBB2_7-.Ltmp0, $2  }
0x6: {  	_ =	sdelay $0x2  }
0x7: {  	s0 =	rddreg [dreg:$0x0];
	_ =	strace $0x80000047  }
0x8: {  	s2 =	sadd.s32 $0x2E00, s0;
	s3 =	sadd.s32 $0x3200, s0;
	s4 =	sadd.s32 $0x3600, s0  }
0x9: {  	s5 =	sadd.s32 $0x3A00, s0;
	s6 =	sadd.s32 $0x3E00, s0;
	s7 =	sadd.s32 $0x4200, s0  }
0xa: {  	s8 =	sadd.s32 $0x5600, s0;
	s9 =	sadd.s32 $0x5C00, s0;
	s1 =	ssub.s32 $0x2, s1  }
0xb: {  	s10 =	sadd.s32 $0x4400, s0;
	s11 =	sadd.s32 $0x4A00, s0;
	s12 =	sadd.s32 $0x5000, s0  }
0xc: {  	s14 =	simm.s32 $0x0;
	s15 =	simm.s32 $0x1;
	s16 =	simm.s32 $0x2000  }
0xd: {  	s17 =	simm.s32 $0x4000;
	s18 =	simm.s32 $0x6000;
	s19 =	simm.s32 $0x8000  }
0xe: {  	s20 =	simm.s32 $0xA000;
	s21 =	simm.s32 $0xA080;
	s22 =	simm.s32 $0xCE80  }
0xf: {  	v0 =	vimm.s32 $0x0;
	s23 =	simm.s32 $0xFC80;
	s24 =	simm.s32 $0x12A80;
	s13 =	sshrl.u32 s1, $0x1  }
0x10: {  	v1 =	vimm.s32 $0x2000;
	v2 =	vimm.f32 $0.0e+00;
	v3 =	vlaneseq.u32;
	s25 =	simm.s32 $0x15880;
	s26 =	simm.s32 $0x0;
	s13 =	ssub.s32 s1, s13  }
.LBB2_2:
0x11: {  	[tilespmem:s14], [sflag:$0x1] =	stream.linear.gather [hbm4b:s2+s14], $0x2000, $0x38;
	[tilespmem:$0x18680] =	vst v63  }
0x12: {  	_ =	swait.ge [sflag:s15], $0x2000  }
0x13: {  	[sflag:s15] =	ssyncset.done $0x0  }
0x14: {  	[sflag:s15] =	ssyncadd.s32 $0xFFFFE000  }
0x15: {  	[tilespmem:s16], [sflag:$0x1] =	stream.linear.gather [hbm4b:s3+s14], $0x2000, $0x38;
	[tilespmem:$0x18680] =	vst v63  }
0x16: {  	_ =	swait.ge [sflag:s15], $0x2000  }
0x17: {  	[sflag:s15] =	ssyncset.done $0x0  }
0x18: {  	[sflag:s15] =	ssyncadd.s32 $0xFFFFE000  }
0x19: {  	[tilespmem:s17], [sflag:$0x1] =	stream.linear.gather [hbm4b:s4+s14], $0x2000, $0x38;
	[tilespmem:$0x18680] =	vst v63  }
0x1a: {  	_ =	swait.ge [sflag:s15], $0x2000  }
0x1b: {  	[sflag:s15] =	ssyncset.done $0x0  }
0x1c: {  	[sflag:s15] =	ssyncadd.s32 $0xFFFFE000  }
0x1d: {  	[tilespmem:s18], [sflag:$0x1] =	stream.linear.gather [hbm4b:s5+s14], $0x2000, $0x38;
	[tilespmem:$0x18680] =	vst v63  }
0x1e: {  	_ =	swait.ge [sflag:s15], $0x2000  }
0x1f: {  	[sflag:s15] =	ssyncset.done $0x0  }
0x20: {  	[sflag:s15] =	ssyncadd.s32 $0xFFFFE000  }
0x21: {  	[tilespmem:s19], [sflag:$0x1] =	stream.linear.gather [hbm4b:s6+s14], $0x2000, $0x38;
	[tilespmem:$0x18680] =	vst v63  }
0x22: {  	_ =	swait.ge [sflag:s15], $0x2000  }
0x23: {  	[sflag:s15] =	ssyncset.done $0x0  }
0x24: {  	[sflag:s15] =	ssyncadd.s32 $0xFFFFE000  }
0x25: {  	[tilespmem:s20], [sflag:$0x1] =	stream.linear.gather [hbm4b:s7+s14], $0x80, $0x38;
	[tilespmem:$0x18680] =	vst v63  }
0x26: {  	_ =	swait.ge [sflag:s15], $0x80  }
0x27: {  	[sflag:s15] =	ssyncset.done $0x0  }
0x28: {  	s0 =	simm.s32 $0x40;
	s1 =	simm.s32 $0x0;
	[sflag:s15] =	ssyncadd.s32 $0xFFFFFF80  }
.LBB2_3:
0x29: {  	p0 =	sne.s32 s0, $0xB7C0;
	[tilespmem:s1+$0x15880] =	vst v2;
	s28 =	smov.u32 s0;
	s0 =	sadd.s32 $0x40, s0  }
.Ltmp1:
0x2a: {  	[tilespmem:s1+$0x12A80] =	vst v2;
	(pc) =	sbr.rel @p0 .LBB2_3-.Ltmp1, $4  }
0x2b: {  	[tilespmem:s1+$0xFC80] =	vst v2  }
0x2c: {  	[tilespmem:s1+$0xA080] =	vst v0  }
0x2d: {  	[tilespmem:s1+$0xCE80] =	vst v1  }
0x2e: {  	s1 =	sshra.s32 s28, $0x2  }
0x2f: {  	[tilespmem:s1+$0x15880] =	vst v2  }
0x30: {  	[tilespmem:s1+$0x12A80] =	vst v2  }
0x31: {  	[tilespmem:s1+$0xFC80] =	vst v2  }
0x32: {  	[tilespmem:s1+$0xA080] =	vst v0;
	s28 =	simm.s32 $0x0;
	s29 =	simm.s32 $0x2000;
	s30 =	simm.s32 $0x4000  }
0x33: {  	[tilespmem:s1+$0xCE80] =	vst v1;
	s31 =	simm.s32 $0x6000;
	s1 =	simm.s32 $0x8000;
	s0 =	simm.s32 $0x0  }
.LBB2_5:
0x34: {  	v4 =	vld [tilespmem:s28+$0x0];
	_ =	sdelay $0x6  }
0x35: {  	v5 =	vld [tilespmem:s29+$0x0]  }
0x36: {  	v4 =	vld.idx.msk [tilespmem:v4+s20+$0x0], $0xffff;
	_ =	sdelay $0x4  }
0x37: {  	v4 =	vadd.s32 v4, v5;
	_ =	sdelay $0x3  }
0x38: {  	v5 =	vor.u32 s0, v3  }
0x39: {  	[tilespmem:v4+s21+$0x0] =	vst.idx.msk $0xffff, v5  }
0x3a: {  	[tilespmem:v4+s22+$0x0] =	vst.idx.msk $0xffff, v5  }
0x3b: {  	v5 =	vld [tilespmem:s30+$0x0];
	_ =	sdelay $0x4  }
0x3c: {  	[tilespmem:v4+s23+$0x0] =	vst.idx.msk $0xffff, v5  }
0x3d: {  	v5 =	vld [tilespmem:s31+$0x0];
	_ =	sdelay $0x4  }
0x3e: {  	[tilespmem:v4+s24+$0x0] =	vst.idx.msk $0xffff, v5  }
0x3f: {  	p0 =	sne.s32 s0, $0x1FF0;
	v5 =	vld [tilespmem:s1+$0x0]  }
.Ltmp2:
0x40: {  	_ = 	snop;
	(pc) =	sbr.rel @p0 .LBB2_5-.Ltmp2, $3  }
0x41: {  	_ =	sdelay $0x1  }
0x42: {  	s28 =	sadd.s32 $0x10, s28;
	s29 =	sadd.s32 $0x10, s29;
	s0 =	sadd.s32 $0x10, s0  }
0x43: {  	s30 =	sadd.s32 $0x10, s30;
	s31 =	sadd.s32 $0x10, s31;
	s1 =	sadd.s32 $0x10, s1;
	[tilespmem:v4+s25+$0x0] =	vst.idx.msk $0xffff, v5  }
0x44: {  	[hbm4b:s8+s14] =	stream.linear.scatter [tilespmem:s21], [sflag:$0x1], $0x2E00, $0x38;
	[tilespmem:$0x18680] =	vst v63  }
0x45: {  	_ =	swait.ge [sflag:s15], $0x2E00  }
0x46: {  	[sflag:s15] =	ssyncset.done $0x0  }
0x47: {  	[sflag:s15] =	ssyncadd.s32 $0xFFFFD200  }
0x48: {  	[hbm4b:s9+s14] =	stream.linear.scatter [tilespmem:s22], [sflag:$0x1], $0x2E00, $0x38;
	[tilespmem:$0x18680] =	vst v63  }
0x49: {  	_ =	swait.ge [sflag:s15], $0x2E00  }
0x4a: {  	[sflag:s15] =	ssyncset.done $0x0  }
0x4b: {  	[sflag:s15] =	ssyncadd.s32 $0xFFFFD200  }
0x4c: {  	[hbm4b:s10+s14] =	stream.linear.scatter [tilespmem:s23], [sflag:$0x1], $0x2E00, $0x38;
	[tilespmem:$0x18680] =	vst v63  }
0x4d: {  	_ =	swait.ge [sflag:s15], $0x2E00  }
0x4e: {  	[sflag:s15] =	ssyncset.done $0x0  }
0x4f: {  	[sflag:s15] =	ssyncadd.s32 $0xFFFFD200  }
0x50: {  	[hbm4b:s11+s14] =	stream.linear.scatter [tilespmem:s24], [sflag:$0x1], $0x2E00, $0x38;
	[tilespmem:$0x18680] =	vst v63  }
0x51: {  	s26 =	sadd.s32 $0x1, s26;
	_ =	swait.ge [sflag:s15], $0x2E00  }
0x52: {  	p0 =	sne.s32 s26, s13;
	[sflag:s15] =	ssyncset.done $0x0  }
.Ltmp3:
0x53: {  	[sflag:s15] =	ssyncadd.s32 $0xFFFFD200;
	(pc) =	sbr.rel @p0 .LBB2_2-.Ltmp3, $4  }
0x54: {  	[hbm4b:s12+s14] =	stream.linear.scatter [tilespmem:s25], [sflag:$0x1], $0x2E00, $0x38;
	[tilespmem:$0x18680] =	vst v63  }
0x55: {  	_ =	swait.ge [sflag:s15], $0x2E00  }
0x56: {  	[sflag:s15] =	ssyncset.done $0x0  }
0x57: {  	[sflag:s15] =	ssyncadd.s32 $0xFFFFD200  }
.LBB2_7:
0x58: {  	_ =	sfence.sel $0x180000  }
0x59: {  	[bflag:$0x0] =	sbarrier.arrive $0xFFFF  }
0x5a: {  	_ =	strace $0x90000047  }
0x5b: {  	s0 =	stileid.u32;
	[bflag:$0x2] =	sbarrier.arrive $0xFFFF  }
0x5c: {  	p0 =	sne.s32 s0, $0x0;
	s0 =	rddreg [dreg:$0x1]  }
0x5d: {  	s0 =	sadd.s32 @!p0 $0x100000, s0  }
0x5e: {  	[sflag:s0] =	ssyncadd.tile.s32 @!p0 $0x1;
	_ =	shalt  }
.Lfunc_end2:
_tile_overlayer_lowered:
.L_overlay_start_2:
0x5f: {  	(tag) =	ssettag $0x2  }
0x60: {  	s0 =	rddreg [dreg:$0x0];
	s2 =	stileid.u32  }
0x61: {  	s1 =	rddreg [dreg:$0x1];
	p0 =	sne.s32 s2, $0x0  }
0x62: {  	s3 =	rddreg [dreg:$0x2];
	[bflag:$0x3] =	sbarrier.arrive $0xFFFF;
	s2 =	simm.s32 @!p0 $0x1C01  }
0x63: {  	[timem:s3], [sflag:s2] =	dma.local @!p0 [hbm:s0], s1  }
0x64: {  	s0 =	simm.s32 @!p0 $0x1  }
0x65: {  	_ =	swait.ge @!p0 [sflag:s0], s1  }
0x66: {  	s1 =	ssub.s32 @!p0 $0x0, s1;
	[sflag:s0] =	ssyncset.done @!p0 $0x0  }
0x67: {  	[sflag:s0] =	ssyncadd.s32 @!p0 s1  }
0x68: {  	[bflag:$0x3] =	sbarrier.arrive $0xFFFF  }
0x69: {  	_ =	shalt  }

</sc_bundles>
